<compile_context>
chip_gen: v7x
topology: tpu7x:2x2x1
jax: 0.10.2.dev20260603
libtpu: 0.0.44.dev20260713+nightly
codegen_flags: <defaults>
</compile_context>

<pallas_src>
import functools

import jax
import jax.numpy as jnp
from jax import lax
from jax.experimental import pallas as pl
from jax.experimental.pallas import tpu as pltpu
from jax.experimental.pallas import tpu_sc as plsc

_N = 10000
_E = 320000
_DIN = 128
_H = 64
_DT = 4
_NB = 8

_BN_SCALE = 1.0 / (1.0 + 1e-5) ** 0.5

_NC = 2
_NS = 16
_NW = _NC * _NS
_CHUNK = 125
_NT = _E // _CHUNK
_TPW = _NT // _NW
_GRP = 4
_NGRP = _TPW // _GRP
_NPAD = 10240
_RPT = _NPAD // _NS

@functools.cache
def _get_sc_agg():
    mesh = plsc.VectorSubcoreMesh(core_axis_name="c", subcore_axis_name="s",
                                  num_cores=_NC, num_subcores=_NS)
    return functools.partial(
        pl.kernel,
        out_type=jax.ShapeDtypeStruct((_NC * _NPAD, _H), jnp.float32),
        mesh=mesh,
        scratch_types=[
            pltpu.VMEM((_TPW, _CHUNK), jnp.int32),
            pltpu.VMEM((_TPW, _CHUNK), jnp.int32),
            pltpu.VMEM((2, _GRP, _CHUNK, _H), jnp.float32),
            pltpu.VMEM_SHARED((_NPAD, _H), jnp.float32),
            pltpu.SemaphoreType.DMA,
            pltpu.SemaphoreType.DMA,
            pltpu.SemaphoreType.DMA,
            pltpu.SemaphoreType.DMA,
        ],
        compiler_params=pltpu.CompilerParams(use_tc_tiling_on_sc=False),
    )(_sc_agg_body)


def _sc_agg_body(h_hbm, src_hbm, dst_hbm, zeros_hbm, out_hbm,
                 src_v, dst_v, rows_v, acc_sh,
                 sem_ld0, sem_ld1, sem_st0, sem_st1):
    c = lax.axis_index("c")
    s = lax.axis_index("s")
    wid = s * _NC + c
    sem_ld = (sem_ld0, sem_ld1)
    sem_st = (sem_st0, sem_st1)

    pltpu.sync_copy(zeros_hbm, acc_sh.at[pl.ds(s * _RPT, _RPT)])
    d_src = pltpu.async_copy(src_hbm.at[wid], src_v, sem_ld0)
    d_dst = pltpu.async_copy(dst_hbm.at[wid], dst_v, sem_ld0)
    d_src.wait()
    d_dst.wait()
    plsc.subcore_barrier()

    def fire_gathers(g, b):
        for j in range(_GRP):
            pltpu.async_copy(h_hbm.at[src_v.at[g * _GRP + j]],
                             rows_v.at[b, j], sem_ld[b])

    def drain_gathers(g, b):
        for j in range(_GRP):
            pltpu.make_async_copy(h_hbm.at[src_v.at[g * _GRP + j]],
                                  rows_v.at[b, j], sem_ld[b]).wait()

    def fire_scatters(g, b):
        for j in range(_GRP):
            pltpu.async_copy(rows_v.at[b, j], acc_sh.at[dst_v.at[g * _GRP + j]],
                             sem_st[b], add=True)

    def drain_scatters(g, b):
        for j in range(_GRP):
            pltpu.make_async_copy(rows_v.at[b, j],
                                  acc_sh.at[dst_v.at[g * _GRP + j]],
                                  sem_st[b]).wait()

    fire_gathers(0, 0)

    def pair(i, carry):
        g0 = 2 * i
        g1 = g0 + 1

        @pl.when(i > 0)
        def _():
            drain_scatters(g1 - 2, 1)
        fire_gathers(g1, 1)
        drain_gathers(g0, 0)
        fire_scatters(g0, 0)
        drain_gathers(g1, 1)
        fire_scatters(g1, 1)

        @pl.when(i < _NGRP // 2 - 1)
        def _():
            drain_scatters(g0, 0)
            fire_gathers(g0 + 2, 0)
        return carry

    lax.fori_loop(0, _NGRP // 2, pair, 0)
    drain_scatters(_NGRP - 2, 0)
    drain_scatters(_NGRP - 1, 1)
    plsc.subcore_barrier()
    pltpu.sync_copy(acc_sh.at[pl.ds(s * _RPT, _RPT)],
                    out_hbm.at[pl.ds(c * _NPAD + s * _RPT, _RPT)])


_B = 1000
_G = _N // _B


def _dot(a, b):
    return jnp.dot(a, b, preferred_element_type=jnp.float32)


def _tc1_body(x_ref, hw_ref, hb_ref, g_ref, b_ref, s0w_ref, s0b_ref,
              f_ref, h0_ref):
    y = _dot(x_ref[...], hw_ref[...]) + hb_ref[...]
    f = jnp.maximum(y * (g_ref[...] * _BN_SCALE) + b_ref[...], 0.0)
    f_ref[...] = f
    h0_ref[...] = jnp.maximum(_dot(f, s0w_ref[...]) + s0b_ref[...], 0.0)


def _tc2_body(h0_ref, agg_ref, f_ref, eps_ref,
              c1w_ref, c1b_ref, l1w_ref, l1b_ref, stw_ref, stb_ref,
              i0w_ref, i0b_ref, d0_ref, g_out_ref):
    h = h0_ref[...] + agg_ref[0] + agg_ref[1]
    h = jnp.maximum(_dot(h, c1w_ref[...]) + c1b_ref[...], 0.0)
    h = _dot(h, l1w_ref[...]) + l1b_ref[...]
    enc = _dot(h, stw_ref[...]) + stb_ref[...]
    loc = enc[:, 0:1]
    logvar = jnp.clip(enc[:, 1:2], -20.0, 20.0)
    gate = loc + jnp.exp(0.5 * logvar) * eps_ref[...]
    g_out_ref[...] = f_ref[...] * gate
    d0_ref[...] = jnp.maximum(_dot(enc, i0w_ref[...]) + i0b_ref[...], 0.0)


def _tc3_body(d0_ref, agg_ref, c1w_ref, c1b_ref, l1w_ref, l1b_ref, d2_ref):
    d = d0_ref[...] + agg_ref[0] + agg_ref[1]
    d = jnp.maximum(_dot(d, c1w_ref[...]) + c1b_ref[...], 0.0)
    d2_ref[...] = _dot(d, l1w_ref[...]) + l1b_ref[...]


def _tc4_body(d2_ref, agg_ref, g_ref, batch_ref,
              c2w_ref, c2b_ref, l2w_ref, l2b_ref, itw_ref, itb_ref,
              clsw_ref, clsb_ref, dec_ref, out_ref, pool_s, cnt_s):
    i = pl.program_id(0)
    d = d2_ref[...] + agg_ref[0] + agg_ref[1]
    d = jnp.maximum(_dot(d, c2w_ref[...]) + c2b_ref[...], 0.0)
    d = _dot(d, l2w_ref[...]) + l2b_ref[...]
    dec_ref[...] = _dot(d, itw_ref[...]) + itb_ref[...]

    onehot = (batch_ref[...] ==
              lax.broadcasted_iota(jnp.int32, (_B, _NB), 1)).astype(jnp.float32)
    dims = (((0,), (0,)), ((), ()))
    psum = lax.dot_general(onehot, g_ref[...], dims,
                           preferred_element_type=jnp.float32)
    csum = lax.dot_general(onehot, jnp.ones((_B, 1), jnp.float32), dims,
                           preferred_element_type=jnp.float32)

    @pl.when(i == 0)
    def _():
        pool_s[...] = jnp.zeros_like(pool_s)
        cnt_s[...] = jnp.zeros_like(cnt_s)

    pool_s[...] += psum
    cnt_s[...] += csum

    @pl.when(i == pl.num_programs(0) - 1)
    def _():
        pooled = pool_s[...] / jnp.maximum(cnt_s[...], 1.0)
        out_ref[...] = _dot(pooled, clsw_ref[...]) + clsb_ref[...]


def _full(shape):
    return pl.BlockSpec(shape, lambda i: tuple(0 for _ in shape))


def _rows(w):
    return pl.BlockSpec((_B, w), lambda i: (i, 0))


_agg_spec = pl.BlockSpec((2, _B, _H), lambda i: (0, i, 0))

_tc1 = pl.pallas_call(
    _tc1_body,
    grid=(_G,),
    in_specs=[_rows(_DIN), _full((_DIN, _H)), _full((1, _H)), _full((1, _H)),
              _full((1, _H)), _full((_H, _H)), _full((1, _H))],
    out_specs=[_rows(_H), _rows(_H)],
    out_shape=[jax.ShapeDtypeStruct((_N, _H), jnp.float32)] * 2,
)

_tc2 = pl.pallas_call(
    _tc2_body,
    grid=(_G,),
    in_specs=[_rows(_H), _agg_spec, _rows(_H), _rows(1),
              _full((_H, _H)), _full((1, _H)), _full((_H, _H)), _full((1, _H)),
              _full((_H, 2)), _full((1, 2)), _full((2, _H)), _full((1, _H))],
    out_specs=[_rows(_H), _rows(_H)],
    out_shape=[jax.ShapeDtypeStruct((_N, _H), jnp.float32)] * 2,
)

_tc3 = pl.pallas_call(
    _tc3_body,
    grid=(_G,),
    in_specs=[_rows(_H), _agg_spec,
              _full((_H, _H)), _full((1, _H)), _full((_H, _H)), _full((1, _H))],
    out_specs=[_rows(_H)],
    out_shape=[jax.ShapeDtypeStruct((_N, _H), jnp.float32)],
)

_tc4 = pl.pallas_call(
    _tc4_body,
    grid=(_G,),
    in_specs=[_rows(_H), _agg_spec, _rows(_H), _rows(1),
              _full((_H, _H)), _full((1, _H)), _full((_H, _H)), _full((1, _H)),
              _full((_H, _H)), _full((1, _H)), _full((_H, _DT)), _full((1, _DT))],
    out_specs=[_rows(_H), _full((_NB, _DT))],
    out_shape=[jax.ShapeDtypeStruct((_N, _H), jnp.float32),
               jax.ShapeDtypeStruct((_NB, _DT), jnp.float32)],
    scratch_shapes=[pltpu.VMEM((_NB, _H), jnp.float32),
                    pltpu.VMEM((_NB, 1), jnp.float32)],
)


def kernel(x, edge_index, batch, head_W, head_b, bn_g, bn_b, s0_W, s0_b,
           sc1_W, sc1_b, sl1_W, sl1_b, st_W, st_b, i0_W, i0_b,
           ic1_W, ic1_b, il1_W, il1_b, ic2_W, ic2_b, il2_W, il2_b,
           it_W, it_b, cls_W, cls_b):
    src = edge_index[0].reshape(_NW, _TPW, _CHUNK)
    dst = edge_index[1].reshape(_NW, _TPW, _CHUNK)
    zeros = jnp.zeros((_RPT, _H), jnp.float32)
    eps = jax.random.normal(jax.random.key(42), (_N, 1), dtype=jnp.float32)
    batch2 = batch.reshape(_N, 1)
    r = lambda v: v.reshape(1, -1)

    f, h0 = _tc1(x, head_W, r(head_b), r(bn_g), r(bn_b), s0_W, r(s0_b))
    sc_agg = _get_sc_agg()
    agg1 = sc_agg(h0, src, dst, zeros).reshape(2, _NPAD, _H)
    d0, g = _tc2(h0, agg1, f, eps, sc1_W, r(sc1_b), sl1_W, r(sl1_b),
                 st_W, r(st_b), i0_W, r(i0_b))
    agg2 = sc_agg(d0, src, dst, zeros).reshape(2, _NPAD, _H)
    (d2,) = _tc3(d0, agg2, ic1_W, r(ic1_b), il1_W, r(il1_b))
    agg3 = sc_agg(d2, src, dst, zeros).reshape(2, _NPAD, _H)
    decode, out = _tc4(d2, agg3, g, batch2, ic2_W, r(ic2_b), il2_W, r(il2_b),
                       it_W, r(it_b), cls_W, r(cls_b))
    return out, decode

# --- scband reference (transcript-rebuilt; emitter-appended) ---
"""Pipeline reference for scband-survival-graph-arch-12953621365188 (READ-ONLY COPY).

The authoritative reference and input builder live on the scoring server;
editing this copy changes nothing except your own understanding.
"""

import jax, jax.numpy as jnp
import numpy as np

N = 10000
E = 320000
D_IN = 128
H = 64
DT = 4
NB = 8


def _lin_init(key, fan_in, shape):
    b = 1.0 / np.sqrt(fan_in)
    return jax.random.uniform(key, shape, minval=-b, maxval=b, dtype=jnp.float32)


def setup_inputs(seed: int = 0) -> dict:
    key = jax.random.key(seed)
    ks = iter(jax.random.split(key, 64))
    inp = {}
    inp["x"] = jax.random.normal(next(ks), (N, D_IN), dtype=jnp.float32)
    inp["edge_index"] = jax.random.randint(next(ks), (2, E), 0, N, dtype=jnp.int32)
    inp["batch"] = jnp.sort(jax.random.randint(next(ks), (N,), 0, NB, dtype=jnp.int32))

    def lin(fan_in, fan_out):
        return _lin_init(next(ks), fan_in, (fan_in, fan_out)), _lin_init(next(ks), fan_in, (fan_out,))

    inp["head_W"], inp["head_b"] = lin(D_IN, H)
    inp["bn_g"] = jnp.ones((H,), jnp.float32)
    inp["bn_b"] = jnp.zeros((H,), jnp.float32)
    inp["s0_W"], inp["s0_b"] = lin(H, H)
    inp["sc1_W"], inp["sc1_b"] = lin(H, H)
    inp["sl1_W"], inp["sl1_b"] = lin(H, H)
    inp["st_W"], inp["st_b"] = lin(H, 2)
    inp["i0_W"], inp["i0_b"] = lin(2, H)
    inp["ic1_W"], inp["ic1_b"] = lin(H, H)
    inp["il1_W"], inp["il1_b"] = lin(H, H)
    inp["ic2_W"], inp["ic2_b"] = lin(H, H)
    inp["il2_W"], inp["il2_b"] = lin(H, H)
    inp["it_W"], inp["it_b"] = lin(H, H)
    inp["cls_W"], inp["cls_b"] = lin(H, DT)
    return inp


def _gin(x, src, dst, W, b):
    # PyG GINConv (eps=0): nn(x + sum_{j in N(i)} x_j); nn = Linear -> ReLU (Dropout=0)
    agg = jnp.zeros_like(x).at[dst].add(x[src])
    return jax.nn.relu((x + agg) @ W + b)


def reference(x, edge_index, batch, head_W, head_b, bn_g, bn_b,
              s0_W, s0_b, sc1_W, sc1_b, sl1_W, sl1_b, st_W, st_b,
              i0_W, i0_b, ic1_W, ic1_b, il1_W, il1_b, ic2_W, ic2_b,
              il2_W, il2_b, it_W, it_b, cls_W, cls_b):
    src, dst = edge_index[0], edge_index[1]
    # head: Linear -> BatchNorm1d (eval: running_mean=0, running_var=1) -> ReLU
    f = x @ head_W + head_b
    f = f * (bn_g / jnp.sqrt(1.0 + 1e-5)) + bn_b
    f = jax.nn.relu(f)
    # score_nn (ImportanceScoreArch, mode='decoder', layers=[64,64]): head -> GINConv -> Linear -> tail(64->2)
    h = jax.nn.relu(f @ s0_W + s0_b)
    h = _gin(h, src, dst, sc1_W, sc1_b)
    h = h @ sl1_W + sl1_b
    encode = h @ st_W + st_b
    # sampling: Normal(loc, exp(0.5*logvar)).sample() -> detached draw
    loc = encode[:, 0:1]
    logvar = jnp.clip(encode[:, 1:2], -20.0, 20.0)
    eps = jax.random.normal(jax.random.key(42), loc.shape, dtype=jnp.float32)
    gate = jax.lax.stop_gradient(loc + jnp.exp(0.5 * logvar) * eps)
    # inverse_score_nn (layers=[64,64,64]): head(2->64) -> 2x(GINConv -> Linear) -> tail(64->64)
    d = jax.nn.relu(encode @ i0_W + i0_b)
    d = _gin(d, src, dst, ic1_W, ic1_b)
    d = d @ il1_W + il1_b
    d = _gin(d, src, dst, ic2_W, ic2_b)
    d = d @ il2_W + il2_b
    decode = d @ it_W + it_b
    # gate features, mean-aggregate per graph, classify
    g = f * gate
    counts = jnp.zeros((NB, 1), jnp.float32).at[batch].add(1.0)
    pooled = jnp.zeros((NB, H), jnp.float32).at[batch].add(g) / jnp.maximum(counts, 1.0)
    out = pooled @ cls_W + cls_b
    return out, decode

if __name__ == "__main__":
    import jax
    _d = setup_inputs()
    print(jax.jit(kernel)(*tuple(_d.values())))

</pallas_src>

<mosaic_0001>
#map = affine_map<(d0, d1) -> (0, 0)>
#map1 = affine_map<(d0, d1) -> (0, 0, 0)>
module attributes {stable_mosaic.version = 14 : i64} {
  func.func @_sc_agg_body(%arg0: i32, %arg1: i32, %arg2: memref<10000x64xf32, #tpu.memory_space<hbm>>, %arg3: memref<32x80x125xi32, #tpu.memory_space<hbm>>, %arg4: memref<32x80x125xi32, #tpu.memory_space<hbm>>, %arg5: memref<640x64xf32, #tpu.memory_space<hbm>>, %arg6: memref<20480x64xf32, #tpu.memory_space<hbm>>, %arg7: memref<80x125xi32, #tpu.memory_space<vmem>>, %arg8: memref<80x125xi32, #tpu.memory_space<vmem>>, %arg9: memref<2x4x125x64xf32, #tpu.memory_space<vmem>>, %arg10: memref<10240x64xf32, #tpu.memory_space<vmem_shared>>, %arg11: memref<!tpu.dma_semaphore, #tpu.memory_space<semaphore_mem>>, %arg12: memref<!tpu.dma_semaphore, #tpu.memory_space<semaphore_mem>>, %arg13: memref<!tpu.dma_semaphore, #tpu.memory_space<semaphore_mem>>, %arg14: memref<!tpu.dma_semaphore, #tpu.memory_space<semaphore_mem>>) attributes {dimension_semantics = [#tpu.dimension_semantics<core_parallel>, #tpu.dimension_semantics<subcore_parallel>], iteration_bounds = array<i64: 2, 16>, scalar_prefetch = 0 : i64, scratch_operands = 8 : i64, tpu.core_type = #tpu.core_type<sc_vector_subcore>, window_params = [{transform_indices = #map}, {transform_indices = #map1}, {transform_indices = #map1}, {transform_indices = #map}, {transform_indices = #map}]} {
    %mul3A = arith.constant 2 : i32
    %mul3A_0 = arith.muli %arg1, %mul3A : i32
    %add3A = arith.addi %mul3A_0, %arg0 : i32
    %mul3A_1 = arith.constant 640 : i32
    %mul3A_2 = arith.muli %arg1, %mul3A_1 : i32
    "tpu.region"() ({
      %run_scoped3A = tpu.sem_alloc : memref<!tpu.dma_semaphore, #tpu.memory_space<semaphore_mem>>
      %dma_start3A_202 = arith.constant 0 : i32
      %dma_start3A_203 = tpu.memref_slice %arg10[%mul3A_2, %dma_start3A_202] : memref<10240x64xf32, #tpu.memory_space<vmem_shared>> -> memref<640x64xf32, #tpu.memory_space<vmem_shared>>
      tpu.enqueue_dma source(%arg5 : memref<640x64xf32, #tpu.memory_space<hbm>>) target(%dma_start3A_203 : memref<640x64xf32, #tpu.memory_space<vmem_shared>>) target_semaphore(%run_scoped3A : memref<!tpu.dma_semaphore, #tpu.memory_space<semaphore_mem>>)
      %dma_wait3A_204 = arith.constant 0 : i32
      %dma_wait3A_205 = tpu.memref_slice %arg10[%mul3A_2, %dma_wait3A_204] : memref<10240x64xf32, #tpu.memory_space<vmem_shared>> -> memref<640x64xf32, #tpu.memory_space<vmem_shared>>
      tpu.wait_dma2 semaphore(%run_scoped3A : memref<!tpu.dma_semaphore, #tpu.memory_space<semaphore_mem>>) src(%arg5 : memref<640x64xf32, #tpu.memory_space<hbm>>) dst(%dma_wait3A_205 : memref<640x64xf32, #tpu.memory_space<vmem_shared>>)
      tpu.yield
    }) : () -> ()
    %dma_start3A = arith.constant 0 : i32
    %dma_start3A_3 = arith.constant 0 : i32
    %dma_start3A_4 = tpu.memref_slice %arg3[%add3A, %dma_start3A, %dma_start3A_3] : memref<32x80x125xi32, #tpu.memory_space<hbm>> -> memref<1x80x125xi32, #tpu.memory_space<hbm>>
    %dma_start3A_5 = tpu.memref_squeeze %dma_start3A_4 : memref<1x80x125xi32, #tpu.memory_space<hbm>> -> memref<80x125xi32, #tpu.memory_space<hbm>>
    %dma_start3A_6 = arith.constant 0 : i32
    %dma_start3A_7 = arith.constant 0 : i32
    %dma_start3A_8 = tpu.memref_slice %arg3[%add3A, %dma_start3A_6, %dma_start3A_7] : memref<32x80x125xi32, #tpu.memory_space<hbm>> -> memref<1x80x125xi32, #tpu.memory_space<hbm>>
    %dma_start3A_9 = tpu.memref_squeeze %dma_start3A_8 : memref<1x80x125xi32, #tpu.memory_space<hbm>> -> memref<80x125xi32, #tpu.memory_space<hbm>>
    tpu.enqueue_dma source(%dma_start3A_9 : memref<80x125xi32, #tpu.memory_space<hbm>>) target(%arg7 : memref<80x125xi32, #tpu.memory_space<vmem>>) target_semaphore(%arg11 : memref<!tpu.dma_semaphore, #tpu.memory_space<semaphore_mem>>)
    %dma_start3A_10 = arith.constant 0 : i32
    %dma_start3A_11 = arith.constant 0 : i32
    %dma_start3A_12 = tpu.memref_slice %arg4[%add3A, %dma_start3A_10, %dma_start3A_11] : memref<32x80x125xi32, #tpu.memory_space<hbm>> -> memref<1x80x125xi32, #tpu.memory_space<hbm>>
    %dma_start3A_13 = tpu.memref_squeeze %dma_start3A_12 : memref<1x80x125xi32, #tpu.memory_space<hbm>> -> memref<80x125xi32, #tpu.memory_space<hbm>>
    %dma_start3A_14 = arith.constant 0 : i32
    %dma_start3A_15 = arith.constant 0 : i32
    %dma_start3A_16 = tpu.memref_slice %arg4[%add3A, %dma_start3A_14, %dma_start3A_15] : memref<32x80x125xi32, #tpu.memory_space<hbm>> -> memref<1x80x125xi32, #tpu.memory_space<hbm>>
    %dma_start3A_17 = tpu.memref_squeeze %dma_start3A_16 : memref<1x80x125xi32, #tpu.memory_space<hbm>> -> memref<80x125xi32, #tpu.memory_space<hbm>>
    tpu.enqueue_dma source(%dma_start3A_17 : memref<80x125xi32, #tpu.memory_space<hbm>>) target(%arg8 : memref<80x125xi32, #tpu.memory_space<vmem>>) target_semaphore(%arg11 : memref<!tpu.dma_semaphore, #tpu.memory_space<semaphore_mem>>)
    %dma_wait3A = arith.constant 0 : i32
    %dma_wait3A_18 = arith.constant 0 : i32
    %dma_wait3A_19 = tpu.memref_slice %arg3[%add3A, %dma_wait3A, %dma_wait3A_18] : memref<32x80x125xi32, #tpu.memory_space<hbm>> -> memref<1x80x125xi32, #tpu.memory_space<hbm>>
    %dma_wait3A_20 = tpu.memref_squeeze %dma_wait3A_19 : memref<1x80x125xi32, #tpu.memory_space<hbm>> -> memref<80x125xi32, #tpu.memory_space<hbm>>
    %dma_wait3A_21 = arith.constant 0 : i32
    %dma_wait3A_22 = arith.constant 0 : i32
    %dma_wait3A_23 = tpu.memref_slice %arg3[%add3A, %dma_wait3A_21, %dma_wait3A_22] : memref<32x80x125xi32, #tpu.memory_space<hbm>> -> memref<1x80x125xi32, #tpu.memory_space<hbm>>
    %dma_wait3A_24 = tpu.memref_squeeze %dma_wait3A_23 : memref<1x80x125xi32, #tpu.memory_space<hbm>> -> memref<80x125xi32, #tpu.memory_space<hbm>>
    tpu.wait_dma2 semaphore(%arg11 : memref<!tpu.dma_semaphore, #tpu.memory_space<semaphore_mem>>) src(%dma_wait3A_24 : memref<80x125xi32, #tpu.memory_space<hbm>>) dst(%arg7 : memref<80x125xi32, #tpu.memory_space<vmem>>)
    %dma_wait3A_25 = arith.constant 0 : i32
    %dma_wait3A_26 = arith.constant 0 : i32
    %dma_wait3A_27 = tpu.memref_slice %arg4[%add3A, %dma_wait3A_25, %dma_wait3A_26] : memref<32x80x125xi32, #tpu.memory_space<hbm>> -> memref<1x80x125xi32, #tpu.memory_space<hbm>>
    %dma_wait3A_28 = tpu.memref_squeeze %dma_wait3A_27 : memref<1x80x125xi32, #tpu.memory_space<hbm>> -> memref<80x125xi32, #tpu.memory_space<hbm>>
    %dma_wait3A_29 = arith.constant 0 : i32
    %dma_wait3A_30 = arith.constant 0 : i32
    %dma_wait3A_31 = tpu.memref_slice %arg4[%add3A, %dma_wait3A_29, %dma_wait3A_30] : memref<32x80x125xi32, #tpu.memory_space<hbm>> -> memref<1x80x125xi32, #tpu.memory_space<hbm>>
    %dma_wait3A_32 = tpu.memref_squeeze %dma_wait3A_31 : memref<1x80x125xi32, #tpu.memory_space<hbm>> -> memref<80x125xi32, #tpu.memory_space<hbm>>
    tpu.wait_dma2 semaphore(%arg11 : memref<!tpu.dma_semaphore, #tpu.memory_space<semaphore_mem>>) src(%dma_wait3A_32 : memref<80x125xi32, #tpu.memory_space<hbm>>) dst(%arg8 : memref<80x125xi32, #tpu.memory_space<vmem>>)
    %barrier3A = arith.constant 0 : index
    tpu.barrier barrier_id(%barrier3A)
    %dma_start3A_33 = arith.constant 0 : i32
    %dma_start3A_34 = arith.constant 0 : i32
    %dma_start3A_35 = arith.constant 0 : i32
    %dma_start3A_36 = arith.constant 0 : i32
    %dma_start3A_37 = arith.constant 0 : i32
    %dma_start3A_38 = tpu.memref_slice %arg9[%dma_start3A_34, %dma_start3A_35, %dma_start3A_36, %dma_start3A_37] : memref<2x4x125x64xf32, #tpu.memory_space<vmem>> -> memref<1x1x125x64xf32, #tpu.memory_space<vmem>>
    %dma_start3A_39 = tpu.memref_squeeze %dma_start3A_38 : memref<1x1x125x64xf32, #tpu.memory_space<vmem>> -> memref<125x64xf32, #tpu.memory_space<vmem>>
    %dma_start3A_40 = arith.constant 0 : i32
    %dma_start3A_41 = tpu.memref_slice %arg7[%dma_start3A_33, %dma_start3A_40] : memref<80x125xi32, #tpu.memory_space<vmem>> -> memref<1x125xi32, #tpu.memory_space<vmem>>
    %dma_start3A_42 = tpu.memref_squeeze %dma_start3A_41 : memref<1x125xi32, #tpu.memory_space<vmem>> -> memref<125xi32, #tpu.memory_space<vmem>>
    %dma_start3A_43 = arith.constant 0 : i32
    %dma_start3A_44 = arith.constant 0 : i32
    %dma_start3A_45 = tpu.memref_slice %arg2[%dma_start3A_43, %dma_start3A_44] : memref<10000x64xf32, #tpu.memory_space<hbm>> -> memref<10000x64xf32, #tpu.memory_space<hbm>>
    tpu.enqueue_indirect_dma source(%dma_start3A_45 : memref<10000x64xf32, #tpu.memory_space<hbm>>) target(%dma_start3A_39 : memref<125x64xf32, #tpu.memory_space<vmem>>) offsets(%dma_start3A_42 : memref<125xi32, #tpu.memory_space<vmem>>) semaphore(%arg11 : memref<!tpu.dma_semaphore, #tpu.memory_space<semaphore_mem>>)
    %dma_start3A_46 = arith.constant 1 : i32
    %dma_start3A_47 = arith.constant 0 : i32
    %dma_start3A_48 = arith.constant 1 : i32
    %dma_start3A_49 = arith.constant 0 : i32
    %dma_start3A_50 = arith.constant 0 : i32
    %dma_start3A_51 = tpu.memref_slice %arg9[%dma_start3A_47, %dma_start3A_48, %dma_start3A_49, %dma_start3A_50] : memref<2x4x125x64xf32, #tpu.memory_space<vmem>> -> memref<1x1x125x64xf32, #tpu.memory_space<vmem>>
    %dma_start3A_52 = tpu.memref_squeeze %dma_start3A_51 : memref<1x1x125x64xf32, #tpu.memory_space<vmem>> -> memref<125x64xf32, #tpu.memory_space<vmem>>
    %dma_start3A_53 = arith.constant 0 : i32
    %dma_start3A_54 = tpu.memref_slice %arg7[%dma_start3A_46, %dma_start3A_53] : memref<80x125xi32, #tpu.memory_space<vmem>> -> memref<1x125xi32, #tpu.memory_space<vmem>>
    %dma_start3A_55 = tpu.memref_squeeze %dma_start3A_54 : memref<1x125xi32, #tpu.memory_space<vmem>> -> memref<125xi32, #tpu.memory_space<vmem>>
    %dma_start3A_56 = arith.constant 0 : i32
    %dma_start3A_57 = arith.constant 0 : i32
    %dma_start3A_58 = tpu.memref_slice %arg2[%dma_start3A_56, %dma_start3A_57] : memref<10000x64xf32, #tpu.memory_space<hbm>> -> memref<10000x64xf32, #tpu.memory_space<hbm>>
    tpu.enqueue_indirect_dma source(%dma_start3A_58 : memref<10000x64xf32, #tpu.memory_space<hbm>>) target(%dma_start3A_52 : memref<125x64xf32, #tpu.memory_space<vmem>>) offsets(%dma_start3A_55 : memref<125xi32, #tpu.memory_space<vmem>>) semaphore(%arg11 : memref<!tpu.dma_semaphore, #tpu.memory_space<semaphore_mem>>)
    %dma_start3A_59 = arith.constant 2 : i32
    %dma_start3A_60 = arith.constant 0 : i32
    %dma_start3A_61 = arith.constant 2 : i32
    %dma_start3A_62 = arith.constant 0 : i32
    %dma_start3A_63 = arith.constant 0 : i32
    %dma_start3A_64 = tpu.memref_slice %arg9[%dma_start3A_60, %dma_start3A_61, %dma_start3A_62, %dma_start3A_63] : memref<2x4x125x64xf32, #tpu.memory_space<vmem>> -> memref<1x1x125x64xf32, #tpu.memory_space<vmem>>
    %dma_start3A_65 = tpu.memref_squeeze %dma_start3A_64 : memref<1x1x125x64xf32, #tpu.memory_space<vmem>> -> memref<125x64xf32, #tpu.memory_space<vmem>>
    %dma_start3A_66 = arith.constant 0 : i32
    %dma_start3A_67 = tpu.memref_slice %arg7[%dma_start3A_59, %dma_start3A_66] : memref<80x125xi32, #tpu.memory_space<vmem>> -> memref<1x125xi32, #tpu.memory_space<vmem>>
    %dma_start3A_68 = tpu.memref_squeeze %dma_start3A_67 : memref<1x125xi32, #tpu.memory_space<vmem>> -> memref<125xi32, #tpu.memory_space<vmem>>
    %dma_start3A_69 = arith.constant 0 : i32
    %dma_start3A_70 = arith.constant 0 : i32
    %dma_start3A_71 = tpu.memref_slice %arg2[%dma_start3A_69, %dma_start3A_70] : memref<10000x64xf32, #tpu.memory_space<hbm>> -> memref<10000x64xf32, #tpu.memory_space<hbm>>
    tpu.enqueue_indirect_dma source(%dma_start3A_71 : memref<10000x64xf32, #tpu.memory_space<hbm>>) target(%dma_start3A_65 : memref<125x64xf32, #tpu.memory_space<vmem>>) offsets(%dma_start3A_68 : memref<125xi32, #tpu.memory_space<vmem>>) semaphore(%arg11 : memref<!tpu.dma_semaphore, #tpu.memory_space<semaphore_mem>>)
    %dma_start3A_72 = arith.constant 3 : i32
    %dma_start3A_73 = arith.constant 0 : i32
    %dma_start3A_74 = arith.constant 3 : i32
    %dma_start3A_75 = arith.constant 0 : i32
    %dma_start3A_76 = arith.constant 0 : i32
    %dma_start3A_77 = tpu.memref_slice %arg9[%dma_start3A_73, %dma_start3A_74, %dma_start3A_75, %dma_start3A_76] : memref<2x4x125x64xf32, #tpu.memory_space<vmem>> -> memref<1x1x125x64xf32, #tpu.memory_space<vmem>>
    %dma_start3A_78 = tpu.memref_squeeze %dma_start3A_77 : memref<1x1x125x64xf32, #tpu.memory_space<vmem>> -> memref<125x64xf32, #tpu.memory_space<vmem>>
    %dma_start3A_79 = arith.constant 0 : i32
    %dma_start3A_80 = tpu.memref_slice %arg7[%dma_start3A_72, %dma_start3A_79] : memref<80x125xi32, #tpu.memory_space<vmem>> -> memref<1x125xi32, #tpu.memory_space<vmem>>
    %dma_start3A_81 = tpu.memref_squeeze %dma_start3A_80 : memref<1x125xi32, #tpu.memory_space<vmem>> -> memref<125xi32, #tpu.memory_space<vmem>>
    %dma_start3A_82 = arith.constant 0 : i32
    %dma_start3A_83 = arith.constant 0 : i32
    %dma_start3A_84 = tpu.memref_slice %arg2[%dma_start3A_82, %dma_start3A_83] : memref<10000x64xf32, #tpu.memory_space<hbm>> -> memref<10000x64xf32, #tpu.memory_space<hbm>>
    tpu.enqueue_indirect_dma source(%dma_start3A_84 : memref<10000x64xf32, #tpu.memory_space<hbm>>) target(%dma_start3A_78 : memref<125x64xf32, #tpu.memory_space<vmem>>) offsets(%dma_start3A_81 : memref<125xi32, #tpu.memory_space<vmem>>) semaphore(%arg11 : memref<!tpu.dma_semaphore, #tpu.memory_space<semaphore_mem>>)
    %scan3A = arith.constant 0 : i32
    %scan3A_85 = arith.constant 0 : i32
    %scan3A_86 = arith.constant 10 : i32
    %scan3A_87 = arith.addi %scan3A_85, %scan3A_86 : i32
    %scan3A_88 = arith.constant 1 : i32
    scf.for %scan3A_202 = %scan3A_85 to %scan3A_87 step %scan3A_88  : i32 {
      %mul3A_203 = arith.constant 2 : i32
      %mul3A_204 = arith.muli %mul3A_203, %scan3A_202 : i32
      %add3A_205 = arith.constant 1 : i32
      %add3A_206 = arith.addi %mul3A_204, %add3A_205 : i32
      %gt3A = arith.constant 0 : i32
      %gt3A_207 = arith.cmpi sgt, %scan3A_202, %gt3A : i32
      %convert_element_type3A = arith.extui %gt3A_207 : i1 to i32
      %cond3A = arith.constant 0 : i32
      %cond3A_208 = arith.cmpi ne, %convert_element_type3A, %cond3A : i32
      scf.if %cond3A_208 {
        %sub3A = arith.constant 2 : i32
        %sub3A_533 = arith.subi %add3A_206, %sub3A : i32
        %mul3A_534 = arith.constant 4 : i32
        %mul3A_535 = arith.muli %sub3A_533, %mul3A_534 : i32
        %add3A_536 = arith.constant 0 : i32
        %add3A_537 = arith.addi %mul3A_535, %add3A_536 : i32
        %dma_wait3A_538 = arith.constant 1 : i32
        %dma_wait3A_539 = arith.constant 0 : i32
        %dma_wait3A_540 = arith.constant 0 : i32
        %dma_wait3A_541 = arith.constant 0 : i32
        %dma_wait3A_542 = tpu.memref_slice %arg9[%dma_wait3A_538, %dma_wait3A_539, %dma_wait3A_540, %dma_wait3A_541] : memref<2x4x125x64xf32, #tpu.memory_space<vmem>> -> memref<1x1x125x64xf32, #tpu.memory_space<vmem>>
        %dma_wait3A_543 = tpu.memref_squeeze %dma_wait3A_542 : memref<1x1x125x64xf32, #tpu.memory_space<vmem>> -> memref<125x64xf32, #tpu.memory_space<vmem>>
        %dma_wait3A_544 = arith.constant 0 : i32
        %dma_wait3A_545 = tpu.memref_slice %arg8[%add3A_537, %dma_wait3A_544] : memref<80x125xi32, #tpu.memory_space<vmem>> -> memref<1x125xi32, #tpu.memory_space<vmem>>
        %dma_wait3A_546 = tpu.memref_squeeze %dma_wait3A_545 : memref<1x125xi32, #tpu.memory_space<vmem>> -> memref<125xi32, #tpu.memory_space<vmem>>
        %dma_wait3A_547 = arith.constant 0 : i32
        %dma_wait3A_548 = arith.constant 0 : i32
        %dma_wait3A_549 = tpu.memref_slice %arg10[%dma_wait3A_547, %dma_wait3A_548] : memref<10240x64xf32, #tpu.memory_space<vmem_shared>> -> memref<10240x64xf32, #tpu.memory_space<vmem_shared>>
        tpu.wait_indirect_dma semaphore(%arg14 : memref<!tpu.dma_semaphore, #tpu.memory_space<semaphore_mem>>) src(%dma_wait3A_543 : memref<125x64xf32, #tpu.memory_space<vmem>>) dst(%dma_wait3A_549 : memref<10240x64xf32, #tpu.memory_space<vmem_shared>>)
        %mul3A_550 = arith.constant 4 : i32
        %mul3A_551 = arith.muli %sub3A_533, %mul3A_550 : i32
        %add3A_552 = arith.constant 1 : i32
        %add3A_553 = arith.addi %mul3A_551, %add3A_552 : i32
        %dma_wait3A_554 = arith.constant 1 : i32
        %dma_wait3A_555 = arith.constant 1 : i32
        %dma_wait3A_556 = arith.constant 0 : i32
        %dma_wait3A_557 = arith.constant 0 : i32
        %dma_wait3A_558 = tpu.memref_slice %arg9[%dma_wait3A_554, %dma_wait3A_555, %dma_wait3A_556, %dma_wait3A_557] : memref<2x4x125x64xf32, #tpu.memory_space<vmem>> -> memref<1x1x125x64xf32, #tpu.memory_space<vmem>>
        %dma_wait3A_559 = tpu.memref_squeeze %dma_wait3A_558 : memref<1x1x125x64xf32, #tpu.memory_space<vmem>> -> memref<125x64xf32, #tpu.memory_space<vmem>>
        %dma_wait3A_560 = arith.constant 0 : i32
        %dma_wait3A_561 = tpu.memref_slice %arg8[%add3A_553, %dma_wait3A_560] : memref<80x125xi32, #tpu.memory_space<vmem>> -> memref<1x125xi32, #tpu.memory_space<vmem>>
        %dma_wait3A_562 = tpu.memref_squeeze %dma_wait3A_561 : memref<1x125xi32, #tpu.memory_space<vmem>> -> memref<125xi32, #tpu.memory_space<vmem>>
        %dma_wait3A_563 = arith.constant 0 : i32
        %dma_wait3A_564 = arith.constant 0 : i32
        %dma_wait3A_565 = tpu.memref_slice %arg10[%dma_wait3A_563, %dma_wait3A_564] : memref<10240x64xf32, #tpu.memory_space<vmem_shared>> -> memref<10240x64xf32, #tpu.memory_space<vmem_shared>>
        tpu.wait_indirect_dma semaphore(%arg14 : memref<!tpu.dma_semaphore, #tpu.memory_space<semaphore_mem>>) src(%dma_wait3A_559 : memref<125x64xf32, #tpu.memory_space<vmem>>) dst(%dma_wait3A_565 : memref<10240x64xf32, #tpu.memory_space<vmem_shared>>)
        %mul3A_566 = arith.constant 4 : i32
        %mul3A_567 = arith.muli %sub3A_533, %mul3A_566 : i32
        %add3A_568 = arith.constant 2 : i32
        %add3A_569 = arith.addi %mul3A_567, %add3A_568 : i32
        %dma_wait3A_570 = arith.constant 1 : i32
        %dma_wait3A_571 = arith.constant 2 : i32
        %dma_wait3A_572 = arith.constant 0 : i32
        %dma_wait3A_573 = arith.constant 0 : i32
        %dma_wait3A_574 = tpu.memref_slice %arg9[%dma_wait3A_570, %dma_wait3A_571, %dma_wait3A_572, %dma_wait3A_573] : memref<2x4x125x64xf32, #tpu.memory_space<vmem>> -> memref<1x1x125x64xf32, #tpu.memory_space<vmem>>
        %dma_wait3A_575 = tpu.memref_squeeze %dma_wait3A_574 : memref<1x1x125x64xf32, #tpu.memory_space<vmem>> -> memref<125x64xf32, #tpu.memory_space<vmem>>
        %dma_wait3A_576 = arith.constant 0 : i32
        %dma_wait3A_577 = tpu.memref_slice %arg8[%add3A_569, %dma_wait3A_576] : memref<80x125xi32, #tpu.memory_space<vmem>> -> memref<1x125xi32, #tpu.memory_space<vmem>>
        %dma_wait3A_578 = tpu.memref_squeeze %dma_wait3A_577 : memref<1x125xi32, #tpu.memory_space<vmem>> -> memref<125xi32, #tpu.memory_space<vmem>>
        %dma_wait3A_579 = arith.constant 0 : i32
        %dma_wait3A_580 = arith.constant 0 : i32
        %dma_wait3A_581 = tpu.memref_slice %arg10[%dma_wait3A_579, %dma_wait3A_580] : memref<10240x64xf32, #tpu.memory_space<vmem_shared>> -> memref<10240x64xf32, #tpu.memory_space<vmem_shared>>
        tpu.wait_indirect_dma semaphore(%arg14 : memref<!tpu.dma_semaphore, #tpu.memory_space<semaphore_mem>>) src(%dma_wait3A_575 : memref<125x64xf32, #tpu.memory_space<vmem>>) dst(%dma_wait3A_581 : memref<10240x64xf32, #tpu.memory_space<vmem_shared>>)
        %mul3A_582 = arith.constant 4 : i32
        %mul3A_583 = arith.muli %sub3A_533, %mul3A_582 : i32
        %add3A_584 = arith.constant 3 : i32
        %add3A_585 = arith.addi %mul3A_583, %add3A_584 : i32
        %dma_wait3A_586 = arith.constant 1 : i32
        %dma_wait3A_587 = arith.constant 3 : i32
        %dma_wait3A_588 = arith.constant 0 : i32
        %dma_wait3A_589 = arith.constant 0 : i32
        %dma_wait3A_590 = tpu.memref_slice %arg9[%dma_wait3A_586, %dma_wait3A_587, %dma_wait3A_588, %dma_wait3A_589] : memref<2x4x125x64xf32, #tpu.memory_space<vmem>> -> memref<1x1x125x64xf32, #tpu.memory_space<vmem>>
        %dma_wait3A_591 = tpu.memref_squeeze %dma_wait3A_590 : memref<1x1x125x64xf32, #tpu.memory_space<vmem>> -> memref<125x64xf32, #tpu.memory_space<vmem>>
        %dma_wait3A_592 = arith.constant 0 : i32
        %dma_wait3A_593 = tpu.memref_slice %arg8[%add3A_585, %dma_wait3A_592] : memref<80x125xi32, #tpu.memory_space<vmem>> -> memref<1x125xi32, #tpu.memory_space<vmem>>
        %dma_wait3A_594 = tpu.memref_squeeze %dma_wait3A_593 : memref<1x125xi32, #tpu.memory_space<vmem>> -> memref<125xi32, #tpu.memory_space<vmem>>
        %dma_wait3A_595 = arith.constant 0 : i32
        %dma_wait3A_596 = arith.constant 0 : i32
        %dma_wait3A_597 = tpu.memref_slice %arg10[%dma_wait3A_595, %dma_wait3A_596] : memref<10240x64xf32, #tpu.memory_space<vmem_shared>> -> memref<10240x64xf32, #tpu.memory_space<vmem_shared>>
        tpu.wait_indirect_dma semaphore(%arg14 : memref<!tpu.dma_semaphore, #tpu.memory_space<semaphore_mem>>) src(%dma_wait3A_591 : memref<125x64xf32, #tpu.memory_space<vmem>>) dst(%dma_wait3A_597 : memref<10240x64xf32, #tpu.memory_space<vmem_shared>>)
      } else {
      }
      %mul3A_209 = arith.constant 4 : i32
      %mul3A_210 = arith.muli %add3A_206, %mul3A_209 : i32
      %add3A_211 = arith.constant 0 : i32
      %add3A_212 = arith.addi %mul3A_210, %add3A_211 : i32
      %dma_start3A_213 = arith.constant 1 : i32
      %dma_start3A_214 = arith.constant 0 : i32
      %dma_start3A_215 = arith.constant 0 : i32
      %dma_start3A_216 = arith.constant 0 : i32
      %dma_start3A_217 = tpu.memref_slice %arg9[%dma_start3A_213, %dma_start3A_214, %dma_start3A_215, %dma_start3A_216] : memref<2x4x125x64xf32, #tpu.memory_space<vmem>> -> memref<1x1x125x64xf32, #tpu.memory_space<vmem>>
      %dma_start3A_218 = tpu.memref_squeeze %dma_start3A_217 : memref<1x1x125x64xf32, #tpu.memory_space<vmem>> -> memref<125x64xf32, #tpu.memory_space<vmem>>
      %dma_start3A_219 = arith.constant 0 : i32
      %dma_start3A_220 = tpu.memref_slice %arg7[%add3A_212, %dma_start3A_219] : memref<80x125xi32, #tpu.memory_space<vmem>> -> memref<1x125xi32, #tpu.memory_space<vmem>>
      %dma_start3A_221 = tpu.memref_squeeze %dma_start3A_220 : memref<1x125xi32, #tpu.memory_space<vmem>> -> memref<125xi32, #tpu.memory_space<vmem>>
      %dma_start3A_222 = arith.constant 0 : i32
      %dma_start3A_223 = arith.constant 0 : i32
      %dma_start3A_224 = tpu.memref_slice %arg2[%dma_start3A_222, %dma_start3A_223] : memref<10000x64xf32, #tpu.memory_space<hbm>> -> memref<10000x64xf32, #tpu.memory_space<hbm>>
      tpu.enqueue_indirect_dma source(%dma_start3A_224 : memref<10000x64xf32, #tpu.memory_space<hbm>>) target(%dma_start3A_218 : memref<125x64xf32, #tpu.memory_space<vmem>>) offsets(%dma_start3A_221 : memref<125xi32, #tpu.memory_space<vmem>>) semaphore(%arg12 : memref<!tpu.dma_semaphore, #tpu.memory_space<semaphore_mem>>)
      %mul3A_225 = arith.constant 4 : i32
      %mul3A_226 = arith.muli %add3A_206, %mul3A_225 : i32
      %add3A_227 = arith.constant 1 : i32
      %add3A_228 = arith.addi %mul3A_226, %add3A_227 : i32
      %dma_start3A_229 = arith.constant 1 : i32
      %dma_start3A_230 = arith.constant 1 : i32
      %dma_start3A_231 = arith.constant 0 : i32
      %dma_start3A_232 = arith.constant 0 : i32
      %dma_start3A_233 = tpu.memref_slice %arg9[%dma_start3A_229, %dma_start3A_230, %dma_start3A_231, %dma_start3A_232] : memref<2x4x125x64xf32, #tpu.memory_space<vmem>> -> memref<1x1x125x64xf32, #tpu.memory_space<vmem>>
      %dma_start3A_234 = tpu.memref_squeeze %dma_start3A_233 : memref<1x1x125x64xf32, #tpu.memory_space<vmem>> -> memref<125x64xf32, #tpu.memory_space<vmem>>
      %dma_start3A_235 = arith.constant 0 : i32
      %dma_start3A_236 = tpu.memref_slice %arg7[%add3A_228, %dma_start3A_235] : memref<80x125xi32, #tpu.memory_space<vmem>> -> memref<1x125xi32, #tpu.memory_space<vmem>>
      %dma_start3A_237 = tpu.memref_squeeze %dma_start3A_236 : memref<1x125xi32, #tpu.memory_space<vmem>> -> memref<125xi32, #tpu.memory_space<vmem>>
      %dma_start3A_238 = arith.constant 0 : i32
      %dma_start3A_239 = arith.constant 0 : i32
      %dma_start3A_240 = tpu.memref_slice %arg2[%dma_start3A_238, %dma_start3A_239] : memref<10000x64xf32, #tpu.memory_space<hbm>> -> memref<10000x64xf32, #tpu.memory_space<hbm>>
      tpu.enqueue_indirect_dma source(%dma_start3A_240 : memref<10000x64xf32, #tpu.memory_space<hbm>>) target(%dma_start3A_234 : memref<125x64xf32, #tpu.memory_space<vmem>>) offsets(%dma_start3A_237 : memref<125xi32, #tpu.memory_space<vmem>>) semaphore(%arg12 : memref<!tpu.dma_semaphore, #tpu.memory_space<semaphore_mem>>)
      %mul3A_241 = arith.constant 4 : i32
      %mul3A_242 = arith.muli %add3A_206, %mul3A_241 : i32
      %add3A_243 = arith.constant 2 : i32
      %add3A_244 = arith.addi %mul3A_242, %add3A_243 : i32
      %dma_start3A_245 = arith.constant 1 : i32
      %dma_start3A_246 = arith.constant 2 : i32
      %dma_start3A_247 = arith.constant 0 : i32
      %dma_start3A_248 = arith.constant 0 : i32
      %dma_start3A_249 = tpu.memref_slice %arg9[%dma_start3A_245, %dma_start3A_246, %dma_start3A_247, %dma_start3A_248] : memref<2x4x125x64xf32, #tpu.memory_space<vmem>> -> memref<1x1x125x64xf32, #tpu.memory_space<vmem>>
      %dma_start3A_250 = tpu.memref_squeeze %dma_start3A_249 : memref<1x1x125x64xf32, #tpu.memory_space<vmem>> -> memref<125x64xf32, #tpu.memory_space<vmem>>
      %dma_start3A_251 = arith.constant 0 : i32
      %dma_start3A_252 = tpu.memref_slice %arg7[%add3A_244, %dma_start3A_251] : memref<80x125xi32, #tpu.memory_space<vmem>> -> memref<1x125xi32, #tpu.memory_space<vmem>>
      %dma_start3A_253 = tpu.memref_squeeze %dma_start3A_252 : memref<1x125xi32, #tpu.memory_space<vmem>> -> memref<125xi32, #tpu.memory_space<vmem>>
      %dma_start3A_254 = arith.constant 0 : i32
      %dma_start3A_255 = arith.constant 0 : i32
      %dma_start3A_256 = tpu.memref_slice %arg2[%dma_start3A_254, %dma_start3A_255] : memref<10000x64xf32, #tpu.memory_space<hbm>> -> memref<10000x64xf32, #tpu.memory_space<hbm>>
      tpu.enqueue_indirect_dma source(%dma_start3A_256 : memref<10000x64xf32, #tpu.memory_space<hbm>>) target(%dma_start3A_250 : memref<125x64xf32, #tpu.memory_space<vmem>>) offsets(%dma_start3A_253 : memref<125xi32, #tpu.memory_space<vmem>>) semaphore(%arg12 : memref<!tpu.dma_semaphore, #tpu.memory_space<semaphore_mem>>)
      %mul3A_257 = arith.constant 4 : i32
      %mul3A_258 = arith.muli %add3A_206, %mul3A_257 : i32
      %add3A_259 = arith.constant 3 : i32
      %add3A_260 = arith.addi %mul3A_258, %add3A_259 : i32
      %dma_start3A_261 = arith.constant 1 : i32
      %dma_start3A_262 = arith.constant 3 : i32
      %dma_start3A_263 = arith.constant 0 : i32
      %dma_start3A_264 = arith.constant 0 : i32
      %dma_start3A_265 = tpu.memref_slice %arg9[%dma_start3A_261, %dma_start3A_262, %dma_start3A_263, %dma_start3A_264] : memref<2x4x125x64xf32, #tpu.memory_space<vmem>> -> memref<1x1x125x64xf32, #tpu.memory_space<vmem>>
      %dma_start3A_266 = tpu.memref_squeeze %dma_start3A_265 : memref<1x1x125x64xf32, #tpu.memory_space<vmem>> -> memref<125x64xf32, #tpu.memory_space<vmem>>
      %dma_start3A_267 = arith.constant 0 : i32
      %dma_start3A_268 = tpu.memref_slice %arg7[%add3A_260, %dma_start3A_267] : memref<80x125xi32, #tpu.memory_space<vmem>> -> memref<1x125xi32, #tpu.memory_space<vmem>>
      %dma_start3A_269 = tpu.memref_squeeze %dma_start3A_268 : memref<1x125xi32, #tpu.memory_space<vmem>> -> memref<125xi32, #tpu.memory_space<vmem>>
      %dma_start3A_270 = arith.constant 0 : i32
      %dma_start3A_271 = arith.constant 0 : i32
      %dma_start3A_272 = tpu.memref_slice %arg2[%dma_start3A_270, %dma_start3A_271] : memref<10000x64xf32, #tpu.memory_space<hbm>> -> memref<10000x64xf32, #tpu.memory_space<hbm>>
      tpu.enqueue_indirect_dma source(%dma_start3A_272 : memref<10000x64xf32, #tpu.memory_space<hbm>>) target(%dma_start3A_266 : memref<125x64xf32, #tpu.memory_space<vmem>>) offsets(%dma_start3A_269 : memref<125xi32, #tpu.memory_space<vmem>>) semaphore(%arg12 : memref<!tpu.dma_semaphore, #tpu.memory_space<semaphore_mem>>)
      %mul3A_273 = arith.constant 4 : i32
      %mul3A_274 = arith.muli %mul3A_204, %mul3A_273 : i32
      %add3A_275 = arith.constant 0 : i32
      %add3A_276 = arith.addi %mul3A_274, %add3A_275 : i32
      %dma_wait3A_277 = arith.constant 0 : i32
      %dma_wait3A_278 = arith.constant 0 : i32
      %dma_wait3A_279 = arith.constant 0 : i32
      %dma_wait3A_280 = arith.constant 0 : i32
      %dma_wait3A_281 = tpu.memref_slice %arg9[%dma_wait3A_277, %dma_wait3A_278, %dma_wait3A_279, %dma_wait3A_280] : memref<2x4x125x64xf32, #tpu.memory_space<vmem>> -> memref<1x1x125x64xf32, #tpu.memory_space<vmem>>
      %dma_wait3A_282 = tpu.memref_squeeze %dma_wait3A_281 : memref<1x1x125x64xf32, #tpu.memory_space<vmem>> -> memref<125x64xf32, #tpu.memory_space<vmem>>
      %dma_wait3A_283 = arith.constant 0 : i32
      %dma_wait3A_284 = tpu.memref_slice %arg7[%add3A_276, %dma_wait3A_283] : memref<80x125xi32, #tpu.memory_space<vmem>> -> memref<1x125xi32, #tpu.memory_space<vmem>>
      %dma_wait3A_285 = tpu.memref_squeeze %dma_wait3A_284 : memref<1x125xi32, #tpu.memory_space<vmem>> -> memref<125xi32, #tpu.memory_space<vmem>>
      %dma_wait3A_286 = arith.constant 0 : i32
      %dma_wait3A_287 = arith.constant 0 : i32
      %dma_wait3A_288 = tpu.memref_slice %arg2[%dma_wait3A_286, %dma_wait3A_287] : memref<10000x64xf32, #tpu.memory_space<hbm>> -> memref<10000x64xf32, #tpu.memory_space<hbm>>
      tpu.wait_indirect_dma semaphore(%arg11 : memref<!tpu.dma_semaphore, #tpu.memory_space<semaphore_mem>>) src(%dma_wait3A_288 : memref<10000x64xf32, #tpu.memory_space<hbm>>) dst(%dma_wait3A_282 : memref<125x64xf32, #tpu.memory_space<vmem>>)
      %mul3A_289 = arith.constant 4 : i32
      %mul3A_290 = arith.muli %mul3A_204, %mul3A_289 : i32
      %add3A_291 = arith.constant 1 : i32
      %add3A_292 = arith.addi %mul3A_290, %add3A_291 : i32
      %dma_wait3A_293 = arith.constant 0 : i32
      %dma_wait3A_294 = arith.constant 1 : i32
      %dma_wait3A_295 = arith.constant 0 : i32
      %dma_wait3A_296 = arith.constant 0 : i32
      %dma_wait3A_297 = tpu.memref_slice %arg9[%dma_wait3A_293, %dma_wait3A_294, %dma_wait3A_295, %dma_wait3A_296] : memref<2x4x125x64xf32, #tpu.memory_space<vmem>> -> memref<1x1x125x64xf32, #tpu.memory_space<vmem>>
      %dma_wait3A_298 = tpu.memref_squeeze %dma_wait3A_297 : memref<1x1x125x64xf32, #tpu.memory_space<vmem>> -> memref<125x64xf32, #tpu.memory_space<vmem>>
      %dma_wait3A_299 = arith.constant 0 : i32
      %dma_wait3A_300 = tpu.memref_slice %arg7[%add3A_292, %dma_wait3A_299] : memref<80x125xi32, #tpu.memory_space<vmem>> -> memref<1x125xi32, #tpu.memory_space<vmem>>
      %dma_wait3A_301 = tpu.memref_squeeze %dma_wait3A_300 : memref<1x125xi32, #tpu.memory_space<vmem>> -> memref<125xi32, #tpu.memory_space<vmem>>
      %dma_wait3A_302 = arith.constant 0 : i32
      %dma_wait3A_303 = arith.constant 0 : i32
      %dma_wait3A_304 = tpu.memref_slice %arg2[%dma_wait3A_302, %dma_wait3A_303] : memref<10000x64xf32, #tpu.memory_space<hbm>> -> memref<10000x64xf32, #tpu.memory_space<hbm>>
      tpu.wait_indirect_dma semaphore(%arg11 : memref<!tpu.dma_semaphore, #tpu.memory_space<semaphore_mem>>) src(%dma_wait3A_304 : memref<10000x64xf32, #tpu.memory_space<hbm>>) dst(%dma_wait3A_298 : memref<125x64xf32, #tpu.memory_space<vmem>>)
      %mul3A_305 = arith.constant 4 : i32
      %mul3A_306 = arith.muli %mul3A_204, %mul3A_305 : i32
      %add3A_307 = arith.constant 2 : i32
      %add3A_308 = arith.addi %mul3A_306, %add3A_307 : i32
      %dma_wait3A_309 = arith.constant 0 : i32
      %dma_wait3A_310 = arith.constant 2 : i32
      %dma_wait3A_311 = arith.constant 0 : i32
      %dma_wait3A_312 = arith.constant 0 : i32
      %dma_wait3A_313 = tpu.memref_slice %arg9[%dma_wait3A_309, %dma_wait3A_310, %dma_wait3A_311, %dma_wait3A_312] : memref<2x4x125x64xf32, #tpu.memory_space<vmem>> -> memref<1x1x125x64xf32, #tpu.memory_space<vmem>>
      %dma_wait3A_314 = tpu.memref_squeeze %dma_wait3A_313 : memref<1x1x125x64xf32, #tpu.memory_space<vmem>> -> memref<125x64xf32, #tpu.memory_space<vmem>>
      %dma_wait3A_315 = arith.constant 0 : i32
      %dma_wait3A_316 = tpu.memref_slice %arg7[%add3A_308, %dma_wait3A_315] : memref<80x125xi32, #tpu.memory_space<vmem>> -> memref<1x125xi32, #tpu.memory_space<vmem>>
      %dma_wait3A_317 = tpu.memref_squeeze %dma_wait3A_316 : memref<1x125xi32, #tpu.memory_space<vmem>> -> memref<125xi32, #tpu.memory_space<vmem>>
      %dma_wait3A_318 = arith.constant 0 : i32
      %dma_wait3A_319 = arith.constant 0 : i32
      %dma_wait3A_320 = tpu.memref_slice %arg2[%dma_wait3A_318, %dma_wait3A_319] : memref<10000x64xf32, #tpu.memory_space<hbm>> -> memref<10000x64xf32, #tpu.memory_space<hbm>>
      tpu.wait_indirect_dma semaphore(%arg11 : memref<!tpu.dma_semaphore, #tpu.memory_space<semaphore_mem>>) src(%dma_wait3A_320 : memref<10000x64xf32, #tpu.memory_space<hbm>>) dst(%dma_wait3A_314 : memref<125x64xf32, #tpu.memory_space<vmem>>)
      %mul3A_321 = arith.constant 4 : i32
      %mul3A_322 = arith.muli %mul3A_204, %mul3A_321 : i32
      %add3A_323 = arith.constant 3 : i32
      %add3A_324 = arith.addi %mul3A_322, %add3A_323 : i32
      %dma_wait3A_325 = arith.constant 0 : i32
      %dma_wait3A_326 = arith.constant 3 : i32
      %dma_wait3A_327 = arith.constant 0 : i32
      %dma_wait3A_328 = arith.constant 0 : i32
      %dma_wait3A_329 = tpu.memref_slice %arg9[%dma_wait3A_325, %dma_wait3A_326, %dma_wait3A_327, %dma_wait3A_328] : memref<2x4x125x64xf32, #tpu.memory_space<vmem>> -> memref<1x1x125x64xf32, #tpu.memory_space<vmem>>
      %dma_wait3A_330 = tpu.memref_squeeze %dma_wait3A_329 : memref<1x1x125x64xf32, #tpu.memory_space<vmem>> -> memref<125x64xf32, #tpu.memory_space<vmem>>
      %dma_wait3A_331 = arith.constant 0 : i32
      %dma_wait3A_332 = tpu.memref_slice %arg7[%add3A_324, %dma_wait3A_331] : memref<80x125xi32, #tpu.memory_space<vmem>> -> memref<1x125xi32, #tpu.memory_space<vmem>>
      %dma_wait3A_333 = tpu.memref_squeeze %dma_wait3A_332 : memref<1x125xi32, #tpu.memory_space<vmem>> -> memref<125xi32, #tpu.memory_space<vmem>>
      %dma_wait3A_334 = arith.constant 0 : i32
      %dma_wait3A_335 = arith.constant 0 : i32
      %dma_wait3A_336 = tpu.memref_slice %arg2[%dma_wait3A_334, %dma_wait3A_335] : memref<10000x64xf32, #tpu.memory_space<hbm>> -> memref<10000x64xf32, #tpu.memory_space<hbm>>
      tpu.wait_indirect_dma semaphore(%arg11 : memref<!tpu.dma_semaphore, #tpu.memory_space<semaphore_mem>>) src(%dma_wait3A_336 : memref<10000x64xf32, #tpu.memory_space<hbm>>) dst(%dma_wait3A_330 : memref<125x64xf32, #tpu.memory_space<vmem>>)
      %mul3A_337 = arith.constant 4 : i32
      %mul3A_338 = arith.muli %mul3A_204, %mul3A_337 : i32
      %add3A_339 = arith.constant 0 : i32
      %add3A_340 = arith.addi %mul3A_338, %add3A_339 : i32
      %dma_start3A_341 = arith.constant 0 : i32
      %dma_start3A_342 = arith.constant 0 : i32
      %dma_start3A_343 = arith.constant 0 : i32
      %dma_start3A_344 = arith.constant 0 : i32
      %dma_start3A_345 = tpu.memref_slice %arg9[%dma_start3A_341, %dma_start3A_342, %dma_start3A_343, %dma_start3A_344] : memref<2x4x125x64xf32, #tpu.memory_space<vmem>> -> memref<1x1x125x64xf32, #tpu.memory_space<vmem>>
      %dma_start3A_346 = tpu.memref_squeeze %dma_start3A_345 : memref<1x1x125x64xf32, #tpu.memory_space<vmem>> -> memref<125x64xf32, #tpu.memory_space<vmem>>
      %dma_start3A_347 = arith.constant 0 : i32
      %dma_start3A_348 = tpu.memref_slice %arg8[%add3A_340, %dma_start3A_347] : memref<80x125xi32, #tpu.memory_space<vmem>> -> memref<1x125xi32, #tpu.memory_space<vmem>>
      %dma_start3A_349 = tpu.memref_squeeze %dma_start3A_348 : memref<1x125xi32, #tpu.memory_space<vmem>> -> memref<125xi32, #tpu.memory_space<vmem>>
      %dma_start3A_350 = arith.constant 0 : i32
      %dma_start3A_351 = arith.constant 0 : i32
      %dma_start3A_352 = tpu.memref_slice %arg10[%dma_start3A_350, %dma_start3A_351] : memref<10240x64xf32, #tpu.memory_space<vmem_shared>> -> memref<10240x64xf32, #tpu.memory_space<vmem_shared>>
      tpu.enqueue_indirect_dma source(%dma_start3A_346 : memref<125x64xf32, #tpu.memory_space<vmem>>) target(%dma_start3A_352 : memref<10240x64xf32, #tpu.memory_space<vmem_shared>>) offsets(%dma_start3A_349 : memref<125xi32, #tpu.memory_space<vmem>>) semaphore(%arg13 : memref<!tpu.dma_semaphore, #tpu.memory_space<semaphore_mem>>) {add = true}
      %mul3A_353 = arith.constant 4 : i32
      %mul3A_354 = arith.muli %mul3A_204, %mul3A_353 : i32
      %add3A_355 = arith.constant 1 : i32
      %add3A_356 = arith.addi %mul3A_354, %add3A_355 : i32
      %dma_start3A_357 = arith.constant 0 : i32
      %dma_start3A_358 = arith.constant 1 : i32
      %dma_start3A_359 = arith.constant 0 : i32
      %dma_start3A_360 = arith.constant 0 : i32
      %dma_start3A_361 = tpu.memref_slice %arg9[%dma_start3A_357, %dma_start3A_358, %dma_start3A_359, %dma_start3A_360] : memref<2x4x125x64xf32, #tpu.memory_space<vmem>> -> memref<1x1x125x64xf32, #tpu.memory_space<vmem>>
      %dma_start3A_362 = tpu.memref_squeeze %dma_start3A_361 : memref<1x1x125x64xf32, #tpu.memory_space<vmem>> -> memref<125x64xf32, #tpu.memory_space<vmem>>
      %dma_start3A_363 = arith.constant 0 : i32
      %dma_start3A_364 = tpu.memref_slice %arg8[%add3A_356, %dma_start3A_363] : memref<80x125xi32, #tpu.memory_space<vmem>> -> memref<1x125xi32, #tpu.memory_space<vmem>>
      %dma_start3A_365 = tpu.memref_squeeze %dma_start3A_364 : memref<1x125xi32, #tpu.memory_space<vmem>> -> memref<125xi32, #tpu.memory_space<vmem>>
      %dma_start3A_366 = arith.constant 0 : i32
      %dma_start3A_367 = arith.constant 0 : i32
      %dma_start3A_368 = tpu.memref_slice %arg10[%dma_start3A_366, %dma_start3A_367] : memref<10240x64xf32, #tpu.memory_space<vmem_shared>> -> memref<10240x64xf32, #tpu.memory_space<vmem_shared>>
      tpu.enqueue_indirect_dma source(%dma_start3A_362 : memref<125x64xf32, #tpu.memory_space<vmem>>) target(%dma_start3A_368 : memref<10240x64xf32, #tpu.memory_space<vmem_shared>>) offsets(%dma_start3A_365 : memref<125xi32, #tpu.memory_space<vmem>>) semaphore(%arg13 : memref<!tpu.dma_semaphore, #tpu.memory_space<semaphore_mem>>) {add = true}
      %mul3A_369 = arith.constant 4 : i32
      %mul3A_370 = arith.muli %mul3A_204, %mul3A_369 : i32
      %add3A_371 = arith.constant 2 : i32
      %add3A_372 = arith.addi %mul3A_370, %add3A_371 : i32
      %dma_start3A_373 = arith.constant 0 : i32
      %dma_start3A_374 = arith.constant 2 : i32
      %dma_start3A_375 = arith.constant 0 : i32
      %dma_start3A_376 = arith.constant 0 : i32
      %dma_start3A_377 = tpu.memref_slice %arg9[%dma_start3A_373, %dma_start3A_374, %dma_start3A_375, %dma_start3A_376] : memref<2x4x125x64xf32, #tpu.memory_space<vmem>> -> memref<1x1x125x64xf32, #tpu.memory_space<vmem>>
      %dma_start3A_378 = tpu.memref_squeeze %dma_start3A_377 : memref<1x1x125x64xf32, #tpu.memory_space<vmem>> -> memref<125x64xf32, #tpu.memory_space<vmem>>
      %dma_start3A_379 = arith.constant 0 : i32
      %dma_start3A_380 = tpu.memref_slice %arg8[%add3A_372, %dma_start3A_379] : memref<80x125xi32, #tpu.memory_space<vmem>> -> memref<1x125xi32, #tpu.memory_space<vmem>>
      %dma_start3A_381 = tpu.memref_squeeze %dma_start3A_380 : memref<1x125xi32, #tpu.memory_space<vmem>> -> memref<125xi32, #tpu.memory_space<vmem>>
      %dma_start3A_382 = arith.constant 0 : i32
      %dma_start3A_383 = arith.constant 0 : i32
      %dma_start3A_384 = tpu.memref_slice %arg10[%dma_start3A_382, %dma_start3A_383] : memref<10240x64xf32, #tpu.memory_space<vmem_shared>> -> memref<10240x64xf32, #tpu.memory_space<vmem_shared>>
      tpu.enqueue_indirect_dma source(%dma_start3A_378 : memref<125x64xf32, #tpu.memory_space<vmem>>) target(%dma_start3A_384 : memref<10240x64xf32, #tpu.memory_space<vmem_shared>>) offsets(%dma_start3A_381 : memref<125xi32, #tpu.memory_space<vmem>>) semaphore(%arg13 : memref<!tpu.dma_semaphore, #tpu.memory_space<semaphore_mem>>) {add = true}
      %mul3A_385 = arith.constant 4 : i32
      %mul3A_386 = arith.muli %mul3A_204, %mul3A_385 : i32
      %add3A_387 = arith.constant 3 : i32
      %add3A_388 = arith.addi %mul3A_386, %add3A_387 : i32
      %dma_start3A_389 = arith.constant 0 : i32
      %dma_start3A_390 = arith.constant 3 : i32
      %dma_start3A_391 = arith.constant 0 : i32
      %dma_start3A_392 = arith.constant 0 : i32
      %dma_start3A_393 = tpu.memref_slice %arg9[%dma_start3A_389, %dma_start3A_390, %dma_start3A_391, %dma_start3A_392] : memref<2x4x125x64xf32, #tpu.memory_space<vmem>> -> memref<1x1x125x64xf32, #tpu.memory_space<vmem>>
      %dma_start3A_394 = tpu.memref_squeeze %dma_start3A_393 : memref<1x1x125x64xf32, #tpu.memory_space<vmem>> -> memref<125x64xf32, #tpu.memory_space<vmem>>
      %dma_start3A_395 = arith.constant 0 : i32
      %dma_start3A_396 = tpu.memref_slice %arg8[%add3A_388, %dma_start3A_395] : memref<80x125xi32, #tpu.memory_space<vmem>> -> memref<1x125xi32, #tpu.memory_space<vmem>>
      %dma_start3A_397 = tpu.memref_squeeze %dma_start3A_396 : memref<1x125xi32, #tpu.memory_space<vmem>> -> memref<125xi32, #tpu.memory_space<vmem>>
      %dma_start3A_398 = arith.constant 0 : i32
      %dma_start3A_399 = arith.constant 0 : i32
      %dma_start3A_400 = tpu.memref_slice %arg10[%dma_start3A_398, %dma_start3A_399] : memref<10240x64xf32, #tpu.memory_space<vmem_shared>> -> memref<10240x64xf32, #tpu.memory_space<vmem_shared>>
      tpu.enqueue_indirect_dma source(%dma_start3A_394 : memref<125x64xf32, #tpu.memory_space<vmem>>) target(%dma_start3A_400 : memref<10240x64xf32, #tpu.memory_space<vmem_shared>>) offsets(%dma_start3A_397 : memref<125xi32, #tpu.memory_space<vmem>>) semaphore(%arg13 : memref<!tpu.dma_semaphore, #tpu.memory_space<semaphore_mem>>) {add = true}
      %mul3A_401 = arith.constant 4 : i32
      %mul3A_402 = arith.muli %add3A_206, %mul3A_401 : i32
      %add3A_403 = arith.constant 0 : i32
      %add3A_404 = arith.addi %mul3A_402, %add3A_403 : i32
      %dma_wait3A_405 = arith.constant 1 : i32
      %dma_wait3A_406 = arith.constant 0 : i32
      %dma_wait3A_407 = arith.constant 0 : i32
      %dma_wait3A_408 = arith.constant 0 : i32
      %dma_wait3A_409 = tpu.memref_slice %arg9[%dma_wait3A_405, %dma_wait3A_406, %dma_wait3A_407, %dma_wait3A_408] : memref<2x4x125x64xf32, #tpu.memory_space<vmem>> -> memref<1x1x125x64xf32, #tpu.memory_space<vmem>>
      %dma_wait3A_410 = tpu.memref_squeeze %dma_wait3A_409 : memref<1x1x125x64xf32, #tpu.memory_space<vmem>> -> memref<125x64xf32, #tpu.memory_space<vmem>>
      %dma_wait3A_411 = arith.constant 0 : i32
      %dma_wait3A_412 = tpu.memref_slice %arg7[%add3A_404, %dma_wait3A_411] : memref<80x125xi32, #tpu.memory_space<vmem>> -> memref<1x125xi32, #tpu.memory_space<vmem>>
      %dma_wait3A_413 = tpu.memref_squeeze %dma_wait3A_412 : memref<1x125xi32, #tpu.memory_space<vmem>> -> memref<125xi32, #tpu.memory_space<vmem>>
      %dma_wait3A_414 = arith.constant 0 : i32
      %dma_wait3A_415 = arith.constant 0 : i32
      %dma_wait3A_416 = tpu.memref_slice %arg2[%dma_wait3A_414, %dma_wait3A_415] : memref<10000x64xf32, #tpu.memory_space<hbm>> -> memref<10000x64xf32, #tpu.memory_space<hbm>>
      tpu.wait_indirect_dma semaphore(%arg12 : memref<!tpu.dma_semaphore, #tpu.memory_space<semaphore_mem>>) src(%dma_wait3A_416 : memref<10000x64xf32, #tpu.memory_space<hbm>>) dst(%dma_wait3A_410 : memref<125x64xf32, #tpu.memory_space<vmem>>)
      %mul3A_417 = arith.constant 4 : i32
      %mul3A_418 = arith.muli %add3A_206, %mul3A_417 : i32
      %add3A_419 = arith.constant 1 : i32
      %add3A_420 = arith.addi %mul3A_418, %add3A_419 : i32
      %dma_wait3A_421 = arith.constant 1 : i32
      %dma_wait3A_422 = arith.constant 1 : i32
      %dma_wait3A_423 = arith.constant 0 : i32
      %dma_wait3A_424 = arith.constant 0 : i32
      %dma_wait3A_425 = tpu.memref_slice %arg9[%dma_wait3A_421, %dma_wait3A_422, %dma_wait3A_423, %dma_wait3A_424] : memref<2x4x125x64xf32, #tpu.memory_space<vmem>> -> memref<1x1x125x64xf32, #tpu.memory_space<vmem>>
      %dma_wait3A_426 = tpu.memref_squeeze %dma_wait3A_425 : memref<1x1x125x64xf32, #tpu.memory_space<vmem>> -> memref<125x64xf32, #tpu.memory_space<vmem>>
      %dma_wait3A_427 = arith.constant 0 : i32
      %dma_wait3A_428 = tpu.memref_slice %arg7[%add3A_420, %dma_wait3A_427] : memref<80x125xi32, #tpu.memory_space<vmem>> -> memref<1x125xi32, #tpu.memory_space<vmem>>
      %dma_wait3A_429 = tpu.memref_squeeze %dma_wait3A_428 : memref<1x125xi32, #tpu.memory_space<vmem>> -> memref<125xi32, #tpu.memory_space<vmem>>
      %dma_wait3A_430 = arith.constant 0 : i32
      %dma_wait3A_431 = arith.constant 0 : i32
      %dma_wait3A_432 = tpu.memref_slice %arg2[%dma_wait3A_430, %dma_wait3A_431] : memref<10000x64xf32, #tpu.memory_space<hbm>> -> memref<10000x64xf32, #tpu.memory_space<hbm>>
      tpu.wait_indirect_dma semaphore(%arg12 : memref<!tpu.dma_semaphore, #tpu.memory_space<semaphore_mem>>) src(%dma_wait3A_432 : memref<10000x64xf32, #tpu.memory_space<hbm>>) dst(%dma_wait3A_426 : memref<125x64xf32, #tpu.memory_space<vmem>>)
      %mul3A_433 = arith.constant 4 : i32
      %mul3A_434 = arith.muli %add3A_206, %mul3A_433 : i32
      %add3A_435 = arith.constant 2 : i32
      %add3A_436 = arith.addi %mul3A_434, %add3A_435 : i32
      %dma_wait3A_437 = arith.constant 1 : i32
      %dma_wait3A_438 = arith.constant 2 : i32
      %dma_wait3A_439 = arith.constant 0 : i32
      %dma_wait3A_440 = arith.constant 0 : i32
      %dma_wait3A_441 = tpu.memref_slice %arg9[%dma_wait3A_437, %dma_wait3A_438, %dma_wait3A_439, %dma_wait3A_440] : memref<2x4x125x64xf32, #tpu.memory_space<vmem>> -> memref<1x1x125x64xf32, #tpu.memory_space<vmem>>
      %dma_wait3A_442 = tpu.memref_squeeze %dma_wait3A_441 : memref<1x1x125x64xf32, #tpu.memory_space<vmem>> -> memref<125x64xf32, #tpu.memory_space<vmem>>
      %dma_wait3A_443 = arith.constant 0 : i32
      %dma_wait3A_444 = tpu.memref_slice %arg7[%add3A_436, %dma_wait3A_443] : memref<80x125xi32, #tpu.memory_space<vmem>> -> memref<1x125xi32, #tpu.memory_space<vmem>>
      %dma_wait3A_445 = tpu.memref_squeeze %dma_wait3A_444 : memref<1x125xi32, #tpu.memory_space<vmem>> -> memref<125xi32, #tpu.memory_space<vmem>>
      %dma_wait3A_446 = arith.constant 0 : i32
      %dma_wait3A_447 = arith.constant 0 : i32
      %dma_wait3A_448 = tpu.memref_slice %arg2[%dma_wait3A_446, %dma_wait3A_447] : memref<10000x64xf32, #tpu.memory_space<hbm>> -> memref<10000x64xf32, #tpu.memory_space<hbm>>
      tpu.wait_indirect_dma semaphore(%arg12 : memref<!tpu.dma_semaphore, #tpu.memory_space<semaphore_mem>>) src(%dma_wait3A_448 : memref<10000x64xf32, #tpu.memory_space<hbm>>) dst(%dma_wait3A_442 : memref<125x64xf32, #tpu.memory_space<vmem>>)
      %mul3A_449 = arith.constant 4 : i32
      %mul3A_450 = arith.muli %add3A_206, %mul3A_449 : i32
      %add3A_451 = arith.constant 3 : i32
      %add3A_452 = arith.addi %mul3A_450, %add3A_451 : i32
      %dma_wait3A_453 = arith.constant 1 : i32
      %dma_wait3A_454 = arith.constant 3 : i32
      %dma_wait3A_455 = arith.constant 0 : i32
      %dma_wait3A_456 = arith.constant 0 : i32
      %dma_wait3A_457 = tpu.memref_slice %arg9[%dma_wait3A_453, %dma_wait3A_454, %dma_wait3A_455, %dma_wait3A_456] : memref<2x4x125x64xf32, #tpu.memory_space<vmem>> -> memref<1x1x125x64xf32, #tpu.memory_space<vmem>>
      %dma_wait3A_458 = tpu.memref_squeeze %dma_wait3A_457 : memref<1x1x125x64xf32, #tpu.memory_space<vmem>> -> memref<125x64xf32, #tpu.memory_space<vmem>>
      %dma_wait3A_459 = arith.constant 0 : i32
      %dma_wait3A_460 = tpu.memref_slice %arg7[%add3A_452, %dma_wait3A_459] : memref<80x125xi32, #tpu.memory_space<vmem>> -> memref<1x125xi32, #tpu.memory_space<vmem>>
      %dma_wait3A_461 = tpu.memref_squeeze %dma_wait3A_460 : memref<1x125xi32, #tpu.memory_space<vmem>> -> memref<125xi32, #tpu.memory_space<vmem>>
      %dma_wait3A_462 = arith.constant 0 : i32
      %dma_wait3A_463 = arith.constant 0 : i32
      %dma_wait3A_464 = tpu.memref_slice %arg2[%dma_wait3A_462, %dma_wait3A_463] : memref<10000x64xf32, #tpu.memory_space<hbm>> -> memref<10000x64xf32, #tpu.memory_space<hbm>>
      tpu.wait_indirect_dma semaphore(%arg12 : memref<!tpu.dma_semaphore, #tpu.memory_space<semaphore_mem>>) src(%dma_wait3A_464 : memref<10000x64xf32, #tpu.memory_space<hbm>>) dst(%dma_wait3A_458 : memref<125x64xf32, #tpu.memory_space<vmem>>)
      %mul3A_465 = arith.constant 4 : i32
      %mul3A_466 = arith.muli %add3A_206, %mul3A_465 : i32
      %add3A_467 = arith.constant 0 : i32
      %add3A_468 = arith.addi %mul3A_466, %add3A_467 : i32
      %dma_start3A_469 = arith.constant 1 : i32
      %dma_start3A_470 = arith.constant 0 : i32
      %dma_start3A_471 = arith.constant 0 : i32
      %dma_start3A_472 = arith.constant 0 : i32
      %dma_start3A_473 = tpu.memref_slice %arg9[%dma_start3A_469, %dma_start3A_470, %dma_start3A_471, %dma_start3A_472] : memref<2x4x125x64xf32, #tpu.memory_space<vmem>> -> memref<1x1x125x64xf32, #tpu.memory_space<vmem>>
      %dma_start3A_474 = tpu.memref_squeeze %dma_start3A_473 : memref<1x1x125x64xf32, #tpu.memory_space<vmem>> -> memref<125x64xf32, #tpu.memory_space<vmem>>
      %dma_start3A_475 = arith.constant 0 : i32
      %dma_start3A_476 = tpu.memref_slice %arg8[%add3A_468, %dma_start3A_475] : memref<80x125xi32, #tpu.memory_space<vmem>> -> memref<1x125xi32, #tpu.memory_space<vmem>>
      %dma_start3A_477 = tpu.memref_squeeze %dma_start3A_476 : memref<1x125xi32, #tpu.memory_space<vmem>> -> memref<125xi32, #tpu.memory_space<vmem>>
      %dma_start3A_478 = arith.constant 0 : i32
      %dma_start3A_479 = arith.constant 0 : i32
      %dma_start3A_480 = tpu.memref_slice %arg10[%dma_start3A_478, %dma_start3A_479] : memref<10240x64xf32, #tpu.memory_space<vmem_shared>> -> memref<10240x64xf32, #tpu.memory_space<vmem_shared>>
      tpu.enqueue_indirect_dma source(%dma_start3A_474 : memref<125x64xf32, #tpu.memory_space<vmem>>) target(%dma_start3A_480 : memref<10240x64xf32, #tpu.memory_space<vmem_shared>>) offsets(%dma_start3A_477 : memref<125xi32, #tpu.memory_space<vmem>>) semaphore(%arg14 : memref<!tpu.dma_semaphore, #tpu.memory_space<semaphore_mem>>) {add = true}
      %mul3A_481 = arith.constant 4 : i32
      %mul3A_482 = arith.muli %add3A_206, %mul3A_481 : i32
      %add3A_483 = arith.constant 1 : i32
      %add3A_484 = arith.addi %mul3A_482, %add3A_483 : i32
      %dma_start3A_485 = arith.constant 1 : i32
      %dma_start3A_486 = arith.constant 1 : i32
      %dma_start3A_487 = arith.constant 0 : i32
      %dma_start3A_488 = arith.constant 0 : i32
      %dma_start3A_489 = tpu.memref_slice %arg9[%dma_start3A_485, %dma_start3A_486, %dma_start3A_487, %dma_start3A_488] : memref<2x4x125x64xf32, #tpu.memory_space<vmem>> -> memref<1x1x125x64xf32, #tpu.memory_space<vmem>>
      %dma_start3A_490 = tpu.memref_squeeze %dma_start3A_489 : memref<1x1x125x64xf32, #tpu.memory_space<vmem>> -> memref<125x64xf32, #tpu.memory_space<vmem>>
      %dma_start3A_491 = arith.constant 0 : i32
      %dma_start3A_492 = tpu.memref_slice %arg8[%add3A_484, %dma_start3A_491] : memref<80x125xi32, #tpu.memory_space<vmem>> -> memref<1x125xi32, #tpu.memory_space<vmem>>
      %dma_start3A_493 = tpu.memref_squeeze %dma_start3A_492 : memref<1x125xi32, #tpu.memory_space<vmem>> -> memref<125xi32, #tpu.memory_space<vmem>>
      %dma_start3A_494 = arith.constant 0 : i32
      %dma_start3A_495 = arith.constant 0 : i32
      %dma_start3A_496 = tpu.memref_slice %arg10[%dma_start3A_494, %dma_start3A_495] : memref<10240x64xf32, #tpu.memory_space<vmem_shared>> -> memref<10240x64xf32, #tpu.memory_space<vmem_shared>>
      tpu.enqueue_indirect_dma source(%dma_start3A_490 : memref<125x64xf32, #tpu.memory_space<vmem>>) target(%dma_start3A_496 : memref<10240x64xf32, #tpu.memory_space<vmem_shared>>) offsets(%dma_start3A_493 : memref<125xi32, #tpu.memory_space<vmem>>) semaphore(%arg14 : memref<!tpu.dma_semaphore, #tpu.memory_space<semaphore_mem>>) {add = true}
      %mul3A_497 = arith.constant 4 : i32
      %mul3A_498 = arith.muli %add3A_206, %mul3A_497 : i32
      %add3A_499 = arith.constant 2 : i32
      %add3A_500 = arith.addi %mul3A_498, %add3A_499 : i32
      %dma_start3A_501 = arith.constant 1 : i32
      %dma_start3A_502 = arith.constant 2 : i32
      %dma_start3A_503 = arith.constant 0 : i32
      %dma_start3A_504 = arith.constant 0 : i32
      %dma_start3A_505 = tpu.memref_slice %arg9[%dma_start3A_501, %dma_start3A_502, %dma_start3A_503, %dma_start3A_504] : memref<2x4x125x64xf32, #tpu.memory_space<vmem>> -> memref<1x1x125x64xf32, #tpu.memory_space<vmem>>
      %dma_start3A_506 = tpu.memref_squeeze %dma_start3A_505 : memref<1x1x125x64xf32, #tpu.memory_space<vmem>> -> memref<125x64xf32, #tpu.memory_space<vmem>>
      %dma_start3A_507 = arith.constant 0 : i32
      %dma_start3A_508 = tpu.memref_slice %arg8[%add3A_500, %dma_start3A_507] : memref<80x125xi32, #tpu.memory_space<vmem>> -> memref<1x125xi32, #tpu.memory_space<vmem>>
      %dma_start3A_509 = tpu.memref_squeeze %dma_start3A_508 : memref<1x125xi32, #tpu.memory_space<vmem>> -> memref<125xi32, #tpu.memory_space<vmem>>
      %dma_start3A_510 = arith.constant 0 : i32
      %dma_start3A_511 = arith.constant 0 : i32
      %dma_start3A_512 = tpu.memref_slice %arg10[%dma_start3A_510, %dma_start3A_511] : memref<10240x64xf32, #tpu.memory_space<vmem_shared>> -> memref<10240x64xf32, #tpu.memory_space<vmem_shared>>
      tpu.enqueue_indirect_dma source(%dma_start3A_506 : memref<125x64xf32, #tpu.memory_space<vmem>>) target(%dma_start3A_512 : memref<10240x64xf32, #tpu.memory_space<vmem_shared>>) offsets(%dma_start3A_509 : memref<125xi32, #tpu.memory_space<vmem>>) semaphore(%arg14 : memref<!tpu.dma_semaphore, #tpu.memory_space<semaphore_mem>>) {add = true}
      %mul3A_513 = arith.constant 4 : i32
      %mul3A_514 = arith.muli %add3A_206, %mul3A_513 : i32
      %add3A_515 = arith.constant 3 : i32
      %add3A_516 = arith.addi %mul3A_514, %add3A_515 : i32
      %dma_start3A_517 = arith.constant 1 : i32
      %dma_start3A_518 = arith.constant 3 : i32
      %dma_start3A_519 = arith.constant 0 : i32
      %dma_start3A_520 = arith.constant 0 : i32
      %dma_start3A_521 = tpu.memref_slice %arg9[%dma_start3A_517, %dma_start3A_518, %dma_start3A_519, %dma_start3A_520] : memref<2x4x125x64xf32, #tpu.memory_space<vmem>> -> memref<1x1x125x64xf32, #tpu.memory_space<vmem>>
      %dma_start3A_522 = tpu.memref_squeeze %dma_start3A_521 : memref<1x1x125x64xf32, #tpu.memory_space<vmem>> -> memref<125x64xf32, #tpu.memory_space<vmem>>
      %dma_start3A_523 = arith.constant 0 : i32
      %dma_start3A_524 = tpu.memref_slice %arg8[%add3A_516, %dma_start3A_523] : memref<80x125xi32, #tpu.memory_space<vmem>> -> memref<1x125xi32, #tpu.memory_space<vmem>>
      %dma_start3A_525 = tpu.memref_squeeze %dma_start3A_524 : memref<1x125xi32, #tpu.memory_space<vmem>> -> memref<125xi32, #tpu.memory_space<vmem>>
      %dma_start3A_526 = arith.constant 0 : i32
      %dma_start3A_527 = arith.constant 0 : i32
      %dma_start3A_528 = tpu.memref_slice %arg10[%dma_start3A_526, %dma_start3A_527] : memref<10240x64xf32, #tpu.memory_space<vmem_shared>> -> memref<10240x64xf32, #tpu.memory_space<vmem_shared>>
      tpu.enqueue_indirect_dma source(%dma_start3A_522 : memref<125x64xf32, #tpu.memory_space<vmem>>) target(%dma_start3A_528 : memref<10240x64xf32, #tpu.memory_space<vmem_shared>>) offsets(%dma_start3A_525 : memref<125xi32, #tpu.memory_space<vmem>>) semaphore(%arg14 : memref<!tpu.dma_semaphore, #tpu.memory_space<semaphore_mem>>) {add = true}
      %lt3A = arith.constant 9 : i32
      %lt3A_529 = arith.cmpi slt, %scan3A_202, %lt3A : i32
      %convert_element_type3A_530 = arith.extui %lt3A_529 : i1 to i32
      %cond3A_531 = arith.constant 0 : i32
      %cond3A_532 = arith.cmpi ne, %convert_element_type3A_530, %cond3A_531 : i32
      scf.if %cond3A_532 {
        %mul3A_533 = arith.constant 4 : i32
        %mul3A_534 = arith.muli %mul3A_204, %mul3A_533 : i32
        %add3A_535 = arith.constant 0 : i32
        %add3A_536 = arith.addi %mul3A_534, %add3A_535 : i32
        %dma_wait3A_537 = arith.constant 0 : i32
        %dma_wait3A_538 = arith.constant 0 : i32
        %dma_wait3A_539 = arith.constant 0 : i32
        %dma_wait3A_540 = arith.constant 0 : i32
        %dma_wait3A_541 = tpu.memref_slice %arg9[%dma_wait3A_537, %dma_wait3A_538, %dma_wait3A_539, %dma_wait3A_540] : memref<2x4x125x64xf32, #tpu.memory_space<vmem>> -> memref<1x1x125x64xf32, #tpu.memory_space<vmem>>
        %dma_wait3A_542 = tpu.memref_squeeze %dma_wait3A_541 : memref<1x1x125x64xf32, #tpu.memory_space<vmem>> -> memref<125x64xf32, #tpu.memory_space<vmem>>
        %dma_wait3A_543 = arith.constant 0 : i32
        %dma_wait3A_544 = tpu.memref_slice %arg8[%add3A_536, %dma_wait3A_543] : memref<80x125xi32, #tpu.memory_space<vmem>> -> memref<1x125xi32, #tpu.memory_space<vmem>>
        %dma_wait3A_545 = tpu.memref_squeeze %dma_wait3A_544 : memref<1x125xi32, #tpu.memory_space<vmem>> -> memref<125xi32, #tpu.memory_space<vmem>>
        %dma_wait3A_546 = arith.constant 0 : i32
        %dma_wait3A_547 = arith.constant 0 : i32
        %dma_wait3A_548 = tpu.memref_slice %arg10[%dma_wait3A_546, %dma_wait3A_547] : memref<10240x64xf32, #tpu.memory_space<vmem_shared>> -> memref<10240x64xf32, #tpu.memory_space<vmem_shared>>
        tpu.wait_indirect_dma semaphore(%arg13 : memref<!tpu.dma_semaphore, #tpu.memory_space<semaphore_mem>>) src(%dma_wait3A_542 : memref<125x64xf32, #tpu.memory_space<vmem>>) dst(%dma_wait3A_548 : memref<10240x64xf32, #tpu.memory_space<vmem_shared>>)
        %mul3A_549 = arith.constant 4 : i32
        %mul3A_550 = arith.muli %mul3A_204, %mul3A_549 : i32
        %add3A_551 = arith.constant 1 : i32
        %add3A_552 = arith.addi %mul3A_550, %add3A_551 : i32
        %dma_wait3A_553 = arith.constant 0 : i32
        %dma_wait3A_554 = arith.constant 1 : i32
        %dma_wait3A_555 = arith.constant 0 : i32
        %dma_wait3A_556 = arith.constant 0 : i32
        %dma_wait3A_557 = tpu.memref_slice %arg9[%dma_wait3A_553, %dma_wait3A_554, %dma_wait3A_555, %dma_wait3A_556] : memref<2x4x125x64xf32, #tpu.memory_space<vmem>> -> memref<1x1x125x64xf32, #tpu.memory_space<vmem>>
        %dma_wait3A_558 = tpu.memref_squeeze %dma_wait3A_557 : memref<1x1x125x64xf32, #tpu.memory_space<vmem>> -> memref<125x64xf32, #tpu.memory_space<vmem>>
        %dma_wait3A_559 = arith.constant 0 : i32
        %dma_wait3A_560 = tpu.memref_slice %arg8[%add3A_552, %dma_wait3A_559] : memref<80x125xi32, #tpu.memory_space<vmem>> -> memref<1x125xi32, #tpu.memory_space<vmem>>
        %dma_wait3A_561 = tpu.memref_squeeze %dma_wait3A_560 : memref<1x125xi32, #tpu.memory_space<vmem>> -> memref<125xi32, #tpu.memory_space<vmem>>
        %dma_wait3A_562 = arith.constant 0 : i32
        %dma_wait3A_563 = arith.constant 0 : i32
        %dma_wait3A_564 = tpu.memref_slice %arg10[%dma_wait3A_562, %dma_wait3A_563] : memref<10240x64xf32, #tpu.memory_space<vmem_shared>> -> memref<10240x64xf32, #tpu.memory_space<vmem_shared>>
        tpu.wait_indirect_dma semaphore(%arg13 : memref<!tpu.dma_semaphore, #tpu.memory_space<semaphore_mem>>) src(%dma_wait3A_558 : memref<125x64xf32, #tpu.memory_space<vmem>>) dst(%dma_wait3A_564 : memref<10240x64xf32, #tpu.memory_space<vmem_shared>>)
        %mul3A_565 = arith.constant 4 : i32
        %mul3A_566 = arith.muli %mul3A_204, %mul3A_565 : i32
        %add3A_567 = arith.constant 2 : i32
        %add3A_568 = arith.addi %mul3A_566, %add3A_567 : i32
        %dma_wait3A_569 = arith.constant 0 : i32
        %dma_wait3A_570 = arith.constant 2 : i32
        %dma_wait3A_571 = arith.constant 0 : i32
        %dma_wait3A_572 = arith.constant 0 : i32
        %dma_wait3A_573 = tpu.memref_slice %arg9[%dma_wait3A_569, %dma_wait3A_570, %dma_wait3A_571, %dma_wait3A_572] : memref<2x4x125x64xf32, #tpu.memory_space<vmem>> -> memref<1x1x125x64xf32, #tpu.memory_space<vmem>>
        %dma_wait3A_574 = tpu.memref_squeeze %dma_wait3A_573 : memref<1x1x125x64xf32, #tpu.memory_space<vmem>> -> memref<125x64xf32, #tpu.memory_space<vmem>>
        %dma_wait3A_575 = arith.constant 0 : i32
        %dma_wait3A_576 = tpu.memref_slice %arg8[%add3A_568, %dma_wait3A_575] : memref<80x125xi32, #tpu.memory_space<vmem>> -> memref<1x125xi32, #tpu.memory_space<vmem>>
        %dma_wait3A_577 = tpu.memref_squeeze %dma_wait3A_576 : memref<1x125xi32, #tpu.memory_space<vmem>> -> memref<125xi32, #tpu.memory_space<vmem>>
        %dma_wait3A_578 = arith.constant 0 : i32
        %dma_wait3A_579 = arith.constant 0 : i32
        %dma_wait3A_580 = tpu.memref_slice %arg10[%dma_wait3A_578, %dma_wait3A_579] : memref<10240x64xf32, #tpu.memory_space<vmem_shared>> -> memref<10240x64xf32, #tpu.memory_space<vmem_shared>>
        tpu.wait_indirect_dma semaphore(%arg13 : memref<!tpu.dma_semaphore, #tpu.memory_space<semaphore_mem>>) src(%dma_wait3A_574 : memref<125x64xf32, #tpu.memory_space<vmem>>) dst(%dma_wait3A_580 : memref<10240x64xf32, #tpu.memory_space<vmem_shared>>)
        %mul3A_581 = arith.constant 4 : i32
        %mul3A_582 = arith.muli %mul3A_204, %mul3A_581 : i32
        %add3A_583 = arith.constant 3 : i32
        %add3A_584 = arith.addi %mul3A_582, %add3A_583 : i32
        %dma_wait3A_585 = arith.constant 0 : i32
        %dma_wait3A_586 = arith.constant 3 : i32
        %dma_wait3A_587 = arith.constant 0 : i32
        %dma_wait3A_588 = arith.constant 0 : i32
        %dma_wait3A_589 = tpu.memref_slice %arg9[%dma_wait3A_585, %dma_wait3A_586, %dma_wait3A_587, %dma_wait3A_588] : memref<2x4x125x64xf32, #tpu.memory_space<vmem>> -> memref<1x1x125x64xf32, #tpu.memory_space<vmem>>
        %dma_wait3A_590 = tpu.memref_squeeze %dma_wait3A_589 : memref<1x1x125x64xf32, #tpu.memory_space<vmem>> -> memref<125x64xf32, #tpu.memory_space<vmem>>
        %dma_wait3A_591 = arith.constant 0 : i32
        %dma_wait3A_592 = tpu.memref_slice %arg8[%add3A_584, %dma_wait3A_591] : memref<80x125xi32, #tpu.memory_space<vmem>> -> memref<1x125xi32, #tpu.memory_space<vmem>>
        %dma_wait3A_593 = tpu.memref_squeeze %dma_wait3A_592 : memref<1x125xi32, #tpu.memory_space<vmem>> -> memref<125xi32, #tpu.memory_space<vmem>>
        %dma_wait3A_594 = arith.constant 0 : i32
        %dma_wait3A_595 = arith.constant 0 : i32
        %dma_wait3A_596 = tpu.memref_slice %arg10[%dma_wait3A_594, %dma_wait3A_595] : memref<10240x64xf32, #tpu.memory_space<vmem_shared>> -> memref<10240x64xf32, #tpu.memory_space<vmem_shared>>
        tpu.wait_indirect_dma semaphore(%arg13 : memref<!tpu.dma_semaphore, #tpu.memory_space<semaphore_mem>>) src(%dma_wait3A_590 : memref<125x64xf32, #tpu.memory_space<vmem>>) dst(%dma_wait3A_596 : memref<10240x64xf32, #tpu.memory_space<vmem_shared>>)
        %add3A_597 = arith.constant 2 : i32
        %add3A_598 = arith.addi %mul3A_204, %add3A_597 : i32
        %mul3A_599 = arith.constant 4 : i32
        %mul3A_600 = arith.muli %add3A_598, %mul3A_599 : i32
        %add3A_601 = arith.constant 0 : i32
        %add3A_602 = arith.addi %mul3A_600, %add3A_601 : i32
        %dma_start3A_603 = arith.constant 0 : i32
        %dma_start3A_604 = arith.constant 0 : i32
        %dma_start3A_605 = arith.constant 0 : i32
        %dma_start3A_606 = arith.constant 0 : i32
        %dma_start3A_607 = tpu.memref_slice %arg9[%dma_start3A_603, %dma_start3A_604, %dma_start3A_605, %dma_start3A_606] : memref<2x4x125x64xf32, #tpu.memory_space<vmem>> -> memref<1x1x125x64xf32, #tpu.memory_space<vmem>>
        %dma_start3A_608 = tpu.memref_squeeze %dma_start3A_607 : memref<1x1x125x64xf32, #tpu.memory_space<vmem>> -> memref<125x64xf32, #tpu.memory_space<vmem>>
        %dma_start3A_609 = arith.constant 0 : i32
        %dma_start3A_610 = tpu.memref_slice %arg7[%add3A_602, %dma_start3A_609] : memref<80x125xi32, #tpu.memory_space<vmem>> -> memref<1x125xi32, #tpu.memory_space<vmem>>
        %dma_start3A_611 = tpu.memref_squeeze %dma_start3A_610 : memref<1x125xi32, #tpu.memory_space<vmem>> -> memref<125xi32, #tpu.memory_space<vmem>>
        %dma_start3A_612 = arith.constant 0 : i32
        %dma_start3A_613 = arith.constant 0 : i32
        %dma_start3A_614 = tpu.memref_slice %arg2[%dma_start3A_612, %dma_start3A_613] : memref<10000x64xf32, #tpu.memory_space<hbm>> -> memref<10000x64xf32, #tpu.memory_space<hbm>>
        tpu.enqueue_indirect_dma source(%dma_start3A_614 : memref<10000x64xf32, #tpu.memory_space<hbm>>) target(%dma_start3A_608 : memref<125x64xf32, #tpu.memory_space<vmem>>) offsets(%dma_start3A_611 : memref<125xi32, #tpu.memory_space<vmem>>) semaphore(%arg11 : memref<!tpu.dma_semaphore, #tpu.memory_space<semaphore_mem>>)
        %mul3A_615 = arith.constant 4 : i32
        %mul3A_616 = arith.muli %add3A_598, %mul3A_615 : i32
        %add3A_617 = arith.constant 1 : i32
        %add3A_618 = arith.addi %mul3A_616, %add3A_617 : i32
        %dma_start3A_619 = arith.constant 0 : i32
        %dma_start3A_620 = arith.constant 1 : i32
        %dma_start3A_621 = arith.constant 0 : i32
        %dma_start3A_622 = arith.constant 0 : i32
        %dma_start3A_623 = tpu.memref_slice %arg9[%dma_start3A_619, %dma_start3A_620, %dma_start3A_621, %dma_start3A_622] : memref<2x4x125x64xf32, #tpu.memory_space<vmem>> -> memref<1x1x125x64xf32, #tpu.memory_space<vmem>>
        %dma_start3A_624 = tpu.memref_squeeze %dma_start3A_623 : memref<1x1x125x64xf32, #tpu.memory_space<vmem>> -> memref<125x64xf32, #tpu.memory_space<vmem>>
        %dma_start3A_625 = arith.constant 0 : i32
        %dma_start3A_626 = tpu.memref_slice %arg7[%add3A_618, %dma_start3A_625] : memref<80x125xi32, #tpu.memory_space<vmem>> -> memref<1x125xi32, #tpu.memory_space<vmem>>
        %dma_start3A_627 = tpu.memref_squeeze %dma_start3A_626 : memref<1x125xi32, #tpu.memory_space<vmem>> -> memref<125xi32, #tpu.memory_space<vmem>>
        %dma_start3A_628 = arith.constant 0 : i32
        %dma_start3A_629 = arith.constant 0 : i32
        %dma_start3A_630 = tpu.memref_slice %arg2[%dma_start3A_628, %dma_start3A_629] : memref<10000x64xf32, #tpu.memory_space<hbm>> -> memref<10000x64xf32, #tpu.memory_space<hbm>>
        tpu.enqueue_indirect_dma source(%dma_start3A_630 : memref<10000x64xf32, #tpu.memory_space<hbm>>) target(%dma_start3A_624 : memref<125x64xf32, #tpu.memory_space<vmem>>) offsets(%dma_start3A_627 : memref<125xi32, #tpu.memory_space<vmem>>) semaphore(%arg11 : memref<!tpu.dma_semaphore, #tpu.memory_space<semaphore_mem>>)
        %mul3A_631 = arith.constant 4 : i32
        %mul3A_632 = arith.muli %add3A_598, %mul3A_631 : i32
        %add3A_633 = arith.constant 2 : i32
        %add3A_634 = arith.addi %mul3A_632, %add3A_633 : i32
        %dma_start3A_635 = arith.constant 0 : i32
        %dma_start3A_636 = arith.constant 2 : i32
        %dma_start3A_637 = arith.constant 0 : i32
        %dma_start3A_638 = arith.constant 0 : i32
        %dma_start3A_639 = tpu.memref_slice %arg9[%dma_start3A_635, %dma_start3A_636, %dma_start3A_637, %dma_start3A_638] : memref<2x4x125x64xf32, #tpu.memory_space<vmem>> -> memref<1x1x125x64xf32, #tpu.memory_space<vmem>>
        %dma_start3A_640 = tpu.memref_squeeze %dma_start3A_639 : memref<1x1x125x64xf32, #tpu.memory_space<vmem>> -> memref<125x64xf32, #tpu.memory_space<vmem>>
        %dma_start3A_641 = arith.constant 0 : i32
        %dma_start3A_642 = tpu.memref_slice %arg7[%add3A_634, %dma_start3A_641] : memref<80x125xi32, #tpu.memory_space<vmem>> -> memref<1x125xi32, #tpu.memory_space<vmem>>
        %dma_start3A_643 = tpu.memref_squeeze %dma_start3A_642 : memref<1x125xi32, #tpu.memory_space<vmem>> -> memref<125xi32, #tpu.memory_space<vmem>>
        %dma_start3A_644 = arith.constant 0 : i32
        %dma_start3A_645 = arith.constant 0 : i32
        %dma_start3A_646 = tpu.memref_slice %arg2[%dma_start3A_644, %dma_start3A_645] : memref<10000x64xf32, #tpu.memory_space<hbm>> -> memref<10000x64xf32, #tpu.memory_space<hbm>>
        tpu.enqueue_indirect_dma source(%dma_start3A_646 : memref<10000x64xf32, #tpu.memory_space<hbm>>) target(%dma_start3A_640 : memref<125x64xf32, #tpu.memory_space<vmem>>) offsets(%dma_start3A_643 : memref<125xi32, #tpu.memory_space<vmem>>) semaphore(%arg11 : memref<!tpu.dma_semaphore, #tpu.memory_space<semaphore_mem>>)
        %mul3A_647 = arith.constant 4 : i32
        %mul3A_648 = arith.muli %add3A_598, %mul3A_647 : i32
        %add3A_649 = arith.constant 3 : i32
        %add3A_650 = arith.addi %mul3A_648, %add3A_649 : i32
        %dma_start3A_651 = arith.constant 0 : i32
        %dma_start3A_652 = arith.constant 3 : i32
        %dma_start3A_653 = arith.constant 0 : i32
        %dma_start3A_654 = arith.constant 0 : i32
        %dma_start3A_655 = tpu.memref_slice %arg9[%dma_start3A_651, %dma_start3A_652, %dma_start3A_653, %dma_start3A_654] : memref<2x4x125x64xf32, #tpu.memory_space<vmem>> -> memref<1x1x125x64xf32, #tpu.memory_space<vmem>>
        %dma_start3A_656 = tpu.memref_squeeze %dma_start3A_655 : memref<1x1x125x64xf32, #tpu.memory_space<vmem>> -> memref<125x64xf32, #tpu.memory_space<vmem>>
        %dma_start3A_657 = arith.constant 0 : i32
        %dma_start3A_658 = tpu.memref_slice %arg7[%add3A_650, %dma_start3A_657] : memref<80x125xi32, #tpu.memory_space<vmem>> -> memref<1x125xi32, #tpu.memory_space<vmem>>
        %dma_start3A_659 = tpu.memref_squeeze %dma_start3A_658 : memref<1x125xi32, #tpu.memory_space<vmem>> -> memref<125xi32, #tpu.memory_space<vmem>>
        %dma_start3A_660 = arith.constant 0 : i32
        %dma_start3A_661 = arith.constant 0 : i32
        %dma_start3A_662 = tpu.memref_slice %arg2[%dma_start3A_660, %dma_start3A_661] : memref<10000x64xf32, #tpu.memory_space<hbm>> -> memref<10000x64xf32, #tpu.memory_space<hbm>>
        tpu.enqueue_indirect_dma source(%dma_start3A_662 : memref<10000x64xf32, #tpu.memory_space<hbm>>) target(%dma_start3A_656 : memref<125x64xf32, #tpu.memory_space<vmem>>) offsets(%dma_start3A_659 : memref<125xi32, #tpu.memory_space<vmem>>) semaphore(%arg11 : memref<!tpu.dma_semaphore, #tpu.memory_space<semaphore_mem>>)
      } else {
      }
    }
    %scan3A_89 = arith.constant 10 : i32
    %dma_wait3A_90 = arith.constant 0 : i32
    %dma_wait3A_91 = arith.constant 0 : i32
    %dma_wait3A_92 = arith.constant 72 : i32
    %dma_wait3A_93 = arith.constant 0 : i32
    %dma_wait3A_94 = arith.constant 0 : i32
    %dma_wait3A_95 = tpu.memref_slice %arg9[%dma_wait3A_90, %dma_wait3A_91, %dma_wait3A_93, %dma_wait3A_94] : memref<2x4x125x64xf32, #tpu.memory_space<vmem>> -> memref<1x1x125x64xf32, #tpu.memory_space<vmem>>
    %dma_wait3A_96 = tpu.memref_squeeze %dma_wait3A_95 : memref<1x1x125x64xf32, #tpu.memory_space<vmem>> -> memref<125x64xf32, #tpu.memory_space<vmem>>
    %dma_wait3A_97 = arith.constant 0 : i32
    %dma_wait3A_98 = tpu.memref_slice %arg8[%dma_wait3A_92, %dma_wait3A_97] : memref<80x125xi32, #tpu.memory_space<vmem>> -> memref<1x125xi32, #tpu.memory_space<vmem>>
    %dma_wait3A_99 = tpu.memref_squeeze %dma_wait3A_98 : memref<1x125xi32, #tpu.memory_space<vmem>> -> memref<125xi32, #tpu.memory_space<vmem>>
    %dma_wait3A_100 = arith.constant 0 : i32
    %dma_wait3A_101 = arith.constant 0 : i32
    %dma_wait3A_102 = tpu.memref_slice %arg10[%dma_wait3A_100, %dma_wait3A_101] : memref<10240x64xf32, #tpu.memory_space<vmem_shared>> -> memref<10240x64xf32, #tpu.memory_space<vmem_shared>>
    tpu.wait_indirect_dma semaphore(%arg13 : memref<!tpu.dma_semaphore, #tpu.memory_space<semaphore_mem>>) src(%dma_wait3A_96 : memref<125x64xf32, #tpu.memory_space<vmem>>) dst(%dma_wait3A_102 : memref<10240x64xf32, #tpu.memory_space<vmem_shared>>)
    %dma_wait3A_103 = arith.constant 0 : i32
    %dma_wait3A_104 = arith.constant 1 : i32
    %dma_wait3A_105 = arith.constant 73 : i32
    %dma_wait3A_106 = arith.constant 0 : i32
    %dma_wait3A_107 = arith.constant 0 : i32
    %dma_wait3A_108 = tpu.memref_slice %arg9[%dma_wait3A_103, %dma_wait3A_104, %dma_wait3A_106, %dma_wait3A_107] : memref<2x4x125x64xf32, #tpu.memory_space<vmem>> -> memref<1x1x125x64xf32, #tpu.memory_space<vmem>>
    %dma_wait3A_109 = tpu.memref_squeeze %dma_wait3A_108 : memref<1x1x125x64xf32, #tpu.memory_space<vmem>> -> memref<125x64xf32, #tpu.memory_space<vmem>>
    %dma_wait3A_110 = arith.constant 0 : i32
    %dma_wait3A_111 = tpu.memref_slice %arg8[%dma_wait3A_105, %dma_wait3A_110] : memref<80x125xi32, #tpu.memory_space<vmem>> -> memref<1x125xi32, #tpu.memory_space<vmem>>
    %dma_wait3A_112 = tpu.memref_squeeze %dma_wait3A_111 : memref<1x125xi32, #tpu.memory_space<vmem>> -> memref<125xi32, #tpu.memory_space<vmem>>
    %dma_wait3A_113 = arith.constant 0 : i32
    %dma_wait3A_114 = arith.constant 0 : i32
    %dma_wait3A_115 = tpu.memref_slice %arg10[%dma_wait3A_113, %dma_wait3A_114] : memref<10240x64xf32, #tpu.memory_space<vmem_shared>> -> memref<10240x64xf32, #tpu.memory_space<vmem_shared>>
    tpu.wait_indirect_dma semaphore(%arg13 : memref<!tpu.dma_semaphore, #tpu.memory_space<semaphore_mem>>) src(%dma_wait3A_109 : memref<125x64xf32, #tpu.memory_space<vmem>>) dst(%dma_wait3A_115 : memref<10240x64xf32, #tpu.memory_space<vmem_shared>>)
    %dma_wait3A_116 = arith.constant 0 : i32
    %dma_wait3A_117 = arith.constant 2 : i32
    %dma_wait3A_118 = arith.constant 74 : i32
    %dma_wait3A_119 = arith.constant 0 : i32
    %dma_wait3A_120 = arith.constant 0 : i32
    %dma_wait3A_121 = tpu.memref_slice %arg9[%dma_wait3A_116, %dma_wait3A_117, %dma_wait3A_119, %dma_wait3A_120] : memref<2x4x125x64xf32, #tpu.memory_space<vmem>> -> memref<1x1x125x64xf32, #tpu.memory_space<vmem>>
    %dma_wait3A_122 = tpu.memref_squeeze %dma_wait3A_121 : memref<1x1x125x64xf32, #tpu.memory_space<vmem>> -> memref<125x64xf32, #tpu.memory_space<vmem>>
    %dma_wait3A_123 = arith.constant 0 : i32
    %dma_wait3A_124 = tpu.memref_slice %arg8[%dma_wait3A_118, %dma_wait3A_123] : memref<80x125xi32, #tpu.memory_space<vmem>> -> memref<1x125xi32, #tpu.memory_space<vmem>>
    %dma_wait3A_125 = tpu.memref_squeeze %dma_wait3A_124 : memref<1x125xi32, #tpu.memory_space<vmem>> -> memref<125xi32, #tpu.memory_space<vmem>>
    %dma_wait3A_126 = arith.constant 0 : i32
    %dma_wait3A_127 = arith.constant 0 : i32
    %dma_wait3A_128 = tpu.memref_slice %arg10[%dma_wait3A_126, %dma_wait3A_127] : memref<10240x64xf32, #tpu.memory_space<vmem_shared>> -> memref<10240x64xf32, #tpu.memory_space<vmem_shared>>
    tpu.wait_indirect_dma semaphore(%arg13 : memref<!tpu.dma_semaphore, #tpu.memory_space<semaphore_mem>>) src(%dma_wait3A_122 : memref<125x64xf32, #tpu.memory_space<vmem>>) dst(%dma_wait3A_128 : memref<10240x64xf32, #tpu.memory_space<vmem_shared>>)
    %dma_wait3A_129 = arith.constant 0 : i32
    %dma_wait3A_130 = arith.constant 3 : i32
    %dma_wait3A_131 = arith.constant 75 : i32
    %dma_wait3A_132 = arith.constant 0 : i32
    %dma_wait3A_133 = arith.constant 0 : i32
    %dma_wait3A_134 = tpu.memref_slice %arg9[%dma_wait3A_129, %dma_wait3A_130, %dma_wait3A_132, %dma_wait3A_133] : memref<2x4x125x64xf32, #tpu.memory_space<vmem>> -> memref<1x1x125x64xf32, #tpu.memory_space<vmem>>
    %dma_wait3A_135 = tpu.memref_squeeze %dma_wait3A_134 : memref<1x1x125x64xf32, #tpu.memory_space<vmem>> -> memref<125x64xf32, #tpu.memory_space<vmem>>
    %dma_wait3A_136 = arith.constant 0 : i32
    %dma_wait3A_137 = tpu.memref_slice %arg8[%dma_wait3A_131, %dma_wait3A_136] : memref<80x125xi32, #tpu.memory_space<vmem>> -> memref<1x125xi32, #tpu.memory_space<vmem>>
    %dma_wait3A_138 = tpu.memref_squeeze %dma_wait3A_137 : memref<1x125xi32, #tpu.memory_space<vmem>> -> memref<125xi32, #tpu.memory_space<vmem>>
    %dma_wait3A_139 = arith.constant 0 : i32
    %dma_wait3A_140 = arith.constant 0 : i32
    %dma_wait3A_141 = tpu.memref_slice %arg10[%dma_wait3A_139, %dma_wait3A_140] : memref<10240x64xf32, #tpu.memory_space<vmem_shared>> -> memref<10240x64xf32, #tpu.memory_space<vmem_shared>>
    tpu.wait_indirect_dma semaphore(%arg13 : memref<!tpu.dma_semaphore, #tpu.memory_space<semaphore_mem>>) src(%dma_wait3A_135 : memref<125x64xf32, #tpu.memory_space<vmem>>) dst(%dma_wait3A_141 : memref<10240x64xf32, #tpu.memory_space<vmem_shared>>)
    %dma_wait3A_142 = arith.constant 1 : i32
    %dma_wait3A_143 = arith.constant 0 : i32
    %dma_wait3A_144 = arith.constant 76 : i32
    %dma_wait3A_145 = arith.constant 0 : i32
    %dma_wait3A_146 = arith.constant 0 : i32
    %dma_wait3A_147 = tpu.memref_slice %arg9[%dma_wait3A_142, %dma_wait3A_143, %dma_wait3A_145, %dma_wait3A_146] : memref<2x4x125x64xf32, #tpu.memory_space<vmem>> -> memref<1x1x125x64xf32, #tpu.memory_space<vmem>>
    %dma_wait3A_148 = tpu.memref_squeeze %dma_wait3A_147 : memref<1x1x125x64xf32, #tpu.memory_space<vmem>> -> memref<125x64xf32, #tpu.memory_space<vmem>>
    %dma_wait3A_149 = arith.constant 0 : i32
    %dma_wait3A_150 = tpu.memref_slice %arg8[%dma_wait3A_144, %dma_wait3A_149] : memref<80x125xi32, #tpu.memory_space<vmem>> -> memref<1x125xi32, #tpu.memory_space<vmem>>
    %dma_wait3A_151 = tpu.memref_squeeze %dma_wait3A_150 : memref<1x125xi32, #tpu.memory_space<vmem>> -> memref<125xi32, #tpu.memory_space<vmem>>
    %dma_wait3A_152 = arith.constant 0 : i32
    %dma_wait3A_153 = arith.constant 0 : i32
    %dma_wait3A_154 = tpu.memref_slice %arg10[%dma_wait3A_152, %dma_wait3A_153] : memref<10240x64xf32, #tpu.memory_space<vmem_shared>> -> memref<10240x64xf32, #tpu.memory_space<vmem_shared>>
    tpu.wait_indirect_dma semaphore(%arg14 : memref<!tpu.dma_semaphore, #tpu.memory_space<semaphore_mem>>) src(%dma_wait3A_148 : memref<125x64xf32, #tpu.memory_space<vmem>>) dst(%dma_wait3A_154 : memref<10240x64xf32, #tpu.memory_space<vmem_shared>>)
    %dma_wait3A_155 = arith.constant 1 : i32
    %dma_wait3A_156 = arith.constant 1 : i32
    %dma_wait3A_157 = arith.constant 77 : i32
    %dma_wait3A_158 = arith.constant 0 : i32
    %dma_wait3A_159 = arith.constant 0 : i32
    %dma_wait3A_160 = tpu.memref_slice %arg9[%dma_wait3A_155, %dma_wait3A_156, %dma_wait3A_158, %dma_wait3A_159] : memref<2x4x125x64xf32, #tpu.memory_space<vmem>> -> memref<1x1x125x64xf32, #tpu.memory_space<vmem>>
    %dma_wait3A_161 = tpu.memref_squeeze %dma_wait3A_160 : memref<1x1x125x64xf32, #tpu.memory_space<vmem>> -> memref<125x64xf32, #tpu.memory_space<vmem>>
    %dma_wait3A_162 = arith.constant 0 : i32
    %dma_wait3A_163 = tpu.memref_slice %arg8[%dma_wait3A_157, %dma_wait3A_162] : memref<80x125xi32, #tpu.memory_space<vmem>> -> memref<1x125xi32, #tpu.memory_space<vmem>>
    %dma_wait3A_164 = tpu.memref_squeeze %dma_wait3A_163 : memref<1x125xi32, #tpu.memory_space<vmem>> -> memref<125xi32, #tpu.memory_space<vmem>>
    %dma_wait3A_165 = arith.constant 0 : i32
    %dma_wait3A_166 = arith.constant 0 : i32
    %dma_wait3A_167 = tpu.memref_slice %arg10[%dma_wait3A_165, %dma_wait3A_166] : memref<10240x64xf32, #tpu.memory_space<vmem_shared>> -> memref<10240x64xf32, #tpu.memory_space<vmem_shared>>
    tpu.wait_indirect_dma semaphore(%arg14 : memref<!tpu.dma_semaphore, #tpu.memory_space<semaphore_mem>>) src(%dma_wait3A_161 : memref<125x64xf32, #tpu.memory_space<vmem>>) dst(%dma_wait3A_167 : memref<10240x64xf32, #tpu.memory_space<vmem_shared>>)
    %dma_wait3A_168 = arith.constant 1 : i32
    %dma_wait3A_169 = arith.constant 2 : i32
    %dma_wait3A_170 = arith.constant 78 : i32
    %dma_wait3A_171 = arith.constant 0 : i32
    %dma_wait3A_172 = arith.constant 0 : i32
    %dma_wait3A_173 = tpu.memref_slice %arg9[%dma_wait3A_168, %dma_wait3A_169, %dma_wait3A_171, %dma_wait3A_172] : memref<2x4x125x64xf32, #tpu.memory_space<vmem>> -> memref<1x1x125x64xf32, #tpu.memory_space<vmem>>
    %dma_wait3A_174 = tpu.memref_squeeze %dma_wait3A_173 : memref<1x1x125x64xf32, #tpu.memory_space<vmem>> -> memref<125x64xf32, #tpu.memory_space<vmem>>
    %dma_wait3A_175 = arith.constant 0 : i32
    %dma_wait3A_176 = tpu.memref_slice %arg8[%dma_wait3A_170, %dma_wait3A_175] : memref<80x125xi32, #tpu.memory_space<vmem>> -> memref<1x125xi32, #tpu.memory_space<vmem>>
    %dma_wait3A_177 = tpu.memref_squeeze %dma_wait3A_176 : memref<1x125xi32, #tpu.memory_space<vmem>> -> memref<125xi32, #tpu.memory_space<vmem>>
    %dma_wait3A_178 = arith.constant 0 : i32
    %dma_wait3A_179 = arith.constant 0 : i32
    %dma_wait3A_180 = tpu.memref_slice %arg10[%dma_wait3A_178, %dma_wait3A_179] : memref<10240x64xf32, #tpu.memory_space<vmem_shared>> -> memref<10240x64xf32, #tpu.memory_space<vmem_shared>>
    tpu.wait_indirect_dma semaphore(%arg14 : memref<!tpu.dma_semaphore, #tpu.memory_space<semaphore_mem>>) src(%dma_wait3A_174 : memref<125x64xf32, #tpu.memory_space<vmem>>) dst(%dma_wait3A_180 : memref<10240x64xf32, #tpu.memory_space<vmem_shared>>)
    %dma_wait3A_181 = arith.constant 1 : i32
    %dma_wait3A_182 = arith.constant 3 : i32
    %dma_wait3A_183 = arith.constant 79 : i32
    %dma_wait3A_184 = arith.constant 0 : i32
    %dma_wait3A_185 = arith.constant 0 : i32
    %dma_wait3A_186 = tpu.memref_slice %arg9[%dma_wait3A_181, %dma_wait3A_182, %dma_wait3A_184, %dma_wait3A_185] : memref<2x4x125x64xf32, #tpu.memory_space<vmem>> -> memref<1x1x125x64xf32, #tpu.memory_space<vmem>>
    %dma_wait3A_187 = tpu.memref_squeeze %dma_wait3A_186 : memref<1x1x125x64xf32, #tpu.memory_space<vmem>> -> memref<125x64xf32, #tpu.memory_space<vmem>>
    %dma_wait3A_188 = arith.constant 0 : i32
    %dma_wait3A_189 = tpu.memref_slice %arg8[%dma_wait3A_183, %dma_wait3A_188] : memref<80x125xi32, #tpu.memory_space<vmem>> -> memref<1x125xi32, #tpu.memory_space<vmem>>
    %dma_wait3A_190 = tpu.memref_squeeze %dma_wait3A_189 : memref<1x125xi32, #tpu.memory_space<vmem>> -> memref<125xi32, #tpu.memory_space<vmem>>
    %dma_wait3A_191 = arith.constant 0 : i32
    %dma_wait3A_192 = arith.constant 0 : i32
    %dma_wait3A_193 = tpu.memref_slice %arg10[%dma_wait3A_191, %dma_wait3A_192] : memref<10240x64xf32, #tpu.memory_space<vmem_shared>> -> memref<10240x64xf32, #tpu.memory_space<vmem_shared>>
    tpu.wait_indirect_dma semaphore(%arg14 : memref<!tpu.dma_semaphore, #tpu.memory_space<semaphore_mem>>) src(%dma_wait3A_187 : memref<125x64xf32, #tpu.memory_space<vmem>>) dst(%dma_wait3A_193 : memref<10240x64xf32, #tpu.memory_space<vmem_shared>>)
    %barrier3A_194 = arith.constant 0 : index
    tpu.barrier barrier_id(%barrier3A_194)
    %mul3A_195 = arith.constant 640 : i32
    %mul3A_196 = arith.muli %arg1, %mul3A_195 : i32
    %mul3A_197 = arith.constant 10240 : i32
    %mul3A_198 = arith.muli %arg0, %mul3A_197 : i32
    %mul3A_199 = arith.constant 640 : i32
    %mul3A_200 = arith.muli %arg1, %mul3A_199 : i32
    %add3A_201 = arith.addi %mul3A_198, %mul3A_200 : i32
    "tpu.region"() ({
      %run_scoped3A = tpu.sem_alloc : memref<!tpu.dma_semaphore, #tpu.memory_space<semaphore_mem>>
      %dma_start3A_202 = arith.constant 0 : i32
      %dma_start3A_203 = tpu.memref_slice %arg6[%add3A_201, %dma_start3A_202] : memref<20480x64xf32, #tpu.memory_space<hbm>> -> memref<640x64xf32, #tpu.memory_space<hbm>>
      %dma_start3A_204 = arith.constant 0 : i32
      %dma_start3A_205 = tpu.memref_slice %arg10[%mul3A_196, %dma_start3A_204] : memref<10240x64xf32, #tpu.memory_space<vmem_shared>> -> memref<640x64xf32, #tpu.memory_space<vmem_shared>>
      tpu.enqueue_dma source(%dma_start3A_205 : memref<640x64xf32, #tpu.memory_space<vmem_shared>>) target(%dma_start3A_203 : memref<640x64xf32, #tpu.memory_space<hbm>>) target_semaphore(%run_scoped3A : memref<!tpu.dma_semaphore, #tpu.memory_space<semaphore_mem>>)
      %dma_wait3A_206 = arith.constant 0 : i32
      %dma_wait3A_207 = tpu.memref_slice %arg6[%add3A_201, %dma_wait3A_206] : memref<20480x64xf32, #tpu.memory_space<hbm>> -> memref<640x64xf32, #tpu.memory_space<hbm>>
      %dma_wait3A_208 = arith.constant 0 : i32
      %dma_wait3A_209 = tpu.memref_slice %arg10[%mul3A_196, %dma_wait3A_208] : memref<10240x64xf32, #tpu.memory_space<vmem_shared>> -> memref<640x64xf32, #tpu.memory_space<vmem_shared>>
      tpu.wait_dma2 semaphore(%run_scoped3A : memref<!tpu.dma_semaphore, #tpu.memory_space<semaphore_mem>>) src(%dma_wait3A_209 : memref<640x64xf32, #tpu.memory_space<vmem_shared>>) dst(%dma_wait3A_207 : memref<640x64xf32, #tpu.memory_space<hbm>>)
      tpu.yield
    }) : () -> ()
    return
  }
}

#map = affine_map<(d0, d1) -> (0, 0)>
#map1 = affine_map<(d0, d1) -> (0, 0, 0)>
module attributes {stable_mosaic.version = 14 : i64} {
  func.func @_sc_agg_body(%arg0: i32, %arg1: i32, %arg2: memref<10000x64xf32, #tpu.memory_space<hbm>>, %arg3: memref<32x80x125xi32, #tpu.memory_space<hbm>>, %arg4: memref<32x80x125xi32, #tpu.memory_space<hbm>>, %arg5: memref<640x64xf32, #tpu.memory_space<hbm>>, %arg6: memref<20480x64xf32, #tpu.memory_space<hbm>>, %arg7: memref<80x125xi32, #tpu.memory_space<vmem>>, %arg8: memref<80x125xi32, #tpu.memory_space<vmem>>, %arg9: memref<2x4x125x64xf32, #tpu.memory_space<vmem>>, %arg10: memref<10240x64xf32, #tpu.memory_space<vmem_shared>>, %arg11: memref<!tpu.dma_semaphore, #tpu.memory_space<semaphore_mem>>, %arg12: memref<!tpu.dma_semaphore, #tpu.memory_space<semaphore_mem>>, %arg13: memref<!tpu.dma_semaphore, #tpu.memory_space<semaphore_mem>>, %arg14: memref<!tpu.dma_semaphore, #tpu.memory_space<semaphore_mem>>) attributes {dimension_semantics = [#tpu.dimension_semantics<core_parallel>, #tpu.dimension_semantics<subcore_parallel>], iteration_bounds = array<i64: 2, 16>, scalar_prefetch = 0 : i64, scratch_operands = 8 : i64, tpu.core_type = #tpu.core_type<sc_vector_subcore>, window_params = [{transform_indices = #map}, {transform_indices = #map1}, {transform_indices = #map1}, {transform_indices = #map}, {transform_indices = #map}]} {
    %mul3A = arith.constant 2 : i32
    %mul3A_0 = arith.muli %arg1, %mul3A : i32
    %add3A = arith.addi %mul3A_0, %arg0 : i32
    %mul3A_1 = arith.constant 640 : i32
    %mul3A_2 = arith.muli %arg1, %mul3A_1 : i32
    "tpu.region"() ({
      %run_scoped3A = tpu.sem_alloc : memref<!tpu.dma_semaphore, #tpu.memory_space<semaphore_mem>>
      %dma_start3A_202 = arith.constant 0 : i32
      %dma_start3A_203 = tpu.memref_slice %arg10[%mul3A_2, %dma_start3A_202] : memref<10240x64xf32, #tpu.memory_space<vmem_shared>> -> memref<640x64xf32, #tpu.memory_space<vmem_shared>>
      tpu.enqueue_dma source(%arg5 : memref<640x64xf32, #tpu.memory_space<hbm>>) target(%dma_start3A_203 : memref<640x64xf32, #tpu.memory_space<vmem_shared>>) target_semaphore(%run_scoped3A : memref<!tpu.dma_semaphore, #tpu.memory_space<semaphore_mem>>)
      %dma_wait3A_204 = arith.constant 0 : i32
      %dma_wait3A_205 = tpu.memref_slice %arg10[%mul3A_2, %dma_wait3A_204] : memref<10240x64xf32, #tpu.memory_space<vmem_shared>> -> memref<640x64xf32, #tpu.memory_space<vmem_shared>>
      tpu.wait_dma2 semaphore(%run_scoped3A : memref<!tpu.dma_semaphore, #tpu.memory_space<semaphore_mem>>) src(%arg5 : memref<640x64xf32, #tpu.memory_space<hbm>>) dst(%dma_wait3A_205 : memref<640x64xf32, #tpu.memory_space<vmem_shared>>)
      tpu.yield
    }) : () -> ()
    %dma_start3A = arith.constant 0 : i32
    %dma_start3A_3 = arith.constant 0 : i32
    %dma_start3A_4 = tpu.memref_slice %arg3[%add3A, %dma_start3A, %dma_start3A_3] : memref<32x80x125xi32, #tpu.memory_space<hbm>> -> memref<1x80x125xi32, #tpu.memory_space<hbm>>
    %dma_start3A_5 = tpu.memref_squeeze %dma_start3A_4 : memref<1x80x125xi32, #tpu.memory_space<hbm>> -> memref<80x125xi32, #tpu.memory_space<hbm>>
    %dma_start3A_6 = arith.constant 0 : i32
    %dma_start3A_7 = arith.constant 0 : i32
    %dma_start3A_8 = tpu.memref_slice %arg3[%add3A, %dma_start3A_6, %dma_start3A_7] : memref<32x80x125xi32, #tpu.memory_space<hbm>> -> memref<1x80x125xi32, #tpu.memory_space<hbm>>
    %dma_start3A_9 = tpu.memref_squeeze %dma_start3A_8 : memref<1x80x125xi32, #tpu.memory_space<hbm>> -> memref<80x125xi32, #tpu.memory_space<hbm>>
    tpu.enqueue_dma source(%dma_start3A_9 : memref<80x125xi32, #tpu.memory_space<hbm>>) target(%arg7 : memref<80x125xi32, #tpu.memory_space<vmem>>) target_semaphore(%arg11 : memref<!tpu.dma_semaphore, #tpu.memory_space<semaphore_mem>>)
    %dma_start3A_10 = arith.constant 0 : i32
    %dma_start3A_11 = arith.constant 0 : i32
    %dma_start3A_12 = tpu.memref_slice %arg4[%add3A, %dma_start3A_10, %dma_start3A_11] : memref<32x80x125xi32, #tpu.memory_space<hbm>> -> memref<1x80x125xi32, #tpu.memory_space<hbm>>
    %dma_start3A_13 = tpu.memref_squeeze %dma_start3A_12 : memref<1x80x125xi32, #tpu.memory_space<hbm>> -> memref<80x125xi32, #tpu.memory_space<hbm>>
    %dma_start3A_14 = arith.constant 0 : i32
    %dma_start3A_15 = arith.constant 0 : i32
    %dma_start3A_16 = tpu.memref_slice %arg4[%add3A, %dma_start3A_14, %dma_start3A_15] : memref<32x80x125xi32, #tpu.memory_space<hbm>> -> memref<1x80x125xi32, #tpu.memory_space<hbm>>
    %dma_start3A_17 = tpu.memref_squeeze %dma_start3A_16 : memref<1x80x125xi32, #tpu.memory_space<hbm>> -> memref<80x125xi32, #tpu.memory_space<hbm>>
    tpu.enqueue_dma source(%dma_start3A_17 : memref<80x125xi32, #tpu.memory_space<hbm>>) target(%arg8 : memref<80x125xi32, #tpu.memory_space<vmem>>) target_semaphore(%arg11 : memref<!tpu.dma_semaphore, #tpu.memory_space<semaphore_mem>>)
    %dma_wait3A = arith.constant 0 : i32
    %dma_wait3A_18 = arith.constant 0 : i32
    %dma_wait3A_19 = tpu.memref_slice %arg3[%add3A, %dma_wait3A, %dma_wait3A_18] : memref<32x80x125xi32, #tpu.memory_space<hbm>> -> memref<1x80x125xi32, #tpu.memory_space<hbm>>
    %dma_wait3A_20 = tpu.memref_squeeze %dma_wait3A_19 : memref<1x80x125xi32, #tpu.memory_space<hbm>> -> memref<80x125xi32, #tpu.memory_space<hbm>>
    %dma_wait3A_21 = arith.constant 0 : i32
    %dma_wait3A_22 = arith.constant 0 : i32
    %dma_wait3A_23 = tpu.memref_slice %arg3[%add3A, %dma_wait3A_21, %dma_wait3A_22] : memref<32x80x125xi32, #tpu.memory_space<hbm>> -> memref<1x80x125xi32, #tpu.memory_space<hbm>>
    %dma_wait3A_24 = tpu.memref_squeeze %dma_wait3A_23 : memref<1x80x125xi32, #tpu.memory_space<hbm>> -> memref<80x125xi32, #tpu.memory_space<hbm>>
    tpu.wait_dma2 semaphore(%arg11 : memref<!tpu.dma_semaphore, #tpu.memory_space<semaphore_mem>>) src(%dma_wait3A_24 : memref<80x125xi32, #tpu.memory_space<hbm>>) dst(%arg7 : memref<80x125xi32, #tpu.memory_space<vmem>>)
    %dma_wait3A_25 = arith.constant 0 : i32
    %dma_wait3A_26 = arith.constant 0 : i32
    %dma_wait3A_27 = tpu.memref_slice %arg4[%add3A, %dma_wait3A_25, %dma_wait3A_26] : memref<32x80x125xi32, #tpu.memory_space<hbm>> -> memref<1x80x125xi32, #tpu.memory_space<hbm>>
    %dma_wait3A_28 = tpu.memref_squeeze %dma_wait3A_27 : memref<1x80x125xi32, #tpu.memory_space<hbm>> -> memref<80x125xi32, #tpu.memory_space<hbm>>
    %dma_wait3A_29 = arith.constant 0 : i32
    %dma_wait3A_30 = arith.constant 0 : i32
    %dma_wait3A_31 = tpu.memref_slice %arg4[%add3A, %dma_wait3A_29, %dma_wait3A_30] : memref<32x80x125xi32, #tpu.memory_space<hbm>> -> memref<1x80x125xi32, #tpu.memory_space<hbm>>
    %dma_wait3A_32 = tpu.memref_squeeze %dma_wait3A_31 : memref<1x80x125xi32, #tpu.memory_space<hbm>> -> memref<80x125xi32, #tpu.memory_space<hbm>>
    tpu.wait_dma2 semaphore(%arg11 : memref<!tpu.dma_semaphore, #tpu.memory_space<semaphore_mem>>) src(%dma_wait3A_32 : memref<80x125xi32, #tpu.memory_space<hbm>>) dst(%arg8 : memref<80x125xi32, #tpu.memory_space<vmem>>)
    %barrier3A = arith.constant 0 : index
    tpu.barrier barrier_id(%barrier3A)
    %dma_start3A_33 = arith.constant 0 : i32
    %dma_start3A_34 = arith.constant 0 : i32
    %dma_start3A_35 = arith.constant 0 : i32
    %dma_start3A_36 = arith.constant 0 : i32
    %dma_start3A_37 = arith.constant 0 : i32
    %dma_start3A_38 = tpu.memref_slice %arg9[%dma_start3A_34, %dma_start3A_35, %dma_start3A_36, %dma_start3A_37] : memref<2x4x125x64xf32, #tpu.memory_space<vmem>> -> memref<1x1x125x64xf32, #tpu.memory_space<vmem>>
    %dma_start3A_39 = tpu.memref_squeeze %dma_start3A_38 : memref<1x1x125x64xf32, #tpu.memory_space<vmem>> -> memref<125x64xf32, #tpu.memory_space<vmem>>
    %dma_start3A_40 = arith.constant 0 : i32
    %dma_start3A_41 = tpu.memref_slice %arg7[%dma_start3A_33, %dma_start3A_40] : memref<80x125xi32, #tpu.memory_space<vmem>> -> memref<1x125xi32, #tpu.memory_space<vmem>>
    %dma_start3A_42 = tpu.memref_squeeze %dma_start3A_41 : memref<1x125xi32, #tpu.memory_space<vmem>> -> memref<125xi32, #tpu.memory_space<vmem>>
    %dma_start3A_43 = arith.constant 0 : i32
    %dma_start3A_44 = arith.constant 0 : i32
    %dma_start3A_45 = tpu.memref_slice %arg2[%dma_start3A_43, %dma_start3A_44] : memref<10000x64xf32, #tpu.memory_space<hbm>> -> memref<10000x64xf32, #tpu.memory_space<hbm>>
    tpu.enqueue_indirect_dma source(%dma_start3A_45 : memref<10000x64xf32, #tpu.memory_space<hbm>>) target(%dma_start3A_39 : memref<125x64xf32, #tpu.memory_space<vmem>>) offsets(%dma_start3A_42 : memref<125xi32, #tpu.memory_space<vmem>>) semaphore(%arg11 : memref<!tpu.dma_semaphore, #tpu.memory_space<semaphore_mem>>)
    %dma_start3A_46 = arith.constant 1 : i32
    %dma_start3A_47 = arith.constant 0 : i32
    %dma_start3A_48 = arith.constant 1 : i32
    %dma_start3A_49 = arith.constant 0 : i32
    %dma_start3A_50 = arith.constant 0 : i32
    %dma_start3A_51 = tpu.memref_slice %arg9[%dma_start3A_47, %dma_start3A_48, %dma_start3A_49, %dma_start3A_50] : memref<2x4x125x64xf32, #tpu.memory_space<vmem>> -> memref<1x1x125x64xf32, #tpu.memory_space<vmem>>
    %dma_start3A_52 = tpu.memref_squeeze %dma_start3A_51 : memref<1x1x125x64xf32, #tpu.memory_space<vmem>> -> memref<125x64xf32, #tpu.memory_space<vmem>>
    %dma_start3A_53 = arith.constant 0 : i32
    %dma_start3A_54 = tpu.memref_slice %arg7[%dma_start3A_46, %dma_start3A_53] : memref<80x125xi32, #tpu.memory_space<vmem>> -> memref<1x125xi32, #tpu.memory_space<vmem>>
    %dma_start3A_55 = tpu.memref_squeeze %dma_start3A_54 : memref<1x125xi32, #tpu.memory_space<vmem>> -> memref<125xi32, #tpu.memory_space<vmem>>
    %dma_start3A_56 = arith.constant 0 : i32
    %dma_start3A_57 = arith.constant 0 : i32
    %dma_start3A_58 = tpu.memref_slice %arg2[%dma_start3A_56, %dma_start3A_57] : memref<10000x64xf32, #tpu.memory_space<hbm>> -> memref<10000x64xf32, #tpu.memory_space<hbm>>
    tpu.enqueue_indirect_dma source(%dma_start3A_58 : memref<10000x64xf32, #tpu.memory_space<hbm>>) target(%dma_start3A_52 : memref<125x64xf32, #tpu.memory_space<vmem>>) offsets(%dma_start3A_55 : memref<125xi32, #tpu.memory_space<vmem>>) semaphore(%arg11 : memref<!tpu.dma_semaphore, #tpu.memory_space<semaphore_mem>>)
    %dma_start3A_59 = arith.constant 2 : i32
    %dma_start3A_60 = arith.constant 0 : i32
    %dma_start3A_61 = arith.constant 2 : i32
    %dma_start3A_62 = arith.constant 0 : i32
    %dma_start3A_63 = arith.constant 0 : i32
    %dma_start3A_64 = tpu.memref_slice %arg9[%dma_start3A_60, %dma_start3A_61, %dma_start3A_62, %dma_start3A_63] : memref<2x4x125x64xf32, #tpu.memory_space<vmem>> -> memref<1x1x125x64xf32, #tpu.memory_space<vmem>>
    %dma_start3A_65 = tpu.memref_squeeze %dma_start3A_64 : memref<1x1x125x64xf32, #tpu.memory_space<vmem>> -> memref<125x64xf32, #tpu.memory_space<vmem>>
    %dma_start3A_66 = arith.constant 0 : i32
    %dma_start3A_67 = tpu.memref_slice %arg7[%dma_start3A_59, %dma_start3A_66] : memref<80x125xi32, #tpu.memory_space<vmem>> -> memref<1x125xi32, #tpu.memory_space<vmem>>
    %dma_start3A_68 = tpu.memref_squeeze %dma_start3A_67 : memref<1x125xi32, #tpu.memory_space<vmem>> -> memref<125xi32, #tpu.memory_space<vmem>>
    %dma_start3A_69 = arith.constant 0 : i32
    %dma_start3A_70 = arith.constant 0 : i32
    %dma_start3A_71 = tpu.memref_slice %arg2[%dma_start3A_69, %dma_start3A_70] : memref<10000x64xf32, #tpu.memory_space<hbm>> -> memref<10000x64xf32, #tpu.memory_space<hbm>>
    tpu.enqueue_indirect_dma source(%dma_start3A_71 : memref<10000x64xf32, #tpu.memory_space<hbm>>) target(%dma_start3A_65 : memref<125x64xf32, #tpu.memory_space<vmem>>) offsets(%dma_start3A_68 : memref<125xi32, #tpu.memory_space<vmem>>) semaphore(%arg11 : memref<!tpu.dma_semaphore, #tpu.memory_space<semaphore_mem>>)
    %dma_start3A_72 = arith.constant 3 : i32
    %dma_start3A_73 = arith.constant 0 : i32
    %dma_start3A_74 = arith.constant 3 : i32
    %dma_start3A_75 = arith.constant 0 : i32
    %dma_start3A_76 = arith.constant 0 : i32
    %dma_start3A_77 = tpu.memref_slice %arg9[%dma_start3A_73, %dma_start3A_74, %dma_start3A_75, %dma_start3A_76] : memref<2x4x125x64xf32, #tpu.memory_space<vmem>> -> memref<1x1x125x64xf32, #tpu.memory_space<vmem>>
    %dma_start3A_78 = tpu.memref_squeeze %dma_start3A_77 : memref<1x1x125x64xf32, #tpu.memory_space<vmem>> -> memref<125x64xf32, #tpu.memory_space<vmem>>
    %dma_start3A_79 = arith.constant 0 : i32
    %dma_start3A_80 = tpu.memref_slice %arg7[%dma_start3A_72, %dma_start3A_79] : memref<80x125xi32, #tpu.memory_space<vmem>> -> memref<1x125xi32, #tpu.memory_space<vmem>>
    %dma_start3A_81 = tpu.memref_squeeze %dma_start3A_80 : memref<1x125xi32, #tpu.memory_space<vmem>> -> memref<125xi32, #tpu.memory_space<vmem>>
    %dma_start3A_82 = arith.constant 0 : i32
    %dma_start3A_83 = arith.constant 0 : i32
    %dma_start3A_84 = tpu.memref_slice %arg2[%dma_start3A_82, %dma_start3A_83] : memref<10000x64xf32, #tpu.memory_space<hbm>> -> memref<10000x64xf32, #tpu.memory_space<hbm>>
    tpu.enqueue_indirect_dma source(%dma_start3A_84 : memref<10000x64xf32, #tpu.memory_space<hbm>>) target(%dma_start3A_78 : memref<125x64xf32, #tpu.memory_space<vmem>>) offsets(%dma_start3A_81 : memref<125xi32, #tpu.memory_space<vmem>>) semaphore(%arg11 : memref<!tpu.dma_semaphore, #tpu.memory_space<semaphore_mem>>)
    %scan3A = arith.constant 0 : i32
    %scan3A_85 = arith.constant 0 : i32
    %scan3A_86 = arith.constant 10 : i32
    %scan3A_87 = arith.addi %scan3A_85, %scan3A_86 : i32
    %scan3A_88 = arith.constant 1 : i32
    scf.for %scan3A_202 = %scan3A_85 to %scan3A_87 step %scan3A_88  : i32 {
      %mul3A_203 = arith.constant 2 : i32
      %mul3A_204 = arith.muli %mul3A_203, %scan3A_202 : i32
      %add3A_205 = arith.constant 1 : i32
      %add3A_206 = arith.addi %mul3A_204, %add3A_205 : i32
      %gt3A = arith.constant 0 : i32
      %gt3A_207 = arith.cmpi sgt, %scan3A_202, %gt3A : i32
      %convert_element_type3A = arith.extui %gt3A_207 : i1 to i32
      %cond3A = arith.constant 0 : i32
      %cond3A_208 = arith.cmpi ne, %convert_element_type3A, %cond3A : i32
      scf.if %cond3A_208 {
        %sub3A = arith.constant 2 : i32
        %sub3A_533 = arith.subi %add3A_206, %sub3A : i32
        %mul3A_534 = arith.constant 4 : i32
        %mul3A_535 = arith.muli %sub3A_533, %mul3A_534 : i32
        %add3A_536 = arith.constant 0 : i32
        %add3A_537 = arith.addi %mul3A_535, %add3A_536 : i32
        %dma_wait3A_538 = arith.constant 1 : i32
        %dma_wait3A_539 = arith.constant 0 : i32
        %dma_wait3A_540 = arith.constant 0 : i32
        %dma_wait3A_541 = arith.constant 0 : i32
        %dma_wait3A_542 = tpu.memref_slice %arg9[%dma_wait3A_538, %dma_wait3A_539, %dma_wait3A_540, %dma_wait3A_541] : memref<2x4x125x64xf32, #tpu.memory_space<vmem>> -> memref<1x1x125x64xf32, #tpu.memory_space<vmem>>
        %dma_wait3A_543 = tpu.memref_squeeze %dma_wait3A_542 : memref<1x1x125x64xf32, #tpu.memory_space<vmem>> -> memref<125x64xf32, #tpu.memory_space<vmem>>
        %dma_wait3A_544 = arith.constant 0 : i32
        %dma_wait3A_545 = tpu.memref_slice %arg8[%add3A_537, %dma_wait3A_544] : memref<80x125xi32, #tpu.memory_space<vmem>> -> memref<1x125xi32, #tpu.memory_space<vmem>>
        %dma_wait3A_546 = tpu.memref_squeeze %dma_wait3A_545 : memref<1x125xi32, #tpu.memory_space<vmem>> -> memref<125xi32, #tpu.memory_space<vmem>>
        %dma_wait3A_547 = arith.constant 0 : i32
        %dma_wait3A_548 = arith.constant 0 : i32
        %dma_wait3A_549 = tpu.memref_slice %arg10[%dma_wait3A_547, %dma_wait3A_548] : memref<10240x64xf32, #tpu.memory_space<vmem_shared>> -> memref<10240x64xf32, #tpu.memory_space<vmem_shared>>
        tpu.wait_indirect_dma semaphore(%arg14 : memref<!tpu.dma_semaphore, #tpu.memory_space<semaphore_mem>>) src(%dma_wait3A_543 : memref<125x64xf32, #tpu.memory_space<vmem>>) dst(%dma_wait3A_549 : memref<10240x64xf32, #tpu.memory_space<vmem_shared>>)
        %mul3A_550 = arith.constant 4 : i32
        %mul3A_551 = arith.muli %sub3A_533, %mul3A_550 : i32
        %add3A_552 = arith.constant 1 : i32
        %add3A_553 = arith.addi %mul3A_551, %add3A_552 : i32
        %dma_wait3A_554 = arith.constant 1 : i32
        %dma_wait3A_555 = arith.constant 1 : i32
        %dma_wait3A_556 = arith.constant 0 : i32
        %dma_wait3A_557 = arith.constant 0 : i32
        %dma_wait3A_558 = tpu.memref_slice %arg9[%dma_wait3A_554, %dma_wait3A_555, %dma_wait3A_556, %dma_wait3A_557] : memref<2x4x125x64xf32, #tpu.memory_space<vmem>> -> memref<1x1x125x64xf32, #tpu.memory_space<vmem>>
        %dma_wait3A_559 = tpu.memref_squeeze %dma_wait3A_558 : memref<1x1x125x64xf32, #tpu.memory_space<vmem>> -> memref<125x64xf32, #tpu.memory_space<vmem>>
        %dma_wait3A_560 = arith.constant 0 : i32
        %dma_wait3A_561 = tpu.memref_slice %arg8[%add3A_553, %dma_wait3A_560] : memref<80x125xi32, #tpu.memory_space<vmem>> -> memref<1x125xi32, #tpu.memory_space<vmem>>
        %dma_wait3A_562 = tpu.memref_squeeze %dma_wait3A_561 : memref<1x125xi32, #tpu.memory_space<vmem>> -> memref<125xi32, #tpu.memory_space<vmem>>
        %dma_wait3A_563 = arith.constant 0 : i32
        %dma_wait3A_564 = arith.constant 0 : i32
        %dma_wait3A_565 = tpu.memref_slice %arg10[%dma_wait3A_563, %dma_wait3A_564] : memref<10240x64xf32, #tpu.memory_space<vmem_shared>> -> memref<10240x64xf32, #tpu.memory_space<vmem_shared>>
        tpu.wait_indirect_dma semaphore(%arg14 : memref<!tpu.dma_semaphore, #tpu.memory_space<semaphore_mem>>) src(%dma_wait3A_559 : memref<125x64xf32, #tpu.memory_space<vmem>>) dst(%dma_wait3A_565 : memref<10240x64xf32, #tpu.memory_space<vmem_shared>>)
        %mul3A_566 = arith.constant 4 : i32
        %mul3A_567 = arith.muli %sub3A_533, %mul3A_566 : i32
        %add3A_568 = arith.constant 2 : i32
        %add3A_569 = arith.addi %mul3A_567, %add3A_568 : i32
        %dma_wait3A_570 = arith.constant 1 : i32
        %dma_wait3A_571 = arith.constant 2 : i32
        %dma_wait3A_572 = arith.constant 0 : i32
        %dma_wait3A_573 = arith.constant 0 : i32
        %dma_wait3A_574 = tpu.memref_slice %arg9[%dma_wait3A_570, %dma_wait3A_571, %dma_wait3A_572, %dma_wait3A_573] : memref<2x4x125x64xf32, #tpu.memory_space<vmem>> -> memref<1x1x125x64xf32, #tpu.memory_space<vmem>>
        %dma_wait3A_575 = tpu.memref_squeeze %dma_wait3A_574 : memref<1x1x125x64xf32, #tpu.memory_space<vmem>> -> memref<125x64xf32, #tpu.memory_space<vmem>>
        %dma_wait3A_576 = arith.constant 0 : i32
        %dma_wait3A_577 = tpu.memref_slice %arg8[%add3A_569, %dma_wait3A_576] : memref<80x125xi32, #tpu.memory_space<vmem>> -> memref<1x125xi32, #tpu.memory_space<vmem>>
        %dma_wait3A_578 = tpu.memref_squeeze %dma_wait3A_577 : memref<1x125xi32, #tpu.memory_space<vmem>> -> memref<125xi32, #tpu.memory_space<vmem>>
        %dma_wait3A_579 = arith.constant 0 : i32
        %dma_wait3A_580 = arith.constant 0 : i32
        %dma_wait3A_581 = tpu.memref_slice %arg10[%dma_wait3A_579, %dma_wait3A_580] : memref<10240x64xf32, #tpu.memory_space<vmem_shared>> -> memref<10240x64xf32, #tpu.memory_space<vmem_shared>>
        tpu.wait_indirect_dma semaphore(%arg14 : memref<!tpu.dma_semaphore, #tpu.memory_space<semaphore_mem>>) src(%dma_wait3A_575 : memref<125x64xf32, #tpu.memory_space<vmem>>) dst(%dma_wait3A_581 : memref<10240x64xf32, #tpu.memory_space<vmem_shared>>)
        %mul3A_582 = arith.constant 4 : i32
        %mul3A_583 = arith.muli %sub3A_533, %mul3A_582 : i32
        %add3A_584 = arith.constant 3 : i32
        %add3A_585 = arith.addi %mul3A_583, %add3A_584 : i32
        %dma_wait3A_586 = arith.constant 1 : i32
        %dma_wait3A_587 = arith.constant 3 : i32
        %dma_wait3A_588 = arith.constant 0 : i32
        %dma_wait3A_589 = arith.constant 0 : i32
        %dma_wait3A_590 = tpu.memref_slice %arg9[%dma_wait3A_586, %dma_wait3A_587, %dma_wait3A_588, %dma_wait3A_589] : memref<2x4x125x64xf32, #tpu.memory_space<vmem>> -> memref<1x1x125x64xf32, #tpu.memory_space<vmem>>
        %dma_wait3A_591 = tpu.memref_squeeze %dma_wait3A_590 : memref<1x1x125x64xf32, #tpu.memory_space<vmem>> -> memref<125x64xf32, #tpu.memory_space<vmem>>
        %dma_wait3A_592 = arith.constant 0 : i32
        %dma_wait3A_593 = tpu.memref_slice %arg8[%add3A_585, %dma_wait3A_592] : memref<80x125xi32, #tpu.memory_space<vmem>> -> memref<1x125xi32, #tpu.memory_space<vmem>>
        %dma_wait3A_594 = tpu.memref_squeeze %dma_wait3A_593 : memref<1x125xi32, #tpu.memory_space<vmem>> -> memref<125xi32, #tpu.memory_space<vmem>>
        %dma_wait3A_595 = arith.constant 0 : i32
        %dma_wait3A_596 = arith.constant 0 : i32
        %dma_wait3A_597 = tpu.memref_slice %arg10[%dma_wait3A_595, %dma_wait3A_596] : memref<10240x64xf32, #tpu.memory_space<vmem_shared>> -> memref<10240x64xf32, #tpu.memory_space<vmem_shared>>
        tpu.wait_indirect_dma semaphore(%arg14 : memref<!tpu.dma_semaphore, #tpu.memory_space<semaphore_mem>>) src(%dma_wait3A_591 : memref<125x64xf32, #tpu.memory_space<vmem>>) dst(%dma_wait3A_597 : memref<10240x64xf32, #tpu.memory_space<vmem_shared>>)
      } else {
      }
      %mul3A_209 = arith.constant 4 : i32
      %mul3A_210 = arith.muli %add3A_206, %mul3A_209 : i32
      %add3A_211 = arith.constant 0 : i32
      %add3A_212 = arith.addi %mul3A_210, %add3A_211 : i32
      %dma_start3A_213 = arith.constant 1 : i32
      %dma_start3A_214 = arith.constant 0 : i32
      %dma_start3A_215 = arith.constant 0 : i32
      %dma_start3A_216 = arith.constant 0 : i32
      %dma_start3A_217 = tpu.memref_slice %arg9[%dma_start3A_213, %dma_start3A_214, %dma_start3A_215, %dma_start3A_216] : memref<2x4x125x64xf32, #tpu.memory_space<vmem>> -> memref<1x1x125x64xf32, #tpu.memory_space<vmem>>
      %dma_start3A_218 = tpu.memref_squeeze %dma_start3A_217 : memref<1x1x125x64xf32, #tpu.memory_space<vmem>> -> memref<125x64xf32, #tpu.memory_space<vmem>>
      %dma_start3A_219 = arith.constant 0 : i32
      %dma_start3A_220 = tpu.memref_slice %arg7[%add3A_212, %dma_start3A_219] : memref<80x125xi32, #tpu.memory_space<vmem>> -> memref<1x125xi32, #tpu.memory_space<vmem>>
      %dma_start3A_221 = tpu.memref_squeeze %dma_start3A_220 : memref<1x125xi32, #tpu.memory_space<vmem>> -> memref<125xi32, #tpu.memory_space<vmem>>
      %dma_start3A_222 = arith.constant 0 : i32
      %dma_start3A_223 = arith.constant 0 : i32
      %dma_start3A_224 = tpu.memref_slice %arg2[%dma_start3A_222, %dma_start3A_223] : memref<10000x64xf32, #tpu.memory_space<hbm>> -> memref<10000x64xf32, #tpu.memory_space<hbm>>
      tpu.enqueue_indirect_dma source(%dma_start3A_224 : memref<10000x64xf32, #tpu.memory_space<hbm>>) target(%dma_start3A_218 : memref<125x64xf32, #tpu.memory_space<vmem>>) offsets(%dma_start3A_221 : memref<125xi32, #tpu.memory_space<vmem>>) semaphore(%arg12 : memref<!tpu.dma_semaphore, #tpu.memory_space<semaphore_mem>>)
      %mul3A_225 = arith.constant 4 : i32
      %mul3A_226 = arith.muli %add3A_206, %mul3A_225 : i32
      %add3A_227 = arith.constant 1 : i32
      %add3A_228 = arith.addi %mul3A_226, %add3A_227 : i32
      %dma_start3A_229 = arith.constant 1 : i32
      %dma_start3A_230 = arith.constant 1 : i32
      %dma_start3A_231 = arith.constant 0 : i32
      %dma_start3A_232 = arith.constant 0 : i32
      %dma_start3A_233 = tpu.memref_slice %arg9[%dma_start3A_229, %dma_start3A_230, %dma_start3A_231, %dma_start3A_232] : memref<2x4x125x64xf32, #tpu.memory_space<vmem>> -> memref<1x1x125x64xf32, #tpu.memory_space<vmem>>
      %dma_start3A_234 = tpu.memref_squeeze %dma_start3A_233 : memref<1x1x125x64xf32, #tpu.memory_space<vmem>> -> memref<125x64xf32, #tpu.memory_space<vmem>>
      %dma_start3A_235 = arith.constant 0 : i32
      %dma_start3A_236 = tpu.memref_slice %arg7[%add3A_228, %dma_start3A_235] : memref<80x125xi32, #tpu.memory_space<vmem>> -> memref<1x125xi32, #tpu.memory_space<vmem>>
      %dma_start3A_237 = tpu.memref_squeeze %dma_start3A_236 : memref<1x125xi32, #tpu.memory_space<vmem>> -> memref<125xi32, #tpu.memory_space<vmem>>
      %dma_start3A_238 = arith.constant 0 : i32
      %dma_start3A_239 = arith.constant 0 : i32
      %dma_start3A_240 = tpu.memref_slice %arg2[%dma_start3A_238, %dma_start3A_239] : memref<10000x64xf32, #tpu.memory_space<hbm>> -> memref<10000x64xf32, #tpu.memory_space<hbm>>
      tpu.enqueue_indirect_dma source(%dma_start3A_240 : memref<10000x64xf32, #tpu.memory_space<hbm>>) target(%dma_start3A_234 : memref<125x64xf32, #tpu.memory_space<vmem>>) offsets(%dma_start3A_237 : memref<125xi32, #tpu.memory_space<vmem>>) semaphore(%arg12 : memref<!tpu.dma_semaphore, #tpu.memory_space<semaphore_mem>>)
      %mul3A_241 = arith.constant 4 : i32
      %mul3A_242 = arith.muli %add3A_206, %mul3A_241 : i32
      %add3A_243 = arith.constant 2 : i32
      %add3A_244 = arith.addi %mul3A_242, %add3A_243 : i32
      %dma_start3A_245 = arith.constant 1 : i32
      %dma_start3A_246 = arith.constant 2 : i32
      %dma_start3A_247 = arith.constant 0 : i32
      %dma_start3A_248 = arith.constant 0 : i32
      %dma_start3A_249 = tpu.memref_slice %arg9[%dma_start3A_245, %dma_start3A_246, %dma_start3A_247, %dma_start3A_248] : memref<2x4x125x64xf32, #tpu.memory_space<vmem>> -> memref<1x1x125x64xf32, #tpu.memory_space<vmem>>
      %dma_start3A_250 = tpu.memref_squeeze %dma_start3A_249 : memref<1x1x125x64xf32, #tpu.memory_space<vmem>> -> memref<125x64xf32, #tpu.memory_space<vmem>>
      %dma_start3A_251 = arith.constant 0 : i32
      %dma_start3A_252 = tpu.memref_slice %arg7[%add3A_244, %dma_start3A_251] : memref<80x125xi32, #tpu.memory_space<vmem>> -> memref<1x125xi32, #tpu.memory_space<vmem>>
      %dma_start3A_253 = tpu.memref_squeeze %dma_start3A_252 : memref<1x125xi32, #tpu.memory_space<vmem>> -> memref<125xi32, #tpu.memory_space<vmem>>
      %dma_start3A_254 = arith.constant 0 : i32
      %dma_start3A_255 = arith.constant 0 : i32
      %dma_start3A_256 = tpu.memref_slice %arg2[%dma_start3A_254, %dma_start3A_255] : memref<10000x64xf32, #tpu.memory_space<hbm>> -> memref<10000x64xf32, #tpu.memory_space<hbm>>
      tpu.enqueue_indirect_dma source(%dma_start3A_256 : memref<10000x64xf32, #tpu.memory_space<hbm>>) target(%dma_start3A_250 : memref<125x64xf32, #tpu.memory_space<vmem>>) offsets(%dma_start3A_253 : memref<125xi32, #tpu.memory_space<vmem>>) semaphore(%arg12 : memref<!tpu.dma_semaphore, #tpu.memory_space<semaphore_mem>>)
      %mul3A_257 = arith.constant 4 : i32
      %mul3A_258 = arith.muli %add3A_206, %mul3A_257 : i32
      %add3A_259 = arith.constant 3 : i32
      %add3A_260 = arith.addi %mul3A_258, %add3A_259 : i32
      %dma_start3A_261 = arith.constant 1 : i32
      %dma_start3A_262 = arith.constant 3 : i32
      %dma_start3A_263 = arith.constant 0 : i32
      %dma_start3A_264 = arith.constant 0 : i32
      %dma_start3A_265 = tpu.memref_slice %arg9[%dma_start3A_261, %dma_start3A_262, %dma_start3A_263, %dma_start3A_264] : memref<2x4x125x64xf32, #tpu.memory_space<vmem>> -> memref<1x1x125x64xf32, #tpu.memory_space<vmem>>
      %dma_start3A_266 = tpu.memref_squeeze %dma_start3A_265 : memref<1x1x125x64xf32, #tpu.memory_space<vmem>> -> memref<125x64xf32, #tpu.memory_space<vmem>>
      %dma_start3A_267 = arith.constant 0 : i32
      %dma_start3A_268 = tpu.memref_slice %arg7[%add3A_260, %dma_start3A_267] : memref<80x125xi32, #tpu.memory_space<vmem>> -> memref<1x125xi32, #tpu.memory_space<vmem>>
      %dma_start3A_269 = tpu.memref_squeeze %dma_start3A_268 : memref<1x125xi32, #tpu.memory_space<vmem>> -> memref<125xi32, #tpu.memory_space<vmem>>
      %dma_start3A_270 = arith.constant 0 : i32
      %dma_start3A_271 = arith.constant 0 : i32
      %dma_start3A_272 = tpu.memref_slice %arg2[%dma_start3A_270, %dma_start3A_271] : memref<10000x64xf32, #tpu.memory_space<hbm>> -> memref<10000x64xf32, #tpu.memory_space<hbm>>
      tpu.enqueue_indirect_dma source(%dma_start3A_272 : memref<10000x64xf32, #tpu.memory_space<hbm>>) target(%dma_start3A_266 : memref<125x64xf32, #tpu.memory_space<vmem>>) offsets(%dma_start3A_269 : memref<125xi32, #tpu.memory_space<vmem>>) semaphore(%arg12 : memref<!tpu.dma_semaphore, #tpu.memory_space<semaphore_mem>>)
      %mul3A_273 = arith.constant 4 : i32
      %mul3A_274 = arith.muli %mul3A_204, %mul3A_273 : i32
      %add3A_275 = arith.constant 0 : i32
      %add3A_276 = arith.addi %mul3A_274, %add3A_275 : i32
      %dma_wait3A_277 = arith.constant 0 : i32
      %dma_wait3A_278 = arith.constant 0 : i32
      %dma_wait3A_279 = arith.constant 0 : i32
      %dma_wait3A_280 = arith.constant 0 : i32
      %dma_wait3A_281 = tpu.memref_slice %arg9[%dma_wait3A_277, %dma_wait3A_278, %dma_wait3A_279, %dma_wait3A_280] : memref<2x4x125x64xf32, #tpu.memory_space<vmem>> -> memref<1x1x125x64xf32, #tpu.memory_space<vmem>>
      %dma_wait3A_282 = tpu.memref_squeeze %dma_wait3A_281 : memref<1x1x125x64xf32, #tpu.memory_space<vmem>> -> memref<125x64xf32, #tpu.memory_space<vmem>>
      %dma_wait3A_283 = arith.constant 0 : i32
      %dma_wait3A_284 = tpu.memref_slice %arg7[%add3A_276, %dma_wait3A_283] : memref<80x125xi32, #tpu.memory_space<vmem>> -> memref<1x125xi32, #tpu.memory_space<vmem>>
      %dma_wait3A_285 = tpu.memref_squeeze %dma_wait3A_284 : memref<1x125xi32, #tpu.memory_space<vmem>> -> memref<125xi32, #tpu.memory_space<vmem>>
      %dma_wait3A_286 = arith.constant 0 : i32
      %dma_wait3A_287 = arith.constant 0 : i32
      %dma_wait3A_288 = tpu.memref_slice %arg2[%dma_wait3A_286, %dma_wait3A_287] : memref<10000x64xf32, #tpu.memory_space<hbm>> -> memref<10000x64xf32, #tpu.memory_space<hbm>>
      tpu.wait_indirect_dma semaphore(%arg11 : memref<!tpu.dma_semaphore, #tpu.memory_space<semaphore_mem>>) src(%dma_wait3A_288 : memref<10000x64xf32, #tpu.memory_space<hbm>>) dst(%dma_wait3A_282 : memref<125x64xf32, #tpu.memory_space<vmem>>)
      %mul3A_289 = arith.constant 4 : i32
      %mul3A_290 = arith.muli %mul3A_204, %mul3A_289 : i32
      %add3A_291 = arith.constant 1 : i32
      %add3A_292 = arith.addi %mul3A_290, %add3A_291 : i32
      %dma_wait3A_293 = arith.constant 0 : i32
      %dma_wait3A_294 = arith.constant 1 : i32
      %dma_wait3A_295 = arith.constant 0 : i32
      %dma_wait3A_296 = arith.constant 0 : i32
      %dma_wait3A_297 = tpu.memref_slice %arg9[%dma_wait3A_293, %dma_wait3A_294, %dma_wait3A_295, %dma_wait3A_296] : memref<2x4x125x64xf32, #tpu.memory_space<vmem>> -> memref<1x1x125x64xf32, #tpu.memory_space<vmem>>
      %dma_wait3A_298 = tpu.memref_squeeze %dma_wait3A_297 : memref<1x1x125x64xf32, #tpu.memory_space<vmem>> -> memref<125x64xf32, #tpu.memory_space<vmem>>
      %dma_wait3A_299 = arith.constant 0 : i32
      %dma_wait3A_300 = tpu.memref_slice %arg7[%add3A_292, %dma_wait3A_299] : memref<80x125xi32, #tpu.memory_space<vmem>> -> memref<1x125xi32, #tpu.memory_space<vmem>>
      %dma_wait3A_301 = tpu.memref_squeeze %dma_wait3A_300 : memref<1x125xi32, #tpu.memory_space<vmem>> -> memref<125xi32, #tpu.memory_space<vmem>>
      %dma_wait3A_302 = arith.constant 0 : i32
      %dma_wait3A_303 = arith.constant 0 : i32
      %dma_wait3A_304 = tpu.memref_slice %arg2[%dma_wait3A_302, %dma_wait3A_303] : memref<10000x64xf32, #tpu.memory_space<hbm>> -> memref<10000x64xf32, #tpu.memory_space<hbm>>
      tpu.wait_indirect_dma semaphore(%arg11 : memref<!tpu.dma_semaphore, #tpu.memory_space<semaphore_mem>>) src(%dma_wait3A_304 : memref<10000x64xf32, #tpu.memory_space<hbm>>) dst(%dma_wait3A_298 : memref<125x64xf32, #tpu.memory_space<vmem>>)
      %mul3A_305 = arith.constant 4 : i32
      %mul3A_306 = arith.muli %mul3A_204, %mul3A_305 : i32
      %add3A_307 = arith.constant 2 : i32
      %add3A_308 = arith.addi %mul3A_306, %add3A_307 : i32
      %dma_wait3A_309 = arith.constant 0 : i32
      %dma_wait3A_310 = arith.constant 2 : i32
      %dma_wait3A_311 = arith.constant 0 : i32
      %dma_wait3A_312 = arith.constant 0 : i32
      %dma_wait3A_313 = tpu.memref_slice %arg9[%dma_wait3A_309, %dma_wait3A_310, %dma_wait3A_311, %dma_wait3A_312] : memref<2x4x125x64xf32, #tpu.memory_space<vmem>> -> memref<1x1x125x64xf32, #tpu.memory_space<vmem>>
      %dma_wait3A_314 = tpu.memref_squeeze %dma_wait3A_313 : memref<1x1x125x64xf32, #tpu.memory_space<vmem>> -> memref<125x64xf32, #tpu.memory_space<vmem>>
      %dma_wait3A_315 = arith.constant 0 : i32
      %dma_wait3A_316 = tpu.memref_slice %arg7[%add3A_308, %dma_wait3A_315] : memref<80x125xi32, #tpu.memory_space<vmem>> -> memref<1x125xi32, #tpu.memory_space<vmem>>
      %dma_wait3A_317 = tpu.memref_squeeze %dma_wait3A_316 : memref<1x125xi32, #tpu.memory_space<vmem>> -> memref<125xi32, #tpu.memory_space<vmem>>
      %dma_wait3A_318 = arith.constant 0 : i32
      %dma_wait3A_319 = arith.constant 0 : i32
      %dma_wait3A_320 = tpu.memref_slice %arg2[%dma_wait3A_318, %dma_wait3A_319] : memref<10000x64xf32, #tpu.memory_space<hbm>> -> memref<10000x64xf32, #tpu.memory_space<hbm>>
      tpu.wait_indirect_dma semaphore(%arg11 : memref<!tpu.dma_semaphore, #tpu.memory_space<semaphore_mem>>) src(%dma_wait3A_320 : memref<10000x64xf32, #tpu.memory_space<hbm>>) dst(%dma_wait3A_314 : memref<125x64xf32, #tpu.memory_space<vmem>>)
      %mul3A_321 = arith.constant 4 : i32
      %mul3A_322 = arith.muli %mul3A_204, %mul3A_321 : i32
      %add3A_323 = arith.constant 3 : i32
      %add3A_324 = arith.addi %mul3A_322, %add3A_323 : i32
      %dma_wait3A_325 = arith.constant 0 : i32
      %dma_wait3A_326 = arith.constant 3 : i32
      %dma_wait3A_327 = arith.constant 0 : i32
      %dma_wait3A_328 = arith.constant 0 : i32
      %dma_wait3A_329 = tpu.memref_slice %arg9[%dma_wait3A_325, %dma_wait3A_326, %dma_wait3A_327, %dma_wait3A_328] : memref<2x4x125x64xf32, #tpu.memory_space<vmem>> -> memref<1x1x125x64xf32, #tpu.memory_space<vmem>>
      %dma_wait3A_330 = tpu.memref_squeeze %dma_wait3A_329 : memref<1x1x125x64xf32, #tpu.memory_space<vmem>> -> memref<125x64xf32, #tpu.memory_space<vmem>>
      %dma_wait3A_331 = arith.constant 0 : i32
      %dma_wait3A_332 = tpu.memref_slice %arg7[%add3A_324, %dma_wait3A_331] : memref<80x125xi32, #tpu.memory_space<vmem>> -> memref<1x125xi32, #tpu.memory_space<vmem>>
      %dma_wait3A_333 = tpu.memref_squeeze %dma_wait3A_332 : memref<1x125xi32, #tpu.memory_space<vmem>> -> memref<125xi32, #tpu.memory_space<vmem>>
      %dma_wait3A_334 = arith.constant 0 : i32
      %dma_wait3A_335 = arith.constant 0 : i32
      %dma_wait3A_336 = tpu.memref_slice %arg2[%dma_wait3A_334, %dma_wait3A_335] : memref<10000x64xf32, #tpu.memory_space<hbm>> -> memref<10000x64xf32, #tpu.memory_space<hbm>>
      tpu.wait_indirect_dma semaphore(%arg11 : memref<!tpu.dma_semaphore, #tpu.memory_space<semaphore_mem>>) src(%dma_wait3A_336 : memref<10000x64xf32, #tpu.memory_space<hbm>>) dst(%dma_wait3A_330 : memref<125x64xf32, #tpu.memory_space<vmem>>)
      %mul3A_337 = arith.constant 4 : i32
      %mul3A_338 = arith.muli %mul3A_204, %mul3A_337 : i32
      %add3A_339 = arith.constant 0 : i32
      %add3A_340 = arith.addi %mul3A_338, %add3A_339 : i32
      %dma_start3A_341 = arith.constant 0 : i32
      %dma_start3A_342 = arith.constant 0 : i32
      %dma_start3A_343 = arith.constant 0 : i32
      %dma_start3A_344 = arith.constant 0 : i32
      %dma_start3A_345 = tpu.memref_slice %arg9[%dma_start3A_341, %dma_start3A_342, %dma_start3A_343, %dma_start3A_344] : memref<2x4x125x64xf32, #tpu.memory_space<vmem>> -> memref<1x1x125x64xf32, #tpu.memory_space<vmem>>
      %dma_start3A_346 = tpu.memref_squeeze %dma_start3A_345 : memref<1x1x125x64xf32, #tpu.memory_space<vmem>> -> memref<125x64xf32, #tpu.memory_space<vmem>>
      %dma_start3A_347 = arith.constant 0 : i32
      %dma_start3A_348 = tpu.memref_slice %arg8[%add3A_340, %dma_start3A_347] : memref<80x125xi32, #tpu.memory_space<vmem>> -> memref<1x125xi32, #tpu.memory_space<vmem>>
      %dma_start3A_349 = tpu.memref_squeeze %dma_start3A_348 : memref<1x125xi32, #tpu.memory_space<vmem>> -> memref<125xi32, #tpu.memory_space<vmem>>
      %dma_start3A_350 = arith.constant 0 : i32
      %dma_start3A_351 = arith.constant 0 : i32
      %dma_start3A_352 = tpu.memref_slice %arg10[%dma_start3A_350, %dma_start3A_351] : memref<10240x64xf32, #tpu.memory_space<vmem_shared>> -> memref<10240x64xf32, #tpu.memory_space<vmem_shared>>
      tpu.enqueue_indirect_dma source(%dma_start3A_346 : memref<125x64xf32, #tpu.memory_space<vmem>>) target(%dma_start3A_352 : memref<10240x64xf32, #tpu.memory_space<vmem_shared>>) offsets(%dma_start3A_349 : memref<125xi32, #tpu.memory_space<vmem>>) semaphore(%arg13 : memref<!tpu.dma_semaphore, #tpu.memory_space<semaphore_mem>>) {add = true}
      %mul3A_353 = arith.constant 4 : i32
      %mul3A_354 = arith.muli %mul3A_204, %mul3A_353 : i32
      %add3A_355 = arith.constant 1 : i32
      %add3A_356 = arith.addi %mul3A_354, %add3A_355 : i32
      %dma_start3A_357 = arith.constant 0 : i32
      %dma_start3A_358 = arith.constant 1 : i32
      %dma_start3A_359 = arith.constant 0 : i32
      %dma_start3A_360 = arith.constant 0 : i32
      %dma_start3A_361 = tpu.memref_slice %arg9[%dma_start3A_357, %dma_start3A_358, %dma_start3A_359, %dma_start3A_360] : memref<2x4x125x64xf32, #tpu.memory_space<vmem>> -> memref<1x1x125x64xf32, #tpu.memory_space<vmem>>
      %dma_start3A_362 = tpu.memref_squeeze %dma_start3A_361 : memref<1x1x125x64xf32, #tpu.memory_space<vmem>> -> memref<125x64xf32, #tpu.memory_space<vmem>>
      %dma_start3A_363 = arith.constant 0 : i32
      %dma_start3A_364 = tpu.memref_slice %arg8[%add3A_356, %dma_start3A_363] : memref<80x125xi32, #tpu.memory_space<vmem>> -> memref<1x125xi32, #tpu.memory_space<vmem>>
      %dma_start3A_365 = tpu.memref_squeeze %dma_start3A_364 : memref<1x125xi32, #tpu.memory_space<vmem>> -> memref<125xi32, #tpu.memory_space<vmem>>
      %dma_start3A_366 = arith.constant 0 : i32
      %dma_start3A_367 = arith.constant 0 : i32
      %dma_start3A_368 = tpu.memref_slice %arg10[%dma_start3A_366, %dma_start3A_367] : memref<10240x64xf32, #tpu.memory_space<vmem_shared>> -> memref<10240x64xf32, #tpu.memory_space<vmem_shared>>
      tpu.enqueue_indirect_dma source(%dma_start3A_362 : memref<125x64xf32, #tpu.memory_space<vmem>>) target(%dma_start3A_368 : memref<10240x64xf32, #tpu.memory_space<vmem_shared>>) offsets(%dma_start3A_365 : memref<125xi32, #tpu.memory_space<vmem>>) semaphore(%arg13 : memref<!tpu.dma_semaphore, #tpu.memory_space<semaphore_mem>>) {add = true}
      %mul3A_369 = arith.constant 4 : i32
      %mul3A_370 = arith.muli %mul3A_204, %mul3A_369 : i32
      %add3A_371 = arith.constant 2 : i32
      %add3A_372 = arith.addi %mul3A_370, %add3A_371 : i32
      %dma_start3A_373 = arith.constant 0 : i32
      %dma_start3A_374 = arith.constant 2 : i32
      %dma_start3A_375 = arith.constant 0 : i32
      %dma_start3A_376 = arith.constant 0 : i32
      %dma_start3A_377 = tpu.memref_slice %arg9[%dma_start3A_373, %dma_start3A_374, %dma_start3A_375, %dma_start3A_376] : memref<2x4x125x64xf32, #tpu.memory_space<vmem>> -> memref<1x1x125x64xf32, #tpu.memory_space<vmem>>
      %dma_start3A_378 = tpu.memref_squeeze %dma_start3A_377 : memref<1x1x125x64xf32, #tpu.memory_space<vmem>> -> memref<125x64xf32, #tpu.memory_space<vmem>>
      %dma_start3A_379 = arith.constant 0 : i32
      %dma_start3A_380 = tpu.memref_slice %arg8[%add3A_372, %dma_start3A_379] : memref<80x125xi32, #tpu.memory_space<vmem>> -> memref<1x125xi32, #tpu.memory_space<vmem>>
      %dma_start3A_381 = tpu.memref_squeeze %dma_start3A_380 : memref<1x125xi32, #tpu.memory_space<vmem>> -> memref<125xi32, #tpu.memory_space<vmem>>
      %dma_start3A_382 = arith.constant 0 : i32
      %dma_start3A_383 = arith.constant 0 : i32
      %dma_start3A_384 = tpu.memref_slice %arg10[%dma_start3A_382, %dma_start3A_383] : memref<10240x64xf32, #tpu.memory_space<vmem_shared>> -> memref<10240x64xf32, #tpu.memory_space<vmem_shared>>
      tpu.enqueue_indirect_dma source(%dma_start3A_378 : memref<125x64xf32, #tpu.memory_space<vmem>>) target(%dma_start3A_384 : memref<10240x64xf32, #tpu.memory_space<vmem_shared>>) offsets(%dma_start3A_381 : memref<125xi32, #tpu.memory_space<vmem>>) semaphore(%arg13 : memref<!tpu.dma_semaphore, #tpu.memory_space<semaphore_mem>>) {add = true}
      %mul3A_385 = arith.constant 4 : i32
      %mul3A_386 = arith.muli %mul3A_204, %mul3A_385 : i32
      %add3A_387 = arith.constant 3 : i32
      %add3A_388 = arith.addi %mul3A_386, %add3A_387 : i32
      %dma_start3A_389 = arith.constant 0 : i32
      %dma_start3A_390 = arith.constant 3 : i32
      %dma_start3A_391 = arith.constant 0 : i32
      %dma_start3A_392 = arith.constant 0 : i32
      %dma_start3A_393 = tpu.memref_slice %arg9[%dma_start3A_389, %dma_start3A_390, %dma_start3A_391, %dma_start3A_392] : memref<2x4x125x64xf32, #tpu.memory_space<vmem>> -> memref<1x1x125x64xf32, #tpu.memory_space<vmem>>
      %dma_start3A_394 = tpu.memref_squeeze %dma_start3A_393 : memref<1x1x125x64xf32, #tpu.memory_space<vmem>> -> memref<125x64xf32, #tpu.memory_space<vmem>>
      %dma_start3A_395 = arith.constant 0 : i32
      %dma_start3A_396 = tpu.memref_slice %arg8[%add3A_388, %dma_start3A_395] : memref<80x125xi32, #tpu.memory_space<vmem>> -> memref<1x125xi32, #tpu.memory_space<vmem>>
      %dma_start3A_397 = tpu.memref_squeeze %dma_start3A_396 : memref<1x125xi32, #tpu.memory_space<vmem>> -> memref<125xi32, #tpu.memory_space<vmem>>
      %dma_start3A_398 = arith.constant 0 : i32
      %dma_start3A_399 = arith.constant 0 : i32
      %dma_start3A_400 = tpu.memref_slice %arg10[%dma_start3A_398, %dma_start3A_399] : memref<10240x64xf32, #tpu.memory_space<vmem_shared>> -> memref<10240x64xf32, #tpu.memory_space<vmem_shared>>
      tpu.enqueue_indirect_dma source(%dma_start3A_394 : memref<125x64xf32, #tpu.memory_space<vmem>>) target(%dma_start3A_400 : memref<10240x64xf32, #tpu.memory_space<vmem_shared>>) offsets(%dma_start3A_397 : memref<125xi32, #tpu.memory_space<vmem>>) semaphore(%arg13 : memref<!tpu.dma_semaphore, #tpu.memory_space<semaphore_mem>>) {add = true}
      %mul3A_401 = arith.constant 4 : i32
      %mul3A_402 = arith.muli %add3A_206, %mul3A_401 : i32
      %add3A_403 = arith.constant 0 : i32
      %add3A_404 = arith.addi %mul3A_402, %add3A_403 : i32
      %dma_wait3A_405 = arith.constant 1 : i32
      %dma_wait3A_406 = arith.constant 0 : i32
      %dma_wait3A_407 = arith.constant 0 : i32
      %dma_wait3A_408 = arith.constant 0 : i32
      %dma_wait3A_409 = tpu.memref_slice %arg9[%dma_wait3A_405, %dma_wait3A_406, %dma_wait3A_407, %dma_wait3A_408] : memref<2x4x125x64xf32, #tpu.memory_space<vmem>> -> memref<1x1x125x64xf32, #tpu.memory_space<vmem>>
      %dma_wait3A_410 = tpu.memref_squeeze %dma_wait3A_409 : memref<1x1x125x64xf32, #tpu.memory_space<vmem>> -> memref<125x64xf32, #tpu.memory_space<vmem>>
      %dma_wait3A_411 = arith.constant 0 : i32
      %dma_wait3A_412 = tpu.memref_slice %arg7[%add3A_404, %dma_wait3A_411] : memref<80x125xi32, #tpu.memory_space<vmem>> -> memref<1x125xi32, #tpu.memory_space<vmem>>
      %dma_wait3A_413 = tpu.memref_squeeze %dma_wait3A_412 : memref<1x125xi32, #tpu.memory_space<vmem>> -> memref<125xi32, #tpu.memory_space<vmem>>
      %dma_wait3A_414 = arith.constant 0 : i32
      %dma_wait3A_415 = arith.constant 0 : i32
      %dma_wait3A_416 = tpu.memref_slice %arg2[%dma_wait3A_414, %dma_wait3A_415] : memref<10000x64xf32, #tpu.memory_space<hbm>> -> memref<10000x64xf32, #tpu.memory_space<hbm>>
      tpu.wait_indirect_dma semaphore(%arg12 : memref<!tpu.dma_semaphore, #tpu.memory_space<semaphore_mem>>) src(%dma_wait3A_416 : memref<10000x64xf32, #tpu.memory_space<hbm>>) dst(%dma_wait3A_410 : memref<125x64xf32, #tpu.memory_space<vmem>>)
      %mul3A_417 = arith.constant 4 : i32
      %mul3A_418 = arith.muli %add3A_206, %mul3A_417 : i32
      %add3A_419 = arith.constant 1 : i32
      %add3A_420 = arith.addi %mul3A_418, %add3A_419 : i32
      %dma_wait3A_421 = arith.constant 1 : i32
      %dma_wait3A_422 = arith.constant 1 : i32
      %dma_wait3A_423 = arith.constant 0 : i32
      %dma_wait3A_424 = arith.constant 0 : i32
      %dma_wait3A_425 = tpu.memref_slice %arg9[%dma_wait3A_421, %dma_wait3A_422, %dma_wait3A_423, %dma_wait3A_424] : memref<2x4x125x64xf32, #tpu.memory_space<vmem>> -> memref<1x1x125x64xf32, #tpu.memory_space<vmem>>
      %dma_wait3A_426 = tpu.memref_squeeze %dma_wait3A_425 : memref<1x1x125x64xf32, #tpu.memory_space<vmem>> -> memref<125x64xf32, #tpu.memory_space<vmem>>
      %dma_wait3A_427 = arith.constant 0 : i32
      %dma_wait3A_428 = tpu.memref_slice %arg7[%add3A_420, %dma_wait3A_427] : memref<80x125xi32, #tpu.memory_space<vmem>> -> memref<1x125xi32, #tpu.memory_space<vmem>>
      %dma_wait3A_429 = tpu.memref_squeeze %dma_wait3A_428 : memref<1x125xi32, #tpu.memory_space<vmem>> -> memref<125xi32, #tpu.memory_space<vmem>>
      %dma_wait3A_430 = arith.constant 0 : i32
      %dma_wait3A_431 = arith.constant 0 : i32
      %dma_wait3A_432 = tpu.memref_slice %arg2[%dma_wait3A_430, %dma_wait3A_431] : memref<10000x64xf32, #tpu.memory_space<hbm>> -> memref<10000x64xf32, #tpu.memory_space<hbm>>
      tpu.wait_indirect_dma semaphore(%arg12 : memref<!tpu.dma_semaphore, #tpu.memory_space<semaphore_mem>>) src(%dma_wait3A_432 : memref<10000x64xf32, #tpu.memory_space<hbm>>) dst(%dma_wait3A_426 : memref<125x64xf32, #tpu.memory_space<vmem>>)
      %mul3A_433 = arith.constant 4 : i32
      %mul3A_434 = arith.muli %add3A_206, %mul3A_433 : i32
      %add3A_435 = arith.constant 2 : i32
      %add3A_436 = arith.addi %mul3A_434, %add3A_435 : i32
      %dma_wait3A_437 = arith.constant 1 : i32
      %dma_wait3A_438 = arith.constant 2 : i32
      %dma_wait3A_439 = arith.constant 0 : i32
      %dma_wait3A_440 = arith.constant 0 : i32
      %dma_wait3A_441 = tpu.memref_slice %arg9[%dma_wait3A_437, %dma_wait3A_438, %dma_wait3A_439, %dma_wait3A_440] : memref<2x4x125x64xf32, #tpu.memory_space<vmem>> -> memref<1x1x125x64xf32, #tpu.memory_space<vmem>>
      %dma_wait3A_442 = tpu.memref_squeeze %dma_wait3A_441 : memref<1x1x125x64xf32, #tpu.memory_space<vmem>> -> memref<125x64xf32, #tpu.memory_space<vmem>>
      %dma_wait3A_443 = arith.constant 0 : i32
      %dma_wait3A_444 = tpu.memref_slice %arg7[%add3A_436, %dma_wait3A_443] : memref<80x125xi32, #tpu.memory_space<vmem>> -> memref<1x125xi32, #tpu.memory_space<vmem>>
      %dma_wait3A_445 = tpu.memref_squeeze %dma_wait3A_444 : memref<1x125xi32, #tpu.memory_space<vmem>> -> memref<125xi32, #tpu.memory_space<vmem>>
      %dma_wait3A_446 = arith.constant 0 : i32
      %dma_wait3A_447 = arith.constant 0 : i32
      %dma_wait3A_448 = tpu.memref_slice %arg2[%dma_wait3A_446, %dma_wait3A_447] : memref<10000x64xf32, #tpu.memory_space<hbm>> -> memref<10000x64xf32, #tpu.memory_space<hbm>>
      tpu.wait_indirect_dma semaphore(%arg12 : memref<!tpu.dma_semaphore, #tpu.memory_space<semaphore_mem>>) src(%dma_wait3A_448 : memref<10000x64xf32, #tpu.memory_space<hbm>>) dst(%dma_wait3A_442 : memref<125x64xf32, #tpu.memory_space<vmem>>)
      %mul3A_449 = arith.constant 4 : i32
      %mul3A_450 = arith.muli %add3A_206, %mul3A_449 : i32
      %add3A_451 = arith.constant 3 : i32
      %add3A_452 = arith.addi %mul3A_450, %add3A_451 : i32
      %dma_wait3A_453 = arith.constant 1 : i32
      %dma_wait3A_454 = arith.constant 3 : i32
      %dma_wait3A_455 = arith.constant 0 : i32
      %dma_wait3A_456 = arith.constant 0 : i32
      %dma_wait3A_457 = tpu.memref_slice %arg9[%dma_wait3A_453, %dma_wait3A_454, %dma_wait3A_455, %dma_wait3A_456] : memref<2x4x125x64xf32, #tpu.memory_space<vmem>> -> memref<1x1x125x64xf32, #tpu.memory_space<vmem>>
      %dma_wait3A_458 = tpu.memref_squeeze %dma_wait3A_457 : memref<1x1x125x64xf32, #tpu.memory_space<vmem>> -> memref<125x64xf32, #tpu.memory_space<vmem>>
      %dma_wait3A_459 = arith.constant 0 : i32
      %dma_wait3A_460 = tpu.memref_slice %arg7[%add3A_452, %dma_wait3A_459] : memref<80x125xi32, #tpu.memory_space<vmem>> -> memref<1x125xi32, #tpu.memory_space<vmem>>
      %dma_wait3A_461 = tpu.memref_squeeze %dma_wait3A_460 : memref<1x125xi32, #tpu.memory_space<vmem>> -> memref<125xi32, #tpu.memory_space<vmem>>
      %dma_wait3A_462 = arith.constant 0 : i32
      %dma_wait3A_463 = arith.constant 0 : i32
      %dma_wait3A_464 = tpu.memref_slice %arg2[%dma_wait3A_462, %dma_wait3A_463] : memref<10000x64xf32, #tpu.memory_space<hbm>> -> memref<10000x64xf32, #tpu.memory_space<hbm>>
      tpu.wait_indirect_dma semaphore(%arg12 : memref<!tpu.dma_semaphore, #tpu.memory_space<semaphore_mem>>) src(%dma_wait3A_464 : memref<10000x64xf32, #tpu.memory_space<hbm>>) dst(%dma_wait3A_458 : memref<125x64xf32, #tpu.memory_space<vmem>>)
      %mul3A_465 = arith.constant 4 : i32
      %mul3A_466 = arith.muli %add3A_206, %mul3A_465 : i32
      %add3A_467 = arith.constant 0 : i32
      %add3A_468 = arith.addi %mul3A_466, %add3A_467 : i32
      %dma_start3A_469 = arith.constant 1 : i32
      %dma_start3A_470 = arith.constant 0 : i32
      %dma_start3A_471 = arith.constant 0 : i32
      %dma_start3A_472 = arith.constant 0 : i32
      %dma_start3A_473 = tpu.memref_slice %arg9[%dma_start3A_469, %dma_start3A_470, %dma_start3A_471, %dma_start3A_472] : memref<2x4x125x64xf32, #tpu.memory_space<vmem>> -> memref<1x1x125x64xf32, #tpu.memory_space<vmem>>
      %dma_start3A_474 = tpu.memref_squeeze %dma_start3A_473 : memref<1x1x125x64xf32, #tpu.memory_space<vmem>> -> memref<125x64xf32, #tpu.memory_space<vmem>>
      %dma_start3A_475 = arith.constant 0 : i32
      %dma_start3A_476 = tpu.memref_slice %arg8[%add3A_468, %dma_start3A_475] : memref<80x125xi32, #tpu.memory_space<vmem>> -> memref<1x125xi32, #tpu.memory_space<vmem>>
      %dma_start3A_477 = tpu.memref_squeeze %dma_start3A_476 : memref<1x125xi32, #tpu.memory_space<vmem>> -> memref<125xi32, #tpu.memory_space<vmem>>
      %dma_start3A_478 = arith.constant 0 : i32
      %dma_start3A_479 = arith.constant 0 : i32
      %dma_start3A_480 = tpu.memref_slice %arg10[%dma_start3A_478, %dma_start3A_479] : memref<10240x64xf32, #tpu.memory_space<vmem_shared>> -> memref<10240x64xf32, #tpu.memory_space<vmem_shared>>
      tpu.enqueue_indirect_dma source(%dma_start3A_474 : memref<125x64xf32, #tpu.memory_space<vmem>>) target(%dma_start3A_480 : memref<10240x64xf32, #tpu.memory_space<vmem_shared>>) offsets(%dma_start3A_477 : memref<125xi32, #tpu.memory_space<vmem>>) semaphore(%arg14 : memref<!tpu.dma_semaphore, #tpu.memory_space<semaphore_mem>>) {add = true}
      %mul3A_481 = arith.constant 4 : i32
      %mul3A_482 = arith.muli %add3A_206, %mul3A_481 : i32
      %add3A_483 = arith.constant 1 : i32
      %add3A_484 = arith.addi %mul3A_482, %add3A_483 : i32
      %dma_start3A_485 = arith.constant 1 : i32
      %dma_start3A_486 = arith.constant 1 : i32
      %dma_start3A_487 = arith.constant 0 : i32
      %dma_start3A_488 = arith.constant 0 : i32
      %dma_start3A_489 = tpu.memref_slice %arg9[%dma_start3A_485, %dma_start3A_486, %dma_start3A_487, %dma_start3A_488] : memref<2x4x125x64xf32, #tpu.memory_space<vmem>> -> memref<1x1x125x64xf32, #tpu.memory_space<vmem>>
      %dma_start3A_490 = tpu.memref_squeeze %dma_start3A_489 : memref<1x1x125x64xf32, #tpu.memory_space<vmem>> -> memref<125x64xf32, #tpu.memory_space<vmem>>
      %dma_start3A_491 = arith.constant 0 : i32
      %dma_start3A_492 = tpu.memref_slice %arg8[%add3A_484, %dma_start3A_491] : memref<80x125xi32, #tpu.memory_space<vmem>> -> memref<1x125xi32, #tpu.memory_space<vmem>>
      %dma_start3A_493 = tpu.memref_squeeze %dma_start3A_492 : memref<1x125xi32, #tpu.memory_space<vmem>> -> memref<125xi32, #tpu.memory_space<vmem>>
      %dma_start3A_494 = arith.constant 0 : i32
      %dma_start3A_495 = arith.constant 0 : i32
      %dma_start3A_496 = tpu.memref_slice %arg10[%dma_start3A_494, %dma_start3A_495] : memref<10240x64xf32, #tpu.memory_space<vmem_shared>> -> memref<10240x64xf32, #tpu.memory_space<vmem_shared>>
      tpu.enqueue_indirect_dma source(%dma_start3A_490 : memref<125x64xf32, #tpu.memory_space<vmem>>) target(%dma_start3A_496 : memref<10240x64xf32, #tpu.memory_space<vmem_shared>>) offsets(%dma_start3A_493 : memref<125xi32, #tpu.memory_space<vmem>>) semaphore(%arg14 : memref<!tpu.dma_semaphore, #tpu.memory_space<semaphore_mem>>) {add = true}
      %mul3A_497 = arith.constant 4 : i32
      %mul3A_498 = arith.muli %add3A_206, %mul3A_497 : i32
      %add3A_499 = arith.constant 2 : i32
      %add3A_500 = arith.addi %mul3A_498, %add3A_499 : i32
      %dma_start3A_501 = arith.constant 1 : i32
      %dma_start3A_502 = arith.constant 2 : i32
      %dma_start3A_503 = arith.constant 0 : i32
      %dma_start3A_504 = arith.constant 0 : i32
      %dma_start3A_505 = tpu.memref_slice %arg9[%dma_start3A_501, %dma_start3A_502, %dma_start3A_503, %dma_start3A_504] : memref<2x4x125x64xf32, #tpu.memory_space<vmem>> -> memref<1x1x125x64xf32, #tpu.memory_space<vmem>>
      %dma_start3A_506 = tpu.memref_squeeze %dma_start3A_505 : memref<1x1x125x64xf32, #tpu.memory_space<vmem>> -> memref<125x64xf32, #tpu.memory_space<vmem>>
      %dma_start3A_507 = arith.constant 0 : i32
      %dma_start3A_508 = tpu.memref_slice %arg8[%add3A_500, %dma_start3A_507] : memref<80x125xi32, #tpu.memory_space<vmem>> -> memref<1x125xi32, #tpu.memory_space<vmem>>
      %dma_start3A_509 = tpu.memref_squeeze %dma_start3A_508 : memref<1x125xi32, #tpu.memory_space<vmem>> -> memref<125xi32, #tpu.memory_space<vmem>>
      %dma_start3A_510 = arith.constant 0 : i32
      %dma_start3A_511 = arith.constant 0 : i32
      %dma_start3A_512 = tpu.memref_slice %arg10[%dma_start3A_510, %dma_start3A_511] : memref<10240x64xf32, #tpu.memory_space<vmem_shared>> -> memref<10240x64xf32, #tpu.memory_space<vmem_shared>>
      tpu.enqueue_indirect_dma source(%dma_start3A_506 : memref<125x64xf32, #tpu.memory_space<vmem>>) target(%dma_start3A_512 : memref<10240x64xf32, #tpu.memory_space<vmem_shared>>) offsets(%dma_start3A_509 : memref<125xi32, #tpu.memory_space<vmem>>) semaphore(%arg14 : memref<!tpu.dma_semaphore, #tpu.memory_space<semaphore_mem>>) {add = true}
      %mul3A_513 = arith.constant 4 : i32
      %mul3A_514 = arith.muli %add3A_206, %mul3A_513 : i32
      %add3A_515 = arith.constant 3 : i32
      %add3A_516 = arith.addi %mul3A_514, %add3A_515 : i32
      %dma_start3A_517 = arith.constant 1 : i32
      %dma_start3A_518 = arith.constant 3 : i32
      %dma_start3A_519 = arith.constant 0 : i32
      %dma_start3A_520 = arith.constant 0 : i32
      %dma_start3A_521 = tpu.memref_slice %arg9[%dma_start3A_517, %dma_start3A_518, %dma_start3A_519, %dma_start3A_520] : memref<2x4x125x64xf32, #tpu.memory_space<vmem>> -> memref<1x1x125x64xf32, #tpu.memory_space<vmem>>
      %dma_start3A_522 = tpu.memref_squeeze %dma_start3A_521 : memref<1x1x125x64xf32, #tpu.memory_space<vmem>> -> memref<125x64xf32, #tpu.memory_space<vmem>>
      %dma_start3A_523 = arith.constant 0 : i32
      %dma_start3A_524 = tpu.memref_slice %arg8[%add3A_516, %dma_start3A_523] : memref<80x125xi32, #tpu.memory_space<vmem>> -> memref<1x125xi32, #tpu.memory_space<vmem>>
      %dma_start3A_525 = tpu.memref_squeeze %dma_start3A_524 : memref<1x125xi32, #tpu.memory_space<vmem>> -> memref<125xi32, #tpu.memory_space<vmem>>
      %dma_start3A_526 = arith.constant 0 : i32
      %dma_start3A_527 = arith.constant 0 : i32
      %dma_start3A_528 = tpu.memref_slice %arg10[%dma_start3A_526, %dma_start3A_527] : memref<10240x64xf32, #tpu.memory_space<vmem_shared>> -> memref<10240x64xf32, #tpu.memory_space<vmem_shared>>
      tpu.enqueue_indirect_dma source(%dma_start3A_522 : memref<125x64xf32, #tpu.memory_space<vmem>>) target(%dma_start3A_528 : memref<10240x64xf32, #tpu.memory_space<vmem_shared>>) offsets(%dma_start3A_525 : memref<125xi32, #tpu.memory_space<vmem>>) semaphore(%arg14 : memref<!tpu.dma_semaphore, #tpu.memory_space<semaphore_mem>>) {add = true}
      %lt3A = arith.constant 9 : i32
      %lt3A_529 = arith.cmpi slt, %scan3A_202, %lt3A : i32
      %convert_element_type3A_530 = arith.extui %lt3A_529 : i1 to i32
      %cond3A_531 = arith.constant 0 : i32
      %cond3A_532 = arith.cmpi ne, %convert_element_type3A_530, %cond3A_531 : i32
      scf.if %cond3A_532 {
        %mul3A_533 = arith.constant 4 : i32
        %mul3A_534 = arith.muli %mul3A_204, %mul3A_533 : i32
        %add3A_535 = arith.constant 0 : i32
        %add3A_536 = arith.addi %mul3A_534, %add3A_535 : i32
        %dma_wait3A_537 = arith.constant 0 : i32
        %dma_wait3A_538 = arith.constant 0 : i32
        %dma_wait3A_539 = arith.constant 0 : i32
        %dma_wait3A_540 = arith.constant 0 : i32
        %dma_wait3A_541 = tpu.memref_slice %arg9[%dma_wait3A_537, %dma_wait3A_538, %dma_wait3A_539, %dma_wait3A_540] : memref<2x4x125x64xf32, #tpu.memory_space<vmem>> -> memref<1x1x125x64xf32, #tpu.memory_space<vmem>>
        %dma_wait3A_542 = tpu.memref_squeeze %dma_wait3A_541 : memref<1x1x125x64xf32, #tpu.memory_space<vmem>> -> memref<125x64xf32, #tpu.memory_space<vmem>>
        %dma_wait3A_543 = arith.constant 0 : i32
        %dma_wait3A_544 = tpu.memref_slice %arg8[%add3A_536, %dma_wait3A_543] : memref<80x125xi32, #tpu.memory_space<vmem>> -> memref<1x125xi32, #tpu.memory_space<vmem>>
        %dma_wait3A_545 = tpu.memref_squeeze %dma_wait3A_544 : memref<1x125xi32, #tpu.memory_space<vmem>> -> memref<125xi32, #tpu.memory_space<vmem>>
        %dma_wait3A_546 = arith.constant 0 : i32
        %dma_wait3A_547 = arith.constant 0 : i32
        %dma_wait3A_548 = tpu.memref_slice %arg10[%dma_wait3A_546, %dma_wait3A_547] : memref<10240x64xf32, #tpu.memory_space<vmem_shared>> -> memref<10240x64xf32, #tpu.memory_space<vmem_shared>>
        tpu.wait_indirect_dma semaphore(%arg13 : memref<!tpu.dma_semaphore, #tpu.memory_space<semaphore_mem>>) src(%dma_wait3A_542 : memref<125x64xf32, #tpu.memory_space<vmem>>) dst(%dma_wait3A_548 : memref<10240x64xf32, #tpu.memory_space<vmem_shared>>)
        %mul3A_549 = arith.constant 4 : i32
        %mul3A_550 = arith.muli %mul3A_204, %mul3A_549 : i32
        %add3A_551 = arith.constant 1 : i32
        %add3A_552 = arith.addi %mul3A_550, %add3A_551 : i32
        %dma_wait3A_553 = arith.constant 0 : i32
        %dma_wait3A_554 = arith.constant 1 : i32
        %dma_wait3A_555 = arith.constant 0 : i32
        %dma_wait3A_556 = arith.constant 0 : i32
        %dma_wait3A_557 = tpu.memref_slice %arg9[%dma_wait3A_553, %dma_wait3A_554, %dma_wait3A_555, %dma_wait3A_556] : memref<2x4x125x64xf32, #tpu.memory_space<vmem>> -> memref<1x1x125x64xf32, #tpu.memory_space<vmem>>
        %dma_wait3A_558 = tpu.memref_squeeze %dma_wait3A_557 : memref<1x1x125x64xf32, #tpu.memory_space<vmem>> -> memref<125x64xf32, #tpu.memory_space<vmem>>
        %dma_wait3A_559 = arith.constant 0 : i32
        %dma_wait3A_560 = tpu.memref_slice %arg8[%add3A_552, %dma_wait3A_559] : memref<80x125xi32, #tpu.memory_space<vmem>> -> memref<1x125xi32, #tpu.memory_space<vmem>>
        %dma_wait3A_561 = tpu.memref_squeeze %dma_wait3A_560 : memref<1x125xi32, #tpu.memory_space<vmem>> -> memref<125xi32, #tpu.memory_space<vmem>>
        %dma_wait3A_562 = arith.constant 0 : i32
        %dma_wait3A_563 = arith.constant 0 : i32
        %dma_wait3A_564 = tpu.memref_slice %arg10[%dma_wait3A_562, %dma_wait3A_563] : memref<10240x64xf32, #tpu.memory_space<vmem_shared>> -> memref<10240x64xf32, #tpu.memory_space<vmem_shared>>
        tpu.wait_indirect_dma semaphore(%arg13 : memref<!tpu.dma_semaphore, #tpu.memory_space<semaphore_mem>>) src(%dma_wait3A_558 : memref<125x64xf32, #tpu.memory_space<vmem>>) dst(%dma_wait3A_564 : memref<10240x64xf32, #tpu.memory_space<vmem_shared>>)
        %mul3A_565 = arith.constant 4 : i32
        %mul3A_566 = arith.muli %mul3A_204, %mul3A_565 : i32
        %add3A_567 = arith.constant 2 : i32
        %add3A_568 = arith.addi %mul3A_566, %add3A_567 : i32
        %dma_wait3A_569 = arith.constant 0 : i32
        %dma_wait3A_570 = arith.constant 2 : i32
        %dma_wait3A_571 = arith.constant 0 : i32
        %dma_wait3A_572 = arith.constant 0 : i32
        %dma_wait3A_573 = tpu.memref_slice %arg9[%dma_wait3A_569, %dma_wait3A_570, %dma_wait3A_571, %dma_wait3A_572] : memref<2x4x125x64xf32, #tpu.memory_space<vmem>> -> memref<1x1x125x64xf32, #tpu.memory_space<vmem>>
        %dma_wait3A_574 = tpu.memref_squeeze %dma_wait3A_573 : memref<1x1x125x64xf32, #tpu.memory_space<vmem>> -> memref<125x64xf32, #tpu.memory_space<vmem>>
        %dma_wait3A_575 = arith.constant 0 : i32
        %dma_wait3A_576 = tpu.memref_slice %arg8[%add3A_568, %dma_wait3A_575] : memref<80x125xi32, #tpu.memory_space<vmem>> -> memref<1x125xi32, #tpu.memory_space<vmem>>
        %dma_wait3A_577 = tpu.memref_squeeze %dma_wait3A_576 : memref<1x125xi32, #tpu.memory_space<vmem>> -> memref<125xi32, #tpu.memory_space<vmem>>
        %dma_wait3A_578 = arith.constant 0 : i32
        %dma_wait3A_579 = arith.constant 0 : i32
        %dma_wait3A_580 = tpu.memref_slice %arg10[%dma_wait3A_578, %dma_wait3A_579] : memref<10240x64xf32, #tpu.memory_space<vmem_shared>> -> memref<10240x64xf32, #tpu.memory_space<vmem_shared>>
        tpu.wait_indirect_dma semaphore(%arg13 : memref<!tpu.dma_semaphore, #tpu.memory_space<semaphore_mem>>) src(%dma_wait3A_574 : memref<125x64xf32, #tpu.memory_space<vmem>>) dst(%dma_wait3A_580 : memref<10240x64xf32, #tpu.memory_space<vmem_shared>>)
        %mul3A_581 = arith.constant 4 : i32
        %mul3A_582 = arith.muli %mul3A_204, %mul3A_581 : i32
        %add3A_583 = arith.constant 3 : i32
        %add3A_584 = arith.addi %mul3A_582, %add3A_583 : i32
        %dma_wait3A_585 = arith.constant 0 : i32
        %dma_wait3A_586 = arith.constant 3 : i32
        %dma_wait3A_587 = arith.constant 0 : i32
        %dma_wait3A_588 = arith.constant 0 : i32
        %dma_wait3A_589 = tpu.memref_slice %arg9[%dma_wait3A_585, %dma_wait3A_586, %dma_wait3A_587, %dma_wait3A_588] : memref<2x4x125x64xf32, #tpu.memory_space<vmem>> -> memref<1x1x125x64xf32, #tpu.memory_space<vmem>>
        %dma_wait3A_590 = tpu.memref_squeeze %dma_wait3A_589 : memref<1x1x125x64xf32, #tpu.memory_space<vmem>> -> memref<125x64xf32, #tpu.memory_space<vmem>>
        %dma_wait3A_591 = arith.constant 0 : i32
        %dma_wait3A_592 = tpu.memref_slice %arg8[%add3A_584, %dma_wait3A_591] : memref<80x125xi32, #tpu.memory_space<vmem>> -> memref<1x125xi32, #tpu.memory_space<vmem>>
        %dma_wait3A_593 = tpu.memref_squeeze %dma_wait3A_592 : memref<1x125xi32, #tpu.memory_space<vmem>> -> memref<125xi32, #tpu.memory_space<vmem>>
        %dma_wait3A_594 = arith.constant 0 : i32
        %dma_wait3A_595 = arith.constant 0 : i32
        %dma_wait3A_596 = tpu.memref_slice %arg10[%dma_wait3A_594, %dma_wait3A_595] : memref<10240x64xf32, #tpu.memory_space<vmem_shared>> -> memref<10240x64xf32, #tpu.memory_space<vmem_shared>>
        tpu.wait_indirect_dma semaphore(%arg13 : memref<!tpu.dma_semaphore, #tpu.memory_space<semaphore_mem>>) src(%dma_wait3A_590 : memref<125x64xf32, #tpu.memory_space<vmem>>) dst(%dma_wait3A_596 : memref<10240x64xf32, #tpu.memory_space<vmem_shared>>)
        %add3A_597 = arith.constant 2 : i32
        %add3A_598 = arith.addi %mul3A_204, %add3A_597 : i32
        %mul3A_599 = arith.constant 4 : i32
        %mul3A_600 = arith.muli %add3A_598, %mul3A_599 : i32
        %add3A_601 = arith.constant 0 : i32
        %add3A_602 = arith.addi %mul3A_600, %add3A_601 : i32
        %dma_start3A_603 = arith.constant 0 : i32
        %dma_start3A_604 = arith.constant 0 : i32
        %dma_start3A_605 = arith.constant 0 : i32
        %dma_start3A_606 = arith.constant 0 : i32
        %dma_start3A_607 = tpu.memref_slice %arg9[%dma_start3A_603, %dma_start3A_604, %dma_start3A_605, %dma_start3A_606] : memref<2x4x125x64xf32, #tpu.memory_space<vmem>> -> memref<1x1x125x64xf32, #tpu.memory_space<vmem>>
        %dma_start3A_608 = tpu.memref_squeeze %dma_start3A_607 : memref<1x1x125x64xf32, #tpu.memory_space<vmem>> -> memref<125x64xf32, #tpu.memory_space<vmem>>
        %dma_start3A_609 = arith.constant 0 : i32
        %dma_start3A_610 = tpu.memref_slice %arg7[%add3A_602, %dma_start3A_609] : memref<80x125xi32, #tpu.memory_space<vmem>> -> memref<1x125xi32, #tpu.memory_space<vmem>>
        %dma_start3A_611 = tpu.memref_squeeze %dma_start3A_610 : memref<1x125xi32, #tpu.memory_space<vmem>> -> memref<125xi32, #tpu.memory_space<vmem>>
        %dma_start3A_612 = arith.constant 0 : i32
        %dma_start3A_613 = arith.constant 0 : i32
        %dma_start3A_614 = tpu.memref_slice %arg2[%dma_start3A_612, %dma_start3A_613] : memref<10000x64xf32, #tpu.memory_space<hbm>> -> memref<10000x64xf32, #tpu.memory_space<hbm>>
        tpu.enqueue_indirect_dma source(%dma_start3A_614 : memref<10000x64xf32, #tpu.memory_space<hbm>>) target(%dma_start3A_608 : memref<125x64xf32, #tpu.memory_space<vmem>>) offsets(%dma_start3A_611 : memref<125xi32, #tpu.memory_space<vmem>>) semaphore(%arg11 : memref<!tpu.dma_semaphore, #tpu.memory_space<semaphore_mem>>)
        %mul3A_615 = arith.constant 4 : i32
        %mul3A_616 = arith.muli %add3A_598, %mul3A_615 : i32
        %add3A_617 = arith.constant 1 : i32
        %add3A_618 = arith.addi %mul3A_616, %add3A_617 : i32
        %dma_start3A_619 = arith.constant 0 : i32
        %dma_start3A_620 = arith.constant 1 : i32
        %dma_start3A_621 = arith.constant 0 : i32
        %dma_start3A_622 = arith.constant 0 : i32
        %dma_start3A_623 = tpu.memref_slice %arg9[%dma_start3A_619, %dma_start3A_620, %dma_start3A_621, %dma_start3A_622] : memref<2x4x125x64xf32, #tpu.memory_space<vmem>> -> memref<1x1x125x64xf32, #tpu.memory_space<vmem>>
        %dma_start3A_624 = tpu.memref_squeeze %dma_start3A_623 : memref<1x1x125x64xf32, #tpu.memory_space<vmem>> -> memref<125x64xf32, #tpu.memory_space<vmem>>
        %dma_start3A_625 = arith.constant 0 : i32
        %dma_start3A_626 = tpu.memref_slice %arg7[%add3A_618, %dma_start3A_625] : memref<80x125xi32, #tpu.memory_space<vmem>> -> memref<1x125xi32, #tpu.memory_space<vmem>>
        %dma_start3A_627 = tpu.memref_squeeze %dma_start3A_626 : memref<1x125xi32, #tpu.memory_space<vmem>> -> memref<125xi32, #tpu.memory_space<vmem>>
        %dma_start3A_628 = arith.constant 0 : i32
        %dma_start3A_629 = arith.constant 0 : i32
        %dma_start3A_630 = tpu.memref_slice %arg2[%dma_start3A_628, %dma_start3A_629] : memref<10000x64xf32, #tpu.memory_space<hbm>> -> memref<10000x64xf32, #tpu.memory_space<hbm>>
        tpu.enqueue_indirect_dma source(%dma_start3A_630 : memref<10000x64xf32, #tpu.memory_space<hbm>>) target(%dma_start3A_624 : memref<125x64xf32, #tpu.memory_space<vmem>>) offsets(%dma_start3A_627 : memref<125xi32, #tpu.memory_space<vmem>>) semaphore(%arg11 : memref<!tpu.dma_semaphore, #tpu.memory_space<semaphore_mem>>)
        %mul3A_631 = arith.constant 4 : i32
        %mul3A_632 = arith.muli %add3A_598, %mul3A_631 : i32
        %add3A_633 = arith.constant 2 : i32
        %add3A_634 = arith.addi %mul3A_632, %add3A_633 : i32
        %dma_start3A_635 = arith.constant 0 : i32
        %dma_start3A_636 = arith.constant 2 : i32
        %dma_start3A_637 = arith.constant 0 : i32
        %dma_start3A_638 = arith.constant 0 : i32
        %dma_start3A_639 = tpu.memref_slice %arg9[%dma_start3A_635, %dma_start3A_636, %dma_start3A_637, %dma_start3A_638] : memref<2x4x125x64xf32, #tpu.memory_space<vmem>> -> memref<1x1x125x64xf32, #tpu.memory_space<vmem>>
        %dma_start3A_640 = tpu.memref_squeeze %dma_start3A_639 : memref<1x1x125x64xf32, #tpu.memory_space<vmem>> -> memref<125x64xf32, #tpu.memory_space<vmem>>
        %dma_start3A_641 = arith.constant 0 : i32
        %dma_start3A_642 = tpu.memref_slice %arg7[%add3A_634, %dma_start3A_641] : memref<80x125xi32, #tpu.memory_space<vmem>> -> memref<1x125xi32, #tpu.memory_space<vmem>>
        %dma_start3A_643 = tpu.memref_squeeze %dma_start3A_642 : memref<1x125xi32, #tpu.memory_space<vmem>> -> memref<125xi32, #tpu.memory_space<vmem>>
        %dma_start3A_644 = arith.constant 0 : i32
        %dma_start3A_645 = arith.constant 0 : i32
        %dma_start3A_646 = tpu.memref_slice %arg2[%dma_start3A_644, %dma_start3A_645] : memref<10000x64xf32, #tpu.memory_space<hbm>> -> memref<10000x64xf32, #tpu.memory_space<hbm>>
        tpu.enqueue_indirect_dma source(%dma_start3A_646 : memref<10000x64xf32, #tpu.memory_space<hbm>>) target(%dma_start3A_640 : memref<125x64xf32, #tpu.memory_space<vmem>>) offsets(%dma_start3A_643 : memref<125xi32, #tpu.memory_space<vmem>>) semaphore(%arg11 : memref<!tpu.dma_semaphore, #tpu.memory_space<semaphore_mem>>)
        %mul3A_647 = arith.constant 4 : i32
        %mul3A_648 = arith.muli %add3A_598, %mul3A_647 : i32
        %add3A_649 = arith.constant 3 : i32
        %add3A_650 = arith.addi %mul3A_648, %add3A_649 : i32
        %dma_start3A_651 = arith.constant 0 : i32
        %dma_start3A_652 = arith.constant 3 : i32
        %dma_start3A_653 = arith.constant 0 : i32
        %dma_start3A_654 = arith.constant 0 : i32
        %dma_start3A_655 = tpu.memref_slice %arg9[%dma_start3A_651, %dma_start3A_652, %dma_start3A_653, %dma_start3A_654] : memref<2x4x125x64xf32, #tpu.memory_space<vmem>> -> memref<1x1x125x64xf32, #tpu.memory_space<vmem>>
        %dma_start3A_656 = tpu.memref_squeeze %dma_start3A_655 : memref<1x1x125x64xf32, #tpu.memory_space<vmem>> -> memref<125x64xf32, #tpu.memory_space<vmem>>
        %dma_start3A_657 = arith.constant 0 : i32
        %dma_start3A_658 = tpu.memref_slice %arg7[%add3A_650, %dma_start3A_657] : memref<80x125xi32, #tpu.memory_space<vmem>> -> memref<1x125xi32, #tpu.memory_space<vmem>>
        %dma_start3A_659 = tpu.memref_squeeze %dma_start3A_658 : memref<1x125xi32, #tpu.memory_space<vmem>> -> memref<125xi32, #tpu.memory_space<vmem>>
        %dma_start3A_660 = arith.constant 0 : i32
        %dma_start3A_661 = arith.constant 0 : i32
        %dma_start3A_662 = tpu.memref_slice %arg2[%dma_start3A_660, %dma_start3A_661] : memref<10000x64xf32, #tpu.memory_space<hbm>> -> memref<10000x64xf32, #tpu.memory_space<hbm>>
        tpu.enqueue_indirect_dma source(%dma_start3A_662 : memref<10000x64xf32, #tpu.memory_space<hbm>>) target(%dma_start3A_656 : memref<125x64xf32, #tpu.memory_space<vmem>>) offsets(%dma_start3A_659 : memref<125xi32, #tpu.memory_space<vmem>>) semaphore(%arg11 : memref<!tpu.dma_semaphore, #tpu.memory_space<semaphore_mem>>)
      } else {
      }
    }
    %scan3A_89 = arith.constant 10 : i32
    %dma_wait3A_90 = arith.constant 0 : i32
    %dma_wait3A_91 = arith.constant 0 : i32
    %dma_wait3A_92 = arith.constant 72 : i32
    %dma_wait3A_93 = arith.constant 0 : i32
    %dma_wait3A_94 = arith.constant 0 : i32
    %dma_wait3A_95 = tpu.memref_slice %arg9[%dma_wait3A_90, %dma_wait3A_91, %dma_wait3A_93, %dma_wait3A_94] : memref<2x4x125x64xf32, #tpu.memory_space<vmem>> -> memref<1x1x125x64xf32, #tpu.memory_space<vmem>>
    %dma_wait3A_96 = tpu.memref_squeeze %dma_wait3A_95 : memref<1x1x125x64xf32, #tpu.memory_space<vmem>> -> memref<125x64xf32, #tpu.memory_space<vmem>>
    %dma_wait3A_97 = arith.constant 0 : i32
    %dma_wait3A_98 = tpu.memref_slice %arg8[%dma_wait3A_92, %dma_wait3A_97] : memref<80x125xi32, #tpu.memory_space<vmem>> -> memref<1x125xi32, #tpu.memory_space<vmem>>
    %dma_wait3A_99 = tpu.memref_squeeze %dma_wait3A_98 : memref<1x125xi32, #tpu.memory_space<vmem>> -> memref<125xi32, #tpu.memory_space<vmem>>
    %dma_wait3A_100 = arith.constant 0 : i32
    %dma_wait3A_101 = arith.constant 0 : i32
    %dma_wait3A_102 = tpu.memref_slice %arg10[%dma_wait3A_100, %dma_wait3A_101] : memref<10240x64xf32, #tpu.memory_space<vmem_shared>> -> memref<10240x64xf32, #tpu.memory_space<vmem_shared>>
    tpu.wait_indirect_dma semaphore(%arg13 : memref<!tpu.dma_semaphore, #tpu.memory_space<semaphore_mem>>) src(%dma_wait3A_96 : memref<125x64xf32, #tpu.memory_space<vmem>>) dst(%dma_wait3A_102 : memref<10240x64xf32, #tpu.memory_space<vmem_shared>>)
    %dma_wait3A_103 = arith.constant 0 : i32
    %dma_wait3A_104 = arith.constant 1 : i32
    %dma_wait3A_105 = arith.constant 73 : i32
    %dma_wait3A_106 = arith.constant 0 : i32
    %dma_wait3A_107 = arith.constant 0 : i32
    %dma_wait3A_108 = tpu.memref_slice %arg9[%dma_wait3A_103, %dma_wait3A_104, %dma_wait3A_106, %dma_wait3A_107] : memref<2x4x125x64xf32, #tpu.memory_space<vmem>> -> memref<1x1x125x64xf32, #tpu.memory_space<vmem>>
    %dma_wait3A_109 = tpu.memref_squeeze %dma_wait3A_108 : memref<1x1x125x64xf32, #tpu.memory_space<vmem>> -> memref<125x64xf32, #tpu.memory_space<vmem>>
    %dma_wait3A_110 = arith.constant 0 : i32
    %dma_wait3A_111 = tpu.memref_slice %arg8[%dma_wait3A_105, %dma_wait3A_110] : memref<80x125xi32, #tpu.memory_space<vmem>> -> memref<1x125xi32, #tpu.memory_space<vmem>>
    %dma_wait3A_112 = tpu.memref_squeeze %dma_wait3A_111 : memref<1x125xi32, #tpu.memory_space<vmem>> -> memref<125xi32, #tpu.memory_space<vmem>>
    %dma_wait3A_113 = arith.constant 0 : i32
    %dma_wait3A_114 = arith.constant 0 : i32
    %dma_wait3A_115 = tpu.memref_slice %arg10[%dma_wait3A_113, %dma_wait3A_114] : memref<10240x64xf32, #tpu.memory_space<vmem_shared>> -> memref<10240x64xf32, #tpu.memory_space<vmem_shared>>
    tpu.wait_indirect_dma semaphore(%arg13 : memref<!tpu.dma_semaphore, #tpu.memory_space<semaphore_mem>>) src(%dma_wait3A_109 : memref<125x64xf32, #tpu.memory_space<vmem>>) dst(%dma_wait3A_115 : memref<10240x64xf32, #tpu.memory_space<vmem_shared>>)
    %dma_wait3A_116 = arith.constant 0 : i32
    %dma_wait3A_117 = arith.constant 2 : i32
    %dma_wait3A_118 = arith.constant 74 : i32
    %dma_wait3A_119 = arith.constant 0 : i32
    %dma_wait3A_120 = arith.constant 0 : i32
    %dma_wait3A_121 = tpu.memref_slice %arg9[%dma_wait3A_116, %dma_wait3A_117, %dma_wait3A_119, %dma_wait3A_120] : memref<2x4x125x64xf32, #tpu.memory_space<vmem>> -> memref<1x1x125x64xf32, #tpu.memory_space<vmem>>
    %dma_wait3A_122 = tpu.memref_squeeze %dma_wait3A_121 : memref<1x1x125x64xf32, #tpu.memory_space<vmem>> -> memref<125x64xf32, #tpu.memory_space<vmem>>
    %dma_wait3A_123 = arith.constant 0 : i32
    %dma_wait3A_124 = tpu.memref_slice %arg8[%dma_wait3A_118, %dma_wait3A_123] : memref<80x125xi32, #tpu.memory_space<vmem>> -> memref<1x125xi32, #tpu.memory_space<vmem>>
    %dma_wait3A_125 = tpu.memref_squeeze %dma_wait3A_124 : memref<1x125xi32, #tpu.memory_space<vmem>> -> memref<125xi32, #tpu.memory_space<vmem>>
    %dma_wait3A_126 = arith.constant 0 : i32
    %dma_wait3A_127 = arith.constant 0 : i32
    %dma_wait3A_128 = tpu.memref_slice %arg10[%dma_wait3A_126, %dma_wait3A_127] : memref<10240x64xf32, #tpu.memory_space<vmem_shared>> -> memref<10240x64xf32, #tpu.memory_space<vmem_shared>>
    tpu.wait_indirect_dma semaphore(%arg13 : memref<!tpu.dma_semaphore, #tpu.memory_space<semaphore_mem>>) src(%dma_wait3A_122 : memref<125x64xf32, #tpu.memory_space<vmem>>) dst(%dma_wait3A_128 : memref<10240x64xf32, #tpu.memory_space<vmem_shared>>)
    %dma_wait3A_129 = arith.constant 0 : i32
    %dma_wait3A_130 = arith.constant 3 : i32
    %dma_wait3A_131 = arith.constant 75 : i32
    %dma_wait3A_132 = arith.constant 0 : i32
    %dma_wait3A_133 = arith.constant 0 : i32
    %dma_wait3A_134 = tpu.memref_slice %arg9[%dma_wait3A_129, %dma_wait3A_130, %dma_wait3A_132, %dma_wait3A_133] : memref<2x4x125x64xf32, #tpu.memory_space<vmem>> -> memref<1x1x125x64xf32, #tpu.memory_space<vmem>>
    %dma_wait3A_135 = tpu.memref_squeeze %dma_wait3A_134 : memref<1x1x125x64xf32, #tpu.memory_space<vmem>> -> memref<125x64xf32, #tpu.memory_space<vmem>>
    %dma_wait3A_136 = arith.constant 0 : i32
    %dma_wait3A_137 = tpu.memref_slice %arg8[%dma_wait3A_131, %dma_wait3A_136] : memref<80x125xi32, #tpu.memory_space<vmem>> -> memref<1x125xi32, #tpu.memory_space<vmem>>
    %dma_wait3A_138 = tpu.memref_squeeze %dma_wait3A_137 : memref<1x125xi32, #tpu.memory_space<vmem>> -> memref<125xi32, #tpu.memory_space<vmem>>
    %dma_wait3A_139 = arith.constant 0 : i32
    %dma_wait3A_140 = arith.constant 0 : i32
    %dma_wait3A_141 = tpu.memref_slice %arg10[%dma_wait3A_139, %dma_wait3A_140] : memref<10240x64xf32, #tpu.memory_space<vmem_shared>> -> memref<10240x64xf32, #tpu.memory_space<vmem_shared>>
    tpu.wait_indirect_dma semaphore(%arg13 : memref<!tpu.dma_semaphore, #tpu.memory_space<semaphore_mem>>) src(%dma_wait3A_135 : memref<125x64xf32, #tpu.memory_space<vmem>>) dst(%dma_wait3A_141 : memref<10240x64xf32, #tpu.memory_space<vmem_shared>>)
    %dma_wait3A_142 = arith.constant 1 : i32
    %dma_wait3A_143 = arith.constant 0 : i32
    %dma_wait3A_144 = arith.constant 76 : i32
    %dma_wait3A_145 = arith.constant 0 : i32
    %dma_wait3A_146 = arith.constant 0 : i32
    %dma_wait3A_147 = tpu.memref_slice %arg9[%dma_wait3A_142, %dma_wait3A_143, %dma_wait3A_145, %dma_wait3A_146] : memref<2x4x125x64xf32, #tpu.memory_space<vmem>> -> memref<1x1x125x64xf32, #tpu.memory_space<vmem>>
    %dma_wait3A_148 = tpu.memref_squeeze %dma_wait3A_147 : memref<1x1x125x64xf32, #tpu.memory_space<vmem>> -> memref<125x64xf32, #tpu.memory_space<vmem>>
    %dma_wait3A_149 = arith.constant 0 : i32
    %dma_wait3A_150 = tpu.memref_slice %arg8[%dma_wait3A_144, %dma_wait3A_149] : memref<80x125xi32, #tpu.memory_space<vmem>> -> memref<1x125xi32, #tpu.memory_space<vmem>>
    %dma_wait3A_151 = tpu.memref_squeeze %dma_wait3A_150 : memref<1x125xi32, #tpu.memory_space<vmem>> -> memref<125xi32, #tpu.memory_space<vmem>>
    %dma_wait3A_152 = arith.constant 0 : i32
    %dma_wait3A_153 = arith.constant 0 : i32
    %dma_wait3A_154 = tpu.memref_slice %arg10[%dma_wait3A_152, %dma_wait3A_153] : memref<10240x64xf32, #tpu.memory_space<vmem_shared>> -> memref<10240x64xf32, #tpu.memory_space<vmem_shared>>
    tpu.wait_indirect_dma semaphore(%arg14 : memref<!tpu.dma_semaphore, #tpu.memory_space<semaphore_mem>>) src(%dma_wait3A_148 : memref<125x64xf32, #tpu.memory_space<vmem>>) dst(%dma_wait3A_154 : memref<10240x64xf32, #tpu.memory_space<vmem_shared>>)
    %dma_wait3A_155 = arith.constant 1 : i32
    %dma_wait3A_156 = arith.constant 1 : i32
    %dma_wait3A_157 = arith.constant 77 : i32
    %dma_wait3A_158 = arith.constant 0 : i32
    %dma_wait3A_159 = arith.constant 0 : i32
    %dma_wait3A_160 = tpu.memref_slice %arg9[%dma_wait3A_155, %dma_wait3A_156, %dma_wait3A_158, %dma_wait3A_159] : memref<2x4x125x64xf32, #tpu.memory_space<vmem>> -> memref<1x1x125x64xf32, #tpu.memory_space<vmem>>
    %dma_wait3A_161 = tpu.memref_squeeze %dma_wait3A_160 : memref<1x1x125x64xf32, #tpu.memory_space<vmem>> -> memref<125x64xf32, #tpu.memory_space<vmem>>
    %dma_wait3A_162 = arith.constant 0 : i32
    %dma_wait3A_163 = tpu.memref_slice %arg8[%dma_wait3A_157, %dma_wait3A_162] : memref<80x125xi32, #tpu.memory_space<vmem>> -> memref<1x125xi32, #tpu.memory_space<vmem>>
    %dma_wait3A_164 = tpu.memref_squeeze %dma_wait3A_163 : memref<1x125xi32, #tpu.memory_space<vmem>> -> memref<125xi32, #tpu.memory_space<vmem>>
    %dma_wait3A_165 = arith.constant 0 : i32
    %dma_wait3A_166 = arith.constant 0 : i32
    %dma_wait3A_167 = tpu.memref_slice %arg10[%dma_wait3A_165, %dma_wait3A_166] : memref<10240x64xf32, #tpu.memory_space<vmem_shared>> -> memref<10240x64xf32, #tpu.memory_space<vmem_shared>>
    tpu.wait_indirect_dma semaphore(%arg14 : memref<!tpu.dma_semaphore, #tpu.memory_space<semaphore_mem>>) src(%dma_wait3A_161 : memref<125x64xf32, #tpu.memory_space<vmem>>) dst(%dma_wait3A_167 : memref<10240x64xf32, #tpu.memory_space<vmem_shared>>)
    %dma_wait3A_168 = arith.constant 1 : i32
    %dma_wait3A_169 = arith.constant 2 : i32
    %dma_wait3A_170 = arith.constant 78 : i32
    %dma_wait3A_171 = arith.constant 0 : i32
    %dma_wait3A_172 = arith.constant 0 : i32
    %dma_wait3A_173 = tpu.memref_slice %arg9[%dma_wait3A_168, %dma_wait3A_169, %dma_wait3A_171, %dma_wait3A_172] : memref<2x4x125x64xf32, #tpu.memory_space<vmem>> -> memref<1x1x125x64xf32, #tpu.memory_space<vmem>>
    %dma_wait3A_174 = tpu.memref_squeeze %dma_wait3A_173 : memref<1x1x125x64xf32, #tpu.memory_space<vmem>> -> memref<125x64xf32, #tpu.memory_space<vmem>>
    %dma_wait3A_175 = arith.constant 0 : i32
    %dma_wait3A_176 = tpu.memref_slice %arg8[%dma_wait3A_170, %dma_wait3A_175] : memref<80x125xi32, #tpu.memory_space<vmem>> -> memref<1x125xi32, #tpu.memory_space<vmem>>
    %dma_wait3A_177 = tpu.memref_squeeze %dma_wait3A_176 : memref<1x125xi32, #tpu.memory_space<vmem>> -> memref<125xi32, #tpu.memory_space<vmem>>
    %dma_wait3A_178 = arith.constant 0 : i32
    %dma_wait3A_179 = arith.constant 0 : i32
    %dma_wait3A_180 = tpu.memref_slice %arg10[%dma_wait3A_178, %dma_wait3A_179] : memref<10240x64xf32, #tpu.memory_space<vmem_shared>> -> memref<10240x64xf32, #tpu.memory_space<vmem_shared>>
    tpu.wait_indirect_dma semaphore(%arg14 : memref<!tpu.dma_semaphore, #tpu.memory_space<semaphore_mem>>) src(%dma_wait3A_174 : memref<125x64xf32, #tpu.memory_space<vmem>>) dst(%dma_wait3A_180 : memref<10240x64xf32, #tpu.memory_space<vmem_shared>>)
    %dma_wait3A_181 = arith.constant 1 : i32
    %dma_wait3A_182 = arith.constant 3 : i32
    %dma_wait3A_183 = arith.constant 79 : i32
    %dma_wait3A_184 = arith.constant 0 : i32
    %dma_wait3A_185 = arith.constant 0 : i32
    %dma_wait3A_186 = tpu.memref_slice %arg9[%dma_wait3A_181, %dma_wait3A_182, %dma_wait3A_184, %dma_wait3A_185] : memref<2x4x125x64xf32, #tpu.memory_space<vmem>> -> memref<1x1x125x64xf32, #tpu.memory_space<vmem>>
    %dma_wait3A_187 = tpu.memref_squeeze %dma_wait3A_186 : memref<1x1x125x64xf32, #tpu.memory_space<vmem>> -> memref<125x64xf32, #tpu.memory_space<vmem>>
    %dma_wait3A_188 = arith.constant 0 : i32
    %dma_wait3A_189 = tpu.memref_slice %arg8[%dma_wait3A_183, %dma_wait3A_188] : memref<80x125xi32, #tpu.memory_space<vmem>> -> memref<1x125xi32, #tpu.memory_space<vmem>>
    %dma_wait3A_190 = tpu.memref_squeeze %dma_wait3A_189 : memref<1x125xi32, #tpu.memory_space<vmem>> -> memref<125xi32, #tpu.memory_space<vmem>>
    %dma_wait3A_191 = arith.constant 0 : i32
    %dma_wait3A_192 = arith.constant 0 : i32
    %dma_wait3A_193 = tpu.memref_slice %arg10[%dma_wait3A_191, %dma_wait3A_192] : memref<10240x64xf32, #tpu.memory_space<vmem_shared>> -> memref<10240x64xf32, #tpu.memory_space<vmem_shared>>
    tpu.wait_indirect_dma semaphore(%arg14 : memref<!tpu.dma_semaphore, #tpu.memory_space<semaphore_mem>>) src(%dma_wait3A_187 : memref<125x64xf32, #tpu.memory_space<vmem>>) dst(%dma_wait3A_193 : memref<10240x64xf32, #tpu.memory_space<vmem_shared>>)
    %barrier3A_194 = arith.constant 0 : index
    tpu.barrier barrier_id(%barrier3A_194)
    %mul3A_195 = arith.constant 640 : i32
    %mul3A_196 = arith.muli %arg1, %mul3A_195 : i32
    %mul3A_197 = arith.constant 10240 : i32
    %mul3A_198 = arith.muli %arg0, %mul3A_197 : i32
    %mul3A_199 = arith.constant 640 : i32
    %mul3A_200 = arith.muli %arg1, %mul3A_199 : i32
    %add3A_201 = arith.addi %mul3A_198, %mul3A_200 : i32
    "tpu.region"() ({
      %run_scoped3A = tpu.sem_alloc : memref<!tpu.dma_semaphore, #tpu.memory_space<semaphore_mem>>
      %dma_start3A_202 = arith.constant 0 : i32
      %dma_start3A_203 = tpu.memref_slice %arg6[%add3A_201, %dma_start3A_202] : memref<20480x64xf32, #tpu.memory_space<hbm>> -> memref<640x64xf32, #tpu.memory_space<hbm>>
      %dma_start3A_204 = arith.constant 0 : i32
      %dma_start3A_205 = tpu.memref_slice %arg10[%mul3A_196, %dma_start3A_204] : memref<10240x64xf32, #tpu.memory_space<vmem_shared>> -> memref<640x64xf32, #tpu.memory_space<vmem_shared>>
      tpu.enqueue_dma source(%dma_start3A_205 : memref<640x64xf32, #tpu.memory_space<vmem_shared>>) target(%dma_start3A_203 : memref<640x64xf32, #tpu.memory_space<hbm>>) target_semaphore(%run_scoped3A : memref<!tpu.dma_semaphore, #tpu.memory_space<semaphore_mem>>)
      %dma_wait3A_206 = arith.constant 0 : i32
      %dma_wait3A_207 = tpu.memref_slice %arg6[%add3A_201, %dma_wait3A_206] : memref<20480x64xf32, #tpu.memory_space<hbm>> -> memref<640x64xf32, #tpu.memory_space<hbm>>
      %dma_wait3A_208 = arith.constant 0 : i32
      %dma_wait3A_209 = tpu.memref_slice %arg10[%mul3A_196, %dma_wait3A_208] : memref<10240x64xf32, #tpu.memory_space<vmem_shared>> -> memref<640x64xf32, #tpu.memory_space<vmem_shared>>
      tpu.wait_dma2 semaphore(%run_scoped3A : memref<!tpu.dma_semaphore, #tpu.memory_space<semaphore_mem>>) src(%dma_wait3A_209 : memref<640x64xf32, #tpu.memory_space<vmem_shared>>) dst(%dma_wait3A_207 : memref<640x64xf32, #tpu.memory_space<hbm>>)
      tpu.yield
    }) : () -> ()
    return
  }
}

#map = affine_map<(d0, d1) -> (0, 0)>
#map1 = affine_map<(d0, d1) -> (0, 0, 0)>
module attributes {stable_mosaic.version = 14 : i64} {
  func.func @_sc_agg_body(%arg0: i32, %arg1: i32, %arg2: memref<10000x64xf32, #tpu.memory_space<hbm>>, %arg3: memref<32x80x125xi32, #tpu.memory_space<hbm>>, %arg4: memref<32x80x125xi32, #tpu.memory_space<hbm>>, %arg5: memref<640x64xf32, #tpu.memory_space<hbm>>, %arg6: memref<20480x64xf32, #tpu.memory_space<hbm>>, %arg7: memref<80x125xi32, #tpu.memory_space<vmem>>, %arg8: memref<80x125xi32, #tpu.memory_space<vmem>>, %arg9: memref<2x4x125x64xf32, #tpu.memory_space<vmem>>, %arg10: memref<10240x64xf32, #tpu.memory_space<vmem_shared>>, %arg11: memref<!tpu.dma_semaphore, #tpu.memory_space<semaphore_mem>>, %arg12: memref<!tpu.dma_semaphore, #tpu.memory_space<semaphore_mem>>, %arg13: memref<!tpu.dma_semaphore, #tpu.memory_space<semaphore_mem>>, %arg14: memref<!tpu.dma_semaphore, #tpu.memory_space<semaphore_mem>>) attributes {dimension_semantics = [#tpu.dimension_semantics<core_parallel>, #tpu.dimension_semantics<subcore_parallel>], iteration_bounds = array<i64: 2, 16>, scalar_prefetch = 0 : i64, scratch_operands = 8 : i64, tpu.core_type = #tpu.core_type<sc_vector_subcore>, window_params = [{transform_indices = #map}, {transform_indices = #map1}, {transform_indices = #map1}, {transform_indices = #map}, {transform_indices = #map}]} {
    %mul3A = arith.constant 2 : i32
    %mul3A_0 = arith.muli %arg1, %mul3A : i32
    %add3A = arith.addi %mul3A_0, %arg0 : i32
    %mul3A_1 = arith.constant 640 : i32
    %mul3A_2 = arith.muli %arg1, %mul3A_1 : i32
    "tpu.region"() ({
      %run_scoped3A = tpu.sem_alloc : memref<!tpu.dma_semaphore, #tpu.memory_space<semaphore_mem>>
      %dma_start3A_202 = arith.constant 0 : i32
      %dma_start3A_203 = tpu.memref_slice %arg10[%mul3A_2, %dma_start3A_202] : memref<10240x64xf32, #tpu.memory_space<vmem_shared>> -> memref<640x64xf32, #tpu.memory_space<vmem_shared>>
      tpu.enqueue_dma source(%arg5 : memref<640x64xf32, #tpu.memory_space<hbm>>) target(%dma_start3A_203 : memref<640x64xf32, #tpu.memory_space<vmem_shared>>) target_semaphore(%run_scoped3A : memref<!tpu.dma_semaphore, #tpu.memory_space<semaphore_mem>>)
      %dma_wait3A_204 = arith.constant 0 : i32
      %dma_wait3A_205 = tpu.memref_slice %arg10[%mul3A_2, %dma_wait3A_204] : memref<10240x64xf32, #tpu.memory_space<vmem_shared>> -> memref<640x64xf32, #tpu.memory_space<vmem_shared>>
      tpu.wait_dma2 semaphore(%run_scoped3A : memref<!tpu.dma_semaphore, #tpu.memory_space<semaphore_mem>>) src(%arg5 : memref<640x64xf32, #tpu.memory_space<hbm>>) dst(%dma_wait3A_205 : memref<640x64xf32, #tpu.memory_space<vmem_shared>>)
      tpu.yield
    }) : () -> ()
    %dma_start3A = arith.constant 0 : i32
    %dma_start3A_3 = arith.constant 0 : i32
    %dma_start3A_4 = tpu.memref_slice %arg3[%add3A, %dma_start3A, %dma_start3A_3] : memref<32x80x125xi32, #tpu.memory_space<hbm>> -> memref<1x80x125xi32, #tpu.memory_space<hbm>>
    %dma_start3A_5 = tpu.memref_squeeze %dma_start3A_4 : memref<1x80x125xi32, #tpu.memory_space<hbm>> -> memref<80x125xi32, #tpu.memory_space<hbm>>
    %dma_start3A_6 = arith.constant 0 : i32
    %dma_start3A_7 = arith.constant 0 : i32
    %dma_start3A_8 = tpu.memref_slice %arg3[%add3A, %dma_start3A_6, %dma_start3A_7] : memref<32x80x125xi32, #tpu.memory_space<hbm>> -> memref<1x80x125xi32, #tpu.memory_space<hbm>>
    %dma_start3A_9 = tpu.memref_squeeze %dma_start3A_8 : memref<1x80x125xi32, #tpu.memory_space<hbm>> -> memref<80x125xi32, #tpu.memory_space<hbm>>
    tpu.enqueue_dma source(%dma_start3A_9 : memref<80x125xi32, #tpu.memory_space<hbm>>) target(%arg7 : memref<80x125xi32, #tpu.memory_space<vmem>>) target_semaphore(%arg11 : memref<!tpu.dma_semaphore, #tpu.memory_space<semaphore_mem>>)
    %dma_start3A_10 = arith.constant 0 : i32
    %dma_start3A_11 = arith.constant 0 : i32
    %dma_start3A_12 = tpu.memref_slice %arg4[%add3A, %dma_start3A_10, %dma_start3A_11] : memref<32x80x125xi32, #tpu.memory_space<hbm>> -> memref<1x80x125xi32, #tpu.memory_space<hbm>>
    %dma_start3A_13 = tpu.memref_squeeze %dma_start3A_12 : memref<1x80x125xi32, #tpu.memory_space<hbm>> -> memref<80x125xi32, #tpu.memory_space<hbm>>
    %dma_start3A_14 = arith.constant 0 : i32
    %dma_start3A_15 = arith.constant 0 : i32
    %dma_start3A_16 = tpu.memref_slice %arg4[%add3A, %dma_start3A_14, %dma_start3A_15] : memref<32x80x125xi32, #tpu.memory_space<hbm>> -> memref<1x80x125xi32, #tpu.memory_space<hbm>>
    %dma_start3A_17 = tpu.memref_squeeze %dma_start3A_16 : memref<1x80x125xi32, #tpu.memory_space<hbm>> -> memref<80x125xi32, #tpu.memory_space<hbm>>
    tpu.enqueue_dma source(%dma_start3A_17 : memref<80x125xi32, #tpu.memory_space<hbm>>) target(%arg8 : memref<80x125xi32, #tpu.memory_space<vmem>>) target_semaphore(%arg11 : memref<!tpu.dma_semaphore, #tpu.memory_space<semaphore_mem>>)
    %dma_wait3A = arith.constant 0 : i32
    %dma_wait3A_18 = arith.constant 0 : i32
    %dma_wait3A_19 = tpu.memref_slice %arg3[%add3A, %dma_wait3A, %dma_wait3A_18] : memref<32x80x125xi32, #tpu.memory_space<hbm>> -> memref<1x80x125xi32, #tpu.memory_space<hbm>>
    %dma_wait3A_20 = tpu.memref_squeeze %dma_wait3A_19 : memref<1x80x125xi32, #tpu.memory_space<hbm>> -> memref<80x125xi32, #tpu.memory_space<hbm>>
    %dma_wait3A_21 = arith.constant 0 : i32
    %dma_wait3A_22 = arith.constant 0 : i32
    %dma_wait3A_23 = tpu.memref_slice %arg3[%add3A, %dma_wait3A_21, %dma_wait3A_22] : memref<32x80x125xi32, #tpu.memory_space<hbm>> -> memref<1x80x125xi32, #tpu.memory_space<hbm>>
    %dma_wait3A_24 = tpu.memref_squeeze %dma_wait3A_23 : memref<1x80x125xi32, #tpu.memory_space<hbm>> -> memref<80x125xi32, #tpu.memory_space<hbm>>
    tpu.wait_dma2 semaphore(%arg11 : memref<!tpu.dma_semaphore, #tpu.memory_space<semaphore_mem>>) src(%dma_wait3A_24 : memref<80x125xi32, #tpu.memory_space<hbm>>) dst(%arg7 : memref<80x125xi32, #tpu.memory_space<vmem>>)
    %dma_wait3A_25 = arith.constant 0 : i32
    %dma_wait3A_26 = arith.constant 0 : i32
    %dma_wait3A_27 = tpu.memref_slice %arg4[%add3A, %dma_wait3A_25, %dma_wait3A_26] : memref<32x80x125xi32, #tpu.memory_space<hbm>> -> memref<1x80x125xi32, #tpu.memory_space<hbm>>
    %dma_wait3A_28 = tpu.memref_squeeze %dma_wait3A_27 : memref<1x80x125xi32, #tpu.memory_space<hbm>> -> memref<80x125xi32, #tpu.memory_space<hbm>>
    %dma_wait3A_29 = arith.constant 0 : i32
    %dma_wait3A_30 = arith.constant 0 : i32
    %dma_wait3A_31 = tpu.memref_slice %arg4[%add3A, %dma_wait3A_29, %dma_wait3A_30] : memref<32x80x125xi32, #tpu.memory_space<hbm>> -> memref<1x80x125xi32, #tpu.memory_space<hbm>>
    %dma_wait3A_32 = tpu.memref_squeeze %dma_wait3A_31 : memref<1x80x125xi32, #tpu.memory_space<hbm>> -> memref<80x125xi32, #tpu.memory_space<hbm>>
    tpu.wait_dma2 semaphore(%arg11 : memref<!tpu.dma_semaphore, #tpu.memory_space<semaphore_mem>>) src(%dma_wait3A_32 : memref<80x125xi32, #tpu.memory_space<hbm>>) dst(%arg8 : memref<80x125xi32, #tpu.memory_space<vmem>>)
    %barrier3A = arith.constant 0 : index
    tpu.barrier barrier_id(%barrier3A)
    %dma_start3A_33 = arith.constant 0 : i32
    %dma_start3A_34 = arith.constant 0 : i32
    %dma_start3A_35 = arith.constant 0 : i32
    %dma_start3A_36 = arith.constant 0 : i32
    %dma_start3A_37 = arith.constant 0 : i32
    %dma_start3A_38 = tpu.memref_slice %arg9[%dma_start3A_34, %dma_start3A_35, %dma_start3A_36, %dma_start3A_37] : memref<2x4x125x64xf32, #tpu.memory_space<vmem>> -> memref<1x1x125x64xf32, #tpu.memory_space<vmem>>
    %dma_start3A_39 = tpu.memref_squeeze %dma_start3A_38 : memref<1x1x125x64xf32, #tpu.memory_space<vmem>> -> memref<125x64xf32, #tpu.memory_space<vmem>>
    %dma_start3A_40 = arith.constant 0 : i32
    %dma_start3A_41 = tpu.memref_slice %arg7[%dma_start3A_33, %dma_start3A_40] : memref<80x125xi32, #tpu.memory_space<vmem>> -> memref<1x125xi32, #tpu.memory_space<vmem>>
    %dma_start3A_42 = tpu.memref_squeeze %dma_start3A_41 : memref<1x125xi32, #tpu.memory_space<vmem>> -> memref<125xi32, #tpu.memory_space<vmem>>
    %dma_start3A_43 = arith.constant 0 : i32
    %dma_start3A_44 = arith.constant 0 : i32
    %dma_start3A_45 = tpu.memref_slice %arg2[%dma_start3A_43, %dma_start3A_44] : memref<10000x64xf32, #tpu.memory_space<hbm>> -> memref<10000x64xf32, #tpu.memory_space<hbm>>
    tpu.enqueue_indirect_dma source(%dma_start3A_45 : memref<10000x64xf32, #tpu.memory_space<hbm>>) target(%dma_start3A_39 : memref<125x64xf32, #tpu.memory_space<vmem>>) offsets(%dma_start3A_42 : memref<125xi32, #tpu.memory_space<vmem>>) semaphore(%arg11 : memref<!tpu.dma_semaphore, #tpu.memory_space<semaphore_mem>>)
    %dma_start3A_46 = arith.constant 1 : i32
    %dma_start3A_47 = arith.constant 0 : i32
    %dma_start3A_48 = arith.constant 1 : i32
    %dma_start3A_49 = arith.constant 0 : i32
    %dma_start3A_50 = arith.constant 0 : i32
    %dma_start3A_51 = tpu.memref_slice %arg9[%dma_start3A_47, %dma_start3A_48, %dma_start3A_49, %dma_start3A_50] : memref<2x4x125x64xf32, #tpu.memory_space<vmem>> -> memref<1x1x125x64xf32, #tpu.memory_space<vmem>>
    %dma_start3A_52 = tpu.memref_squeeze %dma_start3A_51 : memref<1x1x125x64xf32, #tpu.memory_space<vmem>> -> memref<125x64xf32, #tpu.memory_space<vmem>>
    %dma_start3A_53 = arith.constant 0 : i32
    %dma_start3A_54 = tpu.memref_slice %arg7[%dma_start3A_46, %dma_start3A_53] : memref<80x125xi32, #tpu.memory_space<vmem>> -> memref<1x125xi32, #tpu.memory_space<vmem>>
    %dma_start3A_55 = tpu.memref_squeeze %dma_start3A_54 : memref<1x125xi32, #tpu.memory_space<vmem>> -> memref<125xi32, #tpu.memory_space<vmem>>
    %dma_start3A_56 = arith.constant 0 : i32
    %dma_start3A_57 = arith.constant 0 : i32
    %dma_start3A_58 = tpu.memref_slice %arg2[%dma_start3A_56, %dma_start3A_57] : memref<10000x64xf32, #tpu.memory_space<hbm>> -> memref<10000x64xf32, #tpu.memory_space<hbm>>
    tpu.enqueue_indirect_dma source(%dma_start3A_58 : memref<10000x64xf32, #tpu.memory_space<hbm>>) target(%dma_start3A_52 : memref<125x64xf32, #tpu.memory_space<vmem>>) offsets(%dma_start3A_55 : memref<125xi32, #tpu.memory_space<vmem>>) semaphore(%arg11 : memref<!tpu.dma_semaphore, #tpu.memory_space<semaphore_mem>>)
    %dma_start3A_59 = arith.constant 2 : i32
    %dma_start3A_60 = arith.constant 0 : i32
    %dma_start3A_61 = arith.constant 2 : i32
    %dma_start3A_62 = arith.constant 0 : i32
    %dma_start3A_63 = arith.constant 0 : i32
    %dma_start3A_64 = tpu.memref_slice %arg9[%dma_start3A_60, %dma_start3A_61, %dma_start3A_62, %dma_start3A_63] : memref<2x4x125x64xf32, #tpu.memory_space<vmem>> -> memref<1x1x125x64xf32, #tpu.memory_space<vmem>>
    %dma_start3A_65 = tpu.memref_squeeze %dma_start3A_64 : memref<1x1x125x64xf32, #tpu.memory_space<vmem>> -> memref<125x64xf32, #tpu.memory_space<vmem>>
    %dma_start3A_66 = arith.constant 0 : i32
    %dma_start3A_67 = tpu.memref_slice %arg7[%dma_start3A_59, %dma_start3A_66] : memref<80x125xi32, #tpu.memory_space<vmem>> -> memref<1x125xi32, #tpu.memory_space<vmem>>
    %dma_start3A_68 = tpu.memref_squeeze %dma_start3A_67 : memref<1x125xi32, #tpu.memory_space<vmem>> -> memref<125xi32, #tpu.memory_space<vmem>>
    %dma_start3A_69 = arith.constant 0 : i32
    %dma_start3A_70 = arith.constant 0 : i32
    %dma_start3A_71 = tpu.memref_slice %arg2[%dma_start3A_69, %dma_start3A_70] : memref<10000x64xf32, #tpu.memory_space<hbm>> -> memref<10000x64xf32, #tpu.memory_space<hbm>>
    tpu.enqueue_indirect_dma source(%dma_start3A_71 : memref<10000x64xf32, #tpu.memory_space<hbm>>) target(%dma_start3A_65 : memref<125x64xf32, #tpu.memory_space<vmem>>) offsets(%dma_start3A_68 : memref<125xi32, #tpu.memory_space<vmem>>) semaphore(%arg11 : memref<!tpu.dma_semaphore, #tpu.memory_space<semaphore_mem>>)
    %dma_start3A_72 = arith.constant 3 : i32
    %dma_start3A_73 = arith.constant 0 : i32
    %dma_start3A_74 = arith.constant 3 : i32
    %dma_start3A_75 = arith.constant 0 : i32
    %dma_start3A_76 = arith.constant 0 : i32
    %dma_start3A_77 = tpu.memref_slice %arg9[%dma_start3A_73, %dma_start3A_74, %dma_start3A_75, %dma_start3A_76] : memref<2x4x125x64xf32, #tpu.memory_space<vmem>> -> memref<1x1x125x64xf32, #tpu.memory_space<vmem>>
    %dma_start3A_78 = tpu.memref_squeeze %dma_start3A_77 : memref<1x1x125x64xf32, #tpu.memory_space<vmem>> -> memref<125x64xf32, #tpu.memory_space<vmem>>
    %dma_start3A_79 = arith.constant 0 : i32
    %dma_start3A_80 = tpu.memref_slice %arg7[%dma_start3A_72, %dma_start3A_79] : memref<80x125xi32, #tpu.memory_space<vmem>> -> memref<1x125xi32, #tpu.memory_space<vmem>>
    %dma_start3A_81 = tpu.memref_squeeze %dma_start3A_80 : memref<1x125xi32, #tpu.memory_space<vmem>> -> memref<125xi32, #tpu.memory_space<vmem>>
    %dma_start3A_82 = arith.constant 0 : i32
    %dma_start3A_83 = arith.constant 0 : i32
    %dma_start3A_84 = tpu.memref_slice %arg2[%dma_start3A_82, %dma_start3A_83] : memref<10000x64xf32, #tpu.memory_space<hbm>> -> memref<10000x64xf32, #tpu.memory_space<hbm>>
    tpu.enqueue_indirect_dma source(%dma_start3A_84 : memref<10000x64xf32, #tpu.memory_space<hbm>>) target(%dma_start3A_78 : memref<125x64xf32, #tpu.memory_space<vmem>>) offsets(%dma_start3A_81 : memref<125xi32, #tpu.memory_space<vmem>>) semaphore(%arg11 : memref<!tpu.dma_semaphore, #tpu.memory_space<semaphore_mem>>)
    %scan3A = arith.constant 0 : i32
    %scan3A_85 = arith.constant 0 : i32
    %scan3A_86 = arith.constant 10 : i32
    %scan3A_87 = arith.addi %scan3A_85, %scan3A_86 : i32
    %scan3A_88 = arith.constant 1 : i32
    scf.for %scan3A_202 = %scan3A_85 to %scan3A_87 step %scan3A_88  : i32 {
      %mul3A_203 = arith.constant 2 : i32
      %mul3A_204 = arith.muli %mul3A_203, %scan3A_202 : i32
      %add3A_205 = arith.constant 1 : i32
      %add3A_206 = arith.addi %mul3A_204, %add3A_205 : i32
      %gt3A = arith.constant 0 : i32
      %gt3A_207 = arith.cmpi sgt, %scan3A_202, %gt3A : i32
      %convert_element_type3A = arith.extui %gt3A_207 : i1 to i32
      %cond3A = arith.constant 0 : i32
      %cond3A_208 = arith.cmpi ne, %convert_element_type3A, %cond3A : i32
      scf.if %cond3A_208 {
        %sub3A = arith.constant 2 : i32
        %sub3A_533 = arith.subi %add3A_206, %sub3A : i32
        %mul3A_534 = arith.constant 4 : i32
        %mul3A_535 = arith.muli %sub3A_533, %mul3A_534 : i32
        %add3A_536 = arith.constant 0 : i32
        %add3A_537 = arith.addi %mul3A_535, %add3A_536 : i32
        %dma_wait3A_538 = arith.constant 1 : i32
        %dma_wait3A_539 = arith.constant 0 : i32
        %dma_wait3A_540 = arith.constant 0 : i32
        %dma_wait3A_541 = arith.constant 0 : i32
        %dma_wait3A_542 = tpu.memref_slice %arg9[%dma_wait3A_538, %dma_wait3A_539, %dma_wait3A_540, %dma_wait3A_541] : memref<2x4x125x64xf32, #tpu.memory_space<vmem>> -> memref<1x1x125x64xf32, #tpu.memory_space<vmem>>
        %dma_wait3A_543 = tpu.memref_squeeze %dma_wait3A_542 : memref<1x1x125x64xf32, #tpu.memory_space<vmem>> -> memref<125x64xf32, #tpu.memory_space<vmem>>
        %dma_wait3A_544 = arith.constant 0 : i32
        %dma_wait3A_545 = tpu.memref_slice %arg8[%add3A_537, %dma_wait3A_544] : memref<80x125xi32, #tpu.memory_space<vmem>> -> memref<1x125xi32, #tpu.memory_space<vmem>>
        %dma_wait3A_546 = tpu.memref_squeeze %dma_wait3A_545 : memref<1x125xi32, #tpu.memory_space<vmem>> -> memref<125xi32, #tpu.memory_space<vmem>>
        %dma_wait3A_547 = arith.constant 0 : i32
        %dma_wait3A_548 = arith.constant 0 : i32
        %dma_wait3A_549 = tpu.memref_slice %arg10[%dma_wait3A_547, %dma_wait3A_548] : memref<10240x64xf32, #tpu.memory_space<vmem_shared>> -> memref<10240x64xf32, #tpu.memory_space<vmem_shared>>
        tpu.wait_indirect_dma semaphore(%arg14 : memref<!tpu.dma_semaphore, #tpu.memory_space<semaphore_mem>>) src(%dma_wait3A_543 : memref<125x64xf32, #tpu.memory_space<vmem>>) dst(%dma_wait3A_549 : memref<10240x64xf32, #tpu.memory_space<vmem_shared>>)
        %mul3A_550 = arith.constant 4 : i32
        %mul3A_551 = arith.muli %sub3A_533, %mul3A_550 : i32
        %add3A_552 = arith.constant 1 : i32
        %add3A_553 = arith.addi %mul3A_551, %add3A_552 : i32
        %dma_wait3A_554 = arith.constant 1 : i32
        %dma_wait3A_555 = arith.constant 1 : i32
        %dma_wait3A_556 = arith.constant 0 : i32
        %dma_wait3A_557 = arith.constant 0 : i32
        %dma_wait3A_558 = tpu.memref_slice %arg9[%dma_wait3A_554, %dma_wait3A_555, %dma_wait3A_556, %dma_wait3A_557] : memref<2x4x125x64xf32, #tpu.memory_space<vmem>> -> memref<1x1x125x64xf32, #tpu.memory_space<vmem>>
        %dma_wait3A_559 = tpu.memref_squeeze %dma_wait3A_558 : memref<1x1x125x64xf32, #tpu.memory_space<vmem>> -> memref<125x64xf32, #tpu.memory_space<vmem>>
        %dma_wait3A_560 = arith.constant 0 : i32
        %dma_wait3A_561 = tpu.memref_slice %arg8[%add3A_553, %dma_wait3A_560] : memref<80x125xi32, #tpu.memory_space<vmem>> -> memref<1x125xi32, #tpu.memory_space<vmem>>
        %dma_wait3A_562 = tpu.memref_squeeze %dma_wait3A_561 : memref<1x125xi32, #tpu.memory_space<vmem>> -> memref<125xi32, #tpu.memory_space<vmem>>
        %dma_wait3A_563 = arith.constant 0 : i32
        %dma_wait3A_564 = arith.constant 0 : i32
        %dma_wait3A_565 = tpu.memref_slice %arg10[%dma_wait3A_563, %dma_wait3A_564] : memref<10240x64xf32, #tpu.memory_space<vmem_shared>> -> memref<10240x64xf32, #tpu.memory_space<vmem_shared>>
        tpu.wait_indirect_dma semaphore(%arg14 : memref<!tpu.dma_semaphore, #tpu.memory_space<semaphore_mem>>) src(%dma_wait3A_559 : memref<125x64xf32, #tpu.memory_space<vmem>>) dst(%dma_wait3A_565 : memref<10240x64xf32, #tpu.memory_space<vmem_shared>>)
        %mul3A_566 = arith.constant 4 : i32
        %mul3A_567 = arith.muli %sub3A_533, %mul3A_566 : i32
        %add3A_568 = arith.constant 2 : i32
        %add3A_569 = arith.addi %mul3A_567, %add3A_568 : i32
        %dma_wait3A_570 = arith.constant 1 : i32
        %dma_wait3A_571 = arith.constant 2 : i32
        %dma_wait3A_572 = arith.constant 0 : i32
        %dma_wait3A_573 = arith.constant 0 : i32
        %dma_wait3A_574 = tpu.memref_slice %arg9[%dma_wait3A_570, %dma_wait3A_571, %dma_wait3A_572, %dma_wait3A_573] : memref<2x4x125x64xf32, #tpu.memory_space<vmem>> -> memref<1x1x125x64xf32, #tpu.memory_space<vmem>>
        %dma_wait3A_575 = tpu.memref_squeeze %dma_wait3A_574 : memref<1x1x125x64xf32, #tpu.memory_space<vmem>> -> memref<125x64xf32, #tpu.memory_space<vmem>>
        %dma_wait3A_576 = arith.constant 0 : i32
        %dma_wait3A_577 = tpu.memref_slice %arg8[%add3A_569, %dma_wait3A_576] : memref<80x125xi32, #tpu.memory_space<vmem>> -> memref<1x125xi32, #tpu.memory_space<vmem>>
        %dma_wait3A_578 = tpu.memref_squeeze %dma_wait3A_577 : memref<1x125xi32, #tpu.memory_space<vmem>> -> memref<125xi32, #tpu.memory_space<vmem>>
        %dma_wait3A_579 = arith.constant 0 : i32
        %dma_wait3A_580 = arith.constant 0 : i32
        %dma_wait3A_581 = tpu.memref_slice %arg10[%dma_wait3A_579, %dma_wait3A_580] : memref<10240x64xf32, #tpu.memory_space<vmem_shared>> -> memref<10240x64xf32, #tpu.memory_space<vmem_shared>>
        tpu.wait_indirect_dma semaphore(%arg14 : memref<!tpu.dma_semaphore, #tpu.memory_space<semaphore_mem>>) src(%dma_wait3A_575 : memref<125x64xf32, #tpu.memory_space<vmem>>) dst(%dma_wait3A_581 : memref<10240x64xf32, #tpu.memory_space<vmem_shared>>)
        %mul3A_582 = arith.constant 4 : i32
        %mul3A_583 = arith.muli %sub3A_533, %mul3A_582 : i32
        %add3A_584 = arith.constant 3 : i32
        %add3A_585 = arith.addi %mul3A_583, %add3A_584 : i32
        %dma_wait3A_586 = arith.constant 1 : i32
        %dma_wait3A_587 = arith.constant 3 : i32
        %dma_wait3A_588 = arith.constant 0 : i32
        %dma_wait3A_589 = arith.constant 0 : i32
        %dma_wait3A_590 = tpu.memref_slice %arg9[%dma_wait3A_586, %dma_wait3A_587, %dma_wait3A_588, %dma_wait3A_589] : memref<2x4x125x64xf32, #tpu.memory_space<vmem>> -> memref<1x1x125x64xf32, #tpu.memory_space<vmem>>
        %dma_wait3A_591 = tpu.memref_squeeze %dma_wait3A_590 : memref<1x1x125x64xf32, #tpu.memory_space<vmem>> -> memref<125x64xf32, #tpu.memory_space<vmem>>
        %dma_wait3A_592 = arith.constant 0 : i32
        %dma_wait3A_593 = tpu.memref_slice %arg8[%add3A_585, %dma_wait3A_592] : memref<80x125xi32, #tpu.memory_space<vmem>> -> memref<1x125xi32, #tpu.memory_space<vmem>>
        %dma_wait3A_594 = tpu.memref_squeeze %dma_wait3A_593 : memref<1x125xi32, #tpu.memory_space<vmem>> -> memref<125xi32, #tpu.memory_space<vmem>>
        %dma_wait3A_595 = arith.constant 0 : i32
        %dma_wait3A_596 = arith.constant 0 : i32
        %dma_wait3A_597 = tpu.memref_slice %arg10[%dma_wait3A_595, %dma_wait3A_596] : memref<10240x64xf32, #tpu.memory_space<vmem_shared>> -> memref<10240x64xf32, #tpu.memory_space<vmem_shared>>
        tpu.wait_indirect_dma semaphore(%arg14 : memref<!tpu.dma_semaphore, #tpu.memory_space<semaphore_mem>>) src(%dma_wait3A_591 : memref<125x64xf32, #tpu.memory_space<vmem>>) dst(%dma_wait3A_597 : memref<10240x64xf32, #tpu.memory_space<vmem_shared>>)
      } else {
      }
      %mul3A_209 = arith.constant 4 : i32
      %mul3A_210 = arith.muli %add3A_206, %mul3A_209 : i32
      %add3A_211 = arith.constant 0 : i32
      %add3A_212 = arith.addi %mul3A_210, %add3A_211 : i32
      %dma_start3A_213 = arith.constant 1 : i32
      %dma_start3A_214 = arith.constant 0 : i32
      %dma_start3A_215 = arith.constant 0 : i32
      %dma_start3A_216 = arith.constant 0 : i32
      %dma_start3A_217 = tpu.memref_slice %arg9[%dma_start3A_213, %dma_start3A_214, %dma_start3A_215, %dma_start3A_216] : memref<2x4x125x64xf32, #tpu.memory_space<vmem>> -> memref<1x1x125x64xf32, #tpu.memory_space<vmem>>
      %dma_start3A_218 = tpu.memref_squeeze %dma_start3A_217 : memref<1x1x125x64xf32, #tpu.memory_space<vmem>> -> memref<125x64xf32, #tpu.memory_space<vmem>>
      %dma_start3A_219 = arith.constant 0 : i32
      %dma_start3A_220 = tpu.memref_slice %arg7[%add3A_212, %dma_start3A_219] : memref<80x125xi32, #tpu.memory_space<vmem>> -> memref<1x125xi32, #tpu.memory_space<vmem>>
      %dma_start3A_221 = tpu.memref_squeeze %dma_start3A_220 : memref<1x125xi32, #tpu.memory_space<vmem>> -> memref<125xi32, #tpu.memory_space<vmem>>
      %dma_start3A_222 = arith.constant 0 : i32
      %dma_start3A_223 = arith.constant 0 : i32
      %dma_start3A_224 = tpu.memref_slice %arg2[%dma_start3A_222, %dma_start3A_223] : memref<10000x64xf32, #tpu.memory_space<hbm>> -> memref<10000x64xf32, #tpu.memory_space<hbm>>
      tpu.enqueue_indirect_dma source(%dma_start3A_224 : memref<10000x64xf32, #tpu.memory_space<hbm>>) target(%dma_start3A_218 : memref<125x64xf32, #tpu.memory_space<vmem>>) offsets(%dma_start3A_221 : memref<125xi32, #tpu.memory_space<vmem>>) semaphore(%arg12 : memref<!tpu.dma_semaphore, #tpu.memory_space<semaphore_mem>>)
      %mul3A_225 = arith.constant 4 : i32
      %mul3A_226 = arith.muli %add3A_206, %mul3A_225 : i32
      %add3A_227 = arith.constant 1 : i32
      %add3A_228 = arith.addi %mul3A_226, %add3A_227 : i32
      %dma_start3A_229 = arith.constant 1 : i32
      %dma_start3A_230 = arith.constant 1 : i32
      %dma_start3A_231 = arith.constant 0 : i32
      %dma_start3A_232 = arith.constant 0 : i32
      %dma_start3A_233 = tpu.memref_slice %arg9[%dma_start3A_229, %dma_start3A_230, %dma_start3A_231, %dma_start3A_232] : memref<2x4x125x64xf32, #tpu.memory_space<vmem>> -> memref<1x1x125x64xf32, #tpu.memory_space<vmem>>
      %dma_start3A_234 = tpu.memref_squeeze %dma_start3A_233 : memref<1x1x125x64xf32, #tpu.memory_space<vmem>> -> memref<125x64xf32, #tpu.memory_space<vmem>>
      %dma_start3A_235 = arith.constant 0 : i32
      %dma_start3A_236 = tpu.memref_slice %arg7[%add3A_228, %dma_start3A_235] : memref<80x125xi32, #tpu.memory_space<vmem>> -> memref<1x125xi32, #tpu.memory_space<vmem>>
      %dma_start3A_237 = tpu.memref_squeeze %dma_start3A_236 : memref<1x125xi32, #tpu.memory_space<vmem>> -> memref<125xi32, #tpu.memory_space<vmem>>
      %dma_start3A_238 = arith.constant 0 : i32
      %dma_start3A_239 = arith.constant 0 : i32
      %dma_start3A_240 = tpu.memref_slice %arg2[%dma_start3A_238, %dma_start3A_239] : memref<10000x64xf32, #tpu.memory_space<hbm>> -> memref<10000x64xf32, #tpu.memory_space<hbm>>
      tpu.enqueue_indirect_dma source(%dma_start3A_240 : memref<10000x64xf32, #tpu.memory_space<hbm>>) target(%dma_start3A_234 : memref<125x64xf32, #tpu.memory_space<vmem>>) offsets(%dma_start3A_237 : memref<125xi32, #tpu.memory_space<vmem>>) semaphore(%arg12 : memref<!tpu.dma_semaphore, #tpu.memory_space<semaphore_mem>>)
      %mul3A_241 = arith.constant 4 : i32
      %mul3A_242 = arith.muli %add3A_206, %mul3A_241 : i32
      %add3A_243 = arith.constant 2 : i32
      %add3A_244 = arith.addi %mul3A_242, %add3A_243 : i32
      %dma_start3A_245 = arith.constant 1 : i32
      %dma_start3A_246 = arith.constant 2 : i32
      %dma_start3A_247 = arith.constant 0 : i32
      %dma_start3A_248 = arith.constant 0 : i32
      %dma_start3A_249 = tpu.memref_slice %arg9[%dma_start3A_245, %dma_start3A_246, %dma_start3A_247, %dma_start3A_248] : memref<2x4x125x64xf32, #tpu.memory_space<vmem>> -> memref<1x1x125x64xf32, #tpu.memory_space<vmem>>
      %dma_start3A_250 = tpu.memref_squeeze %dma_start3A_249 : memref<1x1x125x64xf32, #tpu.memory_space<vmem>> -> memref<125x64xf32, #tpu.memory_space<vmem>>
      %dma_start3A_251 = arith.constant 0 : i32
      %dma_start3A_252 = tpu.memref_slice %arg7[%add3A_244, %dma_start3A_251] : memref<80x125xi32, #tpu.memory_space<vmem>> -> memref<1x125xi32, #tpu.memory_space<vmem>>
      %dma_start3A_253 = tpu.memref_squeeze %dma_start3A_252 : memref<1x125xi32, #tpu.memory_space<vmem>> -> memref<125xi32, #tpu.memory_space<vmem>>
      %dma_start3A_254 = arith.constant 0 : i32
      %dma_start3A_255 = arith.constant 0 : i32
      %dma_start3A_256 = tpu.memref_slice %arg2[%dma_start3A_254, %dma_start3A_255] : memref<10000x64xf32, #tpu.memory_space<hbm>> -> memref<10000x64xf32, #tpu.memory_space<hbm>>
      tpu.enqueue_indirect_dma source(%dma_start3A_256 : memref<10000x64xf32, #tpu.memory_space<hbm>>) target(%dma_start3A_250 : memref<125x64xf32, #tpu.memory_space<vmem>>) offsets(%dma_start3A_253 : memref<125xi32, #tpu.memory_space<vmem>>) semaphore(%arg12 : memref<!tpu.dma_semaphore, #tpu.memory_space<semaphore_mem>>)
      %mul3A_257 = arith.constant 4 : i32
      %mul3A_258 = arith.muli %add3A_206, %mul3A_257 : i32
      %add3A_259 = arith.constant 3 : i32
      %add3A_260 = arith.addi %mul3A_258, %add3A_259 : i32
      %dma_start3A_261 = arith.constant 1 : i32
      %dma_start3A_262 = arith.constant 3 : i32
      %dma_start3A_263 = arith.constant 0 : i32
      %dma_start3A_264 = arith.constant 0 : i32
      %dma_start3A_265 = tpu.memref_slice %arg9[%dma_start3A_261, %dma_start3A_262, %dma_start3A_263, %dma_start3A_264] : memref<2x4x125x64xf32, #tpu.memory_space<vmem>> -> memref<1x1x125x64xf32, #tpu.memory_space<vmem>>
      %dma_start3A_266 = tpu.memref_squeeze %dma_start3A_265 : memref<1x1x125x64xf32, #tpu.memory_space<vmem>> -> memref<125x64xf32, #tpu.memory_space<vmem>>
      %dma_start3A_267 = arith.constant 0 : i32
      %dma_start3A_268 = tpu.memref_slice %arg7[%add3A_260, %dma_start3A_267] : memref<80x125xi32, #tpu.memory_space<vmem>> -> memref<1x125xi32, #tpu.memory_space<vmem>>
      %dma_start3A_269 = tpu.memref_squeeze %dma_start3A_268 : memref<1x125xi32, #tpu.memory_space<vmem>> -> memref<125xi32, #tpu.memory_space<vmem>>
      %dma_start3A_270 = arith.constant 0 : i32
      %dma_start3A_271 = arith.constant 0 : i32
      %dma_start3A_272 = tpu.memref_slice %arg2[%dma_start3A_270, %dma_start3A_271] : memref<10000x64xf32, #tpu.memory_space<hbm>> -> memref<10000x64xf32, #tpu.memory_space<hbm>>
      tpu.enqueue_indirect_dma source(%dma_start3A_272 : memref<10000x64xf32, #tpu.memory_space<hbm>>) target(%dma_start3A_266 : memref<125x64xf32, #tpu.memory_space<vmem>>) offsets(%dma_start3A_269 : memref<125xi32, #tpu.memory_space<vmem>>) semaphore(%arg12 : memref<!tpu.dma_semaphore, #tpu.memory_space<semaphore_mem>>)
      %mul3A_273 = arith.constant 4 : i32
      %mul3A_274 = arith.muli %mul3A_204, %mul3A_273 : i32
      %add3A_275 = arith.constant 0 : i32
      %add3A_276 = arith.addi %mul3A_274, %add3A_275 : i32
      %dma_wait3A_277 = arith.constant 0 : i32
      %dma_wait3A_278 = arith.constant 0 : i32
      %dma_wait3A_279 = arith.constant 0 : i32
      %dma_wait3A_280 = arith.constant 0 : i32
      %dma_wait3A_281 = tpu.memref_slice %arg9[%dma_wait3A_277, %dma_wait3A_278, %dma_wait3A_279, %dma_wait3A_280] : memref<2x4x125x64xf32, #tpu.memory_space<vmem>> -> memref<1x1x125x64xf32, #tpu.memory_space<vmem>>
      %dma_wait3A_282 = tpu.memref_squeeze %dma_wait3A_281 : memref<1x1x125x64xf32, #tpu.memory_space<vmem>> -> memref<125x64xf32, #tpu.memory_space<vmem>>
      %dma_wait3A_283 = arith.constant 0 : i32
      %dma_wait3A_284 = tpu.memref_slice %arg7[%add3A_276, %dma_wait3A_283] : memref<80x125xi32, #tpu.memory_space<vmem>> -> memref<1x125xi32, #tpu.memory_space<vmem>>
      %dma_wait3A_285 = tpu.memref_squeeze %dma_wait3A_284 : memref<1x125xi32, #tpu.memory_space<vmem>> -> memref<125xi32, #tpu.memory_space<vmem>>
      %dma_wait3A_286 = arith.constant 0 : i32
      %dma_wait3A_287 = arith.constant 0 : i32
      %dma_wait3A_288 = tpu.memref_slice %arg2[%dma_wait3A_286, %dma_wait3A_287] : memref<10000x64xf32, #tpu.memory_space<hbm>> -> memref<10000x64xf32, #tpu.memory_space<hbm>>
      tpu.wait_indirect_dma semaphore(%arg11 : memref<!tpu.dma_semaphore, #tpu.memory_space<semaphore_mem>>) src(%dma_wait3A_288 : memref<10000x64xf32, #tpu.memory_space<hbm>>) dst(%dma_wait3A_282 : memref<125x64xf32, #tpu.memory_space<vmem>>)
      %mul3A_289 = arith.constant 4 : i32
      %mul3A_290 = arith.muli %mul3A_204, %mul3A_289 : i32
      %add3A_291 = arith.constant 1 : i32
      %add3A_292 = arith.addi %mul3A_290, %add3A_291 : i32
      %dma_wait3A_293 = arith.constant 0 : i32
      %dma_wait3A_294 = arith.constant 1 : i32
      %dma_wait3A_295 = arith.constant 0 : i32
      %dma_wait3A_296 = arith.constant 0 : i32
      %dma_wait3A_297 = tpu.memref_slice %arg9[%dma_wait3A_293, %dma_wait3A_294, %dma_wait3A_295, %dma_wait3A_296] : memref<2x4x125x64xf32, #tpu.memory_space<vmem>> -> memref<1x1x125x64xf32, #tpu.memory_space<vmem>>
      %dma_wait3A_298 = tpu.memref_squeeze %dma_wait3A_297 : memref<1x1x125x64xf32, #tpu.memory_space<vmem>> -> memref<125x64xf32, #tpu.memory_space<vmem>>
      %dma_wait3A_299 = arith.constant 0 : i32
      %dma_wait3A_300 = tpu.memref_slice %arg7[%add3A_292, %dma_wait3A_299] : memref<80x125xi32, #tpu.memory_space<vmem>> -> memref<1x125xi32, #tpu.memory_space<vmem>>
      %dma_wait3A_301 = tpu.memref_squeeze %dma_wait3A_300 : memref<1x125xi32, #tpu.memory_space<vmem>> -> memref<125xi32, #tpu.memory_space<vmem>>
      %dma_wait3A_302 = arith.constant 0 : i32
      %dma_wait3A_303 = arith.constant 0 : i32
      %dma_wait3A_304 = tpu.memref_slice %arg2[%dma_wait3A_302, %dma_wait3A_303] : memref<10000x64xf32, #tpu.memory_space<hbm>> -> memref<10000x64xf32, #tpu.memory_space<hbm>>
      tpu.wait_indirect_dma semaphore(%arg11 : memref<!tpu.dma_semaphore, #tpu.memory_space<semaphore_mem>>) src(%dma_wait3A_304 : memref<10000x64xf32, #tpu.memory_space<hbm>>) dst(%dma_wait3A_298 : memref<125x64xf32, #tpu.memory_space<vmem>>)
      %mul3A_305 = arith.constant 4 : i32
      %mul3A_306 = arith.muli %mul3A_204, %mul3A_305 : i32
      %add3A_307 = arith.constant 2 : i32
      %add3A_308 = arith.addi %mul3A_306, %add3A_307 : i32
      %dma_wait3A_309 = arith.constant 0 : i32
      %dma_wait3A_310 = arith.constant 2 : i32
      %dma_wait3A_311 = arith.constant 0 : i32
      %dma_wait3A_312 = arith.constant 0 : i32
      %dma_wait3A_313 = tpu.memref_slice %arg9[%dma_wait3A_309, %dma_wait3A_310, %dma_wait3A_311, %dma_wait3A_312] : memref<2x4x125x64xf32, #tpu.memory_space<vmem>> -> memref<1x1x125x64xf32, #tpu.memory_space<vmem>>
      %dma_wait3A_314 = tpu.memref_squeeze %dma_wait3A_313 : memref<1x1x125x64xf32, #tpu.memory_space<vmem>> -> memref<125x64xf32, #tpu.memory_space<vmem>>
      %dma_wait3A_315 = arith.constant 0 : i32
      %dma_wait3A_316 = tpu.memref_slice %arg7[%add3A_308, %dma_wait3A_315] : memref<80x125xi32, #tpu.memory_space<vmem>> -> memref<1x125xi32, #tpu.memory_space<vmem>>
      %dma_wait3A_317 = tpu.memref_squeeze %dma_wait3A_316 : memref<1x125xi32, #tpu.memory_space<vmem>> -> memref<125xi32, #tpu.memory_space<vmem>>
      %dma_wait3A_318 = arith.constant 0 : i32
      %dma_wait3A_319 = arith.constant 0 : i32
      %dma_wait3A_320 = tpu.memref_slice %arg2[%dma_wait3A_318, %dma_wait3A_319] : memref<10000x64xf32, #tpu.memory_space<hbm>> -> memref<10000x64xf32, #tpu.memory_space<hbm>>
      tpu.wait_indirect_dma semaphore(%arg11 : memref<!tpu.dma_semaphore, #tpu.memory_space<semaphore_mem>>) src(%dma_wait3A_320 : memref<10000x64xf32, #tpu.memory_space<hbm>>) dst(%dma_wait3A_314 : memref<125x64xf32, #tpu.memory_space<vmem>>)
      %mul3A_321 = arith.constant 4 : i32
      %mul3A_322 = arith.muli %mul3A_204, %mul3A_321 : i32
      %add3A_323 = arith.constant 3 : i32
      %add3A_324 = arith.addi %mul3A_322, %add3A_323 : i32
      %dma_wait3A_325 = arith.constant 0 : i32
      %dma_wait3A_326 = arith.constant 3 : i32
      %dma_wait3A_327 = arith.constant 0 : i32
      %dma_wait3A_328 = arith.constant 0 : i32
      %dma_wait3A_329 = tpu.memref_slice %arg9[%dma_wait3A_325, %dma_wait3A_326, %dma_wait3A_327, %dma_wait3A_328] : memref<2x4x125x64xf32, #tpu.memory_space<vmem>> -> memref<1x1x125x64xf32, #tpu.memory_space<vmem>>
      %dma_wait3A_330 = tpu.memref_squeeze %dma_wait3A_329 : memref<1x1x125x64xf32, #tpu.memory_space<vmem>> -> memref<125x64xf32, #tpu.memory_space<vmem>>
      %dma_wait3A_331 = arith.constant 0 : i32
      %dma_wait3A_332 = tpu.memref_slice %arg7[%add3A_324, %dma_wait3A_331] : memref<80x125xi32, #tpu.memory_space<vmem>> -> memref<1x125xi32, #tpu.memory_space<vmem>>
      %dma_wait3A_333 = tpu.memref_squeeze %dma_wait3A_332 : memref<1x125xi32, #tpu.memory_space<vmem>> -> memref<125xi32, #tpu.memory_space<vmem>>
      %dma_wait3A_334 = arith.constant 0 : i32
      %dma_wait3A_335 = arith.constant 0 : i32
      %dma_wait3A_336 = tpu.memref_slice %arg2[%dma_wait3A_334, %dma_wait3A_335] : memref<10000x64xf32, #tpu.memory_space<hbm>> -> memref<10000x64xf32, #tpu.memory_space<hbm>>
      tpu.wait_indirect_dma semaphore(%arg11 : memref<!tpu.dma_semaphore, #tpu.memory_space<semaphore_mem>>) src(%dma_wait3A_336 : memref<10000x64xf32, #tpu.memory_space<hbm>>) dst(%dma_wait3A_330 : memref<125x64xf32, #tpu.memory_space<vmem>>)
      %mul3A_337 = arith.constant 4 : i32
      %mul3A_338 = arith.muli %mul3A_204, %mul3A_337 : i32
      %add3A_339 = arith.constant 0 : i32
      %add3A_340 = arith.addi %mul3A_338, %add3A_339 : i32
      %dma_start3A_341 = arith.constant 0 : i32
      %dma_start3A_342 = arith.constant 0 : i32
      %dma_start3A_343 = arith.constant 0 : i32
      %dma_start3A_344 = arith.constant 0 : i32
      %dma_start3A_345 = tpu.memref_slice %arg9[%dma_start3A_341, %dma_start3A_342, %dma_start3A_343, %dma_start3A_344] : memref<2x4x125x64xf32, #tpu.memory_space<vmem>> -> memref<1x1x125x64xf32, #tpu.memory_space<vmem>>
      %dma_start3A_346 = tpu.memref_squeeze %dma_start3A_345 : memref<1x1x125x64xf32, #tpu.memory_space<vmem>> -> memref<125x64xf32, #tpu.memory_space<vmem>>
      %dma_start3A_347 = arith.constant 0 : i32
      %dma_start3A_348 = tpu.memref_slice %arg8[%add3A_340, %dma_start3A_347] : memref<80x125xi32, #tpu.memory_space<vmem>> -> memref<1x125xi32, #tpu.memory_space<vmem>>
      %dma_start3A_349 = tpu.memref_squeeze %dma_start3A_348 : memref<1x125xi32, #tpu.memory_space<vmem>> -> memref<125xi32, #tpu.memory_space<vmem>>
      %dma_start3A_350 = arith.constant 0 : i32
      %dma_start3A_351 = arith.constant 0 : i32
      %dma_start3A_352 = tpu.memref_slice %arg10[%dma_start3A_350, %dma_start3A_351] : memref<10240x64xf32, #tpu.memory_space<vmem_shared>> -> memref<10240x64xf32, #tpu.memory_space<vmem_shared>>
      tpu.enqueue_indirect_dma source(%dma_start3A_346 : memref<125x64xf32, #tpu.memory_space<vmem>>) target(%dma_start3A_352 : memref<10240x64xf32, #tpu.memory_space<vmem_shared>>) offsets(%dma_start3A_349 : memref<125xi32, #tpu.memory_space<vmem>>) semaphore(%arg13 : memref<!tpu.dma_semaphore, #tpu.memory_space<semaphore_mem>>) {add = true}
      %mul3A_353 = arith.constant 4 : i32
      %mul3A_354 = arith.muli %mul3A_204, %mul3A_353 : i32
      %add3A_355 = arith.constant 1 : i32
      %add3A_356 = arith.addi %mul3A_354, %add3A_355 : i32
      %dma_start3A_357 = arith.constant 0 : i32
      %dma_start3A_358 = arith.constant 1 : i32
      %dma_start3A_359 = arith.constant 0 : i32
      %dma_start3A_360 = arith.constant 0 : i32
      %dma_start3A_361 = tpu.memref_slice %arg9[%dma_start3A_357, %dma_start3A_358, %dma_start3A_359, %dma_start3A_360] : memref<2x4x125x64xf32, #tpu.memory_space<vmem>> -> memref<1x1x125x64xf32, #tpu.memory_space<vmem>>
      %dma_start3A_362 = tpu.memref_squeeze %dma_start3A_361 : memref<1x1x125x64xf32, #tpu.memory_space<vmem>> -> memref<125x64xf32, #tpu.memory_space<vmem>>
      %dma_start3A_363 = arith.constant 0 : i32
      %dma_start3A_364 = tpu.memref_slice %arg8[%add3A_356, %dma_start3A_363] : memref<80x125xi32, #tpu.memory_space<vmem>> -> memref<1x125xi32, #tpu.memory_space<vmem>>
      %dma_start3A_365 = tpu.memref_squeeze %dma_start3A_364 : memref<1x125xi32, #tpu.memory_space<vmem>> -> memref<125xi32, #tpu.memory_space<vmem>>
      %dma_start3A_366 = arith.constant 0 : i32
      %dma_start3A_367 = arith.constant 0 : i32
      %dma_start3A_368 = tpu.memref_slice %arg10[%dma_start3A_366, %dma_start3A_367] : memref<10240x64xf32, #tpu.memory_space<vmem_shared>> -> memref<10240x64xf32, #tpu.memory_space<vmem_shared>>
      tpu.enqueue_indirect_dma source(%dma_start3A_362 : memref<125x64xf32, #tpu.memory_space<vmem>>) target(%dma_start3A_368 : memref<10240x64xf32, #tpu.memory_space<vmem_shared>>) offsets(%dma_start3A_365 : memref<125xi32, #tpu.memory_space<vmem>>) semaphore(%arg13 : memref<!tpu.dma_semaphore, #tpu.memory_space<semaphore_mem>>) {add = true}
      %mul3A_369 = arith.constant 4 : i32
      %mul3A_370 = arith.muli %mul3A_204, %mul3A_369 : i32
      %add3A_371 = arith.constant 2 : i32
      %add3A_372 = arith.addi %mul3A_370, %add3A_371 : i32
      %dma_start3A_373 = arith.constant 0 : i32
      %dma_start3A_374 = arith.constant 2 : i32
      %dma_start3A_375 = arith.constant 0 : i32
      %dma_start3A_376 = arith.constant 0 : i32
      %dma_start3A_377 = tpu.memref_slice %arg9[%dma_start3A_373, %dma_start3A_374, %dma_start3A_375, %dma_start3A_376] : memref<2x4x125x64xf32, #tpu.memory_space<vmem>> -> memref<1x1x125x64xf32, #tpu.memory_space<vmem>>
      %dma_start3A_378 = tpu.memref_squeeze %dma_start3A_377 : memref<1x1x125x64xf32, #tpu.memory_space<vmem>> -> memref<125x64xf32, #tpu.memory_space<vmem>>
      %dma_start3A_379 = arith.constant 0 : i32
      %dma_start3A_380 = tpu.memref_slice %arg8[%add3A_372, %dma_start3A_379] : memref<80x125xi32, #tpu.memory_space<vmem>> -> memref<1x125xi32, #tpu.memory_space<vmem>>
      %dma_start3A_381 = tpu.memref_squeeze %dma_start3A_380 : memref<1x125xi32, #tpu.memory_space<vmem>> -> memref<125xi32, #tpu.memory_space<vmem>>
      %dma_start3A_382 = arith.constant 0 : i32
      %dma_start3A_383 = arith.constant 0 : i32
      %dma_start3A_384 = tpu.memref_slice %arg10[%dma_start3A_382, %dma_start3A_383] : memref<10240x64xf32, #tpu.memory_space<vmem_shared>> -> memref<10240x64xf32, #tpu.memory_space<vmem_shared>>
      tpu.enqueue_indirect_dma source(%dma_start3A_378 : memref<125x64xf32, #tpu.memory_space<vmem>>) target(%dma_start3A_384 : memref<10240x64xf32, #tpu.memory_space<vmem_shared>>) offsets(%dma_start3A_381 : memref<125xi32, #tpu.memory_space<vmem>>) semaphore(%arg13 : memref<!tpu.dma_semaphore, #tpu.memory_space<semaphore_mem>>) {add = true}
      %mul3A_385 = arith.constant 4 : i32
      %mul3A_386 = arith.muli %mul3A_204, %mul3A_385 : i32
      %add3A_387 = arith.constant 3 : i32
      %add3A_388 = arith.addi %mul3A_386, %add3A_387 : i32
      %dma_start3A_389 = arith.constant 0 : i32
      %dma_start3A_390 = arith.constant 3 : i32
      %dma_start3A_391 = arith.constant 0 : i32
      %dma_start3A_392 = arith.constant 0 : i32
      %dma_start3A_393 = tpu.memref_slice %arg9[%dma_start3A_389, %dma_start3A_390, %dma_start3A_391, %dma_start3A_392] : memref<2x4x125x64xf32, #tpu.memory_space<vmem>> -> memref<1x1x125x64xf32, #tpu.memory_space<vmem>>
      %dma_start3A_394 = tpu.memref_squeeze %dma_start3A_393 : memref<1x1x125x64xf32, #tpu.memory_space<vmem>> -> memref<125x64xf32, #tpu.memory_space<vmem>>
      %dma_start3A_395 = arith.constant 0 : i32
      %dma_start3A_396 = tpu.memref_slice %arg8[%add3A_388, %dma_start3A_395] : memref<80x125xi32, #tpu.memory_space<vmem>> -> memref<1x125xi32, #tpu.memory_space<vmem>>
      %dma_start3A_397 = tpu.memref_squeeze %dma_start3A_396 : memref<1x125xi32, #tpu.memory_space<vmem>> -> memref<125xi32, #tpu.memory_space<vmem>>
      %dma_start3A_398 = arith.constant 0 : i32
      %dma_start3A_399 = arith.constant 0 : i32
      %dma_start3A_400 = tpu.memref_slice %arg10[%dma_start3A_398, %dma_start3A_399] : memref<10240x64xf32, #tpu.memory_space<vmem_shared>> -> memref<10240x64xf32, #tpu.memory_space<vmem_shared>>
      tpu.enqueue_indirect_dma source(%dma_start3A_394 : memref<125x64xf32, #tpu.memory_space<vmem>>) target(%dma_start3A_400 : memref<10240x64xf32, #tpu.memory_space<vmem_shared>>) offsets(%dma_start3A_397 : memref<125xi32, #tpu.memory_space<vmem>>) semaphore(%arg13 : memref<!tpu.dma_semaphore, #tpu.memory_space<semaphore_mem>>) {add = true}
      %mul3A_401 = arith.constant 4 : i32
      %mul3A_402 = arith.muli %add3A_206, %mul3A_401 : i32
      %add3A_403 = arith.constant 0 : i32
      %add3A_404 = arith.addi %mul3A_402, %add3A_403 : i32
      %dma_wait3A_405 = arith.constant 1 : i32
      %dma_wait3A_406 = arith.constant 0 : i32
      %dma_wait3A_407 = arith.constant 0 : i32
      %dma_wait3A_408 = arith.constant 0 : i32
      %dma_wait3A_409 = tpu.memref_slice %arg9[%dma_wait3A_405, %dma_wait3A_406, %dma_wait3A_407, %dma_wait3A_408] : memref<2x4x125x64xf32, #tpu.memory_space<vmem>> -> memref<1x1x125x64xf32, #tpu.memory_space<vmem>>
      %dma_wait3A_410 = tpu.memref_squeeze %dma_wait3A_409 : memref<1x1x125x64xf32, #tpu.memory_space<vmem>> -> memref<125x64xf32, #tpu.memory_space<vmem>>
      %dma_wait3A_411 = arith.constant 0 : i32
      %dma_wait3A_412 = tpu.memref_slice %arg7[%add3A_404, %dma_wait3A_411] : memref<80x125xi32, #tpu.memory_space<vmem>> -> memref<1x125xi32, #tpu.memory_space<vmem>>
      %dma_wait3A_413 = tpu.memref_squeeze %dma_wait3A_412 : memref<1x125xi32, #tpu.memory_space<vmem>> -> memref<125xi32, #tpu.memory_space<vmem>>
      %dma_wait3A_414 = arith.constant 0 : i32
      %dma_wait3A_415 = arith.constant 0 : i32
      %dma_wait3A_416 = tpu.memref_slice %arg2[%dma_wait3A_414, %dma_wait3A_415] : memref<10000x64xf32, #tpu.memory_space<hbm>> -> memref<10000x64xf32, #tpu.memory_space<hbm>>
      tpu.wait_indirect_dma semaphore(%arg12 : memref<!tpu.dma_semaphore, #tpu.memory_space<semaphore_mem>>) src(%dma_wait3A_416 : memref<10000x64xf32, #tpu.memory_space<hbm>>) dst(%dma_wait3A_410 : memref<125x64xf32, #tpu.memory_space<vmem>>)
      %mul3A_417 = arith.constant 4 : i32
      %mul3A_418 = arith.muli %add3A_206, %mul3A_417 : i32
      %add3A_419 = arith.constant 1 : i32
      %add3A_420 = arith.addi %mul3A_418, %add3A_419 : i32
      %dma_wait3A_421 = arith.constant 1 : i32
      %dma_wait3A_422 = arith.constant 1 : i32
      %dma_wait3A_423 = arith.constant 0 : i32
      %dma_wait3A_424 = arith.constant 0 : i32
      %dma_wait3A_425 = tpu.memref_slice %arg9[%dma_wait3A_421, %dma_wait3A_422, %dma_wait3A_423, %dma_wait3A_424] : memref<2x4x125x64xf32, #tpu.memory_space<vmem>> -> memref<1x1x125x64xf32, #tpu.memory_space<vmem>>
      %dma_wait3A_426 = tpu.memref_squeeze %dma_wait3A_425 : memref<1x1x125x64xf32, #tpu.memory_space<vmem>> -> memref<125x64xf32, #tpu.memory_space<vmem>>
      %dma_wait3A_427 = arith.constant 0 : i32
      %dma_wait3A_428 = tpu.memref_slice %arg7[%add3A_420, %dma_wait3A_427] : memref<80x125xi32, #tpu.memory_space<vmem>> -> memref<1x125xi32, #tpu.memory_space<vmem>>
      %dma_wait3A_429 = tpu.memref_squeeze %dma_wait3A_428 : memref<1x125xi32, #tpu.memory_space<vmem>> -> memref<125xi32, #tpu.memory_space<vmem>>
      %dma_wait3A_430 = arith.constant 0 : i32
      %dma_wait3A_431 = arith.constant 0 : i32
      %dma_wait3A_432 = tpu.memref_slice %arg2[%dma_wait3A_430, %dma_wait3A_431] : memref<10000x64xf32, #tpu.memory_space<hbm>> -> memref<10000x64xf32, #tpu.memory_space<hbm>>
      tpu.wait_indirect_dma semaphore(%arg12 : memref<!tpu.dma_semaphore, #tpu.memory_space<semaphore_mem>>) src(%dma_wait3A_432 : memref<10000x64xf32, #tpu.memory_space<hbm>>) dst(%dma_wait3A_426 : memref<125x64xf32, #tpu.memory_space<vmem>>)
      %mul3A_433 = arith.constant 4 : i32
      %mul3A_434 = arith.muli %add3A_206, %mul3A_433 : i32
      %add3A_435 = arith.constant 2 : i32
      %add3A_436 = arith.addi %mul3A_434, %add3A_435 : i32
      %dma_wait3A_437 = arith.constant 1 : i32
      %dma_wait3A_438 = arith.constant 2 : i32
      %dma_wait3A_439 = arith.constant 0 : i32
      %dma_wait3A_440 = arith.constant 0 : i32
      %dma_wait3A_441 = tpu.memref_slice %arg9[%dma_wait3A_437, %dma_wait3A_438, %dma_wait3A_439, %dma_wait3A_440] : memref<2x4x125x64xf32, #tpu.memory_space<vmem>> -> memref<1x1x125x64xf32, #tpu.memory_space<vmem>>
      %dma_wait3A_442 = tpu.memref_squeeze %dma_wait3A_441 : memref<1x1x125x64xf32, #tpu.memory_space<vmem>> -> memref<125x64xf32, #tpu.memory_space<vmem>>
      %dma_wait3A_443 = arith.constant 0 : i32
      %dma_wait3A_444 = tpu.memref_slice %arg7[%add3A_436, %dma_wait3A_443] : memref<80x125xi32, #tpu.memory_space<vmem>> -> memref<1x125xi32, #tpu.memory_space<vmem>>
      %dma_wait3A_445 = tpu.memref_squeeze %dma_wait3A_444 : memref<1x125xi32, #tpu.memory_space<vmem>> -> memref<125xi32, #tpu.memory_space<vmem>>
      %dma_wait3A_446 = arith.constant 0 : i32
      %dma_wait3A_447 = arith.constant 0 : i32
      %dma_wait3A_448 = tpu.memref_slice %arg2[%dma_wait3A_446, %dma_wait3A_447] : memref<10000x64xf32, #tpu.memory_space<hbm>> -> memref<10000x64xf32, #tpu.memory_space<hbm>>
      tpu.wait_indirect_dma semaphore(%arg12 : memref<!tpu.dma_semaphore, #tpu.memory_space<semaphore_mem>>) src(%dma_wait3A_448 : memref<10000x64xf32, #tpu.memory_space<hbm>>) dst(%dma_wait3A_442 : memref<125x64xf32, #tpu.memory_space<vmem>>)
      %mul3A_449 = arith.constant 4 : i32
      %mul3A_450 = arith.muli %add3A_206, %mul3A_449 : i32
      %add3A_451 = arith.constant 3 : i32
      %add3A_452 = arith.addi %mul3A_450, %add3A_451 : i32
      %dma_wait3A_453 = arith.constant 1 : i32
      %dma_wait3A_454 = arith.constant 3 : i32
      %dma_wait3A_455 = arith.constant 0 : i32
      %dma_wait3A_456 = arith.constant 0 : i32
      %dma_wait3A_457 = tpu.memref_slice %arg9[%dma_wait3A_453, %dma_wait3A_454, %dma_wait3A_455, %dma_wait3A_456] : memref<2x4x125x64xf32, #tpu.memory_space<vmem>> -> memref<1x1x125x64xf32, #tpu.memory_space<vmem>>
      %dma_wait3A_458 = tpu.memref_squeeze %dma_wait3A_457 : memref<1x1x125x64xf32, #tpu.memory_space<vmem>> -> memref<125x64xf32, #tpu.memory_space<vmem>>
      %dma_wait3A_459 = arith.constant 0 : i32
      %dma_wait3A_460 = tpu.memref_slice %arg7[%add3A_452, %dma_wait3A_459] : memref<80x125xi32, #tpu.memory_space<vmem>> -> memref<1x125xi32, #tpu.memory_space<vmem>>
      %dma_wait3A_461 = tpu.memref_squeeze %dma_wait3A_460 : memref<1x125xi32, #tpu.memory_space<vmem>> -> memref<125xi32, #tpu.memory_space<vmem>>
      %dma_wait3A_462 = arith.constant 0 : i32
      %dma_wait3A_463 = arith.constant 0 : i32
      %dma_wait3A_464 = tpu.memref_slice %arg2[%dma_wait3A_462, %dma_wait3A_463] : memref<10000x64xf32, #tpu.memory_space<hbm>> -> memref<10000x64xf32, #tpu.memory_space<hbm>>
      tpu.wait_indirect_dma semaphore(%arg12 : memref<!tpu.dma_semaphore, #tpu.memory_space<semaphore_mem>>) src(%dma_wait3A_464 : memref<10000x64xf32, #tpu.memory_space<hbm>>) dst(%dma_wait3A_458 : memref<125x64xf32, #tpu.memory_space<vmem>>)
      %mul3A_465 = arith.constant 4 : i32
      %mul3A_466 = arith.muli %add3A_206, %mul3A_465 : i32
      %add3A_467 = arith.constant 0 : i32
      %add3A_468 = arith.addi %mul3A_466, %add3A_467 : i32
      %dma_start3A_469 = arith.constant 1 : i32
      %dma_start3A_470 = arith.constant 0 : i32
      %dma_start3A_471 = arith.constant 0 : i32
      %dma_start3A_472 = arith.constant 0 : i32
      %dma_start3A_473 = tpu.memref_slice %arg9[%dma_start3A_469, %dma_start3A_470, %dma_start3A_471, %dma_start3A_472] : memref<2x4x125x64xf32, #tpu.memory_space<vmem>> -> memref<1x1x125x64xf32, #tpu.memory_space<vmem>>
      %dma_start3A_474 = tpu.memref_squeeze %dma_start3A_473 : memref<1x1x125x64xf32, #tpu.memory_space<vmem>> -> memref<125x64xf32, #tpu.memory_space<vmem>>
      %dma_start3A_475 = arith.constant 0 : i32
      %dma_start3A_476 = tpu.memref_slice %arg8[%add3A_468, %dma_start3A_475] : memref<80x125xi32, #tpu.memory_space<vmem>> -> memref<1x125xi32, #tpu.memory_space<vmem>>
      %dma_start3A_477 = tpu.memref_squeeze %dma_start3A_476 : memref<1x125xi32, #tpu.memory_space<vmem>> -> memref<125xi32, #tpu.memory_space<vmem>>
      %dma_start3A_478 = arith.constant 0 : i32
      %dma_start3A_479 = arith.constant 0 : i32
      %dma_start3A_480 = tpu.memref_slice %arg10[%dma_start3A_478, %dma_start3A_479] : memref<10240x64xf32, #tpu.memory_space<vmem_shared>> -> memref<10240x64xf32, #tpu.memory_space<vmem_shared>>
      tpu.enqueue_indirect_dma source(%dma_start3A_474 : memref<125x64xf32, #tpu.memory_space<vmem>>) target(%dma_start3A_480 : memref<10240x64xf32, #tpu.memory_space<vmem_shared>>) offsets(%dma_start3A_477 : memref<125xi32, #tpu.memory_space<vmem>>) semaphore(%arg14 : memref<!tpu.dma_semaphore, #tpu.memory_space<semaphore_mem>>) {add = true}
      %mul3A_481 = arith.constant 4 : i32
      %mul3A_482 = arith.muli %add3A_206, %mul3A_481 : i32
      %add3A_483 = arith.constant 1 : i32
      %add3A_484 = arith.addi %mul3A_482, %add3A_483 : i32
      %dma_start3A_485 = arith.constant 1 : i32
      %dma_start3A_486 = arith.constant 1 : i32
      %dma_start3A_487 = arith.constant 0 : i32
      %dma_start3A_488 = arith.constant 0 : i32
      %dma_start3A_489 = tpu.memref_slice %arg9[%dma_start3A_485, %dma_start3A_486, %dma_start3A_487, %dma_start3A_488] : memref<2x4x125x64xf32, #tpu.memory_space<vmem>> -> memref<1x1x125x64xf32, #tpu.memory_space<vmem>>
      %dma_start3A_490 = tpu.memref_squeeze %dma_start3A_489 : memref<1x1x125x64xf32, #tpu.memory_space<vmem>> -> memref<125x64xf32, #tpu.memory_space<vmem>>
      %dma_start3A_491 = arith.constant 0 : i32
      %dma_start3A_492 = tpu.memref_slice %arg8[%add3A_484, %dma_start3A_491] : memref<80x125xi32, #tpu.memory_space<vmem>> -> memref<1x125xi32, #tpu.memory_space<vmem>>
      %dma_start3A_493 = tpu.memref_squeeze %dma_start3A_492 : memref<1x125xi32, #tpu.memory_space<vmem>> -> memref<125xi32, #tpu.memory_space<vmem>>
      %dma_start3A_494 = arith.constant 0 : i32
      %dma_start3A_495 = arith.constant 0 : i32
      %dma_start3A_496 = tpu.memref_slice %arg10[%dma_start3A_494, %dma_start3A_495] : memref<10240x64xf32, #tpu.memory_space<vmem_shared>> -> memref<10240x64xf32, #tpu.memory_space<vmem_shared>>
      tpu.enqueue_indirect_dma source(%dma_start3A_490 : memref<125x64xf32, #tpu.memory_space<vmem>>) target(%dma_start3A_496 : memref<10240x64xf32, #tpu.memory_space<vmem_shared>>) offsets(%dma_start3A_493 : memref<125xi32, #tpu.memory_space<vmem>>) semaphore(%arg14 : memref<!tpu.dma_semaphore, #tpu.memory_space<semaphore_mem>>) {add = true}
      %mul3A_497 = arith.constant 4 : i32
      %mul3A_498 = arith.muli %add3A_206, %mul3A_497 : i32
      %add3A_499 = arith.constant 2 : i32
      %add3A_500 = arith.addi %mul3A_498, %add3A_499 : i32
      %dma_start3A_501 = arith.constant 1 : i32
      %dma_start3A_502 = arith.constant 2 : i32
      %dma_start3A_503 = arith.constant 0 : i32
      %dma_start3A_504 = arith.constant 0 : i32
      %dma_start3A_505 = tpu.memref_slice %arg9[%dma_start3A_501, %dma_start3A_502, %dma_start3A_503, %dma_start3A_504] : memref<2x4x125x64xf32, #tpu.memory_space<vmem>> -> memref<1x1x125x64xf32, #tpu.memory_space<vmem>>
      %dma_start3A_506 = tpu.memref_squeeze %dma_start3A_505 : memref<1x1x125x64xf32, #tpu.memory_space<vmem>> -> memref<125x64xf32, #tpu.memory_space<vmem>>
      %dma_start3A_507 = arith.constant 0 : i32
      %dma_start3A_508 = tpu.memref_slice %arg8[%add3A_500, %dma_start3A_507] : memref<80x125xi32, #tpu.memory_space<vmem>> -> memref<1x125xi32, #tpu.memory_space<vmem>>
      %dma_start3A_509 = tpu.memref_squeeze %dma_start3A_508 : memref<1x125xi32, #tpu.memory_space<vmem>> -> memref<125xi32, #tpu.memory_space<vmem>>
      %dma_start3A_510 = arith.constant 0 : i32
      %dma_start3A_511 = arith.constant 0 : i32
      %dma_start3A_512 = tpu.memref_slice %arg10[%dma_start3A_510, %dma_start3A_511] : memref<10240x64xf32, #tpu.memory_space<vmem_shared>> -> memref<10240x64xf32, #tpu.memory_space<vmem_shared>>
      tpu.enqueue_indirect_dma source(%dma_start3A_506 : memref<125x64xf32, #tpu.memory_space<vmem>>) target(%dma_start3A_512 : memref<10240x64xf32, #tpu.memory_space<vmem_shared>>) offsets(%dma_start3A_509 : memref<125xi32, #tpu.memory_space<vmem>>) semaphore(%arg14 : memref<!tpu.dma_semaphore, #tpu.memory_space<semaphore_mem>>) {add = true}
      %mul3A_513 = arith.constant 4 : i32
      %mul3A_514 = arith.muli %add3A_206, %mul3A_513 : i32
      %add3A_515 = arith.constant 3 : i32
      %add3A_516 = arith.addi %mul3A_514, %add3A_515 : i32
      %dma_start3A_517 = arith.constant 1 : i32
      %dma_start3A_518 = arith.constant 3 : i32
      %dma_start3A_519 = arith.constant 0 : i32
      %dma_start3A_520 = arith.constant 0 : i32
      %dma_start3A_521 = tpu.memref_slice %arg9[%dma_start3A_517, %dma_start3A_518, %dma_start3A_519, %dma_start3A_520] : memref<2x4x125x64xf32, #tpu.memory_space<vmem>> -> memref<1x1x125x64xf32, #tpu.memory_space<vmem>>
      %dma_start3A_522 = tpu.memref_squeeze %dma_start3A_521 : memref<1x1x125x64xf32, #tpu.memory_space<vmem>> -> memref<125x64xf32, #tpu.memory_space<vmem>>
      %dma_start3A_523 = arith.constant 0 : i32
      %dma_start3A_524 = tpu.memref_slice %arg8[%add3A_516, %dma_start3A_523] : memref<80x125xi32, #tpu.memory_space<vmem>> -> memref<1x125xi32, #tpu.memory_space<vmem>>
      %dma_start3A_525 = tpu.memref_squeeze %dma_start3A_524 : memref<1x125xi32, #tpu.memory_space<vmem>> -> memref<125xi32, #tpu.memory_space<vmem>>
      %dma_start3A_526 = arith.constant 0 : i32
      %dma_start3A_527 = arith.constant 0 : i32
      %dma_start3A_528 = tpu.memref_slice %arg10[%dma_start3A_526, %dma_start3A_527] : memref<10240x64xf32, #tpu.memory_space<vmem_shared>> -> memref<10240x64xf32, #tpu.memory_space<vmem_shared>>
      tpu.enqueue_indirect_dma source(%dma_start3A_522 : memref<125x64xf32, #tpu.memory_space<vmem>>) target(%dma_start3A_528 : memref<10240x64xf32, #tpu.memory_space<vmem_shared>>) offsets(%dma_start3A_525 : memref<125xi32, #tpu.memory_space<vmem>>) semaphore(%arg14 : memref<!tpu.dma_semaphore, #tpu.memory_space<semaphore_mem>>) {add = true}
      %lt3A = arith.constant 9 : i32
      %lt3A_529 = arith.cmpi slt, %scan3A_202, %lt3A : i32
      %convert_element_type3A_530 = arith.extui %lt3A_529 : i1 to i32
      %cond3A_531 = arith.constant 0 : i32
      %cond3A_532 = arith.cmpi ne, %convert_element_type3A_530, %cond3A_531 : i32
      scf.if %cond3A_532 {
        %mul3A_533 = arith.constant 4 : i32
        %mul3A_534 = arith.muli %mul3A_204, %mul3A_533 : i32
        %add3A_535 = arith.constant 0 : i32
        %add3A_536 = arith.addi %mul3A_534, %add3A_535 : i32
        %dma_wait3A_537 = arith.constant 0 : i32
        %dma_wait3A_538 = arith.constant 0 : i32
        %dma_wait3A_539 = arith.constant 0 : i32
        %dma_wait3A_540 = arith.constant 0 : i32
        %dma_wait3A_541 = tpu.memref_slice %arg9[%dma_wait3A_537, %dma_wait3A_538, %dma_wait3A_539, %dma_wait3A_540] : memref<2x4x125x64xf32, #tpu.memory_space<vmem>> -> memref<1x1x125x64xf32, #tpu.memory_space<vmem>>
        %dma_wait3A_542 = tpu.memref_squeeze %dma_wait3A_541 : memref<1x1x125x64xf32, #tpu.memory_space<vmem>> -> memref<125x64xf32, #tpu.memory_space<vmem>>
        %dma_wait3A_543 = arith.constant 0 : i32
        %dma_wait3A_544 = tpu.memref_slice %arg8[%add3A_536, %dma_wait3A_543] : memref<80x125xi32, #tpu.memory_space<vmem>> -> memref<1x125xi32, #tpu.memory_space<vmem>>
        %dma_wait3A_545 = tpu.memref_squeeze %dma_wait3A_544 : memref<1x125xi32, #tpu.memory_space<vmem>> -> memref<125xi32, #tpu.memory_space<vmem>>
        %dma_wait3A_546 = arith.constant 0 : i32
        %dma_wait3A_547 = arith.constant 0 : i32
        %dma_wait3A_548 = tpu.memref_slice %arg10[%dma_wait3A_546, %dma_wait3A_547] : memref<10240x64xf32, #tpu.memory_space<vmem_shared>> -> memref<10240x64xf32, #tpu.memory_space<vmem_shared>>
        tpu.wait_indirect_dma semaphore(%arg13 : memref<!tpu.dma_semaphore, #tpu.memory_space<semaphore_mem>>) src(%dma_wait3A_542 : memref<125x64xf32, #tpu.memory_space<vmem>>) dst(%dma_wait3A_548 : memref<10240x64xf32, #tpu.memory_space<vmem_shared>>)
        %mul3A_549 = arith.constant 4 : i32
        %mul3A_550 = arith.muli %mul3A_204, %mul3A_549 : i32
        %add3A_551 = arith.constant 1 : i32
        %add3A_552 = arith.addi %mul3A_550, %add3A_551 : i32
        %dma_wait3A_553 = arith.constant 0 : i32
        %dma_wait3A_554 = arith.constant 1 : i32
        %dma_wait3A_555 = arith.constant 0 : i32
        %dma_wait3A_556 = arith.constant 0 : i32
        %dma_wait3A_557 = tpu.memref_slice %arg9[%dma_wait3A_553, %dma_wait3A_554, %dma_wait3A_555, %dma_wait3A_556] : memref<2x4x125x64xf32, #tpu.memory_space<vmem>> -> memref<1x1x125x64xf32, #tpu.memory_space<vmem>>
        %dma_wait3A_558 = tpu.memref_squeeze %dma_wait3A_557 : memref<1x1x125x64xf32, #tpu.memory_space<vmem>> -> memref<125x64xf32, #tpu.memory_space<vmem>>
        %dma_wait3A_559 = arith.constant 0 : i32
        %dma_wait3A_560 = tpu.memref_slice %arg8[%add3A_552, %dma_wait3A_559] : memref<80x125xi32, #tpu.memory_space<vmem>> -> memref<1x125xi32, #tpu.memory_space<vmem>>
        %dma_wait3A_561 = tpu.memref_squeeze %dma_wait3A_560 : memref<1x125xi32, #tpu.memory_space<vmem>> -> memref<125xi32, #tpu.memory_space<vmem>>
        %dma_wait3A_562 = arith.constant 0 : i32
        %dma_wait3A_563 = arith.constant 0 : i32
        %dma_wait3A_564 = tpu.memref_slice %arg10[%dma_wait3A_562, %dma_wait3A_563] : memref<10240x64xf32, #tpu.memory_space<vmem_shared>> -> memref<10240x64xf32, #tpu.memory_space<vmem_shared>>
        tpu.wait_indirect_dma semaphore(%arg13 : memref<!tpu.dma_semaphore, #tpu.memory_space<semaphore_mem>>) src(%dma_wait3A_558 : memref<125x64xf32, #tpu.memory_space<vmem>>) dst(%dma_wait3A_564 : memref<10240x64xf32, #tpu.memory_space<vmem_shared>>)
        %mul3A_565 = arith.constant 4 : i32
        %mul3A_566 = arith.muli %mul3A_204, %mul3A_565 : i32
        %add3A_567 = arith.constant 2 : i32
        %add3A_568 = arith.addi %mul3A_566, %add3A_567 : i32
        %dma_wait3A_569 = arith.constant 0 : i32
        %dma_wait3A_570 = arith.constant 2 : i32
        %dma_wait3A_571 = arith.constant 0 : i32
        %dma_wait3A_572 = arith.constant 0 : i32
        %dma_wait3A_573 = tpu.memref_slice %arg9[%dma_wait3A_569, %dma_wait3A_570, %dma_wait3A_571, %dma_wait3A_572] : memref<2x4x125x64xf32, #tpu.memory_space<vmem>> -> memref<1x1x125x64xf32, #tpu.memory_space<vmem>>
        %dma_wait3A_574 = tpu.memref_squeeze %dma_wait3A_573 : memref<1x1x125x64xf32, #tpu.memory_space<vmem>> -> memref<125x64xf32, #tpu.memory_space<vmem>>
        %dma_wait3A_575 = arith.constant 0 : i32
        %dma_wait3A_576 = tpu.memref_slice %arg8[%add3A_568, %dma_wait3A_575] : memref<80x125xi32, #tpu.memory_space<vmem>> -> memref<1x125xi32, #tpu.memory_space<vmem>>
        %dma_wait3A_577 = tpu.memref_squeeze %dma_wait3A_576 : memref<1x125xi32, #tpu.memory_space<vmem>> -> memref<125xi32, #tpu.memory_space<vmem>>
        %dma_wait3A_578 = arith.constant 0 : i32
        %dma_wait3A_579 = arith.constant 0 : i32
        %dma_wait3A_580 = tpu.memref_slice %arg10[%dma_wait3A_578, %dma_wait3A_579] : memref<10240x64xf32, #tpu.memory_space<vmem_shared>> -> memref<10240x64xf32, #tpu.memory_space<vmem_shared>>
        tpu.wait_indirect_dma semaphore(%arg13 : memref<!tpu.dma_semaphore, #tpu.memory_space<semaphore_mem>>) src(%dma_wait3A_574 : memref<125x64xf32, #tpu.memory_space<vmem>>) dst(%dma_wait3A_580 : memref<10240x64xf32, #tpu.memory_space<vmem_shared>>)
        %mul3A_581 = arith.constant 4 : i32
        %mul3A_582 = arith.muli %mul3A_204, %mul3A_581 : i32
        %add3A_583 = arith.constant 3 : i32
        %add3A_584 = arith.addi %mul3A_582, %add3A_583 : i32
        %dma_wait3A_585 = arith.constant 0 : i32
        %dma_wait3A_586 = arith.constant 3 : i32
        %dma_wait3A_587 = arith.constant 0 : i32
        %dma_wait3A_588 = arith.constant 0 : i32
        %dma_wait3A_589 = tpu.memref_slice %arg9[%dma_wait3A_585, %dma_wait3A_586, %dma_wait3A_587, %dma_wait3A_588] : memref<2x4x125x64xf32, #tpu.memory_space<vmem>> -> memref<1x1x125x64xf32, #tpu.memory_space<vmem>>
        %dma_wait3A_590 = tpu.memref_squeeze %dma_wait3A_589 : memref<1x1x125x64xf32, #tpu.memory_space<vmem>> -> memref<125x64xf32, #tpu.memory_space<vmem>>
        %dma_wait3A_591 = arith.constant 0 : i32
        %dma_wait3A_592 = tpu.memref_slice %arg8[%add3A_584, %dma_wait3A_591] : memref<80x125xi32, #tpu.memory_space<vmem>> -> memref<1x125xi32, #tpu.memory_space<vmem>>
        %dma_wait3A_593 = tpu.memref_squeeze %dma_wait3A_592 : memref<1x125xi32, #tpu.memory_space<vmem>> -> memref<125xi32, #tpu.memory_space<vmem>>
        %dma_wait3A_594 = arith.constant 0 : i32
        %dma_wait3A_595 = arith.constant 0 : i32
        %dma_wait3A_596 = tpu.memref_slice %arg10[%dma_wait3A_594, %dma_wait3A_595] : memref<10240x64xf32, #tpu.memory_space<vmem_shared>> -> memref<10240x64xf32, #tpu.memory_space<vmem_shared>>
        tpu.wait_indirect_dma semaphore(%arg13 : memref<!tpu.dma_semaphore, #tpu.memory_space<semaphore_mem>>) src(%dma_wait3A_590 : memref<125x64xf32, #tpu.memory_space<vmem>>) dst(%dma_wait3A_596 : memref<10240x64xf32, #tpu.memory_space<vmem_shared>>)
        %add3A_597 = arith.constant 2 : i32
        %add3A_598 = arith.addi %mul3A_204, %add3A_597 : i32
        %mul3A_599 = arith.constant 4 : i32
        %mul3A_600 = arith.muli %add3A_598, %mul3A_599 : i32
        %add3A_601 = arith.constant 0 : i32
        %add3A_602 = arith.addi %mul3A_600, %add3A_601 : i32
        %dma_start3A_603 = arith.constant 0 : i32
        %dma_start3A_604 = arith.constant 0 : i32
        %dma_start3A_605 = arith.constant 0 : i32
        %dma_start3A_606 = arith.constant 0 : i32
        %dma_start3A_607 = tpu.memref_slice %arg9[%dma_start3A_603, %dma_start3A_604, %dma_start3A_605, %dma_start3A_606] : memref<2x4x125x64xf32, #tpu.memory_space<vmem>> -> memref<1x1x125x64xf32, #tpu.memory_space<vmem>>
        %dma_start3A_608 = tpu.memref_squeeze %dma_start3A_607 : memref<1x1x125x64xf32, #tpu.memory_space<vmem>> -> memref<125x64xf32, #tpu.memory_space<vmem>>
        %dma_start3A_609 = arith.constant 0 : i32
        %dma_start3A_610 = tpu.memref_slice %arg7[%add3A_602, %dma_start3A_609] : memref<80x125xi32, #tpu.memory_space<vmem>> -> memref<1x125xi32, #tpu.memory_space<vmem>>
        %dma_start3A_611 = tpu.memref_squeeze %dma_start3A_610 : memref<1x125xi32, #tpu.memory_space<vmem>> -> memref<125xi32, #tpu.memory_space<vmem>>
        %dma_start3A_612 = arith.constant 0 : i32
        %dma_start3A_613 = arith.constant 0 : i32
        %dma_start3A_614 = tpu.memref_slice %arg2[%dma_start3A_612, %dma_start3A_613] : memref<10000x64xf32, #tpu.memory_space<hbm>> -> memref<10000x64xf32, #tpu.memory_space<hbm>>
        tpu.enqueue_indirect_dma source(%dma_start3A_614 : memref<10000x64xf32, #tpu.memory_space<hbm>>) target(%dma_start3A_608 : memref<125x64xf32, #tpu.memory_space<vmem>>) offsets(%dma_start3A_611 : memref<125xi32, #tpu.memory_space<vmem>>) semaphore(%arg11 : memref<!tpu.dma_semaphore, #tpu.memory_space<semaphore_mem>>)
        %mul3A_615 = arith.constant 4 : i32
        %mul3A_616 = arith.muli %add3A_598, %mul3A_615 : i32
        %add3A_617 = arith.constant 1 : i32
        %add3A_618 = arith.addi %mul3A_616, %add3A_617 : i32
        %dma_start3A_619 = arith.constant 0 : i32
        %dma_start3A_620 = arith.constant 1 : i32
        %dma_start3A_621 = arith.constant 0 : i32
        %dma_start3A_622 = arith.constant 0 : i32
        %dma_start3A_623 = tpu.memref_slice %arg9[%dma_start3A_619, %dma_start3A_620, %dma_start3A_621, %dma_start3A_622] : memref<2x4x125x64xf32, #tpu.memory_space<vmem>> -> memref<1x1x125x64xf32, #tpu.memory_space<vmem>>
        %dma_start3A_624 = tpu.memref_squeeze %dma_start3A_623 : memref<1x1x125x64xf32, #tpu.memory_space<vmem>> -> memref<125x64xf32, #tpu.memory_space<vmem>>
        %dma_start3A_625 = arith.constant 0 : i32
        %dma_start3A_626 = tpu.memref_slice %arg7[%add3A_618, %dma_start3A_625] : memref<80x125xi32, #tpu.memory_space<vmem>> -> memref<1x125xi32, #tpu.memory_space<vmem>>
        %dma_start3A_627 = tpu.memref_squeeze %dma_start3A_626 : memref<1x125xi32, #tpu.memory_space<vmem>> -> memref<125xi32, #tpu.memory_space<vmem>>
        %dma_start3A_628 = arith.constant 0 : i32
        %dma_start3A_629 = arith.constant 0 : i32
        %dma_start3A_630 = tpu.memref_slice %arg2[%dma_start3A_628, %dma_start3A_629] : memref<10000x64xf32, #tpu.memory_space<hbm>> -> memref<10000x64xf32, #tpu.memory_space<hbm>>
        tpu.enqueue_indirect_dma source(%dma_start3A_630 : memref<10000x64xf32, #tpu.memory_space<hbm>>) target(%dma_start3A_624 : memref<125x64xf32, #tpu.memory_space<vmem>>) offsets(%dma_start3A_627 : memref<125xi32, #tpu.memory_space<vmem>>) semaphore(%arg11 : memref<!tpu.dma_semaphore, #tpu.memory_space<semaphore_mem>>)
        %mul3A_631 = arith.constant 4 : i32
        %mul3A_632 = arith.muli %add3A_598, %mul3A_631 : i32
        %add3A_633 = arith.constant 2 : i32
        %add3A_634 = arith.addi %mul3A_632, %add3A_633 : i32
        %dma_start3A_635 = arith.constant 0 : i32
        %dma_start3A_636 = arith.constant 2 : i32
        %dma_start3A_637 = arith.constant 0 : i32
        %dma_start3A_638 = arith.constant 0 : i32
        %dma_start3A_639 = tpu.memref_slice %arg9[%dma_start3A_635, %dma_start3A_636, %dma_start3A_637, %dma_start3A_638] : memref<2x4x125x64xf32, #tpu.memory_space<vmem>> -> memref<1x1x125x64xf32, #tpu.memory_space<vmem>>
        %dma_start3A_640 = tpu.memref_squeeze %dma_start3A_639 : memref<1x1x125x64xf32, #tpu.memory_space<vmem>> -> memref<125x64xf32, #tpu.memory_space<vmem>>
        %dma_start3A_641 = arith.constant 0 : i32
        %dma_start3A_642 = tpu.memref_slice %arg7[%add3A_634, %dma_start3A_641] : memref<80x125xi32, #tpu.memory_space<vmem>> -> memref<1x125xi32, #tpu.memory_space<vmem>>
        %dma_start3A_643 = tpu.memref_squeeze %dma_start3A_642 : memref<1x125xi32, #tpu.memory_space<vmem>> -> memref<125xi32, #tpu.memory_space<vmem>>
        %dma_start3A_644 = arith.constant 0 : i32
        %dma_start3A_645 = arith.constant 0 : i32
        %dma_start3A_646 = tpu.memref_slice %arg2[%dma_start3A_644, %dma_start3A_645] : memref<10000x64xf32, #tpu.memory_space<hbm>> -> memref<10000x64xf32, #tpu.memory_space<hbm>>
        tpu.enqueue_indirect_dma source(%dma_start3A_646 : memref<10000x64xf32, #tpu.memory_space<hbm>>) target(%dma_start3A_640 : memref<125x64xf32, #tpu.memory_space<vmem>>) offsets(%dma_start3A_643 : memref<125xi32, #tpu.memory_space<vmem>>) semaphore(%arg11 : memref<!tpu.dma_semaphore, #tpu.memory_space<semaphore_mem>>)
        %mul3A_647 = arith.constant 4 : i32
        %mul3A_648 = arith.muli %add3A_598, %mul3A_647 : i32
        %add3A_649 = arith.constant 3 : i32
        %add3A_650 = arith.addi %mul3A_648, %add3A_649 : i32
        %dma_start3A_651 = arith.constant 0 : i32
        %dma_start3A_652 = arith.constant 3 : i32
        %dma_start3A_653 = arith.constant 0 : i32
        %dma_start3A_654 = arith.constant 0 : i32
        %dma_start3A_655 = tpu.memref_slice %arg9[%dma_start3A_651, %dma_start3A_652, %dma_start3A_653, %dma_start3A_654] : memref<2x4x125x64xf32, #tpu.memory_space<vmem>> -> memref<1x1x125x64xf32, #tpu.memory_space<vmem>>
        %dma_start3A_656 = tpu.memref_squeeze %dma_start3A_655 : memref<1x1x125x64xf32, #tpu.memory_space<vmem>> -> memref<125x64xf32, #tpu.memory_space<vmem>>
        %dma_start3A_657 = arith.constant 0 : i32
        %dma_start3A_658 = tpu.memref_slice %arg7[%add3A_650, %dma_start3A_657] : memref<80x125xi32, #tpu.memory_space<vmem>> -> memref<1x125xi32, #tpu.memory_space<vmem>>
        %dma_start3A_659 = tpu.memref_squeeze %dma_start3A_658 : memref<1x125xi32, #tpu.memory_space<vmem>> -> memref<125xi32, #tpu.memory_space<vmem>>
        %dma_start3A_660 = arith.constant 0 : i32
        %dma_start3A_661 = arith.constant 0 : i32
        %dma_start3A_662 = tpu.memref_slice %arg2[%dma_start3A_660, %dma_start3A_661] : memref<10000x64xf32, #tpu.memory_space<hbm>> -> memref<10000x64xf32, #tpu.memory_space<hbm>>
        tpu.enqueue_indirect_dma source(%dma_start3A_662 : memref<10000x64xf32, #tpu.memory_space<hbm>>) target(%dma_start3A_656 : memref<125x64xf32, #tpu.memory_space<vmem>>) offsets(%dma_start3A_659 : memref<125xi32, #tpu.memory_space<vmem>>) semaphore(%arg11 : memref<!tpu.dma_semaphore, #tpu.memory_space<semaphore_mem>>)
      } else {
      }
    }
    %scan3A_89 = arith.constant 10 : i32
    %dma_wait3A_90 = arith.constant 0 : i32
    %dma_wait3A_91 = arith.constant 0 : i32
    %dma_wait3A_92 = arith.constant 72 : i32
    %dma_wait3A_93 = arith.constant 0 : i32
    %dma_wait3A_94 = arith.constant 0 : i32
    %dma_wait3A_95 = tpu.memref_slice %arg9[%dma_wait3A_90, %dma_wait3A_91, %dma_wait3A_93, %dma_wait3A_94] : memref<2x4x125x64xf32, #tpu.memory_space<vmem>> -> memref<1x1x125x64xf32, #tpu.memory_space<vmem>>
    %dma_wait3A_96 = tpu.memref_squeeze %dma_wait3A_95 : memref<1x1x125x64xf32, #tpu.memory_space<vmem>> -> memref<125x64xf32, #tpu.memory_space<vmem>>
    %dma_wait3A_97 = arith.constant 0 : i32
    %dma_wait3A_98 = tpu.memref_slice %arg8[%dma_wait3A_92, %dma_wait3A_97] : memref<80x125xi32, #tpu.memory_space<vmem>> -> memref<1x125xi32, #tpu.memory_space<vmem>>
    %dma_wait3A_99 = tpu.memref_squeeze %dma_wait3A_98 : memref<1x125xi32, #tpu.memory_space<vmem>> -> memref<125xi32, #tpu.memory_space<vmem>>
    %dma_wait3A_100 = arith.constant 0 : i32
    %dma_wait3A_101 = arith.constant 0 : i32
    %dma_wait3A_102 = tpu.memref_slice %arg10[%dma_wait3A_100, %dma_wait3A_101] : memref<10240x64xf32, #tpu.memory_space<vmem_shared>> -> memref<10240x64xf32, #tpu.memory_space<vmem_shared>>
    tpu.wait_indirect_dma semaphore(%arg13 : memref<!tpu.dma_semaphore, #tpu.memory_space<semaphore_mem>>) src(%dma_wait3A_96 : memref<125x64xf32, #tpu.memory_space<vmem>>) dst(%dma_wait3A_102 : memref<10240x64xf32, #tpu.memory_space<vmem_shared>>)
    %dma_wait3A_103 = arith.constant 0 : i32
    %dma_wait3A_104 = arith.constant 1 : i32
    %dma_wait3A_105 = arith.constant 73 : i32
    %dma_wait3A_106 = arith.constant 0 : i32
    %dma_wait3A_107 = arith.constant 0 : i32
    %dma_wait3A_108 = tpu.memref_slice %arg9[%dma_wait3A_103, %dma_wait3A_104, %dma_wait3A_106, %dma_wait3A_107] : memref<2x4x125x64xf32, #tpu.memory_space<vmem>> -> memref<1x1x125x64xf32, #tpu.memory_space<vmem>>
    %dma_wait3A_109 = tpu.memref_squeeze %dma_wait3A_108 : memref<1x1x125x64xf32, #tpu.memory_space<vmem>> -> memref<125x64xf32, #tpu.memory_space<vmem>>
    %dma_wait3A_110 = arith.constant 0 : i32
    %dma_wait3A_111 = tpu.memref_slice %arg8[%dma_wait3A_105, %dma_wait3A_110] : memref<80x125xi32, #tpu.memory_space<vmem>> -> memref<1x125xi32, #tpu.memory_space<vmem>>
    %dma_wait3A_112 = tpu.memref_squeeze %dma_wait3A_111 : memref<1x125xi32, #tpu.memory_space<vmem>> -> memref<125xi32, #tpu.memory_space<vmem>>
    %dma_wait3A_113 = arith.constant 0 : i32
    %dma_wait3A_114 = arith.constant 0 : i32
    %dma_wait3A_115 = tpu.memref_slice %arg10[%dma_wait3A_113, %dma_wait3A_114] : memref<10240x64xf32, #tpu.memory_space<vmem_shared>> -> memref<10240x64xf32, #tpu.memory_space<vmem_shared>>
    tpu.wait_indirect_dma semaphore(%arg13 : memref<!tpu.dma_semaphore, #tpu.memory_space<semaphore_mem>>) src(%dma_wait3A_109 : memref<125x64xf32, #tpu.memory_space<vmem>>) dst(%dma_wait3A_115 : memref<10240x64xf32, #tpu.memory_space<vmem_shared>>)
    %dma_wait3A_116 = arith.constant 0 : i32
    %dma_wait3A_117 = arith.constant 2 : i32
    %dma_wait3A_118 = arith.constant 74 : i32
    %dma_wait3A_119 = arith.constant 0 : i32
    %dma_wait3A_120 = arith.constant 0 : i32
    %dma_wait3A_121 = tpu.memref_slice %arg9[%dma_wait3A_116, %dma_wait3A_117, %dma_wait3A_119, %dma_wait3A_120] : memref<2x4x125x64xf32, #tpu.memory_space<vmem>> -> memref<1x1x125x64xf32, #tpu.memory_space<vmem>>
    %dma_wait3A_122 = tpu.memref_squeeze %dma_wait3A_121 : memref<1x1x125x64xf32, #tpu.memory_space<vmem>> -> memref<125x64xf32, #tpu.memory_space<vmem>>
    %dma_wait3A_123 = arith.constant 0 : i32
    %dma_wait3A_124 = tpu.memref_slice %arg8[%dma_wait3A_118, %dma_wait3A_123] : memref<80x125xi32, #tpu.memory_space<vmem>> -> memref<1x125xi32, #tpu.memory_space<vmem>>
    %dma_wait3A_125 = tpu.memref_squeeze %dma_wait3A_124 : memref<1x125xi32, #tpu.memory_space<vmem>> -> memref<125xi32, #tpu.memory_space<vmem>>
    %dma_wait3A_126 = arith.constant 0 : i32
    %dma_wait3A_127 = arith.constant 0 : i32
    %dma_wait3A_128 = tpu.memref_slice %arg10[%dma_wait3A_126, %dma_wait3A_127] : memref<10240x64xf32, #tpu.memory_space<vmem_shared>> -> memref<10240x64xf32, #tpu.memory_space<vmem_shared>>
    tpu.wait_indirect_dma semaphore(%arg13 : memref<!tpu.dma_semaphore, #tpu.memory_space<semaphore_mem>>) src(%dma_wait3A_122 : memref<125x64xf32, #tpu.memory_space<vmem>>) dst(%dma_wait3A_128 : memref<10240x64xf32, #tpu.memory_space<vmem_shared>>)
    %dma_wait3A_129 = arith.constant 0 : i32
    %dma_wait3A_130 = arith.constant 3 : i32
    %dma_wait3A_131 = arith.constant 75 : i32
    %dma_wait3A_132 = arith.constant 0 : i32
    %dma_wait3A_133 = arith.constant 0 : i32
    %dma_wait3A_134 = tpu.memref_slice %arg9[%dma_wait3A_129, %dma_wait3A_130, %dma_wait3A_132, %dma_wait3A_133] : memref<2x4x125x64xf32, #tpu.memory_space<vmem>> -> memref<1x1x125x64xf32, #tpu.memory_space<vmem>>
    %dma_wait3A_135 = tpu.memref_squeeze %dma_wait3A_134 : memref<1x1x125x64xf32, #tpu.memory_space<vmem>> -> memref<125x64xf32, #tpu.memory_space<vmem>>
    %dma_wait3A_136 = arith.constant 0 : i32
    %dma_wait3A_137 = tpu.memref_slice %arg8[%dma_wait3A_131, %dma_wait3A_136] : memref<80x125xi32, #tpu.memory_space<vmem>> -> memref<1x125xi32, #tpu.memory_space<vmem>>
    %dma_wait3A_138 = tpu.memref_squeeze %dma_wait3A_137 : memref<1x125xi32, #tpu.memory_space<vmem>> -> memref<125xi32, #tpu.memory_space<vmem>>
    %dma_wait3A_139 = arith.constant 0 : i32
    %dma_wait3A_140 = arith.constant 0 : i32
    %dma_wait3A_141 = tpu.memref_slice %arg10[%dma_wait3A_139, %dma_wait3A_140] : memref<10240x64xf32, #tpu.memory_space<vmem_shared>> -> memref<10240x64xf32, #tpu.memory_space<vmem_shared>>
    tpu.wait_indirect_dma semaphore(%arg13 : memref<!tpu.dma_semaphore, #tpu.memory_space<semaphore_mem>>) src(%dma_wait3A_135 : memref<125x64xf32, #tpu.memory_space<vmem>>) dst(%dma_wait3A_141 : memref<10240x64xf32, #tpu.memory_space<vmem_shared>>)
    %dma_wait3A_142 = arith.constant 1 : i32
    %dma_wait3A_143 = arith.constant 0 : i32
    %dma_wait3A_144 = arith.constant 76 : i32
    %dma_wait3A_145 = arith.constant 0 : i32
    %dma_wait3A_146 = arith.constant 0 : i32
    %dma_wait3A_147 = tpu.memref_slice %arg9[%dma_wait3A_142, %dma_wait3A_143, %dma_wait3A_145, %dma_wait3A_146] : memref<2x4x125x64xf32, #tpu.memory_space<vmem>> -> memref<1x1x125x64xf32, #tpu.memory_space<vmem>>
    %dma_wait3A_148 = tpu.memref_squeeze %dma_wait3A_147 : memref<1x1x125x64xf32, #tpu.memory_space<vmem>> -> memref<125x64xf32, #tpu.memory_space<vmem>>
    %dma_wait3A_149 = arith.constant 0 : i32
    %dma_wait3A_150 = tpu.memref_slice %arg8[%dma_wait3A_144, %dma_wait3A_149] : memref<80x125xi32, #tpu.memory_space<vmem>> -> memref<1x125xi32, #tpu.memory_space<vmem>>
    %dma_wait3A_151 = tpu.memref_squeeze %dma_wait3A_150 : memref<1x125xi32, #tpu.memory_space<vmem>> -> memref<125xi32, #tpu.memory_space<vmem>>
    %dma_wait3A_152 = arith.constant 0 : i32
    %dma_wait3A_153 = arith.constant 0 : i32
    %dma_wait3A_154 = tpu.memref_slice %arg10[%dma_wait3A_152, %dma_wait3A_153] : memref<10240x64xf32, #tpu.memory_space<vmem_shared>> -> memref<10240x64xf32, #tpu.memory_space<vmem_shared>>
    tpu.wait_indirect_dma semaphore(%arg14 : memref<!tpu.dma_semaphore, #tpu.memory_space<semaphore_mem>>) src(%dma_wait3A_148 : memref<125x64xf32, #tpu.memory_space<vmem>>) dst(%dma_wait3A_154 : memref<10240x64xf32, #tpu.memory_space<vmem_shared>>)
    %dma_wait3A_155 = arith.constant 1 : i32
    %dma_wait3A_156 = arith.constant 1 : i32
    %dma_wait3A_157 = arith.constant 77 : i32
    %dma_wait3A_158 = arith.constant 0 : i32
    %dma_wait3A_159 = arith.constant 0 : i32
    %dma_wait3A_160 = tpu.memref_slice %arg9[%dma_wait3A_155, %dma_wait3A_156, %dma_wait3A_158, %dma_wait3A_159] : memref<2x4x125x64xf32, #tpu.memory_space<vmem>> -> memref<1x1x125x64xf32, #tpu.memory_space<vmem>>
    %dma_wait3A_161 = tpu.memref_squeeze %dma_wait3A_160 : memref<1x1x125x64xf32, #tpu.memory_space<vmem>> -> memref<125x64xf32, #tpu.memory_space<vmem>>
    %dma_wait3A_162 = arith.constant 0 : i32
    %dma_wait3A_163 = tpu.memref_slice %arg8[%dma_wait3A_157, %dma_wait3A_162] : memref<80x125xi32, #tpu.memory_space<vmem>> -> memref<1x125xi32, #tpu.memory_space<vmem>>
    %dma_wait3A_164 = tpu.memref_squeeze %dma_wait3A_163 : memref<1x125xi32, #tpu.memory_space<vmem>> -> memref<125xi32, #tpu.memory_space<vmem>>
    %dma_wait3A_165 = arith.constant 0 : i32
    %dma_wait3A_166 = arith.constant 0 : i32
    %dma_wait3A_167 = tpu.memref_slice %arg10[%dma_wait3A_165, %dma_wait3A_166] : memref<10240x64xf32, #tpu.memory_space<vmem_shared>> -> memref<10240x64xf32, #tpu.memory_space<vmem_shared>>
    tpu.wait_indirect_dma semaphore(%arg14 : memref<!tpu.dma_semaphore, #tpu.memory_space<semaphore_mem>>) src(%dma_wait3A_161 : memref<125x64xf32, #tpu.memory_space<vmem>>) dst(%dma_wait3A_167 : memref<10240x64xf32, #tpu.memory_space<vmem_shared>>)
    %dma_wait3A_168 = arith.constant 1 : i32
    %dma_wait3A_169 = arith.constant 2 : i32
    %dma_wait3A_170 = arith.constant 78 : i32
    %dma_wait3A_171 = arith.constant 0 : i32
    %dma_wait3A_172 = arith.constant 0 : i32
    %dma_wait3A_173 = tpu.memref_slice %arg9[%dma_wait3A_168, %dma_wait3A_169, %dma_wait3A_171, %dma_wait3A_172] : memref<2x4x125x64xf32, #tpu.memory_space<vmem>> -> memref<1x1x125x64xf32, #tpu.memory_space<vmem>>
    %dma_wait3A_174 = tpu.memref_squeeze %dma_wait3A_173 : memref<1x1x125x64xf32, #tpu.memory_space<vmem>> -> memref<125x64xf32, #tpu.memory_space<vmem>>
    %dma_wait3A_175 = arith.constant 0 : i32
    %dma_wait3A_176 = tpu.memref_slice %arg8[%dma_wait3A_170, %dma_wait3A_175] : memref<80x125xi32, #tpu.memory_space<vmem>> -> memref<1x125xi32, #tpu.memory_space<vmem>>
    %dma_wait3A_177 = tpu.memref_squeeze %dma_wait3A_176 : memref<1x125xi32, #tpu.memory_space<vmem>> -> memref<125xi32, #tpu.memory_space<vmem>>
    %dma_wait3A_178 = arith.constant 0 : i32
    %dma_wait3A_179 = arith.constant 0 : i32
    %dma_wait3A_180 = tpu.memref_slice %arg10[%dma_wait3A_178, %dma_wait3A_179] : memref<10240x64xf32, #tpu.memory_space<vmem_shared>> -> memref<10240x64xf32, #tpu.memory_space<vmem_shared>>
    tpu.wait_indirect_dma semaphore(%arg14 : memref<!tpu.dma_semaphore, #tpu.memory_space<semaphore_mem>>) src(%dma_wait3A_174 : memref<125x64xf32, #tpu.memory_space<vmem>>) dst(%dma_wait3A_180 : memref<10240x64xf32, #tpu.memory_space<vmem_shared>>)
    %dma_wait3A_181 = arith.constant 1 : i32
    %dma_wait3A_182 = arith.constant 3 : i32
    %dma_wait3A_183 = arith.constant 79 : i32
    %dma_wait3A_184 = arith.constant 0 : i32
    %dma_wait3A_185 = arith.constant 0 : i32
    %dma_wait3A_186 = tpu.memref_slice %arg9[%dma_wait3A_181, %dma_wait3A_182, %dma_wait3A_184, %dma_wait3A_185] : memref<2x4x125x64xf32, #tpu.memory_space<vmem>> -> memref<1x1x125x64xf32, #tpu.memory_space<vmem>>
    %dma_wait3A_187 = tpu.memref_squeeze %dma_wait3A_186 : memref<1x1x125x64xf32, #tpu.memory_space<vmem>> -> memref<125x64xf32, #tpu.memory_space<vmem>>
    %dma_wait3A_188 = arith.constant 0 : i32
    %dma_wait3A_189 = tpu.memref_slice %arg8[%dma_wait3A_183, %dma_wait3A_188] : memref<80x125xi32, #tpu.memory_space<vmem>> -> memref<1x125xi32, #tpu.memory_space<vmem>>
    %dma_wait3A_190 = tpu.memref_squeeze %dma_wait3A_189 : memref<1x125xi32, #tpu.memory_space<vmem>> -> memref<125xi32, #tpu.memory_space<vmem>>
    %dma_wait3A_191 = arith.constant 0 : i32
    %dma_wait3A_192 = arith.constant 0 : i32
    %dma_wait3A_193 = tpu.memref_slice %arg10[%dma_wait3A_191, %dma_wait3A_192] : memref<10240x64xf32, #tpu.memory_space<vmem_shared>> -> memref<10240x64xf32, #tpu.memory_space<vmem_shared>>
    tpu.wait_indirect_dma semaphore(%arg14 : memref<!tpu.dma_semaphore, #tpu.memory_space<semaphore_mem>>) src(%dma_wait3A_187 : memref<125x64xf32, #tpu.memory_space<vmem>>) dst(%dma_wait3A_193 : memref<10240x64xf32, #tpu.memory_space<vmem_shared>>)
    %barrier3A_194 = arith.constant 0 : index
    tpu.barrier barrier_id(%barrier3A_194)
    %mul3A_195 = arith.constant 640 : i32
    %mul3A_196 = arith.muli %arg1, %mul3A_195 : i32
    %mul3A_197 = arith.constant 10240 : i32
    %mul3A_198 = arith.muli %arg0, %mul3A_197 : i32
    %mul3A_199 = arith.constant 640 : i32
    %mul3A_200 = arith.muli %arg1, %mul3A_199 : i32
    %add3A_201 = arith.addi %mul3A_198, %mul3A_200 : i32
    "tpu.region"() ({
      %run_scoped3A = tpu.sem_alloc : memref<!tpu.dma_semaphore, #tpu.memory_space<semaphore_mem>>
      %dma_start3A_202 = arith.constant 0 : i32
      %dma_start3A_203 = tpu.memref_slice %arg6[%add3A_201, %dma_start3A_202] : memref<20480x64xf32, #tpu.memory_space<hbm>> -> memref<640x64xf32, #tpu.memory_space<hbm>>
      %dma_start3A_204 = arith.constant 0 : i32
      %dma_start3A_205 = tpu.memref_slice %arg10[%mul3A_196, %dma_start3A_204] : memref<10240x64xf32, #tpu.memory_space<vmem_shared>> -> memref<640x64xf32, #tpu.memory_space<vmem_shared>>
      tpu.enqueue_dma source(%dma_start3A_205 : memref<640x64xf32, #tpu.memory_space<vmem_shared>>) target(%dma_start3A_203 : memref<640x64xf32, #tpu.memory_space<hbm>>) target_semaphore(%run_scoped3A : memref<!tpu.dma_semaphore, #tpu.memory_space<semaphore_mem>>)
      %dma_wait3A_206 = arith.constant 0 : i32
      %dma_wait3A_207 = tpu.memref_slice %arg6[%add3A_201, %dma_wait3A_206] : memref<20480x64xf32, #tpu.memory_space<hbm>> -> memref<640x64xf32, #tpu.memory_space<hbm>>
      %dma_wait3A_208 = arith.constant 0 : i32
      %dma_wait3A_209 = tpu.memref_slice %arg10[%mul3A_196, %dma_wait3A_208] : memref<10240x64xf32, #tpu.memory_space<vmem_shared>> -> memref<640x64xf32, #tpu.memory_space<vmem_shared>>
      tpu.wait_dma2 semaphore(%run_scoped3A : memref<!tpu.dma_semaphore, #tpu.memory_space<semaphore_mem>>) src(%dma_wait3A_209 : memref<640x64xf32, #tpu.memory_space<vmem_shared>>) dst(%dma_wait3A_207 : memref<640x64xf32, #tpu.memory_space<hbm>>)
      tpu.yield
    }) : () -> ()
    return
  }
}

module attributes {stable_mosaic.version = 14 : i64} {
  func.func @_tc1_body(%arg0: i32, %arg1: memref<1000x128xf32, #tpu.memory_space<vmem>>, %arg2: memref<128x64xf32, #tpu.memory_space<vmem>>, %arg3: memref<1x64xf32, #tpu.memory_space<vmem>>, %arg4: memref<1x64xf32, #tpu.memory_space<vmem>>, %arg5: memref<1x64xf32, #tpu.memory_space<vmem>>, %arg6: memref<64x64xf32, #tpu.memory_space<vmem>>, %arg7: memref<1x64xf32, #tpu.memory_space<vmem>>, %arg8: memref<1000x64xf32, #tpu.memory_space<vmem>>, %arg9: memref<1000x64xf32, #tpu.memory_space<vmem>>) attributes {dimension_semantics = [#tpu.dimension_semantics<arbitrary>], iteration_bounds = array<i64: 10>, scalar_prefetch = 0 : i64, scratch_operands = 0 : i64, tpu.core_type = #tpu.core_type<tc>, window_params = [{transform_indices = @transform_0, window_bounds = array<i64: 1000, 128>}, {pipeline_mode = #tpu.pipeline_mode<synchronous>, transform_indices = @transform_1, window_bounds = array<i64: 128, 64>}, {pipeline_mode = #tpu.pipeline_mode<synchronous>, transform_indices = @transform_2, window_bounds = array<i64: 1, 64>}, {pipeline_mode = #tpu.pipeline_mode<synchronous>, transform_indices = @transform_3, window_bounds = array<i64: 1, 64>}, {pipeline_mode = #tpu.pipeline_mode<synchronous>, transform_indices = @transform_4, window_bounds = array<i64: 1, 64>}, {pipeline_mode = #tpu.pipeline_mode<synchronous>, transform_indices = @transform_5, window_bounds = array<i64: 64, 64>}, {pipeline_mode = #tpu.pipeline_mode<synchronous>, transform_indices = @transform_6, window_bounds = array<i64: 1, 64>}, {transform_indices = @transform_7, window_bounds = array<i64: 1000, 64>}, {transform_indices = @transform_8, window_bounds = array<i64: 1000, 64>}]} {
    %get3A = arith.constant 0 : index
    %get3A_0 = arith.constant 0 : index
    %get3A_1 = vector.load %arg1[%get3A, %get3A_0] : memref<1000x128xf32, #tpu.memory_space<vmem>>, vector<1000x128xf32>
    %get3A_2 = arith.constant 0 : index
    %get3A_3 = arith.constant 0 : index
    %get3A_4 = vector.load %arg2[%get3A_2, %get3A_3] : memref<128x64xf32, #tpu.memory_space<vmem>>, vector<128x64xf32>
    %dot_general3A = arith.constant dense<0.000000e+00> : vector<1000x64xf32>
    %dot_general3A_5 = tpu.matmul %get3A_1, %get3A_4, %dot_general3A {dimension_numbers = #tpu.dot_dimension_numbers<[1], [0], [0], [1], [0, 0, 1, 1], [], []>, transpose_lhs_hint = false} : vector<1000x128xf32>, vector<128x64xf32>, vector<1000x64xf32> -> vector<1000x64xf32>
    %get3A_6 = arith.constant 0 : index
    %get3A_7 = arith.constant 0 : index
    %get3A_8 = vector.load %arg3[%get3A_6, %get3A_7] : memref<1x64xf32, #tpu.memory_space<vmem>>, vector<1x64xf32>
    %add3A = vector.broadcast %get3A_8 : vector<1x64xf32> to vector<1000x64xf32>
    %add3A_9 = arith.addf %dot_general3A_5, %add3A : vector<1000x64xf32>
    %get3A_10 = arith.constant 0 : index
    %get3A_11 = arith.constant 0 : index
    %get3A_12 = vector.load %arg4[%get3A_10, %get3A_11] : memref<1x64xf32, #tpu.memory_space<vmem>>, vector<1x64xf32>
    %mul3A = arith.constant 0.999994993 : f32
    %mul3A_13 = vector.broadcast %mul3A : f32 to vector<1x64xf32>
    %mul3A_14 = arith.mulf %get3A_12, %mul3A_13 : vector<1x64xf32>
    %mul3A_15 = vector.broadcast %mul3A_14 : vector<1x64xf32> to vector<1000x64xf32>
    %mul3A_16 = arith.mulf %add3A_9, %mul3A_15 : vector<1000x64xf32>
    %get3A_17 = arith.constant 0 : index
    %get3A_18 = arith.constant 0 : index
    %get3A_19 = vector.load %arg5[%get3A_17, %get3A_18] : memref<1x64xf32, #tpu.memory_space<vmem>>, vector<1x64xf32>
    %add3A_20 = vector.broadcast %get3A_19 : vector<1x64xf32> to vector<1000x64xf32>
    %add3A_21 = arith.addf %mul3A_16, %add3A_20 : vector<1000x64xf32>
    %max3A = arith.constant 0.000000e+00 : f32
    %max3A_22 = vector.broadcast %max3A : f32 to vector<1000x64xf32>
    %max3A_23 = arith.maximumf %add3A_21, %max3A_22 : vector<1000x64xf32>
    %swap3A = arith.constant 0 : index
    %swap3A_24 = arith.constant 0 : index
    %swap3A_25 = vector.load %arg8[%swap3A, %swap3A_24] : memref<1000x64xf32, #tpu.memory_space<vmem>>, vector<1000x64xf32>
    tpu.vector_store %arg8[%swap3A, %swap3A_24], %max3A_23 {strides = array<i32>} : memref<1000x64xf32, #tpu.memory_space<vmem>>, vector<1000x64xf32>,
    %get3A_26 = arith.constant 0 : index
    %get3A_27 = arith.constant 0 : index
    %get3A_28 = vector.load %arg6[%get3A_26, %get3A_27] : memref<64x64xf32, #tpu.memory_space<vmem>>, vector<64x64xf32>
    %dot_general3A_29 = arith.constant dense<0.000000e+00> : vector<1000x64xf32>
    %dot_general3A_30 = tpu.matmul %max3A_23, %get3A_28, %dot_general3A_29 {dimension_numbers = #tpu.dot_dimension_numbers<[1], [0], [0], [1], [0, 0, 1, 1], [], []>, transpose_lhs_hint = false} : vector<1000x64xf32>, vector<64x64xf32>, vector<1000x64xf32> -> vector<1000x64xf32>
    %get3A_31 = arith.constant 0 : index
    %get3A_32 = arith.constant 0 : index
    %get3A_33 = vector.load %arg7[%get3A_31, %get3A_32] : memref<1x64xf32, #tpu.memory_space<vmem>>, vector<1x64xf32>
    %add3A_34 = vector.broadcast %get3A_33 : vector<1x64xf32> to vector<1000x64xf32>
    %add3A_35 = arith.addf %dot_general3A_30, %add3A_34 : vector<1000x64xf32>
    %max3A_36 = arith.constant 0.000000e+00 : f32
    %max3A_37 = vector.broadcast %max3A_36 : f32 to vector<1000x64xf32>
    %max3A_38 = arith.maximumf %add3A_35, %max3A_37 : vector<1000x64xf32>
    %swap3A_39 = arith.constant 0 : index
    %swap3A_40 = arith.constant 0 : index
    %swap3A_41 = vector.load %arg9[%swap3A_39, %swap3A_40] : memref<1000x64xf32, #tpu.memory_space<vmem>>, vector<1000x64xf32>
    tpu.vector_store %arg9[%swap3A_39, %swap3A_40], %max3A_38 {strides = array<i32>} : memref<1000x64xf32, #tpu.memory_space<vmem>>, vector<1000x64xf32>,
    return
  }
  func.func @transform_0(%arg0: i32) -> (i32, i32) {
    %c0_i32 = arith.constant 0 : i32
    %c0_i32_0 = arith.constant 0 : i32
    return %arg0, %c0_i32 : i32, i32
  }
  func.func @transform_1(%arg0: i32) -> (i32, i32) {
    %c0_i32 = arith.constant 0 : i32
    %c0_i32_0 = arith.constant 0 : i32
    %c0_i32_1 = arith.constant 0 : i32
    return %c0_i32, %c0_i32_0 : i32, i32
  }
  func.func @transform_2(%arg0: i32) -> (i32, i32) {
    %c0_i32 = arith.constant 0 : i32
    %c0_i32_0 = arith.constant 0 : i32
    %c0_i32_1 = arith.constant 0 : i32
    return %c0_i32, %c0_i32_0 : i32, i32
  }
  func.func @transform_3(%arg0: i32) -> (i32, i32) {
    %c0_i32 = arith.constant 0 : i32
    %c0_i32_0 = arith.constant 0 : i32
    %c0_i32_1 = arith.constant 0 : i32
    return %c0_i32, %c0_i32_0 : i32, i32
  }
  func.func @transform_4(%arg0: i32) -> (i32, i32) {
    %c0_i32 = arith.constant 0 : i32
    %c0_i32_0 = arith.constant 0 : i32
    %c0_i32_1 = arith.constant 0 : i32
    return %c0_i32, %c0_i32_0 : i32, i32
  }
  func.func @transform_5(%arg0: i32) -> (i32, i32) {
    %c0_i32 = arith.constant 0 : i32
    %c0_i32_0 = arith.constant 0 : i32
    %c0_i32_1 = arith.constant 0 : i32
    return %c0_i32, %c0_i32_0 : i32, i32
  }
  func.func @transform_6(%arg0: i32) -> (i32, i32) {
    %c0_i32 = arith.constant 0 : i32
    %c0_i32_0 = arith.constant 0 : i32
    %c0_i32_1 = arith.constant 0 : i32
    return %c0_i32, %c0_i32_0 : i32, i32
  }
  func.func @transform_7(%arg0: i32) -> (i32, i32) {
    %c0_i32 = arith.constant 0 : i32
    %c0_i32_0 = arith.constant 0 : i32
    return %arg0, %c0_i32 : i32, i32
  }
  func.func @transform_8(%arg0: i32) -> (i32, i32) {
    %c0_i32 = arith.constant 0 : i32
    %c0_i32_0 = arith.constant 0 : i32
    return %arg0, %c0_i32 : i32, i32
  }
}

module attributes {stable_mosaic.version = 14 : i64} {
  func.func @_tc2_body(%arg0: i32, %arg1: memref<1000x64xf32, #tpu.memory_space<vmem>>, %arg2: memref<2x1000x64xf32, #tpu.memory_space<vmem>>, %arg3: memref<1000x64xf32, #tpu.memory_space<vmem>>, %arg4: memref<1000x1xf32, #tpu.memory_space<vmem>>, %arg5: memref<64x64xf32, #tpu.memory_space<vmem>>, %arg6: memref<1x64xf32, #tpu.memory_space<vmem>>, %arg7: memref<64x64xf32, #tpu.memory_space<vmem>>, %arg8: memref<1x64xf32, #tpu.memory_space<vmem>>, %arg9: memref<64x2xf32, #tpu.memory_space<vmem>>, %arg10: memref<1x2xf32, #tpu.memory_space<vmem>>, %arg11: memref<2x64xf32, #tpu.memory_space<vmem>>, %arg12: memref<1x64xf32, #tpu.memory_space<vmem>>, %arg13: memref<1000x64xf32, #tpu.memory_space<vmem>>, %arg14: memref<1000x64xf32, #tpu.memory_space<vmem>>) attributes {dimension_semantics = [#tpu.dimension_semantics<arbitrary>], iteration_bounds = array<i64: 10>, scalar_prefetch = 0 : i64, scratch_operands = 0 : i64, tpu.core_type = #tpu.core_type<tc>, window_params = [{transform_indices = @transform_0, window_bounds = array<i64: 1000, 64>}, {transform_indices = @transform_1, window_bounds = array<i64: 2, 1000, 64>}, {transform_indices = @transform_2, window_bounds = array<i64: 1000, 64>}, {transform_indices = @transform_3, window_bounds = array<i64: 1000, 1>}, {pipeline_mode = #tpu.pipeline_mode<synchronous>, transform_indices = @transform_4, window_bounds = array<i64: 64, 64>}, {pipeline_mode = #tpu.pipeline_mode<synchronous>, transform_indices = @transform_5, window_bounds = array<i64: 1, 64>}, {pipeline_mode = #tpu.pipeline_mode<synchronous>, transform_indices = @transform_6, window_bounds = array<i64: 64, 64>}, {pipeline_mode = #tpu.pipeline_mode<synchronous>, transform_indices = @transform_7, window_bounds = array<i64: 1, 64>}, {pipeline_mode = #tpu.pipeline_mode<synchronous>, transform_indices = @transform_8, window_bounds = array<i64: 64, 2>}, {pipeline_mode = #tpu.pipeline_mode<synchronous>, transform_indices = @transform_9, window_bounds = array<i64: 1, 2>}, {pipeline_mode = #tpu.pipeline_mode<synchronous>, transform_indices = @transform_10, window_bounds = array<i64: 2, 64>}, {pipeline_mode = #tpu.pipeline_mode<synchronous>, transform_indices = @transform_11, window_bounds = array<i64: 1, 64>}, {transform_indices = @transform_12, window_bounds = array<i64: 1000, 64>}, {transform_indices = @transform_13, window_bounds = array<i64: 1000, 64>}]} {
    %get3A = arith.constant 0 : index
    %get3A_0 = arith.constant 0 : index
    %get3A_1 = vector.load %arg1[%get3A, %get3A_0] : memref<1000x64xf32, #tpu.memory_space<vmem>>, vector<1000x64xf32>
    %get3A_2 = arith.constant 0 : index
    %get3A_3 = arith.constant 0 : index
    %get3A_4 = arith.constant 0 : index
    %get3A_5 = vector.load %arg2[%get3A_2, %get3A_3, %get3A_4] : memref<2x1000x64xf32, #tpu.memory_space<vmem>>, vector<1x1000x64xf32>
    %get3A_6 = vector.shape_cast %get3A_5 : vector<1x1000x64xf32> to vector<1000x64xf32>
    %add3A = arith.addf %get3A_1, %get3A_6 : vector<1000x64xf32>
    %get3A_7 = arith.constant 1 : index
    %get3A_8 = arith.constant 0 : index
    %get3A_9 = arith.constant 0 : index
    %get3A_10 = vector.load %arg2[%get3A_7, %get3A_8, %get3A_9] : memref<2x1000x64xf32, #tpu.memory_space<vmem>>, vector<1x1000x64xf32>
    %get3A_11 = vector.shape_cast %get3A_10 : vector<1x1000x64xf32> to vector<1000x64xf32>
    %add3A_12 = arith.addf %add3A, %get3A_11 : vector<1000x64xf32>
    %get3A_13 = arith.constant 0 : index
    %get3A_14 = arith.constant 0 : index
    %get3A_15 = vector.load %arg5[%get3A_13, %get3A_14] : memref<64x64xf32, #tpu.memory_space<vmem>>, vector<64x64xf32>
    %dot_general3A = arith.constant dense<0.000000e+00> : vector<1000x64xf32>
    %dot_general3A_16 = tpu.matmul %add3A_12, %get3A_15, %dot_general3A {dimension_numbers = #tpu.dot_dimension_numbers<[1], [0], [0], [1], [0, 0, 1, 1], [], []>, transpose_lhs_hint = false} : vector<1000x64xf32>, vector<64x64xf32>, vector<1000x64xf32> -> vector<1000x64xf32>
    %get3A_17 = arith.constant 0 : index
    %get3A_18 = arith.constant 0 : index
    %get3A_19 = vector.load %arg6[%get3A_17, %get3A_18] : memref<1x64xf32, #tpu.memory_space<vmem>>, vector<1x64xf32>
    %add3A_20 = vector.broadcast %get3A_19 : vector<1x64xf32> to vector<1000x64xf32>
    %add3A_21 = arith.addf %dot_general3A_16, %add3A_20 : vector<1000x64xf32>
    %max3A = arith.constant 0.000000e+00 : f32
    %max3A_22 = vector.broadcast %max3A : f32 to vector<1000x64xf32>
    %max3A_23 = arith.maximumf %add3A_21, %max3A_22 : vector<1000x64xf32>
    %get3A_24 = arith.constant 0 : index
    %get3A_25 = arith.constant 0 : index
    %get3A_26 = vector.load %arg7[%get3A_24, %get3A_25] : memref<64x64xf32, #tpu.memory_space<vmem>>, vector<64x64xf32>
    %dot_general3A_27 = arith.constant dense<0.000000e+00> : vector<1000x64xf32>
    %dot_general3A_28 = tpu.matmul %max3A_23, %get3A_26, %dot_general3A_27 {dimension_numbers = #tpu.dot_dimension_numbers<[1], [0], [0], [1], [0, 0, 1, 1], [], []>, transpose_lhs_hint = false} : vector<1000x64xf32>, vector<64x64xf32>, vector<1000x64xf32> -> vector<1000x64xf32>
    %get3A_29 = arith.constant 0 : index
    %get3A_30 = arith.constant 0 : index
    %get3A_31 = vector.load %arg8[%get3A_29, %get3A_30] : memref<1x64xf32, #tpu.memory_space<vmem>>, vector<1x64xf32>
    %add3A_32 = vector.broadcast %get3A_31 : vector<1x64xf32> to vector<1000x64xf32>
    %add3A_33 = arith.addf %dot_general3A_28, %add3A_32 : vector<1000x64xf32>
    %get3A_34 = arith.constant 0 : index
    %get3A_35 = arith.constant 0 : index
    %get3A_36 = vector.load %arg9[%get3A_34, %get3A_35] : memref<64x2xf32, #tpu.memory_space<vmem>>, vector<64x2xf32>
    %dot_general3A_37 = arith.constant dense<0.000000e+00> : vector<1000x2xf32>
    %dot_general3A_38 = tpu.matmul %add3A_33, %get3A_36, %dot_general3A_37 {dimension_numbers = #tpu.dot_dimension_numbers<[1], [0], [0], [1], [0, 0, 1, 1], [], []>, transpose_lhs_hint = false} : vector<1000x64xf32>, vector<64x2xf32>, vector<1000x2xf32> -> vector<1000x2xf32>
    %get3A_39 = arith.constant 0 : index
    %get3A_40 = arith.constant 0 : index
    %get3A_41 = vector.load %arg10[%get3A_39, %get3A_40] : memref<1x2xf32, #tpu.memory_space<vmem>>, vector<1x2xf32>
    %add3A_42 = vector.broadcast %get3A_41 : vector<1x2xf32> to vector<1000x2xf32>
    %add3A_43 = arith.addf %dot_general3A_38, %add3A_42 : vector<1000x2xf32>
    %slice3A = vector.extract_strided_slice %add3A_43 {offsets = [0, 0], sizes = [1000, 1], strides = [1, 1]} : vector<1000x2xf32> to vector<1000x1xf32>
    %slice3A_44 = vector.extract_strided_slice %add3A_43 {offsets = [0, 1], sizes = [1000, 1], strides = [1, 1]} : vector<1000x2xf32> to vector<1000x1xf32>
    %jit3A = arith.constant -2.000000e+01 : f32
    %jit3A_45 = arith.constant 2.000000e+01 : f32
    %max3A_46 = vector.broadcast %jit3A : f32 to vector<1000x1xf32>
    %max3A_47 = arith.maximumf %max3A_46, %slice3A_44 : vector<1000x1xf32>
    %min3A = vector.broadcast %jit3A_45 : f32 to vector<1000x1xf32>
    %min3A_48 = arith.minimumf %min3A, %max3A_47 : vector<1000x1xf32>
    %mul3A = arith.constant 5.000000e-01 : f32
    %mul3A_49 = vector.broadcast %mul3A : f32 to vector<1000x1xf32>
    %mul3A_50 = arith.mulf %mul3A_49, %min3A_48 : vector<1000x1xf32>
    %exp3A = math.exp %mul3A_50 : vector<1000x1xf32>
    %get3A_51 = arith.constant 0 : index
    %get3A_52 = arith.constant 0 : index
    %get3A_53 = vector.load %arg4[%get3A_51, %get3A_52] : memref<1000x1xf32, #tpu.memory_space<vmem>>, vector<1000x1xf32>
    %mul3A_54 = arith.mulf %exp3A, %get3A_53 : vector<1000x1xf32>
    %add3A_55 = arith.addf %slice3A, %mul3A_54 : vector<1000x1xf32>
    %get3A_56 = arith.constant 0 : index
    %get3A_57 = arith.constant 0 : index
    %get3A_58 = vector.load %arg3[%get3A_56, %get3A_57] : memref<1000x64xf32, #tpu.memory_space<vmem>>, vector<1000x64xf32>
    %mul3A_59 = vector.broadcast %add3A_55 : vector<1000x1xf32> to vector<1000x64xf32>
    %mul3A_60 = arith.mulf %get3A_58, %mul3A_59 : vector<1000x64xf32>
    %swap3A = arith.constant 0 : index
    %swap3A_61 = arith.constant 0 : index
    %swap3A_62 = vector.load %arg14[%swap3A, %swap3A_61] : memref<1000x64xf32, #tpu.memory_space<vmem>>, vector<1000x64xf32>
    tpu.vector_store %arg14[%swap3A, %swap3A_61], %mul3A_60 {strides = array<i32>} : memref<1000x64xf32, #tpu.memory_space<vmem>>, vector<1000x64xf32>,
    %get3A_63 = arith.constant 0 : index
    %get3A_64 = arith.constant 0 : index
    %get3A_65 = vector.load %arg11[%get3A_63, %get3A_64] : memref<2x64xf32, #tpu.memory_space<vmem>>, vector<2x64xf32>
    %dot_general3A_66 = arith.constant dense<0.000000e+00> : vector<1000x64xf32>
    %dot_general3A_67 = tpu.matmul %add3A_43, %get3A_65, %dot_general3A_66 {dimension_numbers = #tpu.dot_dimension_numbers<[1], [0], [0], [1], [0, 0, 1, 1], [], []>, transpose_lhs_hint = false} : vector<1000x2xf32>, vector<2x64xf32>, vector<1000x64xf32> -> vector<1000x64xf32>
    %get3A_68 = arith.constant 0 : index
    %get3A_69 = arith.constant 0 : index
    %get3A_70 = vector.load %arg12[%get3A_68, %get3A_69] : memref<1x64xf32, #tpu.memory_space<vmem>>, vector<1x64xf32>
    %add3A_71 = vector.broadcast %get3A_70 : vector<1x64xf32> to vector<1000x64xf32>
    %add3A_72 = arith.addf %dot_general3A_67, %add3A_71 : vector<1000x64xf32>
    %max3A_73 = arith.constant 0.000000e+00 : f32
    %max3A_74 = vector.broadcast %max3A_73 : f32 to vector<1000x64xf32>
    %max3A_75 = arith.maximumf %add3A_72, %max3A_74 : vector<1000x64xf32>
    %swap3A_76 = arith.constant 0 : index
    %swap3A_77 = arith.constant 0 : index
    %swap3A_78 = vector.load %arg13[%swap3A_76, %swap3A_77] : memref<1000x64xf32, #tpu.memory_space<vmem>>, vector<1000x64xf32>
    tpu.vector_store %arg13[%swap3A_76, %swap3A_77], %max3A_75 {strides = array<i32>} : memref<1000x64xf32, #tpu.memory_space<vmem>>, vector<1000x64xf32>,
    return
  }
  func.func @transform_0(%arg0: i32) -> (i32, i32) {
    %c0_i32 = arith.constant 0 : i32
    %c0_i32_0 = arith.constant 0 : i32
    return %arg0, %c0_i32 : i32, i32
  }
  func.func @transform_1(%arg0: i32) -> (i32, i32, i32) {
    %c0_i32 = arith.constant 0 : i32
    %c0_i32_0 = arith.constant 0 : i32
    %c0_i32_1 = arith.constant 0 : i32
    return %c0_i32, %arg0, %c0_i32_0 : i32, i32, i32
  }
  func.func @transform_2(%arg0: i32) -> (i32, i32) {
    %c0_i32 = arith.constant 0 : i32
    %c0_i32_0 = arith.constant 0 : i32
    return %arg0, %c0_i32 : i32, i32
  }
  func.func @transform_3(%arg0: i32) -> (i32, i32) {
    %c0_i32 = arith.constant 0 : i32
    %c0_i32_0 = arith.constant 0 : i32
    return %arg0, %c0_i32 : i32, i32
  }
  func.func @transform_4(%arg0: i32) -> (i32, i32) {
    %c0_i32 = arith.constant 0 : i32
    %c0_i32_0 = arith.constant 0 : i32
    %c0_i32_1 = arith.constant 0 : i32
    return %c0_i32, %c0_i32_0 : i32, i32
  }
  func.func @transform_5(%arg0: i32) -> (i32, i32) {
    %c0_i32 = arith.constant 0 : i32
    %c0_i32_0 = arith.constant 0 : i32
    %c0_i32_1 = arith.constant 0 : i32
    return %c0_i32, %c0_i32_0 : i32, i32
  }
  func.func @transform_6(%arg0: i32) -> (i32, i32) {
    %c0_i32 = arith.constant 0 : i32
    %c0_i32_0 = arith.constant 0 : i32
    %c0_i32_1 = arith.constant 0 : i32
    return %c0_i32, %c0_i32_0 : i32, i32
  }
  func.func @transform_7(%arg0: i32) -> (i32, i32) {
    %c0_i32 = arith.constant 0 : i32
    %c0_i32_0 = arith.constant 0 : i32
    %c0_i32_1 = arith.constant 0 : i32
    return %c0_i32, %c0_i32_0 : i32, i32
  }
  func.func @transform_8(%arg0: i32) -> (i32, i32) {
    %c0_i32 = arith.constant 0 : i32
    %c0_i32_0 = arith.constant 0 : i32
    %c0_i32_1 = arith.constant 0 : i32
    return %c0_i32, %c0_i32_0 : i32, i32
  }
  func.func @transform_9(%arg0: i32) -> (i32, i32) {
    %c0_i32 = arith.constant 0 : i32
    %c0_i32_0 = arith.constant 0 : i32
    %c0_i32_1 = arith.constant 0 : i32
    return %c0_i32, %c0_i32_0 : i32, i32
  }
  func.func @transform_10(%arg0: i32) -> (i32, i32) {
    %c0_i32 = arith.constant 0 : i32
    %c0_i32_0 = arith.constant 0 : i32
    %c0_i32_1 = arith.constant 0 : i32
    return %c0_i32, %c0_i32_0 : i32, i32
  }
  func.func @transform_11(%arg0: i32) -> (i32, i32) {
    %c0_i32 = arith.constant 0 : i32
    %c0_i32_0 = arith.constant 0 : i32
    %c0_i32_1 = arith.constant 0 : i32
    return %c0_i32, %c0_i32_0 : i32, i32
  }
  func.func @transform_12(%arg0: i32) -> (i32, i32) {
    %c0_i32 = arith.constant 0 : i32
    %c0_i32_0 = arith.constant 0 : i32
    return %arg0, %c0_i32 : i32, i32
  }
  func.func @transform_13(%arg0: i32) -> (i32, i32) {
    %c0_i32 = arith.constant 0 : i32
    %c0_i32_0 = arith.constant 0 : i32
    return %arg0, %c0_i32 : i32, i32
  }
}

module attributes {stable_mosaic.version = 14 : i64} {
  func.func @_tc3_body(%arg0: i32, %arg1: memref<1000x64xf32, #tpu.memory_space<vmem>>, %arg2: memref<2x1000x64xf32, #tpu.memory_space<vmem>>, %arg3: memref<64x64xf32, #tpu.memory_space<vmem>>, %arg4: memref<1x64xf32, #tpu.memory_space<vmem>>, %arg5: memref<64x64xf32, #tpu.memory_space<vmem>>, %arg6: memref<1x64xf32, #tpu.memory_space<vmem>>, %arg7: memref<1000x64xf32, #tpu.memory_space<vmem>>) attributes {dimension_semantics = [#tpu.dimension_semantics<arbitrary>], iteration_bounds = array<i64: 10>, scalar_prefetch = 0 : i64, scratch_operands = 0 : i64, tpu.core_type = #tpu.core_type<tc>, window_params = [{transform_indices = @transform_0, window_bounds = array<i64: 1000, 64>}, {transform_indices = @transform_1, window_bounds = array<i64: 2, 1000, 64>}, {pipeline_mode = #tpu.pipeline_mode<synchronous>, transform_indices = @transform_2, window_bounds = array<i64: 64, 64>}, {pipeline_mode = #tpu.pipeline_mode<synchronous>, transform_indices = @transform_3, window_bounds = array<i64: 1, 64>}, {pipeline_mode = #tpu.pipeline_mode<synchronous>, transform_indices = @transform_4, window_bounds = array<i64: 64, 64>}, {pipeline_mode = #tpu.pipeline_mode<synchronous>, transform_indices = @transform_5, window_bounds = array<i64: 1, 64>}, {transform_indices = @transform_6, window_bounds = array<i64: 1000, 64>}]} {
    %get3A = arith.constant 0 : index
    %get3A_0 = arith.constant 0 : index
    %get3A_1 = vector.load %arg1[%get3A, %get3A_0] : memref<1000x64xf32, #tpu.memory_space<vmem>>, vector<1000x64xf32>
    %get3A_2 = arith.constant 0 : index
    %get3A_3 = arith.constant 0 : index
    %get3A_4 = arith.constant 0 : index
    %get3A_5 = vector.load %arg2[%get3A_2, %get3A_3, %get3A_4] : memref<2x1000x64xf32, #tpu.memory_space<vmem>>, vector<1x1000x64xf32>
    %get3A_6 = vector.shape_cast %get3A_5 : vector<1x1000x64xf32> to vector<1000x64xf32>
    %add3A = arith.addf %get3A_1, %get3A_6 : vector<1000x64xf32>
    %get3A_7 = arith.constant 1 : index
    %get3A_8 = arith.constant 0 : index
    %get3A_9 = arith.constant 0 : index
    %get3A_10 = vector.load %arg2[%get3A_7, %get3A_8, %get3A_9] : memref<2x1000x64xf32, #tpu.memory_space<vmem>>, vector<1x1000x64xf32>
    %get3A_11 = vector.shape_cast %get3A_10 : vector<1x1000x64xf32> to vector<1000x64xf32>
    %add3A_12 = arith.addf %add3A, %get3A_11 : vector<1000x64xf32>
    %get3A_13 = arith.constant 0 : index
    %get3A_14 = arith.constant 0 : index
    %get3A_15 = vector.load %arg3[%get3A_13, %get3A_14] : memref<64x64xf32, #tpu.memory_space<vmem>>, vector<64x64xf32>
    %dot_general3A = arith.constant dense<0.000000e+00> : vector<1000x64xf32>
    %dot_general3A_16 = tpu.matmul %add3A_12, %get3A_15, %dot_general3A {dimension_numbers = #tpu.dot_dimension_numbers<[1], [0], [0], [1], [0, 0, 1, 1], [], []>, transpose_lhs_hint = false} : vector<1000x64xf32>, vector<64x64xf32>, vector<1000x64xf32> -> vector<1000x64xf32>
    %get3A_17 = arith.constant 0 : index
    %get3A_18 = arith.constant 0 : index
    %get3A_19 = vector.load %arg4[%get3A_17, %get3A_18] : memref<1x64xf32, #tpu.memory_space<vmem>>, vector<1x64xf32>
    %add3A_20 = vector.broadcast %get3A_19 : vector<1x64xf32> to vector<1000x64xf32>
    %add3A_21 = arith.addf %dot_general3A_16, %add3A_20 : vector<1000x64xf32>
    %max3A = arith.constant 0.000000e+00 : f32
    %max3A_22 = vector.broadcast %max3A : f32 to vector<1000x64xf32>
    %max3A_23 = arith.maximumf %add3A_21, %max3A_22 : vector<1000x64xf32>
    %get3A_24 = arith.constant 0 : index
    %get3A_25 = arith.constant 0 : index
    %get3A_26 = vector.load %arg5[%get3A_24, %get3A_25] : memref<64x64xf32, #tpu.memory_space<vmem>>, vector<64x64xf32>
    %dot_general3A_27 = arith.constant dense<0.000000e+00> : vector<1000x64xf32>
    %dot_general3A_28 = tpu.matmul %max3A_23, %get3A_26, %dot_general3A_27 {dimension_numbers = #tpu.dot_dimension_numbers<[1], [0], [0], [1], [0, 0, 1, 1], [], []>, transpose_lhs_hint = false} : vector<1000x64xf32>, vector<64x64xf32>, vector<1000x64xf32> -> vector<1000x64xf32>
    %get3A_29 = arith.constant 0 : index
    %get3A_30 = arith.constant 0 : index
    %get3A_31 = vector.load %arg6[%get3A_29, %get3A_30] : memref<1x64xf32, #tpu.memory_space<vmem>>, vector<1x64xf32>
    %add3A_32 = vector.broadcast %get3A_31 : vector<1x64xf32> to vector<1000x64xf32>
    %add3A_33 = arith.addf %dot_general3A_28, %add3A_32 : vector<1000x64xf32>
    %swap3A = arith.constant 0 : index
    %swap3A_34 = arith.constant 0 : index
    %swap3A_35 = vector.load %arg7[%swap3A, %swap3A_34] : memref<1000x64xf32, #tpu.memory_space<vmem>>, vector<1000x64xf32>
    tpu.vector_store %arg7[%swap3A, %swap3A_34], %add3A_33 {strides = array<i32>} : memref<1000x64xf32, #tpu.memory_space<vmem>>, vector<1000x64xf32>,
    return
  }
  func.func @transform_0(%arg0: i32) -> (i32, i32) {
    %c0_i32 = arith.constant 0 : i32
    %c0_i32_0 = arith.constant 0 : i32
    return %arg0, %c0_i32 : i32, i32
  }
  func.func @transform_1(%arg0: i32) -> (i32, i32, i32) {
    %c0_i32 = arith.constant 0 : i32
    %c0_i32_0 = arith.constant 0 : i32
    %c0_i32_1 = arith.constant 0 : i32
    return %c0_i32, %arg0, %c0_i32_0 : i32, i32, i32
  }
  func.func @transform_2(%arg0: i32) -> (i32, i32) {
    %c0_i32 = arith.constant 0 : i32
    %c0_i32_0 = arith.constant 0 : i32
    %c0_i32_1 = arith.constant 0 : i32
    return %c0_i32, %c0_i32_0 : i32, i32
  }
  func.func @transform_3(%arg0: i32) -> (i32, i32) {
    %c0_i32 = arith.constant 0 : i32
    %c0_i32_0 = arith.constant 0 : i32
    %c0_i32_1 = arith.constant 0 : i32
    return %c0_i32, %c0_i32_0 : i32, i32
  }
  func.func @transform_4(%arg0: i32) -> (i32, i32) {
    %c0_i32 = arith.constant 0 : i32
    %c0_i32_0 = arith.constant 0 : i32
    %c0_i32_1 = arith.constant 0 : i32
    return %c0_i32, %c0_i32_0 : i32, i32
  }
  func.func @transform_5(%arg0: i32) -> (i32, i32) {
    %c0_i32 = arith.constant 0 : i32
    %c0_i32_0 = arith.constant 0 : i32
    %c0_i32_1 = arith.constant 0 : i32
    return %c0_i32, %c0_i32_0 : i32, i32
  }
  func.func @transform_6(%arg0: i32) -> (i32, i32) {
    %c0_i32 = arith.constant 0 : i32
    %c0_i32_0 = arith.constant 0 : i32
    return %arg0, %c0_i32 : i32, i32
  }
}

module attributes {stable_mosaic.version = 14 : i64} {
  func.func @_tc4_body(%arg0: i32, %arg1: memref<1000x64xf32, #tpu.memory_space<vmem>>, %arg2: memref<2x1000x64xf32, #tpu.memory_space<vmem>>, %arg3: memref<1000x64xf32, #tpu.memory_space<vmem>>, %arg4: memref<1000x1xi32, #tpu.memory_space<vmem>>, %arg5: memref<64x64xf32, #tpu.memory_space<vmem>>, %arg6: memref<1x64xf32, #tpu.memory_space<vmem>>, %arg7: memref<64x64xf32, #tpu.memory_space<vmem>>, %arg8: memref<1x64xf32, #tpu.memory_space<vmem>>, %arg9: memref<64x64xf32, #tpu.memory_space<vmem>>, %arg10: memref<1x64xf32, #tpu.memory_space<vmem>>, %arg11: memref<64x4xf32, #tpu.memory_space<vmem>>, %arg12: memref<1x4xf32, #tpu.memory_space<vmem>>, %arg13: memref<1000x64xf32, #tpu.memory_space<vmem>>, %arg14: memref<8x4xf32, #tpu.memory_space<vmem>>, %arg15: memref<8x64xf32, #tpu.memory_space<vmem>>, %arg16: memref<8x1xf32, #tpu.memory_space<vmem>>) attributes {dimension_semantics = [#tpu.dimension_semantics<arbitrary>], iteration_bounds = array<i64: 10>, scalar_prefetch = 0 : i64, scratch_operands = 2 : i64, tpu.core_type = #tpu.core_type<tc>, window_params = [{transform_indices = @transform_0, window_bounds = array<i64: 1000, 64>}, {transform_indices = @transform_1, window_bounds = array<i64: 2, 1000, 64>}, {transform_indices = @transform_2, window_bounds = array<i64: 1000, 64>}, {transform_indices = @transform_3, window_bounds = array<i64: 1000, 1>}, {pipeline_mode = #tpu.pipeline_mode<synchronous>, transform_indices = @transform_4, window_bounds = array<i64: 64, 64>}, {pipeline_mode = #tpu.pipeline_mode<synchronous>, transform_indices = @transform_5, window_bounds = array<i64: 1, 64>}, {pipeline_mode = #tpu.pipeline_mode<synchronous>, transform_indices = @transform_6, window_bounds = array<i64: 64, 64>}, {pipeline_mode = #tpu.pipeline_mode<synchronous>, transform_indices = @transform_7, window_bounds = array<i64: 1, 64>}, {pipeline_mode = #tpu.pipeline_mode<synchronous>, transform_indices = @transform_8, window_bounds = array<i64: 64, 64>}, {pipeline_mode = #tpu.pipeline_mode<synchronous>, transform_indices = @transform_9, window_bounds = array<i64: 1, 64>}, {pipeline_mode = #tpu.pipeline_mode<synchronous>, transform_indices = @transform_10, window_bounds = array<i64: 64, 4>}, {pipeline_mode = #tpu.pipeline_mode<synchronous>, transform_indices = @transform_11, window_bounds = array<i64: 1, 4>}, {transform_indices = @transform_12, window_bounds = array<i64: 1000, 64>}, {pipeline_mode = #tpu.pipeline_mode<synchronous>, transform_indices = @transform_13, window_bounds = array<i64: 8, 4>}]} {
    %get3A = arith.constant 0 : index
    %get3A_0 = arith.constant 0 : index
    %get3A_1 = vector.load %arg1[%get3A, %get3A_0] : memref<1000x64xf32, #tpu.memory_space<vmem>>, vector<1000x64xf32>
    %get3A_2 = arith.constant 0 : index
    %get3A_3 = arith.constant 0 : index
    %get3A_4 = arith.constant 0 : index
    %get3A_5 = vector.load %arg2[%get3A_2, %get3A_3, %get3A_4] : memref<2x1000x64xf32, #tpu.memory_space<vmem>>, vector<1x1000x64xf32>
    %get3A_6 = vector.shape_cast %get3A_5 : vector<1x1000x64xf32> to vector<1000x64xf32>
    %add3A = arith.addf %get3A_1, %get3A_6 : vector<1000x64xf32>
    %get3A_7 = arith.constant 1 : index
    %get3A_8 = arith.constant 0 : index
    %get3A_9 = arith.constant 0 : index
    %get3A_10 = vector.load %arg2[%get3A_7, %get3A_8, %get3A_9] : memref<2x1000x64xf32, #tpu.memory_space<vmem>>, vector<1x1000x64xf32>
    %get3A_11 = vector.shape_cast %get3A_10 : vector<1x1000x64xf32> to vector<1000x64xf32>
    %add3A_12 = arith.addf %add3A, %get3A_11 : vector<1000x64xf32>
    %get3A_13 = arith.constant 0 : index
    %get3A_14 = arith.constant 0 : index
    %get3A_15 = vector.load %arg5[%get3A_13, %get3A_14] : memref<64x64xf32, #tpu.memory_space<vmem>>, vector<64x64xf32>
    %dot_general3A = arith.constant dense<0.000000e+00> : vector<1000x64xf32>
    %dot_general3A_16 = tpu.matmul %add3A_12, %get3A_15, %dot_general3A {dimension_numbers = #tpu.dot_dimension_numbers<[1], [0], [0], [1], [0, 0, 1, 1], [], []>, transpose_lhs_hint = false} : vector<1000x64xf32>, vector<64x64xf32>, vector<1000x64xf32> -> vector<1000x64xf32>
    %get3A_17 = arith.constant 0 : index
    %get3A_18 = arith.constant 0 : index
    %get3A_19 = vector.load %arg6[%get3A_17, %get3A_18] : memref<1x64xf32, #tpu.memory_space<vmem>>, vector<1x64xf32>
    %add3A_20 = vector.broadcast %get3A_19 : vector<1x64xf32> to vector<1000x64xf32>
    %add3A_21 = arith.addf %dot_general3A_16, %add3A_20 : vector<1000x64xf32>
    %max3A = arith.constant 0.000000e+00 : f32
    %max3A_22 = vector.broadcast %max3A : f32 to vector<1000x64xf32>
    %max3A_23 = arith.maximumf %add3A_21, %max3A_22 : vector<1000x64xf32>
    %get3A_24 = arith.constant 0 : index
    %get3A_25 = arith.constant 0 : index
    %get3A_26 = vector.load %arg7[%get3A_24, %get3A_25] : memref<64x64xf32, #tpu.memory_space<vmem>>, vector<64x64xf32>
    %dot_general3A_27 = arith.constant dense<0.000000e+00> : vector<1000x64xf32>
    %dot_general3A_28 = tpu.matmul %max3A_23, %get3A_26, %dot_general3A_27 {dimension_numbers = #tpu.dot_dimension_numbers<[1], [0], [0], [1], [0, 0, 1, 1], [], []>, transpose_lhs_hint = false} : vector<1000x64xf32>, vector<64x64xf32>, vector<1000x64xf32> -> vector<1000x64xf32>
    %get3A_29 = arith.constant 0 : index
    %get3A_30 = arith.constant 0 : index
    %get3A_31 = vector.load %arg8[%get3A_29, %get3A_30] : memref<1x64xf32, #tpu.memory_space<vmem>>, vector<1x64xf32>
    %add3A_32 = vector.broadcast %get3A_31 : vector<1x64xf32> to vector<1000x64xf32>
    %add3A_33 = arith.addf %dot_general3A_28, %add3A_32 : vector<1000x64xf32>
    %get3A_34 = arith.constant 0 : index
    %get3A_35 = arith.constant 0 : index
    %get3A_36 = vector.load %arg9[%get3A_34, %get3A_35] : memref<64x64xf32, #tpu.memory_space<vmem>>, vector<64x64xf32>
    %dot_general3A_37 = arith.constant dense<0.000000e+00> : vector<1000x64xf32>
    %dot_general3A_38 = tpu.matmul %add3A_33, %get3A_36, %dot_general3A_37 {dimension_numbers = #tpu.dot_dimension_numbers<[1], [0], [0], [1], [0, 0, 1, 1], [], []>, transpose_lhs_hint = false} : vector<1000x64xf32>, vector<64x64xf32>, vector<1000x64xf32> -> vector<1000x64xf32>
    %get3A_39 = arith.constant 0 : index
    %get3A_40 = arith.constant 0 : index
    %get3A_41 = vector.load %arg10[%get3A_39, %get3A_40] : memref<1x64xf32, #tpu.memory_space<vmem>>, vector<1x64xf32>
    %add3A_42 = vector.broadcast %get3A_41 : vector<1x64xf32> to vector<1000x64xf32>
    %add3A_43 = arith.addf %dot_general3A_38, %add3A_42 : vector<1000x64xf32>
    %swap3A = arith.constant 0 : index
    %swap3A_44 = arith.constant 0 : index
    %swap3A_45 = vector.load %arg13[%swap3A, %swap3A_44] : memref<1000x64xf32, #tpu.memory_space<vmem>>, vector<1000x64xf32>
    tpu.vector_store %arg13[%swap3A, %swap3A_44], %add3A_43 {strides = array<i32>} : memref<1000x64xf32, #tpu.memory_space<vmem>>, vector<1000x64xf32>,
    %get3A_46 = arith.constant 0 : index
    %get3A_47 = arith.constant 0 : index
    %get3A_48 = vector.load %arg4[%get3A_46, %get3A_47] : memref<1000x1xi32, #tpu.memory_space<vmem>>, vector<1000x1xi32>
    %iota3A = tpu.iota {dimensions = array<i32: 1>} : vector<1000x8xi32>
    %eq3A = vector.broadcast %get3A_48 : vector<1000x1xi32> to vector<1000x8xi32>
    %eq3A_49 = arith.cmpi eq, %eq3A, %iota3A : vector<1000x8xi32>
    %convert_element_type3A = arith.extui %eq3A_49 : vector<1000x8xi1> to vector<1000x8xi32>
    %convert_element_type3A_50 = arith.sitofp %convert_element_type3A : vector<1000x8xi32> to vector<1000x8xf32>
    %get3A_51 = arith.constant 0 : index
    %get3A_52 = arith.constant 0 : index
    %get3A_53 = vector.load %arg3[%get3A_51, %get3A_52] : memref<1000x64xf32, #tpu.memory_space<vmem>>, vector<1000x64xf32>
    %dot_general3A_54 = arith.constant dense<0.000000e+00> : vector<8x64xf32>
    %dot_general3A_55 = tpu.matmul %convert_element_type3A_50, %get3A_53, %dot_general3A_54 {dimension_numbers = #tpu.dot_dimension_numbers<[0], [0], [1], [1], [0, 1, 1, 1], [], []>, transpose_lhs_hint = false} : vector<1000x8xf32>, vector<1000x64xf32>, vector<8x64xf32> -> vector<8x64xf32>
    %broadcast_in_dim3A = arith.constant 1.000000e+00 : f32
    %broadcast_in_dim3A_56 = vector.broadcast %broadcast_in_dim3A : f32 to vector<1000x1xf32>
    %dot_general3A_57 = arith.constant dense<0.000000e+00> : vector<8x1xf32>
    %dot_general3A_58 = tpu.matmul %convert_element_type3A_50, %broadcast_in_dim3A_56, %dot_general3A_57 {dimension_numbers = #tpu.dot_dimension_numbers<[0], [0], [1], [1], [0, 1, 1, 1], [], []>, transpose_lhs_hint = false} : vector<1000x8xf32>, vector<1000x1xf32>, vector<8x1xf32> -> vector<8x1xf32>
    %eq3A_59 = arith.constant 0 : i32
    %eq3A_60 = arith.cmpi eq, %arg0, %eq3A_59 : i32
    %convert_element_type3A_61 = arith.extui %eq3A_60 : i1 to i32
    %cond3A = arith.constant 0 : i32
    %cond3A_62 = arith.cmpi ne, %convert_element_type3A_61, %cond3A : i32
    scf.if %cond3A_62 {
      %broadcast_in_dim3A_82 = arith.constant 0.000000e+00 : f32
      %broadcast_in_dim3A_83 = vector.broadcast %broadcast_in_dim3A_82 : f32 to vector<8x64xf32>
      %swap3A_84 = arith.constant 0 : index
      %swap3A_85 = arith.constant 0 : index
      %swap3A_86 = vector.load %arg15[%swap3A_84, %swap3A_85] : memref<8x64xf32, #tpu.memory_space<vmem>>, vector<8x64xf32>
      tpu.vector_store %arg15[%swap3A_84, %swap3A_85], %broadcast_in_dim3A_83 {strides = array<i32>} : memref<8x64xf32, #tpu.memory_space<vmem>>, vector<8x64xf32>,
      %broadcast_in_dim3A_87 = arith.constant 0.000000e+00 : f32
      %broadcast_in_dim3A_88 = vector.broadcast %broadcast_in_dim3A_87 : f32 to vector<8x1xf32>
      %swap3A_89 = arith.constant 0 : index
      %swap3A_90 = arith.constant 0 : index
      %swap3A_91 = vector.load %arg16[%swap3A_89, %swap3A_90] : memref<8x1xf32, #tpu.memory_space<vmem>>, vector<8x1xf32>
      tpu.vector_store %arg16[%swap3A_89, %swap3A_90], %broadcast_in_dim3A_88 {strides = array<i32>} : memref<8x1xf32, #tpu.memory_space<vmem>>, vector<8x1xf32>,
    } else {
    }
    %get3A_63 = arith.constant 0 : index
    %get3A_64 = arith.constant 0 : index
    %get3A_65 = vector.load %arg15[%get3A_63, %get3A_64] : memref<8x64xf32, #tpu.memory_space<vmem>>, vector<8x64xf32>
    %add3A_66 = arith.addf %get3A_65, %dot_general3A_55 : vector<8x64xf32>
    %swap3A_67 = arith.constant 0 : index
    %swap3A_68 = arith.constant 0 : index
    %swap3A_69 = vector.load %arg15[%swap3A_67, %swap3A_68] : memref<8x64xf32, #tpu.memory_space<vmem>>, vector<8x64xf32>
    tpu.vector_store %arg15[%swap3A_67, %swap3A_68], %add3A_66 {strides = array<i32>} : memref<8x64xf32, #tpu.memory_space<vmem>>, vector<8x64xf32>,
    %get3A_70 = arith.constant 0 : index
    %get3A_71 = arith.constant 0 : index
    %get3A_72 = vector.load %arg16[%get3A_70, %get3A_71] : memref<8x1xf32, #tpu.memory_space<vmem>>, vector<8x1xf32>
    %add3A_73 = arith.addf %get3A_72, %dot_general3A_58 : vector<8x1xf32>
    %swap3A_74 = arith.constant 0 : index
    %swap3A_75 = arith.constant 0 : index
    %swap3A_76 = vector.load %arg16[%swap3A_74, %swap3A_75] : memref<8x1xf32, #tpu.memory_space<vmem>>, vector<8x1xf32>
    tpu.vector_store %arg16[%swap3A_74, %swap3A_75], %add3A_73 {strides = array<i32>} : memref<8x1xf32, #tpu.memory_space<vmem>>, vector<8x1xf32>,
    %eq3A_77 = arith.constant 9 : i32
    %eq3A_78 = arith.cmpi eq, %arg0, %eq3A_77 : i32
    %convert_element_type3A_79 = arith.extui %eq3A_78 : i1 to i32
    %cond3A_80 = arith.constant 0 : i32
    %cond3A_81 = arith.cmpi ne, %convert_element_type3A_79, %cond3A_80 : i32
    scf.if %cond3A_81 {
      %get3A_82 = arith.constant 0 : index
      %get3A_83 = arith.constant 0 : index
      %get3A_84 = vector.load %arg15[%get3A_82, %get3A_83] : memref<8x64xf32, #tpu.memory_space<vmem>>, vector<8x64xf32>
      %get3A_85 = arith.constant 0 : index
      %get3A_86 = arith.constant 0 : index
      %get3A_87 = vector.load %arg16[%get3A_85, %get3A_86] : memref<8x1xf32, #tpu.memory_space<vmem>>, vector<8x1xf32>
      %max3A_88 = arith.constant 1.000000e+00 : f32
      %max3A_89 = vector.broadcast %max3A_88 : f32 to vector<8x1xf32>
      %max3A_90 = arith.maximumf %get3A_87, %max3A_89 : vector<8x1xf32>
      %div3A = vector.broadcast %max3A_90 : vector<8x1xf32> to vector<8x64xf32>
      %div3A_91 = arith.divf %get3A_84, %div3A : vector<8x64xf32>
      %get3A_92 = arith.constant 0 : index
      %get3A_93 = arith.constant 0 : index
      %get3A_94 = vector.load %arg11[%get3A_92, %get3A_93] : memref<64x4xf32, #tpu.memory_space<vmem>>, vector<64x4xf32>
      %dot_general3A_95 = arith.constant dense<0.000000e+00> : vector<8x4xf32>
      %dot_general3A_96 = tpu.matmul %div3A_91, %get3A_94, %dot_general3A_95 {dimension_numbers = #tpu.dot_dimension_numbers<[1], [0], [0], [1], [0, 0, 1, 1], [], []>, transpose_lhs_hint = false} : vector<8x64xf32>, vector<64x4xf32>, vector<8x4xf32> -> vector<8x4xf32>
      %get3A_97 = arith.constant 0 : index
      %get3A_98 = arith.constant 0 : index
      %get3A_99 = vector.load %arg12[%get3A_97, %get3A_98] : memref<1x4xf32, #tpu.memory_space<vmem>>, vector<1x4xf32>
      %add3A_100 = vector.broadcast %get3A_99 : vector<1x4xf32> to vector<8x4xf32>
      %add3A_101 = arith.addf %dot_general3A_96, %add3A_100 : vector<8x4xf32>
      %swap3A_102 = arith.constant 0 : index
      %swap3A_103 = arith.constant 0 : index
      %swap3A_104 = vector.load %arg14[%swap3A_102, %swap3A_103] : memref<8x4xf32, #tpu.memory_space<vmem>>, vector<8x4xf32>
      tpu.vector_store %arg14[%swap3A_102, %swap3A_103], %add3A_101 {strides = array<i32>} : memref<8x4xf32, #tpu.memory_space<vmem>>, vector<8x4xf32>,
    } else {
    }
    return
  }
  func.func @transform_0(%arg0: i32) -> (i32, i32) {
    %c0_i32 = arith.constant 0 : i32
    %c0_i32_0 = arith.constant 0 : i32
    return %arg0, %c0_i32 : i32, i32
  }
  func.func @transform_1(%arg0: i32) -> (i32, i32, i32) {
    %c0_i32 = arith.constant 0 : i32
    %c0_i32_0 = arith.constant 0 : i32
    %c0_i32_1 = arith.constant 0 : i32
    return %c0_i32, %arg0, %c0_i32_0 : i32, i32, i32
  }
  func.func @transform_2(%arg0: i32) -> (i32, i32) {
    %c0_i32 = arith.constant 0 : i32
    %c0_i32_0 = arith.constant 0 : i32
    return %arg0, %c0_i32 : i32, i32
  }
  func.func @transform_3(%arg0: i32) -> (i32, i32) {
    %c0_i32 = arith.constant 0 : i32
    %c0_i32_0 = arith.constant 0 : i32
    return %arg0, %c0_i32 : i32, i32
  }
  func.func @transform_4(%arg0: i32) -> (i32, i32) {
    %c0_i32 = arith.constant 0 : i32
    %c0_i32_0 = arith.constant 0 : i32
    %c0_i32_1 = arith.constant 0 : i32
    return %c0_i32, %c0_i32_0 : i32, i32
  }
  func.func @transform_5(%arg0: i32) -> (i32, i32) {
    %c0_i32 = arith.constant 0 : i32
    %c0_i32_0 = arith.constant 0 : i32
    %c0_i32_1 = arith.constant 0 : i32
    return %c0_i32, %c0_i32_0 : i32, i32
  }
  func.func @transform_6(%arg0: i32) -> (i32, i32) {
    %c0_i32 = arith.constant 0 : i32
    %c0_i32_0 = arith.constant 0 : i32
    %c0_i32_1 = arith.constant 0 : i32
    return %c0_i32, %c0_i32_0 : i32, i32
  }
  func.func @transform_7(%arg0: i32) -> (i32, i32) {
    %c0_i32 = arith.constant 0 : i32
    %c0_i32_0 = arith.constant 0 : i32
    %c0_i32_1 = arith.constant 0 : i32
    return %c0_i32, %c0_i32_0 : i32, i32
  }
  func.func @transform_8(%arg0: i32) -> (i32, i32) {
    %c0_i32 = arith.constant 0 : i32
    %c0_i32_0 = arith.constant 0 : i32
    %c0_i32_1 = arith.constant 0 : i32
    return %c0_i32, %c0_i32_0 : i32, i32
  }
  func.func @transform_9(%arg0: i32) -> (i32, i32) {
    %c0_i32 = arith.constant 0 : i32
    %c0_i32_0 = arith.constant 0 : i32
    %c0_i32_1 = arith.constant 0 : i32
    return %c0_i32, %c0_i32_0 : i32, i32
  }
  func.func @transform_10(%arg0: i32) -> (i32, i32) {
    %c0_i32 = arith.constant 0 : i32
    %c0_i32_0 = arith.constant 0 : i32
    %c0_i32_1 = arith.constant 0 : i32
    return %c0_i32, %c0_i32_0 : i32, i32
  }
  func.func @transform_11(%arg0: i32) -> (i32, i32) {
    %c0_i32 = arith.constant 0 : i32
    %c0_i32_0 = arith.constant 0 : i32
    %c0_i32_1 = arith.constant 0 : i32
    return %c0_i32, %c0_i32_0 : i32, i32
  }
  func.func @transform_12(%arg0: i32) -> (i32, i32) {
    %c0_i32 = arith.constant 0 : i32
    %c0_i32_0 = arith.constant 0 : i32
    return %arg0, %c0_i32 : i32, i32
  }
  func.func @transform_13(%arg0: i32) -> (i32, i32) {
    %c0_i32 = arith.constant 0 : i32
    %c0_i32_0 = arith.constant 0 : i32
    %c0_i32_1 = arith.constant 0 : i32
    return %c0_i32, %c0_i32_0 : i32, i32
  }
}

</mosaic_0001>

<sc_bundles>
// kernel: kernel.12.cloned.1.call-start
scs
__scs_entry_jumppad:
0x0: {  	(pc) =	sbr.rel $0x88, $3  }
0x1: {  	(tag) =	ssettag $0x0;
	lr =	simm.s32 $0x1  }
0x2: {  	[smem:$0x3F84] =	sst lr;
	_ =	strace $0xD0000000  }
0x3: {  	_ = 	snop  }
0x4: {  	_ = 	snop  }
0x5: {  	_ = 	snop  }
0x6: {  	_ = 	snop  }
0x7: {  	_ = 	snop  }
__scs_overlays_trampoline_lowered:
0x8: {  	[smem:$0x3F93] =	sst s0  }
0x9: {  	[smem:$0x3F94] =	sst s1  }
0xa: {  	[smem:$0x3F95] =	sst s2  }
0xb: {  	[smem:$0x3F96] =	sst s3  }
0xc: {  	[smem:$0x3F97] =	sst s4  }
0xd: {  	[smem:$0x3F98] =	sst s5  }
0xe: {  	[smem:$0x3F99] =	sst s6  }
0xf: {  	[smem:$0x3F9A] =	sst s7  }
0x10: {  	[smem:$0x3F9B] =	sst s8  }
0x11: {  	[smem:$0x3F9C] =	sst s9;
	s0 =	simm.s32 @!p0 $0x0  }
0x12: {  	s1 =	sld [smem:$0x3F82];
	s0 =	simm.s32 @p0 $0x1  }
0x13: {  	[smem:$0x3F9D] =	sst s0;
	s0 =	simm.s32 @!p1 $0x0  }
0x14: {  	s2 =	sld [smem:$0x3F81];
	s0 =	simm.s32 @p1 $0x1  }
0x15: {  	[smem:$0x3F9E] =	sst s0;
	s0 =	simm.s32 @!p2 $0x0  }
0x16: {  	s3 =	sld [smem:$0x3FDB];
	s0 =	simm.s32 @p2 $0x1  }
0x17: {  	s4 =	simm.s32 $0x1BF5;
	[smem:$0x3FA0] =	sst s0  }
0x18: {  	s0 =	sld [smem:$0x3F83];
	_ =	swait.ge [sflag:s4], $0x0  }
0x19: {  	s7 =	sld [smem:$0x3F84]  }
0x1a: {  	s8 =	sadd.s32 $0xFFFFE003, lr  }
0x1b: {  	s9 =	sadd.s32 $0xFFFFFEF7, lr;
	s5 =	simm.s32 $0xFFFFFFFF;
	p2 =	slt.u32 s8, $0xFFFFF086  }
0x1c: {  	p1 =	slt.u32 s9, $0xF7A;
	s5 =	simm.s32 @!p2 $0x0  }
0x1d: {  	s5 =	simm.s32 @p1 $0x1;
	p0 =	seq.s32 s7, s2  }
0x1e: {  	s7 =	smul.u32 @!p0 $0xF7A, s2;
	p2 =	seq.s32 @!p0 s5, $0x0  }
0x1f: {  	s9 =	smul.u32 $0xF7A, s1;
	s8 =	simm.s32 @!p0 $0x1BF5;
	p2 =	por !p2, p0  }
0x20: {  	[sflag:s8] =	ssyncset.s32 @!p0 $0xFFFFF086;
	s6 =	sadd.s32 @!p0 s3, s7;
	s7 =	simm.s32 @!p0 $0x108  }
0x21: {  	s3 =	sadd.s32 s3, s9;
	s6 =	sadd.s32 @!p0 $0x88, s6;
	s7 =	simm.s32 @p2 $0x1082  }
0x22: {  	[simem:s7], [sflag:s8] =	dma.local @!p0 [hbm:s6], $0xF7A  }
0x23: {  	s9 =	sor.u32 $0xD0000000, s2;
	s6 =	simm.s32 $0x108;
	_ =	swait.ge @!p0 [sflag:s8], $0x0  }
0x24: {  	s3 =	sadd.s32 $0x88, s3;
	s6 =	simm.s32 @!p1 $0x1082;
	[sflag:s4] =	ssyncset.s32 $0xFFFFF086  }
0x25: {  	[simem:s6], [sflag:s4] =	dma.local [hbm:s3], $0xF7A  }
0x26: {  	[smem:$0x3F84] =	sst s1;
	(tag) =	ssettag s2;
	_ =	strace s9  }
0x27: {  	s1 =	sld [smem:$0x3F94]  }
0x28: {  	s2 =	sld [smem:$0x3F95]  }
0x29: {  	s4 =	sld [smem:$0x3F97]  }
0x2a: {  	p0 =	seq.s32 s5, $0x0;
	s5 =	sld [smem:$0x3F98]  }
0x2b: {  	s6 =	sld [smem:$0x3F99]  }
0x2c: {  	s7 =	sld [smem:$0x3F9A]  }
0x2d: {  	s3 =	simm.s32 $0x108;
	s8 =	sld [smem:$0x3F9B]  }
0x2e: {  	s3 =	simm.s32 @!p0 $0x1082;
	s9 =	sld [smem:$0x3F9C]  }
0x2f: {  	lr =	sadd.s32 s0, s3;
	s0 =	sld [smem:$0x3F93]  }
0x30: {  	s3 =	sld [smem:$0x3F96]  }
0x31: {  	[smem:$0x3F9F] =	sst s10  }
0x32: {  	s10 =	sld [smem:$0x3F9D];
	_ =	sdelay $0x3  }
0x33: {  	p0 =	seq.s32 s10, $0x1;
	s10 =	sld [smem:$0x3F9F];
	_ =	sdelay $0x3  }
0x34: {  	[smem:$0x3F9F] =	sst s10  }
0x35: {  	s10 =	sld [smem:$0x3F9E];
	_ =	sdelay $0x3  }
0x36: {  	p1 =	seq.s32 s10, $0x1;
	s10 =	sld [smem:$0x3F9F];
	_ =	sdelay $0x3  }
0x37: {  	[smem:$0x3F9F] =	sst s10  }
0x38: {  	s10 =	sld [smem:$0x3FA0]  }
0x39: {  	_ = 	snop;
	(pc) =	sbr.ind lr, $3  }
0x3a: {  	_ = 	snop  }
0x3b: {  	_ = 	snop  }
0x3c: {  	p2 =	seq.s32 s10, $0x1;
	s10 =	sld [smem:$0x3F9F]  }
0x3d: {  	_ =	shalt  }
0x3e: {  	_ =	shalt  }
0x3f: {  	_ =	shalt  }
0x40: {  	_ =	shalt  }
0x41: {  	_ =	shalt  }
0x42: {  	_ =	shalt  }
0x43: {  	_ =	shalt  }
0x44: {  	_ =	shalt  }
0x45: {  	_ =	shalt  }
0x46: {  	_ =	shalt  }
0x47: {  	_ =	shalt  }
0x48: {  	_ =	shalt  }
0x49: {  	_ =	shalt  }
0x4a: {  	_ =	shalt  }
0x4b: {  	_ =	shalt  }
0x4c: {  	_ =	shalt  }
0x4d: {  	_ =	shalt  }
0x4e: {  	_ =	shalt  }
0x4f: {  	_ =	shalt  }
0x50: {  	_ =	shalt  }
0x51: {  	_ =	shalt  }
0x52: {  	_ =	shalt  }
0x53: {  	_ =	shalt  }
0x54: {  	_ =	shalt  }
0x55: {  	_ =	shalt  }
0x56: {  	_ =	shalt  }
0x57: {  	_ =	shalt  }
0x58: {  	_ =	shalt  }
0x59: {  	_ =	shalt  }
0x5a: {  	_ =	shalt  }
0x5b: {  	_ =	shalt  }
0x5c: {  	_ =	shalt  }
0x5d: {  	_ =	shalt  }
0x5e: {  	_ =	shalt  }
0x5f: {  	_ =	shalt  }
0x60: {  	_ =	shalt  }
0x61: {  	_ =	shalt  }
0x62: {  	_ =	shalt  }
0x63: {  	_ =	shalt  }
0x64: {  	_ =	shalt  }
0x65: {  	_ =	shalt  }
0x66: {  	_ =	shalt  }
0x67: {  	_ =	shalt  }
0x68: {  	_ =	shalt  }
0x69: {  	_ =	shalt  }
0x6a: {  	_ =	shalt  }
0x6b: {  	_ =	shalt  }
0x6c: {  	_ =	shalt  }
0x6d: {  	_ =	shalt  }
0x6e: {  	_ =	shalt  }
0x6f: {  	_ =	shalt  }
0x70: {  	_ =	shalt  }
0x71: {  	_ =	shalt  }
0x72: {  	_ =	shalt  }
0x73: {  	_ =	shalt  }
0x74: {  	_ =	shalt  }
0x75: {  	_ =	shalt  }
0x76: {  	_ =	shalt  }
0x77: {  	_ =	shalt  }
0x78: {  	_ =	shalt  }
0x79: {  	_ =	shalt  }
0x7a: {  	_ =	shalt  }
0x7b: {  	_ =	shalt  }
0x7c: {  	_ =	shalt  }
0x7d: {  	_ =	shalt  }
0x7e: {  	_ =	shalt  }
0x7f: {  	_ =	shalt  }
0x80: {  	_ =	shalt  }
0x81: {  	_ =	shalt  }
0x82: {  	_ =	shalt  }
0x83: {  	_ =	shalt  }
0x84: {  	_ =	shalt  }
0x85: {  	_ =	shalt  }
0x86: {  	_ =	shalt  }
0x87: {  	_ =	shalt  }
.Lfunc_end0:
.L_simem_size_0:
called_computation.1_lowered:
.L_overlay_start_0:
0x88: {  	s2 =	sld [smem:$0x3FD9]  }
0x89: {  	s3 =	sld [smem:$0x3FFE];
	_ =	sdelay $0x1  }
0x8a: {  	s1 =	srdreg.scid  }
0x8b: {  	s0 =	sand.u32 $0x1, s1  }
0x8c: {  	s14 =	sshll.u32 s0, $0xA;
	s2 =	sadd.s32 s3, s2  }
0x8d: {  	s2 =	sadd.s32 s2, s14  }
0x8e: {  	[smem:$0x3FAB] =	sst s2  }
0x8f: {  	_ = 	snop  }
0x90: {  	s2 =	sld [smem:$0x3FD0];
	_ =	sdelay $0x2  }
0x91: {  	s15 =	simm.s32 $0xA;
	s4 =	simm.s32 $0x10  }
0x92: {  	[smem:s4], [sflag:s15] =	dma.local [hbm:s2], $0x1  }
0x93: {  	_ =	swait.eq [sflag:s15], $0x1  }
0x94: {  	[sflag:s15] =	ssyncset.done $0x0  }
0x95: {  	[sflag:s15] =	ssyncadd.s32 $0xFFFFFFFF  }
0x96: {  	s16 =	sld [smem:$0x11];
	(tm) =	ssettm $0x1  }
0x97: {  	s17 =	sld [smem:$0x3FFB];
	_ =	sdelay $0x3  }
0x98: {  	_ =	strace s17  }
0x99: {  	s3 =	sld [smem:$0x3FFC];
	_ =	sdelay $0x3  }
0x9a: {  	_ =	strace s3  }
0x9b: {  	s3 =	sld [smem:$0x3FFD];
	_ =	sdelay $0x3  }
0x9c: {  	_ =	strace s3  }
0x9d: {  	_ =	strace $0x8FFFFFFF  }
0x9e: {  	s18 =	sld [smem:$0x3FDB];
	_ =	sdelay $0x1  }
0x9f: {  	s19 =	simm.s32 $_scs_section_size  }
0xa0: {  	s5 =	simm.s32 $_size__tile_overlayer_lowered;
	s6 =	simm.s32 $_tile_overlayer_lowered  }
0xa1: {  	s22 =	simm.s32 $0x1BFF;
	s21 =	sshll.u32 s6, $0x1;
	s3 =	sadd.s32 s19, s18  }
0xa2: {  	s7 =	simm.s32 $0x0;
	s20 =	sshll.u32 s5, $0x1;
	s5 =	sadd.s32 s21, s3  }
0xa3: {  	[timem:s7], [sflag:s22] =	dma.local [hbm:s5], s20  }
0xa4: {  	_ =	swait.ge [sflag:s22], s20  }
0xa5: {  	s4 =	ssub.s32 $0x0, s20;
	[sflag:s22] =	ssyncset.done $0x0  }
0xa6: {  	[sflag:s22] =	ssyncadd.s32 s4;
	_ =	sdelay $0x1  }
0xa7: {  	s23 =	simm.s32 $0x1B8B  }
0xa8: {  	_ =	swait.ge [sflag:s23], $0x1  }
0xa9: {  	[sflag:s23] =	ssyncset.done $0x0  }
0xaa: {  	s25 =	simm.s32 $0x1B8E;
	s24 =	sld [smem:$0x3FFE];
	[sflag:s23] =	ssyncadd.s32 $0xFFFFFFFF  }
0xab: {  	s26 =	simm.s32 $execute0_lowered;
	[smem:$0x3FD2] =	sst s25  }
0xac: {  	s5 =	sshll.u32 s26, $0x1;
	_ =	strace $0x80000049;
	[dreg:$0x1] =	wrdreg $0xFFFFFFFF  }
0xad: {  	s28 =	simm.s32 $_size_execute0_lowered;
	s3 =	sadd.s32 s3, s5;
	[dreg:$0x0] =	wrdreg $0x0  }
0xae: {  	s5 =	sshll.u32 s28, $0x1;
	[dreg:$0x2] =	wrdreg s3  }
0xaf: {  	[dreg:$0x3] =	wrdreg s5  }
0xb0: {  	[dreg:$0x4] =	wrdreg $0xC0  }
0xb1: {  	_ =	task [dreg:s7], $0x5FFFF  }
0xb2: {  	[dreg:$0x1] =	wrdreg $0xFFFFFFFF  }
0xb3: {  	[dreg:$0x0] =	wrdreg $0x60  }
0xb4: {  	[dreg:$0x2] =	wrdreg s16  }
0xb5: {  	[dreg:$0x3] =	wrdreg s24  }
0xb6: {  	[dreg:$0x4] =	wrdreg $0x14A000  }
0xb7: {  	[dreg:$0x5] =	wrdreg $0x9  }
0xb8: {  	_ =	task.clear_ibuf [dreg:s7], $0x6FFFF;
	_ =	strace $0x90000049  }
0xb9: {  	s29 =	simm.s32 $0x9;
	_ =	strace $0x8000004B  }
0xba: {  	_ =	swait.ge [sflag:s29], $0x1  }
0xbb: {  	[sflag:s29] =	ssyncadd.s32 $0xFFFFFFFF  }
0xbc: {  	_ =	strace $0x9000004B  }
0xbd: {  	_ =	sfence  }
0xbe: {  	s30 =	sld [smem:$0x0];
	_ =	sdelay $0x2  }
0xbf: {  	s31 =	sshll.u32 s1, $0xD;
	s1 =	sshrl.u32 s1, $0x2  }
0xc0: {  	s3 =	sand.u32 $0x4000, s31;
	s1 =	sadd.s32 s1, s30  }
0xc1: {  	s0 =	sor.u32 s3, s0;
	s1 =	sshll.u32 s1, $0x11  }
0xc2: {  	s0 =	sor.u32 s1, s0  }
0xc3: {  	s0 =	sadd.s32 $0x8F2B, s0  }
0xc4: {  	[sflag:s0] =	ssyncadd.remote.s32 $0x1  }
0xc5: {  	_ =	sfence.sel $0xFFFF  }
0xc6: {  	[dreg:$0x0] =	wrdreg $0xFFFFFFFF;
	(pc) =	sbr.abs _section_cstart, $3  }
0xc7: {  	[dreg:$0x1] =	wrdreg $0xFFFFFFFF  }
0xc8: {  	_ =	task.clear_ibuf [dreg:s7], $0x2FFFF;
	_ =	strace $0x9FFFFFFF  }
0xc9: {  	(tm) =	ssettm $0x7FFFFFFF  }
tec
execute0_lowered:
.L_overlay_start_1:
0x0: {  	(tag) =	ssettag $0x1  }
0x1: {  	s1 =	rddreg [dreg:$0x0]  }
0x2: {  	s0 =	srdreg.scid;
	s6 =	rddreg [dreg:$0x1]  }
0x3: {  	s10 =	stileid.u32;
	s3 =	rddreg [dreg:$0x2]  }
0x4: {  	s4 =	simm.s32 $0x0;
	s12 =	simm.s32 $0x5;
	s14 =	simm.s32 $0x1  }
0x5: {  	s15 =	simm.s32 $0x7D;
	s16 =	simm.s32 $0x5000;
	s17 =	simm.s32 $0x80  }
0x6: {  	s18 =	simm.s32 $0x6F40;
	s19 =	simm.s32 $0x100;
	s20 =	simm.s32 $0x8E80  }
0x7: {  	s21 =	simm.s32 $0x180;
	s22 =	simm.s32 $0xADC0;
	s23 =	simm.s32 $0xCD00  }
0x8: {  	s28 =	simm.s32 $0x2;
	s29 =	simm.s32 $0x3;
	s30 =	simm.s32 $0x4  }
0x9: {  	s31 =	simm.s32 $0x0;
	s0 =	sand.u32 $0x1, s0;
	s5 =	smul.u32 $0x1400, s10  }
0xa: {  	s2 =	sshll.u32 s10, $0x1;
	[smem:$0x7FF] =	sst s4;
	s8 =	smul.u32 $0x28000, s10  }
0xb: {  	s26 =	sshll.u32 s10, $0x6;
	s2 =	sor.u32 s0, s2;
	s7 =	smul.u32 $0x14000, s0  }
0xc: {  	_ =	strace $0x8000004A;
	s0 =	ssub.s32 $0x2, s0;
	s2 =	smul.u32 $0x500, s2  }
0xd: {  	s24 =	sshrl.u32 s0, $0x1;
	s25 =	sshrl.u32 s8, $0x2;
	s7 =	sadd.s32 s5, s7  }
.Ltmp0:
0xe: {  	s5 =	sadd.s32 $0x19200, s6;
	s0 =	ssub.s32 s0, s24;
	(pc) =	sbr.rel .LBB2_1-.Ltmp0, $4  }
0xf: {  	s11 =	sadd.s32 s25, s3;
	s24 =	simm.s32 $0xEC40;
	s25 =	simm.s32 $0x10B80  }
0x10: {  	s2 =	sadd.s32 s2, s6;
	s9 =	sadd.s32 s7, s6;
	s6 =	sor.u32 $0x1C05, s26  }
0x11: {  	s10 =	smax.u32 s0, $0x1;
	s11 =	sshrl.u32 s11, $0x3;
	s26 =	simm.s32 $0x12AC0  }
0x12: {  	s7 =	sadd.s32 $0xF200, s2;
	s8 =	sadd.s32 $0x5200, s2;
	s9 =	sadd.s32 $0x41800, s9  }
.LBB2_4:
0x13: {  	_ =	swait.ge [sflag:s30], $0x1F40  }
0x14: {  	[sflag:s30] =	ssyncset.done $0x0  }
0x15: {  	[sflag:s30] =	ssyncadd.s32 $0xFFFFE0C0  }
0x16: {  	_ =	swait.ge [sflag:s30], $0x1F40  }
0x17: {  	[sflag:s30] =	ssyncset.done $0x0  }
0x18: {  	[sflag:s30] =	ssyncadd.s32 $0xFFFFE0C0  }
0x19: {  	_ =	swait.ge [sflag:s30], $0x1F40  }
0x1a: {  	[sflag:s30] =	ssyncset.done $0x0  }
0x1b: {  	[sflag:s30] =	ssyncadd.s32 $0xFFFFE0C0  }
0x1c: {  	_ =	swait.ge [sflag:s30], $0x1F40  }
0x1d: {  	s31 =	sadd.s32 $0x1, s31;
	[sflag:s30] =	ssyncset.done $0x0  }
0x1e: {  	p0 =	sne.s32 s31, s10;
	[sflag:s30] =	ssyncadd.s32 $0xFFFFE0C0  }
.Ltmp1:
0x1f: {  	[bflag:$0x0] =	sbarrier.arrive $0xFFFF;
	(pc) =	sbr.rel @!p0 .LBB2_5-.Ltmp1, $4  }
0x20: {  	[hbm:s9], [sflag:s6] =	dma.local [spmem:s11], $0x1400  }
0x21: {  	_ =	swait.ge [sflag:s12], $0x1400  }
0x22: {  	[sflag:s12] =	ssyncset.done $0x0  }
0x23: {  	[sflag:s12] =	ssyncadd.s32 $0xFFFFEC00  }
.LBB2_1:
0x24: {  	[spmem:s11], [sflag:s6] =	dma.local [hbm:s5], $0x1400  }
0x25: {  	_ =	swait.ge [sflag:s12], $0x1400  }
0x26: {  	[sflag:s12] =	ssyncset.done $0x0  }
0x27: {  	[sflag:s12] =	ssyncadd.s32 $0xFFFFEC00  }
0x28: {  	[tilespmem:s4], [sflag:$0x1] =	stream.linear.gather [hbm4b:s7+s4], $0x2800, $0x38;
	[tilespmem:$0x1EA00] =	vst v63  }
0x29: {  	s0 =	simm.s32 $0x2800  }
0x2a: {  	[tilespmem:s0], [sflag:$0x1] =	stream.linear.gather [hbm4b:s8+s4], $0x2800, $0x38;
	[tilespmem:$0x1EA00] =	vst v63  }
0x2b: {  	_ =	swait.ge [sflag:s14], $0x2800  }
0x2c: {  	[sflag:s14] =	ssyncset.done $0x0  }
0x2d: {  	[sflag:s14] =	ssyncadd.s32 $0xFFFFD800  }
0x2e: {  	_ =	swait.ge [sflag:s14], $0x2800  }
0x2f: {  	[sflag:s14] =	ssyncset.done $0x0  }
0x30: {  	[sflag:s14] =	ssyncadd.s32 $0xFFFFD800  }
0x31: {  	[bflag:$0x0] =	sbarrier.arrive $0xFFFF  }
0x32: {  	[tilespmem:s16], [sflag:$0x1] =	stream.indirect.gather [hbm4b:s1+s15], $0x40, s4, s15, $0xb8;
	[tilespmem:$0x1EA00] =	vst v63  }
0x33: {  	_ = 	snop  }
0x34: {  	[tilespmem:s18], [sflag:$0x1] =	stream.indirect.gather [hbm4b:s1+s15], $0x40, s17, s15, $0xb8;
	[tilespmem:$0x1EA00] =	vst v63  }
0x35: {  	_ = 	snop  }
0x36: {  	[tilespmem:s20], [sflag:$0x1] =	stream.indirect.gather [hbm4b:s1+s15], $0x40, s19, s15, $0xb8;
	[tilespmem:$0x1EA00] =	vst v63  }
0x37: {  	s2 =	simm.s32 $0x0  }
0x38: {  	[tilespmem:s22], [sflag:$0x1] =	stream.indirect.gather [hbm4b:s1+s15], $0x40, s21, s15, $0xb8;
	[tilespmem:$0x1EA00] =	vst v63  }
.LBB2_2:
0x39: {  	p0 =	seq.s32 s2, $0x0  }
0x3a: {  	s13 =	simm.s32 @!p0 $0x4  }
0x3b: {  	_ =	swait.ge @!p0 [sflag:s13], $0x1F40  }
0x3c: {  	[sflag:s13] =	ssyncset.done @!p0 $0x0  }
0x3d: {  	[sflag:s13] =	ssyncadd.s32 @!p0 $0xFFFFE0C0  }
0x3e: {  	_ =	swait.ge @!p0 [sflag:s13], $0x1F40  }
0x3f: {  	[sflag:s13] =	ssyncset.done @!p0 $0x0  }
0x40: {  	[sflag:s13] =	ssyncadd.s32 @!p0 $0xFFFFE0C0  }
0x41: {  	_ =	swait.ge @!p0 [sflag:s13], $0x1F40  }
0x42: {  	[sflag:s13] =	ssyncset.done @!p0 $0x0  }
0x43: {  	[sflag:s13] =	ssyncadd.s32 @!p0 $0xFFFFE0C0  }
0x44: {  	_ =	swait.ge @!p0 [sflag:s13], $0x1F40  }
0x45: {  	s0 =	sshra.s32 s2, $0x2;
	[sflag:s13] =	ssyncset.done @!p0 $0x0  }
0x46: {  	[sflag:s13] =	ssyncadd.s32 @!p0 $0xFFFFE0C0;
	s13 =	sadd.s32 $0x200, s0  }
0x47: {  	[tilespmem:s23], [sflag:$0x2] =	stream.indirect.gather [hbm4b:s1+s15], $0x40, s13, s15, $0xb8;
	[tilespmem:$0x1EA00] =	vst v63  }
0x48: {  	s13 =	sadd.s32 $0x280, s0  }
0x49: {  	[tilespmem:s24], [sflag:$0x2] =	stream.indirect.gather [hbm4b:s1+s15], $0x40, s13, s15, $0xb8;
	[tilespmem:$0x1EA00] =	vst v63  }
0x4a: {  	s13 =	sadd.s32 $0x300, s0  }
0x4b: {  	[tilespmem:s25], [sflag:$0x2] =	stream.indirect.gather [hbm4b:s1+s15], $0x40, s13, s15, $0xb8;
	[tilespmem:$0x1EA00] =	vst v63  }
0x4c: {  	s13 =	sadd.s32 $0x380, s0  }
0x4d: {  	[tilespmem:s26], [sflag:$0x2] =	stream.indirect.gather [hbm4b:s1+s15], $0x40, s13, s15, $0xb8;
	[tilespmem:$0x1EA00] =	vst v63  }
0x4e: {  	_ =	swait.ge [sflag:s14], $0x1F40  }
0x4f: {  	[sflag:s14] =	ssyncset.done $0x0  }
0x50: {  	[sflag:s14] =	ssyncadd.s32 $0xFFFFE0C0  }
0x51: {  	_ =	swait.ge [sflag:s14], $0x1F40  }
0x52: {  	[sflag:s14] =	ssyncset.done $0x0  }
0x53: {  	[sflag:s14] =	ssyncadd.s32 $0xFFFFE0C0  }
0x54: {  	_ =	swait.ge [sflag:s14], $0x1F40  }
0x55: {  	[sflag:s14] =	ssyncset.done $0x0  }
0x56: {  	[sflag:s14] =	ssyncadd.s32 $0xFFFFE0C0  }
0x57: {  	_ =	swait.ge [sflag:s14], $0x1F40  }
0x58: {  	[sflag:s14] =	ssyncset.done $0x0  }
0x59: {  	s13 =	sadd.s32 $0x2800, s0;
	[sflag:s14] =	ssyncadd.s32 $0xFFFFE0C0  }
0x5a: {  	[spmem:s3] =	stream.indirect.scatter.add.f32 [tilespmem:s16], [sflag:$0x3], $0x40, s13, s15, $0xb8;
	[tilespmem:$0x1EA00] =	vst v63  }
0x5b: {  	s13 =	sadd.s32 $0x2880, s0  }
0x5c: {  	[spmem:s3] =	stream.indirect.scatter.add.f32 [tilespmem:s18], [sflag:$0x3], $0x40, s13, s15, $0xb8;
	[tilespmem:$0x1EA00] =	vst v63  }
0x5d: {  	s13 =	sadd.s32 $0x2900, s0  }
0x5e: {  	[spmem:s3] =	stream.indirect.scatter.add.f32 [tilespmem:s20], [sflag:$0x3], $0x40, s13, s15, $0xb8;
	[tilespmem:$0x1EA00] =	vst v63  }
0x5f: {  	s13 =	sadd.s32 $0x2980, s0  }
0x60: {  	[spmem:s3] =	stream.indirect.scatter.add.f32 [tilespmem:s22], [sflag:$0x3], $0x40, s13, s15, $0xb8;
	[tilespmem:$0x1EA00] =	vst v63  }
0x61: {  	_ =	swait.ge [sflag:s28], $0x1F40  }
0x62: {  	[sflag:s28] =	ssyncset.done $0x0  }
0x63: {  	[sflag:s28] =	ssyncadd.s32 $0xFFFFE0C0  }
0x64: {  	_ =	swait.ge [sflag:s28], $0x1F40  }
0x65: {  	[sflag:s28] =	ssyncset.done $0x0  }
0x66: {  	[sflag:s28] =	ssyncadd.s32 $0xFFFFE0C0  }
0x67: {  	_ =	swait.ge [sflag:s28], $0x1F40  }
0x68: {  	[sflag:s28] =	ssyncset.done $0x0  }
0x69: {  	[sflag:s28] =	ssyncadd.s32 $0xFFFFE0C0  }
0x6a: {  	_ =	swait.ge [sflag:s28], $0x1F40  }
0x6b: {  	[sflag:s28] =	ssyncset.done $0x0  }
0x6c: {  	s13 =	sadd.s32 $0x2A00, s0;
	[sflag:s28] =	ssyncadd.s32 $0xFFFFE0C0  }
0x6d: {  	[spmem:s3] =	stream.indirect.scatter.add.f32 [tilespmem:s23], [sflag:$0x4], $0x40, s13, s15, $0xb8;
	[tilespmem:$0x1EA00] =	vst v63  }
0x6e: {  	s13 =	sadd.s32 $0x2A80, s0  }
0x6f: {  	[spmem:s3] =	stream.indirect.scatter.add.f32 [tilespmem:s24], [sflag:$0x4], $0x40, s13, s15, $0xb8;
	[tilespmem:$0x1EA00] =	vst v63  }
0x70: {  	s13 =	sadd.s32 $0x2B00, s0  }
0x71: {  	[spmem:s3] =	stream.indirect.scatter.add.f32 [tilespmem:s25], [sflag:$0x4], $0x40, s13, s15, $0xb8;
	[tilespmem:$0x1EA00] =	vst v63  }
0x72: {  	s13 =	sadd.s32 $0x2B80, s0  }
0x73: {  	[spmem:s3] =	stream.indirect.scatter.add.f32 [tilespmem:s26], [sflag:$0x4], $0x40, s13, s15, $0xb8;
	[tilespmem:$0x1EA00] =	vst v63  }
0x74: {  	_ =	swait.ge [sflag:s29], $0x1F40  }
0x75: {  	[sflag:s29] =	ssyncset.done $0x0  }
0x76: {  	[sflag:s29] =	ssyncadd.s32 $0xFFFFE0C0  }
0x77: {  	_ =	swait.ge [sflag:s29], $0x1F40  }
0x78: {  	[sflag:s29] =	ssyncset.done $0x0  }
0x79: {  	[sflag:s29] =	ssyncadd.s32 $0xFFFFE0C0  }
0x7a: {  	p0 =	seq.s32 s2, $0x9000;
	_ =	swait.ge [sflag:s29], $0x1F40  }
.Ltmp2:
0x7b: {  	[sflag:s29] =	ssyncset.done $0x0;
	(pc) =	sbr.rel @p0 .LBB2_4-.Ltmp2, $4  }
0x7c: {  	[sflag:s29] =	ssyncadd.s32 $0xFFFFE0C0  }
0x7d: {  	_ =	swait.ge [sflag:s29], $0x1F40  }
0x7e: {  	[sflag:s29] =	ssyncset.done $0x0  }
0x7f: {  	[sflag:s29] =	ssyncadd.s32 $0xFFFFE0C0  }
0x80: {  	s13 =	sadd.s32 $0x400, s0  }
0x81: {  	[tilespmem:s16], [sflag:$0x1] =	stream.indirect.gather [hbm4b:s1+s15], $0x40, s13, s15, $0xb8;
	[tilespmem:$0x1EA00] =	vst v63  }
0x82: {  	s13 =	sadd.s32 $0x480, s0  }
0x83: {  	[tilespmem:s18], [sflag:$0x1] =	stream.indirect.gather [hbm4b:s1+s15], $0x40, s13, s15, $0xb8;
	[tilespmem:$0x1EA00] =	vst v63  }
.Ltmp3:
0x84: {  	_ = 	snop;
	(pc) =	sbr.rel .LBB2_2-.Ltmp3, $4  }
0x85: {  	s13 =	sadd.s32 $0x500, s0  }
0x86: {  	[tilespmem:s20], [sflag:$0x1] =	stream.indirect.gather [hbm4b:s1+s15], $0x40, s13, s15, $0xb8;
	[tilespmem:$0x1EA00] =	vst v63  }
0x87: {  	s2 =	sadd.s32 $0x1000, s2;
	s13 =	sadd.s32 $0x580, s0  }
0x88: {  	[tilespmem:s22], [sflag:$0x1] =	stream.indirect.gather [hbm4b:s1+s15], $0x40, s13, s15, $0xb8;
	[tilespmem:$0x1EA00] =	vst v63  }
.LBB2_5:
0x89: {  	_ =	sfence.sel $0x180000  }
0x8a: {  	[bflag:$0x0] =	sbarrier.arrive $0xFFFF  }
0x8b: {  	_ =	strace $0x9000004A  }
0x8c: {  	s0 =	stileid.u32;
	[bflag:$0x2] =	sbarrier.arrive $0xFFFF  }
0x8d: {  	p0 =	sne.s32 s0, $0x0;
	s0 =	rddreg [dreg:$0x3]  }
0x8e: {  	s0 =	sadd.s32 @!p0 $0x100000, s0  }
0x8f: {  	[sflag:s0] =	ssyncadd.tile.s32 @!p0 $0x1;
	_ =	shalt  }
.Lfunc_end2:
_tile_overlayer_lowered:
.L_overlay_start_2:
0x90: {  	(tag) =	ssettag $0x2  }
0x91: {  	s0 =	rddreg [dreg:$0x0];
	s2 =	stileid.u32  }
0x92: {  	s1 =	rddreg [dreg:$0x1];
	p0 =	sne.s32 s2, $0x0  }
0x93: {  	s3 =	rddreg [dreg:$0x2];
	[bflag:$0x3] =	sbarrier.arrive $0xFFFF;
	s2 =	simm.s32 @!p0 $0x1C05  }
0x94: {  	[timem:s3], [sflag:s2] =	dma.local @!p0 [hbm:s0], s1  }
0x95: {  	s0 =	simm.s32 @!p0 $0x5  }
0x96: {  	_ =	swait.ge @!p0 [sflag:s0], s1  }
0x97: {  	s1 =	ssub.s32 @!p0 $0x0, s1;
	[sflag:s0] =	ssyncset.done @!p0 $0x0  }
0x98: {  	[sflag:s0] =	ssyncadd.s32 @!p0 s1  }
0x99: {  	[bflag:$0x3] =	sbarrier.arrive $0xFFFF  }
0x9a: {  	_ =	shalt  }

// kernel: kernel.15.cloned.1.call-start
scs
__scs_entry_jumppad:
0x0: {  	(pc) =	sbr.rel $0x88, $3  }
0x1: {  	(tag) =	ssettag $0x0;
	lr =	simm.s32 $0x1  }
0x2: {  	[smem:$0x3F84] =	sst lr;
	_ =	strace $0xD0000000  }
0x3: {  	_ = 	snop  }
0x4: {  	_ = 	snop  }
0x5: {  	_ = 	snop  }
0x6: {  	_ = 	snop  }
0x7: {  	_ = 	snop  }
__scs_overlays_trampoline_lowered:
0x8: {  	[smem:$0x3F93] =	sst s0  }
0x9: {  	[smem:$0x3F94] =	sst s1  }
0xa: {  	[smem:$0x3F95] =	sst s2  }
0xb: {  	[smem:$0x3F96] =	sst s3  }
0xc: {  	[smem:$0x3F97] =	sst s4  }
0xd: {  	[smem:$0x3F98] =	sst s5  }
0xe: {  	[smem:$0x3F99] =	sst s6  }
0xf: {  	[smem:$0x3F9A] =	sst s7  }
0x10: {  	[smem:$0x3F9B] =	sst s8  }
0x11: {  	[smem:$0x3F9C] =	sst s9;
	s0 =	simm.s32 @!p0 $0x0  }
0x12: {  	s1 =	sld [smem:$0x3F82];
	s0 =	simm.s32 @p0 $0x1  }
0x13: {  	[smem:$0x3F9D] =	sst s0;
	s0 =	simm.s32 @!p1 $0x0  }
0x14: {  	s2 =	sld [smem:$0x3F81];
	s0 =	simm.s32 @p1 $0x1  }
0x15: {  	[smem:$0x3F9E] =	sst s0;
	s0 =	simm.s32 @!p2 $0x0  }
0x16: {  	s3 =	sld [smem:$0x3FDB];
	s0 =	simm.s32 @p2 $0x1  }
0x17: {  	s4 =	simm.s32 $0x1BF5;
	[smem:$0x3FA0] =	sst s0  }
0x18: {  	s0 =	sld [smem:$0x3F83];
	_ =	swait.ge [sflag:s4], $0x0  }
0x19: {  	s7 =	sld [smem:$0x3F84]  }
0x1a: {  	s8 =	sadd.s32 $0xFFFFE003, lr  }
0x1b: {  	s9 =	sadd.s32 $0xFFFFFEF7, lr;
	s5 =	simm.s32 $0xFFFFFFFF;
	p2 =	slt.u32 s8, $0xFFFFF086  }
0x1c: {  	p1 =	slt.u32 s9, $0xF7A;
	s5 =	simm.s32 @!p2 $0x0  }
0x1d: {  	s5 =	simm.s32 @p1 $0x1;
	p0 =	seq.s32 s7, s2  }
0x1e: {  	s7 =	smul.u32 @!p0 $0xF7A, s2;
	p2 =	seq.s32 @!p0 s5, $0x0  }
0x1f: {  	s9 =	smul.u32 $0xF7A, s1;
	s8 =	simm.s32 @!p0 $0x1BF5;
	p2 =	por !p2, p0  }
0x20: {  	[sflag:s8] =	ssyncset.s32 @!p0 $0xFFFFF086;
	s6 =	sadd.s32 @!p0 s3, s7;
	s7 =	simm.s32 @!p0 $0x108  }
0x21: {  	s3 =	sadd.s32 s3, s9;
	s6 =	sadd.s32 @!p0 $0x88, s6;
	s7 =	simm.s32 @p2 $0x1082  }
0x22: {  	[simem:s7], [sflag:s8] =	dma.local @!p0 [hbm:s6], $0xF7A  }
0x23: {  	s9 =	sor.u32 $0xD0000000, s2;
	s6 =	simm.s32 $0x108;
	_ =	swait.ge @!p0 [sflag:s8], $0x0  }
0x24: {  	s3 =	sadd.s32 $0x88, s3;
	s6 =	simm.s32 @!p1 $0x1082;
	[sflag:s4] =	ssyncset.s32 $0xFFFFF086  }
0x25: {  	[simem:s6], [sflag:s4] =	dma.local [hbm:s3], $0xF7A  }
0x26: {  	[smem:$0x3F84] =	sst s1;
	(tag) =	ssettag s2;
	_ =	strace s9  }
0x27: {  	s1 =	sld [smem:$0x3F94]  }
0x28: {  	s2 =	sld [smem:$0x3F95]  }
0x29: {  	s4 =	sld [smem:$0x3F97]  }
0x2a: {  	p0 =	seq.s32 s5, $0x0;
	s5 =	sld [smem:$0x3F98]  }
0x2b: {  	s6 =	sld [smem:$0x3F99]  }
0x2c: {  	s7 =	sld [smem:$0x3F9A]  }
0x2d: {  	s3 =	simm.s32 $0x108;
	s8 =	sld [smem:$0x3F9B]  }
0x2e: {  	s3 =	simm.s32 @!p0 $0x1082;
	s9 =	sld [smem:$0x3F9C]  }
0x2f: {  	lr =	sadd.s32 s0, s3;
	s0 =	sld [smem:$0x3F93]  }
0x30: {  	s3 =	sld [smem:$0x3F96]  }
0x31: {  	[smem:$0x3F9F] =	sst s10  }
0x32: {  	s10 =	sld [smem:$0x3F9D];
	_ =	sdelay $0x3  }
0x33: {  	p0 =	seq.s32 s10, $0x1;
	s10 =	sld [smem:$0x3F9F];
	_ =	sdelay $0x3  }
0x34: {  	[smem:$0x3F9F] =	sst s10  }
0x35: {  	s10 =	sld [smem:$0x3F9E];
	_ =	sdelay $0x3  }
0x36: {  	p1 =	seq.s32 s10, $0x1;
	s10 =	sld [smem:$0x3F9F];
	_ =	sdelay $0x3  }
0x37: {  	[smem:$0x3F9F] =	sst s10  }
0x38: {  	s10 =	sld [smem:$0x3FA0]  }
0x39: {  	_ = 	snop;
	(pc) =	sbr.ind lr, $3  }
0x3a: {  	_ = 	snop  }
0x3b: {  	_ = 	snop  }
0x3c: {  	p2 =	seq.s32 s10, $0x1;
	s10 =	sld [smem:$0x3F9F]  }
0x3d: {  	_ =	shalt  }
0x3e: {  	_ =	shalt  }
0x3f: {  	_ =	shalt  }
0x40: {  	_ =	shalt  }
0x41: {  	_ =	shalt  }
0x42: {  	_ =	shalt  }
0x43: {  	_ =	shalt  }
0x44: {  	_ =	shalt  }
0x45: {  	_ =	shalt  }
0x46: {  	_ =	shalt  }
0x47: {  	_ =	shalt  }
0x48: {  	_ =	shalt  }
0x49: {  	_ =	shalt  }
0x4a: {  	_ =	shalt  }
0x4b: {  	_ =	shalt  }
0x4c: {  	_ =	shalt  }
0x4d: {  	_ =	shalt  }
0x4e: {  	_ =	shalt  }
0x4f: {  	_ =	shalt  }
0x50: {  	_ =	shalt  }
0x51: {  	_ =	shalt  }
0x52: {  	_ =	shalt  }
0x53: {  	_ =	shalt  }
0x54: {  	_ =	shalt  }
0x55: {  	_ =	shalt  }
0x56: {  	_ =	shalt  }
0x57: {  	_ =	shalt  }
0x58: {  	_ =	shalt  }
0x59: {  	_ =	shalt  }
0x5a: {  	_ =	shalt  }
0x5b: {  	_ =	shalt  }
0x5c: {  	_ =	shalt  }
0x5d: {  	_ =	shalt  }
0x5e: {  	_ =	shalt  }
0x5f: {  	_ =	shalt  }
0x60: {  	_ =	shalt  }
0x61: {  	_ =	shalt  }
0x62: {  	_ =	shalt  }
0x63: {  	_ =	shalt  }
0x64: {  	_ =	shalt  }
0x65: {  	_ =	shalt  }
0x66: {  	_ =	shalt  }
0x67: {  	_ =	shalt  }
0x68: {  	_ =	shalt  }
0x69: {  	_ =	shalt  }
0x6a: {  	_ =	shalt  }
0x6b: {  	_ =	shalt  }
0x6c: {  	_ =	shalt  }
0x6d: {  	_ =	shalt  }
0x6e: {  	_ =	shalt  }
0x6f: {  	_ =	shalt  }
0x70: {  	_ =	shalt  }
0x71: {  	_ =	shalt  }
0x72: {  	_ =	shalt  }
0x73: {  	_ =	shalt  }
0x74: {  	_ =	shalt  }
0x75: {  	_ =	shalt  }
0x76: {  	_ =	shalt  }
0x77: {  	_ =	shalt  }
0x78: {  	_ =	shalt  }
0x79: {  	_ =	shalt  }
0x7a: {  	_ =	shalt  }
0x7b: {  	_ =	shalt  }
0x7c: {  	_ =	shalt  }
0x7d: {  	_ =	shalt  }
0x7e: {  	_ =	shalt  }
0x7f: {  	_ =	shalt  }
0x80: {  	_ =	shalt  }
0x81: {  	_ =	shalt  }
0x82: {  	_ =	shalt  }
0x83: {  	_ =	shalt  }
0x84: {  	_ =	shalt  }
0x85: {  	_ =	shalt  }
0x86: {  	_ =	shalt  }
0x87: {  	_ =	shalt  }
.Lfunc_end0:
.L_simem_size_0:
called_computation.2_lowered:
.L_overlay_start_0:
0x88: {  	s2 =	sld [smem:$0x3FD9]  }
0x89: {  	s3 =	sld [smem:$0x3FFE];
	_ =	sdelay $0x1  }
0x8a: {  	s1 =	srdreg.scid  }
0x8b: {  	s0 =	sand.u32 $0x1, s1  }
0x8c: {  	s14 =	sshll.u32 s0, $0xA;
	s2 =	sadd.s32 s3, s2  }
0x8d: {  	s2 =	sadd.s32 s2, s14  }
0x8e: {  	[smem:$0x3FAB] =	sst s2  }
0x8f: {  	_ = 	snop  }
0x90: {  	s2 =	sld [smem:$0x3FD0];
	_ =	sdelay $0x2  }
0x91: {  	s15 =	simm.s32 $0xA;
	s4 =	simm.s32 $0x10  }
0x92: {  	[smem:s4], [sflag:s15] =	dma.local [hbm:s2], $0x1  }
0x93: {  	_ =	swait.eq [sflag:s15], $0x1  }
0x94: {  	[sflag:s15] =	ssyncset.done $0x0  }
0x95: {  	[sflag:s15] =	ssyncadd.s32 $0xFFFFFFFF  }
0x96: {  	s16 =	sld [smem:$0x11];
	(tm) =	ssettm $0x1  }
0x97: {  	s17 =	sld [smem:$0x3FFB];
	_ =	sdelay $0x3  }
0x98: {  	_ =	strace s17  }
0x99: {  	s3 =	sld [smem:$0x3FFC];
	_ =	sdelay $0x3  }
0x9a: {  	_ =	strace s3  }
0x9b: {  	s3 =	sld [smem:$0x3FFD];
	_ =	sdelay $0x3  }
0x9c: {  	_ =	strace s3  }
0x9d: {  	_ =	strace $0x8FFFFFFF  }
0x9e: {  	s18 =	sld [smem:$0x3FDB];
	_ =	sdelay $0x1  }
0x9f: {  	s19 =	simm.s32 $_scs_section_size  }
0xa0: {  	s5 =	simm.s32 $_size__tile_overlayer_lowered;
	s6 =	simm.s32 $_tile_overlayer_lowered  }
0xa1: {  	s22 =	simm.s32 $0x1BFF;
	s21 =	sshll.u32 s6, $0x1;
	s3 =	sadd.s32 s19, s18  }
0xa2: {  	s7 =	simm.s32 $0x0;
	s20 =	sshll.u32 s5, $0x1;
	s5 =	sadd.s32 s21, s3  }
0xa3: {  	[timem:s7], [sflag:s22] =	dma.local [hbm:s5], s20  }
0xa4: {  	_ =	swait.ge [sflag:s22], s20  }
0xa5: {  	s4 =	ssub.s32 $0x0, s20;
	[sflag:s22] =	ssyncset.done $0x0  }
0xa6: {  	[sflag:s22] =	ssyncadd.s32 s4;
	_ =	sdelay $0x1  }
0xa7: {  	s23 =	simm.s32 $0x1B8B  }
0xa8: {  	_ =	swait.ge [sflag:s23], $0x1  }
0xa9: {  	[sflag:s23] =	ssyncset.done $0x0  }
0xaa: {  	s25 =	simm.s32 $0x1B8E;
	s24 =	sld [smem:$0x3FFE];
	[sflag:s23] =	ssyncadd.s32 $0xFFFFFFFF  }
0xab: {  	s26 =	simm.s32 $execute0_lowered;
	[smem:$0x3FD2] =	sst s25  }
0xac: {  	s5 =	sshll.u32 s26, $0x1;
	_ =	strace $0x8000004C;
	[dreg:$0x1] =	wrdreg $0xFFFFFFFF  }
0xad: {  	s28 =	simm.s32 $_size_execute0_lowered;
	s3 =	sadd.s32 s3, s5;
	[dreg:$0x0] =	wrdreg $0x0  }
0xae: {  	s5 =	sshll.u32 s28, $0x1;
	[dreg:$0x2] =	wrdreg s3  }
0xaf: {  	[dreg:$0x3] =	wrdreg s5  }
0xb0: {  	[dreg:$0x4] =	wrdreg $0xC0  }
0xb1: {  	_ =	task [dreg:s7], $0x5FFFF  }
0xb2: {  	[dreg:$0x1] =	wrdreg $0xFFFFFFFF  }
0xb3: {  	[dreg:$0x0] =	wrdreg $0x60  }
0xb4: {  	[dreg:$0x2] =	wrdreg s16  }
0xb5: {  	[dreg:$0x3] =	wrdreg s24  }
0xb6: {  	[dreg:$0x4] =	wrdreg $0x14A000  }
0xb7: {  	[dreg:$0x5] =	wrdreg $0x9  }
0xb8: {  	_ =	task.clear_ibuf [dreg:s7], $0x6FFFF;
	_ =	strace $0x9000004C  }
0xb9: {  	s29 =	simm.s32 $0x9;
	_ =	strace $0x8000004E  }
0xba: {  	_ =	swait.ge [sflag:s29], $0x1  }
0xbb: {  	[sflag:s29] =	ssyncadd.s32 $0xFFFFFFFF  }
0xbc: {  	_ =	strace $0x9000004E  }
0xbd: {  	_ =	sfence  }
0xbe: {  	s30 =	sld [smem:$0x0];
	_ =	sdelay $0x2  }
0xbf: {  	s31 =	sshll.u32 s1, $0xD;
	s1 =	sshrl.u32 s1, $0x2  }
0xc0: {  	s3 =	sand.u32 $0x4000, s31;
	s1 =	sadd.s32 s1, s30  }
0xc1: {  	s0 =	sor.u32 s3, s0;
	s1 =	sshll.u32 s1, $0x11  }
0xc2: {  	s0 =	sor.u32 s1, s0  }
0xc3: {  	s0 =	sadd.s32 $0x8F2B, s0  }
0xc4: {  	[sflag:s0] =	ssyncadd.remote.s32 $0x1  }
0xc5: {  	_ =	sfence.sel $0xFFFF  }
0xc6: {  	[dreg:$0x0] =	wrdreg $0xFFFFFFFF;
	(pc) =	sbr.abs _section_cstart, $3  }
0xc7: {  	[dreg:$0x1] =	wrdreg $0xFFFFFFFF  }
0xc8: {  	_ =	task.clear_ibuf [dreg:s7], $0x2FFFF;
	_ =	strace $0x9FFFFFFF  }
0xc9: {  	(tm) =	ssettm $0x7FFFFFFF  }
tec
execute0_lowered:
.L_overlay_start_1:
0x0: {  	(tag) =	ssettag $0x1  }
0x1: {  	s1 =	rddreg [dreg:$0x0]  }
0x2: {  	s0 =	srdreg.scid;
	s6 =	rddreg [dreg:$0x1]  }
0x3: {  	s10 =	stileid.u32;
	s3 =	rddreg [dreg:$0x2]  }
0x4: {  	s4 =	simm.s32 $0x0;
	s12 =	simm.s32 $0x5;
	s14 =	simm.s32 $0x1  }
0x5: {  	s15 =	simm.s32 $0x7D;
	s16 =	simm.s32 $0x5000;
	s17 =	simm.s32 $0x80  }
0x6: {  	s18 =	simm.s32 $0x6F40;
	s19 =	simm.s32 $0x100;
	s20 =	simm.s32 $0x8E80  }
0x7: {  	s21 =	simm.s32 $0x180;
	s22 =	simm.s32 $0xADC0;
	s23 =	simm.s32 $0xCD00  }
0x8: {  	s28 =	simm.s32 $0x2;
	s29 =	simm.s32 $0x3;
	s30 =	simm.s32 $0x4  }
0x9: {  	s31 =	simm.s32 $0x0;
	s0 =	sand.u32 $0x1, s0;
	s5 =	smul.u32 $0x1400, s10  }
0xa: {  	s2 =	sshll.u32 s10, $0x1;
	[smem:$0x7FF] =	sst s4;
	s8 =	smul.u32 $0x28000, s10  }
0xb: {  	s26 =	sshll.u32 s10, $0x6;
	s2 =	sor.u32 s0, s2;
	s7 =	smul.u32 $0x14000, s0  }
0xc: {  	_ =	strace $0x8000004D;
	s0 =	ssub.s32 $0x2, s0;
	s2 =	smul.u32 $0x500, s2  }
0xd: {  	s24 =	sshrl.u32 s0, $0x1;
	s25 =	sshrl.u32 s8, $0x2;
	s7 =	sadd.s32 s5, s7  }
.Ltmp0:
0xe: {  	s5 =	sadd.s32 $0x19200, s6;
	s0 =	ssub.s32 s0, s24;
	(pc) =	sbr.rel .LBB2_1-.Ltmp0, $4  }
0xf: {  	s11 =	sadd.s32 s25, s3;
	s24 =	simm.s32 $0xEC40;
	s25 =	simm.s32 $0x10B80  }
0x10: {  	s2 =	sadd.s32 s2, s6;
	s9 =	sadd.s32 s7, s6;
	s6 =	sor.u32 $0x1C05, s26  }
0x11: {  	s10 =	smax.u32 s0, $0x1;
	s11 =	sshrl.u32 s11, $0x3;
	s26 =	simm.s32 $0x12AC0  }
0x12: {  	s7 =	sadd.s32 $0xF200, s2;
	s8 =	sadd.s32 $0x5200, s2;
	s9 =	sadd.s32 $0x41800, s9  }
.LBB2_4:
0x13: {  	_ =	swait.ge [sflag:s30], $0x1F40  }
0x14: {  	[sflag:s30] =	ssyncset.done $0x0  }
0x15: {  	[sflag:s30] =	ssyncadd.s32 $0xFFFFE0C0  }
0x16: {  	_ =	swait.ge [sflag:s30], $0x1F40  }
0x17: {  	[sflag:s30] =	ssyncset.done $0x0  }
0x18: {  	[sflag:s30] =	ssyncadd.s32 $0xFFFFE0C0  }
0x19: {  	_ =	swait.ge [sflag:s30], $0x1F40  }
0x1a: {  	[sflag:s30] =	ssyncset.done $0x0  }
0x1b: {  	[sflag:s30] =	ssyncadd.s32 $0xFFFFE0C0  }
0x1c: {  	_ =	swait.ge [sflag:s30], $0x1F40  }
0x1d: {  	s31 =	sadd.s32 $0x1, s31;
	[sflag:s30] =	ssyncset.done $0x0  }
0x1e: {  	p0 =	sne.s32 s31, s10;
	[sflag:s30] =	ssyncadd.s32 $0xFFFFE0C0  }
.Ltmp1:
0x1f: {  	[bflag:$0x0] =	sbarrier.arrive $0xFFFF;
	(pc) =	sbr.rel @!p0 .LBB2_5-.Ltmp1, $4  }
0x20: {  	[hbm:s9], [sflag:s6] =	dma.local [spmem:s11], $0x1400  }
0x21: {  	_ =	swait.ge [sflag:s12], $0x1400  }
0x22: {  	[sflag:s12] =	ssyncset.done $0x0  }
0x23: {  	[sflag:s12] =	ssyncadd.s32 $0xFFFFEC00  }
.LBB2_1:
0x24: {  	[spmem:s11], [sflag:s6] =	dma.local [hbm:s5], $0x1400  }
0x25: {  	_ =	swait.ge [sflag:s12], $0x1400  }
0x26: {  	[sflag:s12] =	ssyncset.done $0x0  }
0x27: {  	[sflag:s12] =	ssyncadd.s32 $0xFFFFEC00  }
0x28: {  	[tilespmem:s4], [sflag:$0x1] =	stream.linear.gather [hbm4b:s7+s4], $0x2800, $0x38;
	[tilespmem:$0x1EA00] =	vst v63  }
0x29: {  	s0 =	simm.s32 $0x2800  }
0x2a: {  	[tilespmem:s0], [sflag:$0x1] =	stream.linear.gather [hbm4b:s8+s4], $0x2800, $0x38;
	[tilespmem:$0x1EA00] =	vst v63  }
0x2b: {  	_ =	swait.ge [sflag:s14], $0x2800  }
0x2c: {  	[sflag:s14] =	ssyncset.done $0x0  }
0x2d: {  	[sflag:s14] =	ssyncadd.s32 $0xFFFFD800  }
0x2e: {  	_ =	swait.ge [sflag:s14], $0x2800  }
0x2f: {  	[sflag:s14] =	ssyncset.done $0x0  }
0x30: {  	[sflag:s14] =	ssyncadd.s32 $0xFFFFD800  }
0x31: {  	[bflag:$0x0] =	sbarrier.arrive $0xFFFF  }
0x32: {  	[tilespmem:s16], [sflag:$0x1] =	stream.indirect.gather [hbm4b:s1+s15], $0x40, s4, s15, $0xb8;
	[tilespmem:$0x1EA00] =	vst v63  }
0x33: {  	_ = 	snop  }
0x34: {  	[tilespmem:s18], [sflag:$0x1] =	stream.indirect.gather [hbm4b:s1+s15], $0x40, s17, s15, $0xb8;
	[tilespmem:$0x1EA00] =	vst v63  }
0x35: {  	_ = 	snop  }
0x36: {  	[tilespmem:s20], [sflag:$0x1] =	stream.indirect.gather [hbm4b:s1+s15], $0x40, s19, s15, $0xb8;
	[tilespmem:$0x1EA00] =	vst v63  }
0x37: {  	s2 =	simm.s32 $0x0  }
0x38: {  	[tilespmem:s22], [sflag:$0x1] =	stream.indirect.gather [hbm4b:s1+s15], $0x40, s21, s15, $0xb8;
	[tilespmem:$0x1EA00] =	vst v63  }
.LBB2_2:
0x39: {  	p0 =	seq.s32 s2, $0x0  }
0x3a: {  	s13 =	simm.s32 @!p0 $0x4  }
0x3b: {  	_ =	swait.ge @!p0 [sflag:s13], $0x1F40  }
0x3c: {  	[sflag:s13] =	ssyncset.done @!p0 $0x0  }
0x3d: {  	[sflag:s13] =	ssyncadd.s32 @!p0 $0xFFFFE0C0  }
0x3e: {  	_ =	swait.ge @!p0 [sflag:s13], $0x1F40  }
0x3f: {  	[sflag:s13] =	ssyncset.done @!p0 $0x0  }
0x40: {  	[sflag:s13] =	ssyncadd.s32 @!p0 $0xFFFFE0C0  }
0x41: {  	_ =	swait.ge @!p0 [sflag:s13], $0x1F40  }
0x42: {  	[sflag:s13] =	ssyncset.done @!p0 $0x0  }
0x43: {  	[sflag:s13] =	ssyncadd.s32 @!p0 $0xFFFFE0C0  }
0x44: {  	_ =	swait.ge @!p0 [sflag:s13], $0x1F40  }
0x45: {  	s0 =	sshra.s32 s2, $0x2;
	[sflag:s13] =	ssyncset.done @!p0 $0x0  }
0x46: {  	[sflag:s13] =	ssyncadd.s32 @!p0 $0xFFFFE0C0;
	s13 =	sadd.s32 $0x200, s0  }
0x47: {  	[tilespmem:s23], [sflag:$0x2] =	stream.indirect.gather [hbm4b:s1+s15], $0x40, s13, s15, $0xb8;
	[tilespmem:$0x1EA00] =	vst v63  }
0x48: {  	s13 =	sadd.s32 $0x280, s0  }
0x49: {  	[tilespmem:s24], [sflag:$0x2] =	stream.indirect.gather [hbm4b:s1+s15], $0x40, s13, s15, $0xb8;
	[tilespmem:$0x1EA00] =	vst v63  }
0x4a: {  	s13 =	sadd.s32 $0x300, s0  }
0x4b: {  	[tilespmem:s25], [sflag:$0x2] =	stream.indirect.gather [hbm4b:s1+s15], $0x40, s13, s15, $0xb8;
	[tilespmem:$0x1EA00] =	vst v63  }
0x4c: {  	s13 =	sadd.s32 $0x380, s0  }
0x4d: {  	[tilespmem:s26], [sflag:$0x2] =	stream.indirect.gather [hbm4b:s1+s15], $0x40, s13, s15, $0xb8;
	[tilespmem:$0x1EA00] =	vst v63  }
0x4e: {  	_ =	swait.ge [sflag:s14], $0x1F40  }
0x4f: {  	[sflag:s14] =	ssyncset.done $0x0  }
0x50: {  	[sflag:s14] =	ssyncadd.s32 $0xFFFFE0C0  }
0x51: {  	_ =	swait.ge [sflag:s14], $0x1F40  }
0x52: {  	[sflag:s14] =	ssyncset.done $0x0  }
0x53: {  	[sflag:s14] =	ssyncadd.s32 $0xFFFFE0C0  }
0x54: {  	_ =	swait.ge [sflag:s14], $0x1F40  }
0x55: {  	[sflag:s14] =	ssyncset.done $0x0  }
0x56: {  	[sflag:s14] =	ssyncadd.s32 $0xFFFFE0C0  }
0x57: {  	_ =	swait.ge [sflag:s14], $0x1F40  }
0x58: {  	[sflag:s14] =	ssyncset.done $0x0  }
0x59: {  	s13 =	sadd.s32 $0x2800, s0;
	[sflag:s14] =	ssyncadd.s32 $0xFFFFE0C0  }
0x5a: {  	[spmem:s3] =	stream.indirect.scatter.add.f32 [tilespmem:s16], [sflag:$0x3], $0x40, s13, s15, $0xb8;
	[tilespmem:$0x1EA00] =	vst v63  }
0x5b: {  	s13 =	sadd.s32 $0x2880, s0  }
0x5c: {  	[spmem:s3] =	stream.indirect.scatter.add.f32 [tilespmem:s18], [sflag:$0x3], $0x40, s13, s15, $0xb8;
	[tilespmem:$0x1EA00] =	vst v63  }
0x5d: {  	s13 =	sadd.s32 $0x2900, s0  }
0x5e: {  	[spmem:s3] =	stream.indirect.scatter.add.f32 [tilespmem:s20], [sflag:$0x3], $0x40, s13, s15, $0xb8;
	[tilespmem:$0x1EA00] =	vst v63  }
0x5f: {  	s13 =	sadd.s32 $0x2980, s0  }
0x60: {  	[spmem:s3] =	stream.indirect.scatter.add.f32 [tilespmem:s22], [sflag:$0x3], $0x40, s13, s15, $0xb8;
	[tilespmem:$0x1EA00] =	vst v63  }
0x61: {  	_ =	swait.ge [sflag:s28], $0x1F40  }
0x62: {  	[sflag:s28] =	ssyncset.done $0x0  }
0x63: {  	[sflag:s28] =	ssyncadd.s32 $0xFFFFE0C0  }
0x64: {  	_ =	swait.ge [sflag:s28], $0x1F40  }
0x65: {  	[sflag:s28] =	ssyncset.done $0x0  }
0x66: {  	[sflag:s28] =	ssyncadd.s32 $0xFFFFE0C0  }
0x67: {  	_ =	swait.ge [sflag:s28], $0x1F40  }
0x68: {  	[sflag:s28] =	ssyncset.done $0x0  }
0x69: {  	[sflag:s28] =	ssyncadd.s32 $0xFFFFE0C0  }
0x6a: {  	_ =	swait.ge [sflag:s28], $0x1F40  }
0x6b: {  	[sflag:s28] =	ssyncset.done $0x0  }
0x6c: {  	s13 =	sadd.s32 $0x2A00, s0;
	[sflag:s28] =	ssyncadd.s32 $0xFFFFE0C0  }
0x6d: {  	[spmem:s3] =	stream.indirect.scatter.add.f32 [tilespmem:s23], [sflag:$0x4], $0x40, s13, s15, $0xb8;
	[tilespmem:$0x1EA00] =	vst v63  }
0x6e: {  	s13 =	sadd.s32 $0x2A80, s0  }
0x6f: {  	[spmem:s3] =	stream.indirect.scatter.add.f32 [tilespmem:s24], [sflag:$0x4], $0x40, s13, s15, $0xb8;
	[tilespmem:$0x1EA00] =	vst v63  }
0x70: {  	s13 =	sadd.s32 $0x2B00, s0  }
0x71: {  	[spmem:s3] =	stream.indirect.scatter.add.f32 [tilespmem:s25], [sflag:$0x4], $0x40, s13, s15, $0xb8;
	[tilespmem:$0x1EA00] =	vst v63  }
0x72: {  	s13 =	sadd.s32 $0x2B80, s0  }
0x73: {  	[spmem:s3] =	stream.indirect.scatter.add.f32 [tilespmem:s26], [sflag:$0x4], $0x40, s13, s15, $0xb8;
	[tilespmem:$0x1EA00] =	vst v63  }
0x74: {  	_ =	swait.ge [sflag:s29], $0x1F40  }
0x75: {  	[sflag:s29] =	ssyncset.done $0x0  }
0x76: {  	[sflag:s29] =	ssyncadd.s32 $0xFFFFE0C0  }
0x77: {  	_ =	swait.ge [sflag:s29], $0x1F40  }
0x78: {  	[sflag:s29] =	ssyncset.done $0x0  }
0x79: {  	[sflag:s29] =	ssyncadd.s32 $0xFFFFE0C0  }
0x7a: {  	p0 =	seq.s32 s2, $0x9000;
	_ =	swait.ge [sflag:s29], $0x1F40  }
.Ltmp2:
0x7b: {  	[sflag:s29] =	ssyncset.done $0x0;
	(pc) =	sbr.rel @p0 .LBB2_4-.Ltmp2, $4  }
0x7c: {  	[sflag:s29] =	ssyncadd.s32 $0xFFFFE0C0  }
0x7d: {  	_ =	swait.ge [sflag:s29], $0x1F40  }
0x7e: {  	[sflag:s29] =	ssyncset.done $0x0  }
0x7f: {  	[sflag:s29] =	ssyncadd.s32 $0xFFFFE0C0  }
0x80: {  	s13 =	sadd.s32 $0x400, s0  }
0x81: {  	[tilespmem:s16], [sflag:$0x1] =	stream.indirect.gather [hbm4b:s1+s15], $0x40, s13, s15, $0xb8;
	[tilespmem:$0x1EA00] =	vst v63  }
0x82: {  	s13 =	sadd.s32 $0x480, s0  }
0x83: {  	[tilespmem:s18], [sflag:$0x1] =	stream.indirect.gather [hbm4b:s1+s15], $0x40, s13, s15, $0xb8;
	[tilespmem:$0x1EA00] =	vst v63  }
.Ltmp3:
0x84: {  	_ = 	snop;
	(pc) =	sbr.rel .LBB2_2-.Ltmp3, $4  }
0x85: {  	s13 =	sadd.s32 $0x500, s0  }
0x86: {  	[tilespmem:s20], [sflag:$0x1] =	stream.indirect.gather [hbm4b:s1+s15], $0x40, s13, s15, $0xb8;
	[tilespmem:$0x1EA00] =	vst v63  }
0x87: {  	s2 =	sadd.s32 $0x1000, s2;
	s13 =	sadd.s32 $0x580, s0  }
0x88: {  	[tilespmem:s22], [sflag:$0x1] =	stream.indirect.gather [hbm4b:s1+s15], $0x40, s13, s15, $0xb8;
	[tilespmem:$0x1EA00] =	vst v63  }
.LBB2_5:
0x89: {  	_ =	sfence.sel $0x180000  }
0x8a: {  	[bflag:$0x0] =	sbarrier.arrive $0xFFFF  }
0x8b: {  	_ =	strace $0x9000004D  }
0x8c: {  	s0 =	stileid.u32;
	[bflag:$0x2] =	sbarrier.arrive $0xFFFF  }
0x8d: {  	p0 =	sne.s32 s0, $0x0;
	s0 =	rddreg [dreg:$0x3]  }
0x8e: {  	s0 =	sadd.s32 @!p0 $0x100000, s0  }
0x8f: {  	[sflag:s0] =	ssyncadd.tile.s32 @!p0 $0x1;
	_ =	shalt  }
.Lfunc_end2:
_tile_overlayer_lowered:
.L_overlay_start_2:
0x90: {  	(tag) =	ssettag $0x2  }
0x91: {  	s0 =	rddreg [dreg:$0x0];
	s2 =	stileid.u32  }
0x92: {  	s1 =	rddreg [dreg:$0x1];
	p0 =	sne.s32 s2, $0x0  }
0x93: {  	s3 =	rddreg [dreg:$0x2];
	[bflag:$0x3] =	sbarrier.arrive $0xFFFF;
	s2 =	simm.s32 @!p0 $0x1C05  }
0x94: {  	[timem:s3], [sflag:s2] =	dma.local @!p0 [hbm:s0], s1  }
0x95: {  	s0 =	simm.s32 @!p0 $0x5  }
0x96: {  	_ =	swait.ge @!p0 [sflag:s0], s1  }
0x97: {  	s1 =	ssub.s32 @!p0 $0x0, s1;
	[sflag:s0] =	ssyncset.done @!p0 $0x0  }
0x98: {  	[sflag:s0] =	ssyncadd.s32 @!p0 s1  }
0x99: {  	[bflag:$0x3] =	sbarrier.arrive $0xFFFF  }
0x9a: {  	_ =	shalt  }

// kernel: kernel.9.cloned.1.call-start
scs
__scs_entry_jumppad:
0x0: {  	(pc) =	sbr.rel $0x88, $3  }
0x1: {  	(tag) =	ssettag $0x0;
	lr =	simm.s32 $0x1  }
0x2: {  	[smem:$0x3F84] =	sst lr;
	_ =	strace $0xD0000000  }
0x3: {  	_ = 	snop  }
0x4: {  	_ = 	snop  }
0x5: {  	_ = 	snop  }
0x6: {  	_ = 	snop  }
0x7: {  	_ = 	snop  }
__scs_overlays_trampoline_lowered:
0x8: {  	[smem:$0x3F93] =	sst s0  }
0x9: {  	[smem:$0x3F94] =	sst s1  }
0xa: {  	[smem:$0x3F95] =	sst s2  }
0xb: {  	[smem:$0x3F96] =	sst s3  }
0xc: {  	[smem:$0x3F97] =	sst s4  }
0xd: {  	[smem:$0x3F98] =	sst s5  }
0xe: {  	[smem:$0x3F99] =	sst s6  }
0xf: {  	[smem:$0x3F9A] =	sst s7  }
0x10: {  	[smem:$0x3F9B] =	sst s8  }
0x11: {  	[smem:$0x3F9C] =	sst s9;
	s0 =	simm.s32 @!p0 $0x0  }
0x12: {  	s1 =	sld [smem:$0x3F82];
	s0 =	simm.s32 @p0 $0x1  }
0x13: {  	[smem:$0x3F9D] =	sst s0;
	s0 =	simm.s32 @!p1 $0x0  }
0x14: {  	s2 =	sld [smem:$0x3F81];
	s0 =	simm.s32 @p1 $0x1  }
0x15: {  	[smem:$0x3F9E] =	sst s0;
	s0 =	simm.s32 @!p2 $0x0  }
0x16: {  	s3 =	sld [smem:$0x3FDB];
	s0 =	simm.s32 @p2 $0x1  }
0x17: {  	s4 =	simm.s32 $0x1BF5;
	[smem:$0x3FA0] =	sst s0  }
0x18: {  	s0 =	sld [smem:$0x3F83];
	_ =	swait.ge [sflag:s4], $0x0  }
0x19: {  	s7 =	sld [smem:$0x3F84]  }
0x1a: {  	s8 =	sadd.s32 $0xFFFFE003, lr  }
0x1b: {  	s9 =	sadd.s32 $0xFFFFFEF7, lr;
	s5 =	simm.s32 $0xFFFFFFFF;
	p2 =	slt.u32 s8, $0xFFFFF086  }
0x1c: {  	p1 =	slt.u32 s9, $0xF7A;
	s5 =	simm.s32 @!p2 $0x0  }
0x1d: {  	s5 =	simm.s32 @p1 $0x1;
	p0 =	seq.s32 s7, s2  }
0x1e: {  	s7 =	smul.u32 @!p0 $0xF7A, s2;
	p2 =	seq.s32 @!p0 s5, $0x0  }
0x1f: {  	s9 =	smul.u32 $0xF7A, s1;
	s8 =	simm.s32 @!p0 $0x1BF5;
	p2 =	por !p2, p0  }
0x20: {  	[sflag:s8] =	ssyncset.s32 @!p0 $0xFFFFF086;
	s6 =	sadd.s32 @!p0 s3, s7;
	s7 =	simm.s32 @!p0 $0x108  }
0x21: {  	s3 =	sadd.s32 s3, s9;
	s6 =	sadd.s32 @!p0 $0x88, s6;
	s7 =	simm.s32 @p2 $0x1082  }
0x22: {  	[simem:s7], [sflag:s8] =	dma.local @!p0 [hbm:s6], $0xF7A  }
0x23: {  	s9 =	sor.u32 $0xD0000000, s2;
	s6 =	simm.s32 $0x108;
	_ =	swait.ge @!p0 [sflag:s8], $0x0  }
0x24: {  	s3 =	sadd.s32 $0x88, s3;
	s6 =	simm.s32 @!p1 $0x1082;
	[sflag:s4] =	ssyncset.s32 $0xFFFFF086  }
0x25: {  	[simem:s6], [sflag:s4] =	dma.local [hbm:s3], $0xF7A  }
0x26: {  	[smem:$0x3F84] =	sst s1;
	(tag) =	ssettag s2;
	_ =	strace s9  }
0x27: {  	s1 =	sld [smem:$0x3F94]  }
0x28: {  	s2 =	sld [smem:$0x3F95]  }
0x29: {  	s4 =	sld [smem:$0x3F97]  }
0x2a: {  	p0 =	seq.s32 s5, $0x0;
	s5 =	sld [smem:$0x3F98]  }
0x2b: {  	s6 =	sld [smem:$0x3F99]  }
0x2c: {  	s7 =	sld [smem:$0x3F9A]  }
0x2d: {  	s3 =	simm.s32 $0x108;
	s8 =	sld [smem:$0x3F9B]  }
0x2e: {  	s3 =	simm.s32 @!p0 $0x1082;
	s9 =	sld [smem:$0x3F9C]  }
0x2f: {  	lr =	sadd.s32 s0, s3;
	s0 =	sld [smem:$0x3F93]  }
0x30: {  	s3 =	sld [smem:$0x3F96]  }
0x31: {  	[smem:$0x3F9F] =	sst s10  }
0x32: {  	s10 =	sld [smem:$0x3F9D];
	_ =	sdelay $0x3  }
0x33: {  	p0 =	seq.s32 s10, $0x1;
	s10 =	sld [smem:$0x3F9F];
	_ =	sdelay $0x3  }
0x34: {  	[smem:$0x3F9F] =	sst s10  }
0x35: {  	s10 =	sld [smem:$0x3F9E];
	_ =	sdelay $0x3  }
0x36: {  	p1 =	seq.s32 s10, $0x1;
	s10 =	sld [smem:$0x3F9F];
	_ =	sdelay $0x3  }
0x37: {  	[smem:$0x3F9F] =	sst s10  }
0x38: {  	s10 =	sld [smem:$0x3FA0]  }
0x39: {  	_ = 	snop;
	(pc) =	sbr.ind lr, $3  }
0x3a: {  	_ = 	snop  }
0x3b: {  	_ = 	snop  }
0x3c: {  	p2 =	seq.s32 s10, $0x1;
	s10 =	sld [smem:$0x3F9F]  }
0x3d: {  	_ =	shalt  }
0x3e: {  	_ =	shalt  }
0x3f: {  	_ =	shalt  }
0x40: {  	_ =	shalt  }
0x41: {  	_ =	shalt  }
0x42: {  	_ =	shalt  }
0x43: {  	_ =	shalt  }
0x44: {  	_ =	shalt  }
0x45: {  	_ =	shalt  }
0x46: {  	_ =	shalt  }
0x47: {  	_ =	shalt  }
0x48: {  	_ =	shalt  }
0x49: {  	_ =	shalt  }
0x4a: {  	_ =	shalt  }
0x4b: {  	_ =	shalt  }
0x4c: {  	_ =	shalt  }
0x4d: {  	_ =	shalt  }
0x4e: {  	_ =	shalt  }
0x4f: {  	_ =	shalt  }
0x50: {  	_ =	shalt  }
0x51: {  	_ =	shalt  }
0x52: {  	_ =	shalt  }
0x53: {  	_ =	shalt  }
0x54: {  	_ =	shalt  }
0x55: {  	_ =	shalt  }
0x56: {  	_ =	shalt  }
0x57: {  	_ =	shalt  }
0x58: {  	_ =	shalt  }
0x59: {  	_ =	shalt  }
0x5a: {  	_ =	shalt  }
0x5b: {  	_ =	shalt  }
0x5c: {  	_ =	shalt  }
0x5d: {  	_ =	shalt  }
0x5e: {  	_ =	shalt  }
0x5f: {  	_ =	shalt  }
0x60: {  	_ =	shalt  }
0x61: {  	_ =	shalt  }
0x62: {  	_ =	shalt  }
0x63: {  	_ =	shalt  }
0x64: {  	_ =	shalt  }
0x65: {  	_ =	shalt  }
0x66: {  	_ =	shalt  }
0x67: {  	_ =	shalt  }
0x68: {  	_ =	shalt  }
0x69: {  	_ =	shalt  }
0x6a: {  	_ =	shalt  }
0x6b: {  	_ =	shalt  }
0x6c: {  	_ =	shalt  }
0x6d: {  	_ =	shalt  }
0x6e: {  	_ =	shalt  }
0x6f: {  	_ =	shalt  }
0x70: {  	_ =	shalt  }
0x71: {  	_ =	shalt  }
0x72: {  	_ =	shalt  }
0x73: {  	_ =	shalt  }
0x74: {  	_ =	shalt  }
0x75: {  	_ =	shalt  }
0x76: {  	_ =	shalt  }
0x77: {  	_ =	shalt  }
0x78: {  	_ =	shalt  }
0x79: {  	_ =	shalt  }
0x7a: {  	_ =	shalt  }
0x7b: {  	_ =	shalt  }
0x7c: {  	_ =	shalt  }
0x7d: {  	_ =	shalt  }
0x7e: {  	_ =	shalt  }
0x7f: {  	_ =	shalt  }
0x80: {  	_ =	shalt  }
0x81: {  	_ =	shalt  }
0x82: {  	_ =	shalt  }
0x83: {  	_ =	shalt  }
0x84: {  	_ =	shalt  }
0x85: {  	_ =	shalt  }
0x86: {  	_ =	shalt  }
0x87: {  	_ =	shalt  }
.Lfunc_end0:
.L_simem_size_0:
called_computation_lowered:
.L_overlay_start_0:
0x88: {  	s2 =	sld [smem:$0x3FD9]  }
0x89: {  	s3 =	sld [smem:$0x3FFE];
	_ =	sdelay $0x1  }
0x8a: {  	s1 =	srdreg.scid  }
0x8b: {  	s0 =	sand.u32 $0x1, s1  }
0x8c: {  	s14 =	sshll.u32 s0, $0xA;
	s2 =	sadd.s32 s3, s2  }
0x8d: {  	s2 =	sadd.s32 s2, s14  }
0x8e: {  	[smem:$0x3FAB] =	sst s2  }
0x8f: {  	_ = 	snop  }
0x90: {  	s2 =	sld [smem:$0x3FD0];
	_ =	sdelay $0x2  }
0x91: {  	s15 =	simm.s32 $0xA;
	s4 =	simm.s32 $0x10  }
0x92: {  	[smem:s4], [sflag:s15] =	dma.local [hbm:s2], $0x1  }
0x93: {  	_ =	swait.eq [sflag:s15], $0x1  }
0x94: {  	[sflag:s15] =	ssyncset.done $0x0  }
0x95: {  	[sflag:s15] =	ssyncadd.s32 $0xFFFFFFFF  }
0x96: {  	s16 =	sld [smem:$0x11];
	(tm) =	ssettm $0x1  }
0x97: {  	s17 =	sld [smem:$0x3FFB];
	_ =	sdelay $0x3  }
0x98: {  	_ =	strace s17  }
0x99: {  	s3 =	sld [smem:$0x3FFC];
	_ =	sdelay $0x3  }
0x9a: {  	_ =	strace s3  }
0x9b: {  	s3 =	sld [smem:$0x3FFD];
	_ =	sdelay $0x3  }
0x9c: {  	_ =	strace s3  }
0x9d: {  	_ =	strace $0x8FFFFFFF  }
0x9e: {  	s18 =	sld [smem:$0x3FDB];
	_ =	sdelay $0x1  }
0x9f: {  	s19 =	simm.s32 $_scs_section_size  }
0xa0: {  	s5 =	simm.s32 $_size__tile_overlayer_lowered;
	s6 =	simm.s32 $_tile_overlayer_lowered  }
0xa1: {  	s22 =	simm.s32 $0x1BFF;
	s21 =	sshll.u32 s6, $0x1;
	s3 =	sadd.s32 s19, s18  }
0xa2: {  	s7 =	simm.s32 $0x0;
	s20 =	sshll.u32 s5, $0x1;
	s5 =	sadd.s32 s21, s3  }
0xa3: {  	[timem:s7], [sflag:s22] =	dma.local [hbm:s5], s20  }
0xa4: {  	_ =	swait.ge [sflag:s22], s20  }
0xa5: {  	s4 =	ssub.s32 $0x0, s20;
	[sflag:s22] =	ssyncset.done $0x0  }
0xa6: {  	[sflag:s22] =	ssyncadd.s32 s4;
	_ =	sdelay $0x1  }
0xa7: {  	s23 =	simm.s32 $0x1B8B  }
0xa8: {  	_ =	swait.ge [sflag:s23], $0x1  }
0xa9: {  	[sflag:s23] =	ssyncset.done $0x0  }
0xaa: {  	s25 =	simm.s32 $0x1B8E;
	s24 =	sld [smem:$0x3FFE];
	[sflag:s23] =	ssyncadd.s32 $0xFFFFFFFF  }
0xab: {  	s26 =	simm.s32 $execute0_lowered;
	[smem:$0x3FD2] =	sst s25  }
0xac: {  	s5 =	sshll.u32 s26, $0x1;
	_ =	strace $0x80000046;
	[dreg:$0x1] =	wrdreg $0xFFFFFFFF  }
0xad: {  	s28 =	simm.s32 $_size_execute0_lowered;
	s3 =	sadd.s32 s3, s5;
	[dreg:$0x0] =	wrdreg $0x0  }
0xae: {  	s5 =	sshll.u32 s28, $0x1;
	[dreg:$0x2] =	wrdreg s3  }
0xaf: {  	[dreg:$0x3] =	wrdreg s5  }
0xb0: {  	[dreg:$0x4] =	wrdreg $0xC0  }
0xb1: {  	_ =	task [dreg:s7], $0x5FFFF  }
0xb2: {  	[dreg:$0x1] =	wrdreg $0xFFFFFFFF  }
0xb3: {  	[dreg:$0x0] =	wrdreg $0x60  }
0xb4: {  	[dreg:$0x2] =	wrdreg s16  }
0xb5: {  	[dreg:$0x3] =	wrdreg s24  }
0xb6: {  	[dreg:$0x4] =	wrdreg $0x14A000  }
0xb7: {  	[dreg:$0x5] =	wrdreg $0x9  }
0xb8: {  	_ =	task.clear_ibuf [dreg:s7], $0x6FFFF;
	_ =	strace $0x90000046  }
0xb9: {  	s29 =	simm.s32 $0x9;
	_ =	strace $0x80000048  }
0xba: {  	_ =	swait.ge [sflag:s29], $0x1  }
0xbb: {  	[sflag:s29] =	ssyncadd.s32 $0xFFFFFFFF  }
0xbc: {  	_ =	strace $0x90000048  }
0xbd: {  	_ =	sfence  }
0xbe: {  	s30 =	sld [smem:$0x0];
	_ =	sdelay $0x2  }
0xbf: {  	s31 =	sshll.u32 s1, $0xD;
	s1 =	sshrl.u32 s1, $0x2  }
0xc0: {  	s3 =	sand.u32 $0x4000, s31;
	s1 =	sadd.s32 s1, s30  }
0xc1: {  	s0 =	sor.u32 s3, s0;
	s1 =	sshll.u32 s1, $0x11  }
0xc2: {  	s0 =	sor.u32 s1, s0  }
0xc3: {  	s0 =	sadd.s32 $0x8F2B, s0  }
0xc4: {  	[sflag:s0] =	ssyncadd.remote.s32 $0x1  }
0xc5: {  	_ =	sfence.sel $0xFFFF  }
0xc6: {  	[dreg:$0x0] =	wrdreg $0xFFFFFFFF;
	(pc) =	sbr.abs _section_cstart, $3  }
0xc7: {  	[dreg:$0x1] =	wrdreg $0xFFFFFFFF  }
0xc8: {  	_ =	task.clear_ibuf [dreg:s7], $0x2FFFF;
	_ =	strace $0x9FFFFFFF  }
0xc9: {  	(tm) =	ssettm $0x7FFFFFFF  }
tec
execute0_lowered:
.L_overlay_start_1:
0x0: {  	(tag) =	ssettag $0x1  }
0x1: {  	s1 =	rddreg [dreg:$0x0]  }
0x2: {  	s0 =	srdreg.scid;
	s6 =	rddreg [dreg:$0x1]  }
0x3: {  	s10 =	stileid.u32;
	s3 =	rddreg [dreg:$0x2]  }
0x4: {  	s4 =	simm.s32 $0x0;
	s12 =	simm.s32 $0x5;
	s14 =	simm.s32 $0x1  }
0x5: {  	s15 =	simm.s32 $0x7D;
	s16 =	simm.s32 $0x5000;
	s17 =	simm.s32 $0x80  }
0x6: {  	s18 =	simm.s32 $0x6F40;
	s19 =	simm.s32 $0x100;
	s20 =	simm.s32 $0x8E80  }
0x7: {  	s21 =	simm.s32 $0x180;
	s22 =	simm.s32 $0xADC0;
	s23 =	simm.s32 $0xCD00  }
0x8: {  	s28 =	simm.s32 $0x2;
	s29 =	simm.s32 $0x3;
	s30 =	simm.s32 $0x4  }
0x9: {  	s31 =	simm.s32 $0x0;
	s0 =	sand.u32 $0x1, s0;
	s5 =	smul.u32 $0x1400, s10  }
0xa: {  	s2 =	sshll.u32 s10, $0x1;
	[smem:$0x7FF] =	sst s4;
	s8 =	smul.u32 $0x28000, s10  }
0xb: {  	s26 =	sshll.u32 s10, $0x6;
	s2 =	sor.u32 s0, s2;
	s7 =	smul.u32 $0x14000, s0  }
0xc: {  	_ =	strace $0x80000047;
	s0 =	ssub.s32 $0x2, s0;
	s2 =	smul.u32 $0x500, s2  }
0xd: {  	s24 =	sshrl.u32 s0, $0x1;
	s25 =	sshrl.u32 s8, $0x2;
	s7 =	sadd.s32 s5, s7  }
.Ltmp0:
0xe: {  	s5 =	sadd.s32 $0x19200, s6;
	s0 =	ssub.s32 s0, s24;
	(pc) =	sbr.rel .LBB2_1-.Ltmp0, $4  }
0xf: {  	s11 =	sadd.s32 s25, s3;
	s24 =	simm.s32 $0xEC40;
	s25 =	simm.s32 $0x10B80  }
0x10: {  	s2 =	sadd.s32 s2, s6;
	s9 =	sadd.s32 s7, s6;
	s6 =	sor.u32 $0x1C05, s26  }
0x11: {  	s10 =	smax.u32 s0, $0x1;
	s11 =	sshrl.u32 s11, $0x3;
	s26 =	simm.s32 $0x12AC0  }
0x12: {  	s7 =	sadd.s32 $0xF200, s2;
	s8 =	sadd.s32 $0x5200, s2;
	s9 =	sadd.s32 $0x1A600, s9  }
.LBB2_4:
0x13: {  	_ =	swait.ge [sflag:s30], $0x1F40  }
0x14: {  	[sflag:s30] =	ssyncset.done $0x0  }
0x15: {  	[sflag:s30] =	ssyncadd.s32 $0xFFFFE0C0  }
0x16: {  	_ =	swait.ge [sflag:s30], $0x1F40  }
0x17: {  	[sflag:s30] =	ssyncset.done $0x0  }
0x18: {  	[sflag:s30] =	ssyncadd.s32 $0xFFFFE0C0  }
0x19: {  	_ =	swait.ge [sflag:s30], $0x1F40  }
0x1a: {  	[sflag:s30] =	ssyncset.done $0x0  }
0x1b: {  	[sflag:s30] =	ssyncadd.s32 $0xFFFFE0C0  }
0x1c: {  	_ =	swait.ge [sflag:s30], $0x1F40  }
0x1d: {  	s31 =	sadd.s32 $0x1, s31;
	[sflag:s30] =	ssyncset.done $0x0  }
0x1e: {  	p0 =	sne.s32 s31, s10;
	[sflag:s30] =	ssyncadd.s32 $0xFFFFE0C0  }
.Ltmp1:
0x1f: {  	[bflag:$0x0] =	sbarrier.arrive $0xFFFF;
	(pc) =	sbr.rel @!p0 .LBB2_5-.Ltmp1, $4  }
0x20: {  	[hbm:s9], [sflag:s6] =	dma.local [spmem:s11], $0x1400  }
0x21: {  	_ =	swait.ge [sflag:s12], $0x1400  }
0x22: {  	[sflag:s12] =	ssyncset.done $0x0  }
0x23: {  	[sflag:s12] =	ssyncadd.s32 $0xFFFFEC00  }
.LBB2_1:
0x24: {  	[spmem:s11], [sflag:s6] =	dma.local [hbm:s5], $0x1400  }
0x25: {  	_ =	swait.ge [sflag:s12], $0x1400  }
0x26: {  	[sflag:s12] =	ssyncset.done $0x0  }
0x27: {  	[sflag:s12] =	ssyncadd.s32 $0xFFFFEC00  }
0x28: {  	[tilespmem:s4], [sflag:$0x1] =	stream.linear.gather [hbm4b:s7+s4], $0x2800, $0x38;
	[tilespmem:$0x1EA00] =	vst v63  }
0x29: {  	s0 =	simm.s32 $0x2800  }
0x2a: {  	[tilespmem:s0], [sflag:$0x1] =	stream.linear.gather [hbm4b:s8+s4], $0x2800, $0x38;
	[tilespmem:$0x1EA00] =	vst v63  }
0x2b: {  	_ =	swait.ge [sflag:s14], $0x2800  }
0x2c: {  	[sflag:s14] =	ssyncset.done $0x0  }
0x2d: {  	[sflag:s14] =	ssyncadd.s32 $0xFFFFD800  }
0x2e: {  	_ =	swait.ge [sflag:s14], $0x2800  }
0x2f: {  	[sflag:s14] =	ssyncset.done $0x0  }
0x30: {  	[sflag:s14] =	ssyncadd.s32 $0xFFFFD800  }
0x31: {  	[bflag:$0x0] =	sbarrier.arrive $0xFFFF  }
0x32: {  	[tilespmem:s16], [sflag:$0x1] =	stream.indirect.gather [hbm4b:s1+s15], $0x40, s4, s15, $0xb8;
	[tilespmem:$0x1EA00] =	vst v63  }
0x33: {  	_ = 	snop  }
0x34: {  	[tilespmem:s18], [sflag:$0x1] =	stream.indirect.gather [hbm4b:s1+s15], $0x40, s17, s15, $0xb8;
	[tilespmem:$0x1EA00] =	vst v63  }
0x35: {  	_ = 	snop  }
0x36: {  	[tilespmem:s20], [sflag:$0x1] =	stream.indirect.gather [hbm4b:s1+s15], $0x40, s19, s15, $0xb8;
	[tilespmem:$0x1EA00] =	vst v63  }
0x37: {  	s2 =	simm.s32 $0x0  }
0x38: {  	[tilespmem:s22], [sflag:$0x1] =	stream.indirect.gather [hbm4b:s1+s15], $0x40, s21, s15, $0xb8;
	[tilespmem:$0x1EA00] =	vst v63  }
.LBB2_2:
0x39: {  	p0 =	seq.s32 s2, $0x0  }
0x3a: {  	s13 =	simm.s32 @!p0 $0x4  }
0x3b: {  	_ =	swait.ge @!p0 [sflag:s13], $0x1F40  }
0x3c: {  	[sflag:s13] =	ssyncset.done @!p0 $0x0  }
0x3d: {  	[sflag:s13] =	ssyncadd.s32 @!p0 $0xFFFFE0C0  }
0x3e: {  	_ =	swait.ge @!p0 [sflag:s13], $0x1F40  }
0x3f: {  	[sflag:s13] =	ssyncset.done @!p0 $0x0  }
0x40: {  	[sflag:s13] =	ssyncadd.s32 @!p0 $0xFFFFE0C0  }
0x41: {  	_ =	swait.ge @!p0 [sflag:s13], $0x1F40  }
0x42: {  	[sflag:s13] =	ssyncset.done @!p0 $0x0  }
0x43: {  	[sflag:s13] =	ssyncadd.s32 @!p0 $0xFFFFE0C0  }
0x44: {  	_ =	swait.ge @!p0 [sflag:s13], $0x1F40  }
0x45: {  	s0 =	sshra.s32 s2, $0x2;
	[sflag:s13] =	ssyncset.done @!p0 $0x0  }
0x46: {  	[sflag:s13] =	ssyncadd.s32 @!p0 $0xFFFFE0C0;
	s13 =	sadd.s32 $0x200, s0  }
0x47: {  	[tilespmem:s23], [sflag:$0x2] =	stream.indirect.gather [hbm4b:s1+s15], $0x40, s13, s15, $0xb8;
	[tilespmem:$0x1EA00] =	vst v63  }
0x48: {  	s13 =	sadd.s32 $0x280, s0  }
0x49: {  	[tilespmem:s24], [sflag:$0x2] =	stream.indirect.gather [hbm4b:s1+s15], $0x40, s13, s15, $0xb8;
	[tilespmem:$0x1EA00] =	vst v63  }
0x4a: {  	s13 =	sadd.s32 $0x300, s0  }
0x4b: {  	[tilespmem:s25], [sflag:$0x2] =	stream.indirect.gather [hbm4b:s1+s15], $0x40, s13, s15, $0xb8;
	[tilespmem:$0x1EA00] =	vst v63  }
0x4c: {  	s13 =	sadd.s32 $0x380, s0  }
0x4d: {  	[tilespmem:s26], [sflag:$0x2] =	stream.indirect.gather [hbm4b:s1+s15], $0x40, s13, s15, $0xb8;
	[tilespmem:$0x1EA00] =	vst v63  }
0x4e: {  	_ =	swait.ge [sflag:s14], $0x1F40  }
0x4f: {  	[sflag:s14] =	ssyncset.done $0x0  }
0x50: {  	[sflag:s14] =	ssyncadd.s32 $0xFFFFE0C0  }
0x51: {  	_ =	swait.ge [sflag:s14], $0x1F40  }
0x52: {  	[sflag:s14] =	ssyncset.done $0x0  }
0x53: {  	[sflag:s14] =	ssyncadd.s32 $0xFFFFE0C0  }
0x54: {  	_ =	swait.ge [sflag:s14], $0x1F40  }
0x55: {  	[sflag:s14] =	ssyncset.done $0x0  }
0x56: {  	[sflag:s14] =	ssyncadd.s32 $0xFFFFE0C0  }
0x57: {  	_ =	swait.ge [sflag:s14], $0x1F40  }
0x58: {  	[sflag:s14] =	ssyncset.done $0x0  }
0x59: {  	s13 =	sadd.s32 $0x2800, s0;
	[sflag:s14] =	ssyncadd.s32 $0xFFFFE0C0  }
0x5a: {  	[spmem:s3] =	stream.indirect.scatter.add.f32 [tilespmem:s16], [sflag:$0x3], $0x40, s13, s15, $0xb8;
	[tilespmem:$0x1EA00] =	vst v63  }
0x5b: {  	s13 =	sadd.s32 $0x2880, s0  }
0x5c: {  	[spmem:s3] =	stream.indirect.scatter.add.f32 [tilespmem:s18], [sflag:$0x3], $0x40, s13, s15, $0xb8;
	[tilespmem:$0x1EA00] =	vst v63  }
0x5d: {  	s13 =	sadd.s32 $0x2900, s0  }
0x5e: {  	[spmem:s3] =	stream.indirect.scatter.add.f32 [tilespmem:s20], [sflag:$0x3], $0x40, s13, s15, $0xb8;
	[tilespmem:$0x1EA00] =	vst v63  }
0x5f: {  	s13 =	sadd.s32 $0x2980, s0  }
0x60: {  	[spmem:s3] =	stream.indirect.scatter.add.f32 [tilespmem:s22], [sflag:$0x3], $0x40, s13, s15, $0xb8;
	[tilespmem:$0x1EA00] =	vst v63  }
0x61: {  	_ =	swait.ge [sflag:s28], $0x1F40  }
0x62: {  	[sflag:s28] =	ssyncset.done $0x0  }
0x63: {  	[sflag:s28] =	ssyncadd.s32 $0xFFFFE0C0  }
0x64: {  	_ =	swait.ge [sflag:s28], $0x1F40  }
0x65: {  	[sflag:s28] =	ssyncset.done $0x0  }
0x66: {  	[sflag:s28] =	ssyncadd.s32 $0xFFFFE0C0  }
0x67: {  	_ =	swait.ge [sflag:s28], $0x1F40  }
0x68: {  	[sflag:s28] =	ssyncset.done $0x0  }
0x69: {  	[sflag:s28] =	ssyncadd.s32 $0xFFFFE0C0  }
0x6a: {  	_ =	swait.ge [sflag:s28], $0x1F40  }
0x6b: {  	[sflag:s28] =	ssyncset.done $0x0  }
0x6c: {  	s13 =	sadd.s32 $0x2A00, s0;
	[sflag:s28] =	ssyncadd.s32 $0xFFFFE0C0  }
0x6d: {  	[spmem:s3] =	stream.indirect.scatter.add.f32 [tilespmem:s23], [sflag:$0x4], $0x40, s13, s15, $0xb8;
	[tilespmem:$0x1EA00] =	vst v63  }
0x6e: {  	s13 =	sadd.s32 $0x2A80, s0  }
0x6f: {  	[spmem:s3] =	stream.indirect.scatter.add.f32 [tilespmem:s24], [sflag:$0x4], $0x40, s13, s15, $0xb8;
	[tilespmem:$0x1EA00] =	vst v63  }
0x70: {  	s13 =	sadd.s32 $0x2B00, s0  }
0x71: {  	[spmem:s3] =	stream.indirect.scatter.add.f32 [tilespmem:s25], [sflag:$0x4], $0x40, s13, s15, $0xb8;
	[tilespmem:$0x1EA00] =	vst v63  }
0x72: {  	s13 =	sadd.s32 $0x2B80, s0  }
0x73: {  	[spmem:s3] =	stream.indirect.scatter.add.f32 [tilespmem:s26], [sflag:$0x4], $0x40, s13, s15, $0xb8;
	[tilespmem:$0x1EA00] =	vst v63  }
0x74: {  	_ =	swait.ge [sflag:s29], $0x1F40  }
0x75: {  	[sflag:s29] =	ssyncset.done $0x0  }
0x76: {  	[sflag:s29] =	ssyncadd.s32 $0xFFFFE0C0  }
0x77: {  	_ =	swait.ge [sflag:s29], $0x1F40  }
0x78: {  	[sflag:s29] =	ssyncset.done $0x0  }
0x79: {  	[sflag:s29] =	ssyncadd.s32 $0xFFFFE0C0  }
0x7a: {  	p0 =	seq.s32 s2, $0x9000;
	_ =	swait.ge [sflag:s29], $0x1F40  }
.Ltmp2:
0x7b: {  	[sflag:s29] =	ssyncset.done $0x0;
	(pc) =	sbr.rel @p0 .LBB2_4-.Ltmp2, $4  }
0x7c: {  	[sflag:s29] =	ssyncadd.s32 $0xFFFFE0C0  }
0x7d: {  	_ =	swait.ge [sflag:s29], $0x1F40  }
0x7e: {  	[sflag:s29] =	ssyncset.done $0x0  }
0x7f: {  	[sflag:s29] =	ssyncadd.s32 $0xFFFFE0C0  }
0x80: {  	s13 =	sadd.s32 $0x400, s0  }
0x81: {  	[tilespmem:s16], [sflag:$0x1] =	stream.indirect.gather [hbm4b:s1+s15], $0x40, s13, s15, $0xb8;
	[tilespmem:$0x1EA00] =	vst v63  }
0x82: {  	s13 =	sadd.s32 $0x480, s0  }
0x83: {  	[tilespmem:s18], [sflag:$0x1] =	stream.indirect.gather [hbm4b:s1+s15], $0x40, s13, s15, $0xb8;
	[tilespmem:$0x1EA00] =	vst v63  }
.Ltmp3:
0x84: {  	_ = 	snop;
	(pc) =	sbr.rel .LBB2_2-.Ltmp3, $4  }
0x85: {  	s13 =	sadd.s32 $0x500, s0  }
0x86: {  	[tilespmem:s20], [sflag:$0x1] =	stream.indirect.gather [hbm4b:s1+s15], $0x40, s13, s15, $0xb8;
	[tilespmem:$0x1EA00] =	vst v63  }
0x87: {  	s2 =	sadd.s32 $0x1000, s2;
	s13 =	sadd.s32 $0x580, s0  }
0x88: {  	[tilespmem:s22], [sflag:$0x1] =	stream.indirect.gather [hbm4b:s1+s15], $0x40, s13, s15, $0xb8;
	[tilespmem:$0x1EA00] =	vst v63  }
.LBB2_5:
0x89: {  	_ =	sfence.sel $0x180000  }
0x8a: {  	[bflag:$0x0] =	sbarrier.arrive $0xFFFF  }
0x8b: {  	_ =	strace $0x90000047  }
0x8c: {  	s0 =	stileid.u32;
	[bflag:$0x2] =	sbarrier.arrive $0xFFFF  }
0x8d: {  	p0 =	sne.s32 s0, $0x0;
	s0 =	rddreg [dreg:$0x3]  }
0x8e: {  	s0 =	sadd.s32 @!p0 $0x100000, s0  }
0x8f: {  	[sflag:s0] =	ssyncadd.tile.s32 @!p0 $0x1;
	_ =	shalt  }
.Lfunc_end2:
_tile_overlayer_lowered:
.L_overlay_start_2:
0x90: {  	(tag) =	ssettag $0x2  }
0x91: {  	s0 =	rddreg [dreg:$0x0];
	s2 =	stileid.u32  }
0x92: {  	s1 =	rddreg [dreg:$0x1];
	p0 =	sne.s32 s2, $0x0  }
0x93: {  	s3 =	rddreg [dreg:$0x2];
	[bflag:$0x3] =	sbarrier.arrive $0xFFFF;
	s2 =	simm.s32 @!p0 $0x1C05  }
0x94: {  	[timem:s3], [sflag:s2] =	dma.local @!p0 [hbm:s0], s1  }
0x95: {  	s0 =	simm.s32 @!p0 $0x5  }
0x96: {  	_ =	swait.ge @!p0 [sflag:s0], s1  }
0x97: {  	s1 =	ssub.s32 @!p0 $0x0, s1;
	[sflag:s0] =	ssyncset.done @!p0 $0x0  }
0x98: {  	[sflag:s0] =	ssyncadd.s32 @!p0 s1  }
0x99: {  	[bflag:$0x3] =	sbarrier.arrive $0xFFFF  }
0x9a: {  	_ =	shalt  }

</sc_bundles>
